<compile_context>
chip_gen: v7x
topology: tpu7x:2x2x1
jax: 0.10.2.dev20260603
libtpu: 0.0.44.dev20260713+nightly
codegen_flags: <defaults>
</compile_context>

<pallas_src>
import functools

import jax
import jax.numpy as jnp
from jax import lax
from jax.experimental import pallas as pl
from jax.experimental.pallas import tpu as pltpu
from jax.experimental.pallas import tpu_sc as plsc

L = 200
D = 64
LANES = 16
NV = D // LANES
CHUNKS = ((0, 128), (128, 72))
NBUF = 4
UNROLL = 8


def _make_sc_pool(B):
    info = plsc.get_sparse_core_info()
    NC, NS = info.num_cores, info.num_subcores
    NW = NC * NS
    rows_per_w = B // NW
    mesh = plsc.VectorSubcoreMesh(core_axis_name="c", subcore_axis_name="s")

    @functools.partial(
        pl.kernel,
        out_type=jax.ShapeDtypeStruct((B, 4 * D), jnp.float32),
        mesh=mesh,
        compiler_params=pltpu.CompilerParams(use_tc_tiling_on_sc=False),
        scratch_types=[
            pltpu.VMEM((rows_per_w, L), jnp.int32),
            pltpu.VMEM((NBUF, L, D), jnp.float32),
            pltpu.VMEM((rows_per_w, 4 * D), jnp.float32),
            [pltpu.SemaphoreType.DMA] * NBUF,
        ],
    )
    def sc_pool(x_hbm, table_hbm, out_hbm, xs_v, rows_v, acc_v, sems):
        wid = lax.axis_index("s") * NC + lax.axis_index("c")
        base = wid * rows_per_w
        pltpu.sync_copy(x_hbm.at[pl.ds(base, rows_per_w)], xs_v)

        def fire(i, buf):
            for off, n in CHUNKS:
                pltpu.async_copy(
                    table_hbm.at[xs_v.at[i, pl.ds(off, n)]],
                    rows_v.at[buf].at[pl.ds(off, n)],
                    sems[buf],
                )

        def drain(i, buf):
            for off, n in CHUNKS:
                pltpu.make_async_copy(
                    table_hbm.at[xs_v.at[i, pl.ds(off, n)]],
                    rows_v.at[buf].at[pl.ds(off, n)],
                    sems[buf],
                ).wait()

        def reduce_store(i, buf):
            rbuf = rows_v.at[buf]

            def red_body(k, st):
                sums, sqs, mxs, mns = st
                r0 = k * UNROLL
                for u in range(UNROLL):
                    ns, nq, nx, nn = [], [], [], []
                    for c in range(NV):
                        v = rbuf[r0 + u, pl.ds(c * LANES, LANES)]
                        ns.append(sums[c] + v)
                        nq.append(sqs[c] + v * v)
                        nx.append(jnp.maximum(mxs[c], v))
                        nn.append(jnp.minimum(mns[c], v))
                    sums, sqs, mxs, mns = tuple(ns), tuple(nq), tuple(nx), tuple(nn)
                return sums, sqs, mxs, mns

            z = tuple(jnp.zeros((LANES,), jnp.float32) for _ in range(NV))
            neg = tuple(jnp.full((LANES,), -jnp.inf, jnp.float32) for _ in range(NV))
            pos = tuple(jnp.full((LANES,), jnp.inf, jnp.float32) for _ in range(NV))
            sums, sqs, mxs, mns = lax.fori_loop(
                0, L // UNROLL, red_body, (z, z, neg, pos)
            )

            for c in range(NV):
                acc_v[i, pl.ds(c * LANES, LANES)] = sums[c]
                acc_v[i, pl.ds(D + c * LANES, LANES)] = mxs[c]
                acc_v[i, pl.ds(2 * D + c * LANES, LANES)] = mns[c]
                acc_v[i, pl.ds(3 * D + c * LANES, LANES)] = sqs[c]

        for b in range(NBUF):
            fire(b, b)

        def outer_body(g, carry):
            for b in range(NBUF):
                i = g * NBUF + b
                drain(i, b)
                reduce_store(i, b)

                @pl.when(i + NBUF < rows_per_w)
                def _():
                    fire(i + NBUF, b)

            return carry

        lax.fori_loop(0, rows_per_w // NBUF, outer_body, 0)
        pltpu.sync_copy(acc_v, out_hbm.at[pl.ds(base, rows_per_w)])

    return sc_pool


RETILE_CB = 32768


def _tc_retile(tableT):
    Dd, V = tableT.shape
    CB = RETILE_CB
    H = CB // 2
    nblk = pl.cdiv(V, CB)

    def body(in_ref, o_ref):
        t = in_ref[...]
        stacked = jnp.concatenate([t[:, :H], t[:, H:]], axis=0)
        pair = jnp.swapaxes(stacked, 0, 1)
        o_ref[...] = pair.reshape(H * 2 * Dd)

    return pl.pallas_call(
        body,
        grid=(nblk,),
        in_specs=[pl.BlockSpec((Dd, CB), lambda i: (0, i))],
        out_specs=pl.BlockSpec((CB * Dd,), lambda i: (i,)),
        out_shape=jax.ShapeDtypeStruct((nblk * CB * Dd,), jnp.float32),
    )(tableT)


def _remap_idx(x):
    h = RETILE_CB // 2
    hbit = h.bit_length() - 1
    return (x & ~(RETILE_CB - 1)) | (((x & (h - 1)) << 1) | ((x >> hbit) & 1))


def _tc_tail(acc, W, b):
    B = acc.shape[0]
    bs = 512

    def body(acc_ref, w_ref, b_ref, o_ref):
        a = acc_ref[...]
        s = a[:, 0 * D:1 * D]
        mx = a[:, 1 * D:2 * D]
        mn = a[:, 2 * D:3 * D]
        sq = a[:, 3 * D:4 * D]
        mean = s * (1.0 / L)
        var = (sq - s * mean) * (1.0 / (L - 1))
        std = jnp.sqrt(jnp.maximum(var, 0.0))
        feat = jnp.concatenate([mean, mx, mn, std], axis=1)
        o_ref[...] = (
            jnp.dot(feat, w_ref[...], preferred_element_type=jnp.float32)
            + b_ref[...]
        )

    return pl.pallas_call(
        body,
        grid=(B // bs,),
        in_specs=[
            pl.BlockSpec((bs, 4 * D), lambda i: (i, 0)),
            pl.BlockSpec((4 * D, 2), lambda i: (0, 0)),
            pl.BlockSpec((1, 2), lambda i: (0, 0)),
        ],
        out_specs=pl.BlockSpec((bs, 2), lambda i: (i, 0)),
        out_shape=jax.ShapeDtypeStruct((B, 2), jnp.float32),
    )(acc, W, b.reshape(1, 2))


def kernel(x, table, W, b):
    B = x.shape[0]
    V = table.shape[0]
    x = _remap_idx(x.astype(jnp.int32))
    tbl_lin = _tc_retile(table.T)
    tbl2 = tbl_lin.reshape(tbl_lin.shape[0] // D, D)
    acc = _make_sc_pool(B)(x, tbl2)
    return _tc_tail(acc, W, b)

# --- scband reference (transcript-rebuilt; emitter-appended) ---
"""Pipeline reference for scband-random-forest-ensemble-38371237822472 (READ-ONLY COPY).

The authoritative reference and input builder live on the scoring server;
editing this copy changes nothing except your own understanding.
"""

import jax, jax.numpy as jnp
import numpy as np


def setup_inputs(seed: int = 0) -> dict:
    key = jax.random.key(seed)
    k1, k2, k3, k4 = jax.random.split(key, 4)
    x = jax.random.randint(k1, (4096, 200), 0, 1000000, dtype=jnp.int64) if jax.config.jax_enable_x64 else jax.random.randint(k1, (4096, 200), 0, 1000000, dtype=jnp.int32)
    table = jax.random.normal(k2, (1000000, 64), dtype=jnp.float32) * 0.02
    table = table.at[0].set(0.0)  # padding_idx=0
    W = jax.random.normal(k3, (256, 2), dtype=jnp.float32) * 0.05  # linear over 4*embed_dim features
    b = jnp.zeros((2,), dtype=jnp.float32)
    return {"x": x, "table": table, "W": W, "b": b}


def reference(x, table, W, b):
    # embedding lookup (gather)
    embedded = jnp.take(table, x, axis=0)  # [B, L, D]
    mean_feat = jnp.mean(embedded, axis=1)
    max_feat = jnp.max(embedded, axis=1)
    min_feat = jnp.min(embedded, axis=1)
    std_feat = jnp.std(embedded, axis=1, ddof=1)  # torch.std default is unbiased
    feature_vec = jnp.concatenate([mean_feat, max_feat, min_feat, std_feat], axis=1)  # [B, 4*D]
    # rf is None path: linear projection to num_classes
    logits = feature_vec @ W + b
    return logits

if __name__ == "__main__":
    import jax
    _d = setup_inputs()
    print(jax.jit(kernel)(*tuple(_d.values())))

</pallas_src>

<mosaic_0001>
#map = affine_map<(d0, d1) -> (0, 0)>
module attributes {stable_mosaic.version = 14 : i64} {
  func.func @sc_pool(%arg0: i32, %arg1: i32, %arg2: memref<4096x200xi32, #tpu.memory_space<hbm>>, %arg3: memref<1015808x64xf32, #tpu.memory_space<hbm>>, %arg4: memref<4096x256xf32, #tpu.memory_space<hbm>>, %arg5: memref<128x200xi32, #tpu.memory_space<vmem>>, %arg6: memref<4x200x64xf32, #tpu.memory_space<vmem>>, %arg7: memref<128x256xf32, #tpu.memory_space<vmem>>, %arg8: memref<!tpu.dma_semaphore, #tpu.memory_space<semaphore_mem>>, %arg9: memref<!tpu.dma_semaphore, #tpu.memory_space<semaphore_mem>>, %arg10: memref<!tpu.dma_semaphore, #tpu.memory_space<semaphore_mem>>, %arg11: memref<!tpu.dma_semaphore, #tpu.memory_space<semaphore_mem>>) attributes {dimension_semantics = [#tpu.dimension_semantics<core_parallel>, #tpu.dimension_semantics<subcore_parallel>], iteration_bounds = array<i64: 2, 16>, scalar_prefetch = 0 : i64, scratch_operands = 7 : i64, tpu.core_type = #tpu.core_type<sc_vector_subcore>, window_params = [{transform_indices = #map}, {transform_indices = #map}, {transform_indices = #map}]} {
    %mul3A = arith.constant 2 : i32
    %mul3A_0 = arith.muli %arg1, %mul3A : i32
    %add3A = arith.addi %mul3A_0, %arg0 : i32
    %mul3A_1 = arith.constant 128 : i32
    %mul3A_2 = arith.muli %add3A, %mul3A_1 : i32
    "tpu.region"() ({
      %run_scoped3A = tpu.sem_alloc : memref<!tpu.dma_semaphore, #tpu.memory_space<semaphore_mem>>
      %dma_start3A_127 = arith.constant 0 : i32
      %dma_start3A_128 = tpu.memref_slice %arg2[%mul3A_2, %dma_start3A_127] : memref<4096x200xi32, #tpu.memory_space<hbm>> -> memref<128x200xi32, #tpu.memory_space<hbm>>
      %dma_start3A_129 = arith.constant 0 : i32
      %dma_start3A_130 = tpu.memref_slice %arg2[%mul3A_2, %dma_start3A_129] : memref<4096x200xi32, #tpu.memory_space<hbm>> -> memref<128x200xi32, #tpu.memory_space<hbm>>
      tpu.enqueue_dma source(%dma_start3A_130 : memref<128x200xi32, #tpu.memory_space<hbm>>) target(%arg5 : memref<128x200xi32, #tpu.memory_space<vmem>>) target_semaphore(%run_scoped3A : memref<!tpu.dma_semaphore, #tpu.memory_space<semaphore_mem>>)
      %dma_wait3A = arith.constant 0 : i32
      %dma_wait3A_131 = tpu.memref_slice %arg2[%mul3A_2, %dma_wait3A] : memref<4096x200xi32, #tpu.memory_space<hbm>> -> memref<128x200xi32, #tpu.memory_space<hbm>>
      %dma_wait3A_132 = arith.constant 0 : i32
      %dma_wait3A_133 = tpu.memref_slice %arg2[%mul3A_2, %dma_wait3A_132] : memref<4096x200xi32, #tpu.memory_space<hbm>> -> memref<128x200xi32, #tpu.memory_space<hbm>>
      tpu.wait_dma2 semaphore(%run_scoped3A : memref<!tpu.dma_semaphore, #tpu.memory_space<semaphore_mem>>) src(%dma_wait3A_133 : memref<128x200xi32, #tpu.memory_space<hbm>>) dst(%arg5 : memref<128x200xi32, #tpu.memory_space<vmem>>)
      tpu.yield
    }) : () -> ()
    %dma_start3A = arith.constant 0 : i32
    %dma_start3A_3 = arith.constant 0 : i32
    %dma_start3A_4 = arith.constant 0 : i32
    %dma_start3A_5 = arith.constant 0 : i32
    %dma_start3A_6 = tpu.memref_slice %arg6[%dma_start3A_3, %dma_start3A_4, %dma_start3A_5] : memref<4x200x64xf32, #tpu.memory_space<vmem>> -> memref<1x200x64xf32, #tpu.memory_space<vmem>>
    %dma_start3A_7 = tpu.memref_squeeze %dma_start3A_6 : memref<1x200x64xf32, #tpu.memory_space<vmem>> -> memref<200x64xf32, #tpu.memory_space<vmem>>
    %dma_start3A_8 = arith.constant 0 : i32
    %dma_start3A_9 = arith.constant 0 : i32
    %dma_start3A_10 = tpu.memref_slice %dma_start3A_7[%dma_start3A_8, %dma_start3A_9] : memref<200x64xf32, #tpu.memory_space<vmem>> -> memref<128x64xf32, #tpu.memory_space<vmem>>
    %dma_start3A_11 = arith.constant 0 : i32
    %dma_start3A_12 = tpu.memref_slice %arg5[%dma_start3A, %dma_start3A_11] : memref<128x200xi32, #tpu.memory_space<vmem>> -> memref<1x128xi32, #tpu.memory_space<vmem>>
    %dma_start3A_13 = tpu.memref_squeeze %dma_start3A_12 : memref<1x128xi32, #tpu.memory_space<vmem>> -> memref<128xi32, #tpu.memory_space<vmem>>
    %dma_start3A_14 = arith.constant 0 : i32
    %dma_start3A_15 = arith.constant 0 : i32
    %dma_start3A_16 = tpu.memref_slice %arg3[%dma_start3A_14, %dma_start3A_15] : memref<1015808x64xf32, #tpu.memory_space<hbm>> -> memref<1015808x64xf32, #tpu.memory_space<hbm>>
    tpu.enqueue_indirect_dma source(%dma_start3A_16 : memref<1015808x64xf32, #tpu.memory_space<hbm>>) target(%dma_start3A_10 : memref<128x64xf32, #tpu.memory_space<vmem>>) offsets(%dma_start3A_13 : memref<128xi32, #tpu.memory_space<vmem>>) semaphore(%arg8 : memref<!tpu.dma_semaphore, #tpu.memory_space<semaphore_mem>>)
    %dma_start3A_17 = arith.constant 0 : i32
    %dma_start3A_18 = arith.constant 0 : i32
    %dma_start3A_19 = arith.constant 0 : i32
    %dma_start3A_20 = arith.constant 0 : i32
    %dma_start3A_21 = tpu.memref_slice %arg6[%dma_start3A_18, %dma_start3A_19, %dma_start3A_20] : memref<4x200x64xf32, #tpu.memory_space<vmem>> -> memref<1x200x64xf32, #tpu.memory_space<vmem>>
    %dma_start3A_22 = tpu.memref_squeeze %dma_start3A_21 : memref<1x200x64xf32, #tpu.memory_space<vmem>> -> memref<200x64xf32, #tpu.memory_space<vmem>>
    %dma_start3A_23 = arith.constant 128 : i32
    %dma_start3A_24 = arith.constant 0 : i32
    %dma_start3A_25 = tpu.memref_slice %dma_start3A_22[%dma_start3A_23, %dma_start3A_24] : memref<200x64xf32, #tpu.memory_space<vmem>> -> memref<72x64xf32, #tpu.memory_space<vmem>>
    %dma_start3A_26 = arith.constant 128 : i32
    %dma_start3A_27 = tpu.memref_slice %arg5[%dma_start3A_17, %dma_start3A_26] : memref<128x200xi32, #tpu.memory_space<vmem>> -> memref<1x72xi32, #tpu.memory_space<vmem>>
    %dma_start3A_28 = tpu.memref_squeeze %dma_start3A_27 : memref<1x72xi32, #tpu.memory_space<vmem>> -> memref<72xi32, #tpu.memory_space<vmem>>
    %dma_start3A_29 = arith.constant 0 : i32
    %dma_start3A_30 = arith.constant 0 : i32
    %dma_start3A_31 = tpu.memref_slice %arg3[%dma_start3A_29, %dma_start3A_30] : memref<1015808x64xf32, #tpu.memory_space<hbm>> -> memref<1015808x64xf32, #tpu.memory_space<hbm>>
    tpu.enqueue_indirect_dma source(%dma_start3A_31 : memref<1015808x64xf32, #tpu.memory_space<hbm>>) target(%dma_start3A_25 : memref<72x64xf32, #tpu.memory_space<vmem>>) offsets(%dma_start3A_28 : memref<72xi32, #tpu.memory_space<vmem>>) semaphore(%arg8 : memref<!tpu.dma_semaphore, #tpu.memory_space<semaphore_mem>>)
    %dma_start3A_32 = arith.constant 1 : i32
    %dma_start3A_33 = arith.constant 1 : i32
    %dma_start3A_34 = arith.constant 0 : i32
    %dma_start3A_35 = arith.constant 0 : i32
    %dma_start3A_36 = tpu.memref_slice %arg6[%dma_start3A_33, %dma_start3A_34, %dma_start3A_35] : memref<4x200x64xf32, #tpu.memory_space<vmem>> -> memref<1x200x64xf32, #tpu.memory_space<vmem>>
    %dma_start3A_37 = tpu.memref_squeeze %dma_start3A_36 : memref<1x200x64xf32, #tpu.memory_space<vmem>> -> memref<200x64xf32, #tpu.memory_space<vmem>>
    %dma_start3A_38 = arith.constant 0 : i32
    %dma_start3A_39 = arith.constant 0 : i32
    %dma_start3A_40 = tpu.memref_slice %dma_start3A_37[%dma_start3A_38, %dma_start3A_39] : memref<200x64xf32, #tpu.memory_space<vmem>> -> memref<128x64xf32, #tpu.memory_space<vmem>>
    %dma_start3A_41 = arith.constant 0 : i32
    %dma_start3A_42 = tpu.memref_slice %arg5[%dma_start3A_32, %dma_start3A_41] : memref<128x200xi32, #tpu.memory_space<vmem>> -> memref<1x128xi32, #tpu.memory_space<vmem>>
    %dma_start3A_43 = tpu.memref_squeeze %dma_start3A_42 : memref<1x128xi32, #tpu.memory_space<vmem>> -> memref<128xi32, #tpu.memory_space<vmem>>
    %dma_start3A_44 = arith.constant 0 : i32
    %dma_start3A_45 = arith.constant 0 : i32
    %dma_start3A_46 = tpu.memref_slice %arg3[%dma_start3A_44, %dma_start3A_45] : memref<1015808x64xf32, #tpu.memory_space<hbm>> -> memref<1015808x64xf32, #tpu.memory_space<hbm>>
    tpu.enqueue_indirect_dma source(%dma_start3A_46 : memref<1015808x64xf32, #tpu.memory_space<hbm>>) target(%dma_start3A_40 : memref<128x64xf32, #tpu.memory_space<vmem>>) offsets(%dma_start3A_43 : memref<128xi32, #tpu.memory_space<vmem>>) semaphore(%arg9 : memref<!tpu.dma_semaphore, #tpu.memory_space<semaphore_mem>>)
    %dma_start3A_47 = arith.constant 1 : i32
    %dma_start3A_48 = arith.constant 1 : i32
    %dma_start3A_49 = arith.constant 0 : i32
    %dma_start3A_50 = arith.constant 0 : i32
    %dma_start3A_51 = tpu.memref_slice %arg6[%dma_start3A_48, %dma_start3A_49, %dma_start3A_50] : memref<4x200x64xf32, #tpu.memory_space<vmem>> -> memref<1x200x64xf32, #tpu.memory_space<vmem>>
    %dma_start3A_52 = tpu.memref_squeeze %dma_start3A_51 : memref<1x200x64xf32, #tpu.memory_space<vmem>> -> memref<200x64xf32, #tpu.memory_space<vmem>>
    %dma_start3A_53 = arith.constant 128 : i32
    %dma_start3A_54 = arith.constant 0 : i32
    %dma_start3A_55 = tpu.memref_slice %dma_start3A_52[%dma_start3A_53, %dma_start3A_54] : memref<200x64xf32, #tpu.memory_space<vmem>> -> memref<72x64xf32, #tpu.memory_space<vmem>>
    %dma_start3A_56 = arith.constant 128 : i32
    %dma_start3A_57 = tpu.memref_slice %arg5[%dma_start3A_47, %dma_start3A_56] : memref<128x200xi32, #tpu.memory_space<vmem>> -> memref<1x72xi32, #tpu.memory_space<vmem>>
    %dma_start3A_58 = tpu.memref_squeeze %dma_start3A_57 : memref<1x72xi32, #tpu.memory_space<vmem>> -> memref<72xi32, #tpu.memory_space<vmem>>
    %dma_start3A_59 = arith.constant 0 : i32
    %dma_start3A_60 = arith.constant 0 : i32
    %dma_start3A_61 = tpu.memref_slice %arg3[%dma_start3A_59, %dma_start3A_60] : memref<1015808x64xf32, #tpu.memory_space<hbm>> -> memref<1015808x64xf32, #tpu.memory_space<hbm>>
    tpu.enqueue_indirect_dma source(%dma_start3A_61 : memref<1015808x64xf32, #tpu.memory_space<hbm>>) target(%dma_start3A_55 : memref<72x64xf32, #tpu.memory_space<vmem>>) offsets(%dma_start3A_58 : memref<72xi32, #tpu.memory_space<vmem>>) semaphore(%arg9 : memref<!tpu.dma_semaphore, #tpu.memory_space<semaphore_mem>>)
    %dma_start3A_62 = arith.constant 2 : i32
    %dma_start3A_63 = arith.constant 2 : i32
    %dma_start3A_64 = arith.constant 0 : i32
    %dma_start3A_65 = arith.constant 0 : i32
    %dma_start3A_66 = tpu.memref_slice %arg6[%dma_start3A_63, %dma_start3A_64, %dma_start3A_65] : memref<4x200x64xf32, #tpu.memory_space<vmem>> -> memref<1x200x64xf32, #tpu.memory_space<vmem>>
    %dma_start3A_67 = tpu.memref_squeeze %dma_start3A_66 : memref<1x200x64xf32, #tpu.memory_space<vmem>> -> memref<200x64xf32, #tpu.memory_space<vmem>>
    %dma_start3A_68 = arith.constant 0 : i32
    %dma_start3A_69 = arith.constant 0 : i32
    %dma_start3A_70 = tpu.memref_slice %dma_start3A_67[%dma_start3A_68, %dma_start3A_69] : memref<200x64xf32, #tpu.memory_space<vmem>> -> memref<128x64xf32, #tpu.memory_space<vmem>>
    %dma_start3A_71 = arith.constant 0 : i32
    %dma_start3A_72 = tpu.memref_slice %arg5[%dma_start3A_62, %dma_start3A_71] : memref<128x200xi32, #tpu.memory_space<vmem>> -> memref<1x128xi32, #tpu.memory_space<vmem>>
    %dma_start3A_73 = tpu.memref_squeeze %dma_start3A_72 : memref<1x128xi32, #tpu.memory_space<vmem>> -> memref<128xi32, #tpu.memory_space<vmem>>
    %dma_start3A_74 = arith.constant 0 : i32
    %dma_start3A_75 = arith.constant 0 : i32
    %dma_start3A_76 = tpu.memref_slice %arg3[%dma_start3A_74, %dma_start3A_75] : memref<1015808x64xf32, #tpu.memory_space<hbm>> -> memref<1015808x64xf32, #tpu.memory_space<hbm>>
    tpu.enqueue_indirect_dma source(%dma_start3A_76 : memref<1015808x64xf32, #tpu.memory_space<hbm>>) target(%dma_start3A_70 : memref<128x64xf32, #tpu.memory_space<vmem>>) offsets(%dma_start3A_73 : memref<128xi32, #tpu.memory_space<vmem>>) semaphore(%arg10 : memref<!tpu.dma_semaphore, #tpu.memory_space<semaphore_mem>>)
    %dma_start3A_77 = arith.constant 2 : i32
    %dma_start3A_78 = arith.constant 2 : i32
    %dma_start3A_79 = arith.constant 0 : i32
    %dma_start3A_80 = arith.constant 0 : i32
    %dma_start3A_81 = tpu.memref_slice %arg6[%dma_start3A_78, %dma_start3A_79, %dma_start3A_80] : memref<4x200x64xf32, #tpu.memory_space<vmem>> -> memref<1x200x64xf32, #tpu.memory_space<vmem>>
    %dma_start3A_82 = tpu.memref_squeeze %dma_start3A_81 : memref<1x200x64xf32, #tpu.memory_space<vmem>> -> memref<200x64xf32, #tpu.memory_space<vmem>>
    %dma_start3A_83 = arith.constant 128 : i32
    %dma_start3A_84 = arith.constant 0 : i32
    %dma_start3A_85 = tpu.memref_slice %dma_start3A_82[%dma_start3A_83, %dma_start3A_84] : memref<200x64xf32, #tpu.memory_space<vmem>> -> memref<72x64xf32, #tpu.memory_space<vmem>>
    %dma_start3A_86 = arith.constant 128 : i32
    %dma_start3A_87 = tpu.memref_slice %arg5[%dma_start3A_77, %dma_start3A_86] : memref<128x200xi32, #tpu.memory_space<vmem>> -> memref<1x72xi32, #tpu.memory_space<vmem>>
    %dma_start3A_88 = tpu.memref_squeeze %dma_start3A_87 : memref<1x72xi32, #tpu.memory_space<vmem>> -> memref<72xi32, #tpu.memory_space<vmem>>
    %dma_start3A_89 = arith.constant 0 : i32
    %dma_start3A_90 = arith.constant 0 : i32
    %dma_start3A_91 = tpu.memref_slice %arg3[%dma_start3A_89, %dma_start3A_90] : memref<1015808x64xf32, #tpu.memory_space<hbm>> -> memref<1015808x64xf32, #tpu.memory_space<hbm>>
    tpu.enqueue_indirect_dma source(%dma_start3A_91 : memref<1015808x64xf32, #tpu.memory_space<hbm>>) target(%dma_start3A_85 : memref<72x64xf32, #tpu.memory_space<vmem>>) offsets(%dma_start3A_88 : memref<72xi32, #tpu.memory_space<vmem>>) semaphore(%arg10 : memref<!tpu.dma_semaphore, #tpu.memory_space<semaphore_mem>>)
    %dma_start3A_92 = arith.constant 3 : i32
    %dma_start3A_93 = arith.constant 3 : i32
    %dma_start3A_94 = arith.constant 0 : i32
    %dma_start3A_95 = arith.constant 0 : i32
    %dma_start3A_96 = tpu.memref_slice %arg6[%dma_start3A_93, %dma_start3A_94, %dma_start3A_95] : memref<4x200x64xf32, #tpu.memory_space<vmem>> -> memref<1x200x64xf32, #tpu.memory_space<vmem>>
    %dma_start3A_97 = tpu.memref_squeeze %dma_start3A_96 : memref<1x200x64xf32, #tpu.memory_space<vmem>> -> memref<200x64xf32, #tpu.memory_space<vmem>>
    %dma_start3A_98 = arith.constant 0 : i32
    %dma_start3A_99 = arith.constant 0 : i32
    %dma_start3A_100 = tpu.memref_slice %dma_start3A_97[%dma_start3A_98, %dma_start3A_99] : memref<200x64xf32, #tpu.memory_space<vmem>> -> memref<128x64xf32, #tpu.memory_space<vmem>>
    %dma_start3A_101 = arith.constant 0 : i32
    %dma_start3A_102 = tpu.memref_slice %arg5[%dma_start3A_92, %dma_start3A_101] : memref<128x200xi32, #tpu.memory_space<vmem>> -> memref<1x128xi32, #tpu.memory_space<vmem>>
    %dma_start3A_103 = tpu.memref_squeeze %dma_start3A_102 : memref<1x128xi32, #tpu.memory_space<vmem>> -> memref<128xi32, #tpu.memory_space<vmem>>
    %dma_start3A_104 = arith.constant 0 : i32
    %dma_start3A_105 = arith.constant 0 : i32
    %dma_start3A_106 = tpu.memref_slice %arg3[%dma_start3A_104, %dma_start3A_105] : memref<1015808x64xf32, #tpu.memory_space<hbm>> -> memref<1015808x64xf32, #tpu.memory_space<hbm>>
    tpu.enqueue_indirect_dma source(%dma_start3A_106 : memref<1015808x64xf32, #tpu.memory_space<hbm>>) target(%dma_start3A_100 : memref<128x64xf32, #tpu.memory_space<vmem>>) offsets(%dma_start3A_103 : memref<128xi32, #tpu.memory_space<vmem>>) semaphore(%arg11 : memref<!tpu.dma_semaphore, #tpu.memory_space<semaphore_mem>>)
    %dma_start3A_107 = arith.constant 3 : i32
    %dma_start3A_108 = arith.constant 3 : i32
    %dma_start3A_109 = arith.constant 0 : i32
    %dma_start3A_110 = arith.constant 0 : i32
    %dma_start3A_111 = tpu.memref_slice %arg6[%dma_start3A_108, %dma_start3A_109, %dma_start3A_110] : memref<4x200x64xf32, #tpu.memory_space<vmem>> -> memref<1x200x64xf32, #tpu.memory_space<vmem>>
    %dma_start3A_112 = tpu.memref_squeeze %dma_start3A_111 : memref<1x200x64xf32, #tpu.memory_space<vmem>> -> memref<200x64xf32, #tpu.memory_space<vmem>>
    %dma_start3A_113 = arith.constant 128 : i32
    %dma_start3A_114 = arith.constant 0 : i32
    %dma_start3A_115 = tpu.memref_slice %dma_start3A_112[%dma_start3A_113, %dma_start3A_114] : memref<200x64xf32, #tpu.memory_space<vmem>> -> memref<72x64xf32, #tpu.memory_space<vmem>>
    %dma_start3A_116 = arith.constant 128 : i32
    %dma_start3A_117 = tpu.memref_slice %arg5[%dma_start3A_107, %dma_start3A_116] : memref<128x200xi32, #tpu.memory_space<vmem>> -> memref<1x72xi32, #tpu.memory_space<vmem>>
    %dma_start3A_118 = tpu.memref_squeeze %dma_start3A_117 : memref<1x72xi32, #tpu.memory_space<vmem>> -> memref<72xi32, #tpu.memory_space<vmem>>
    %dma_start3A_119 = arith.constant 0 : i32
    %dma_start3A_120 = arith.constant 0 : i32
    %dma_start3A_121 = tpu.memref_slice %arg3[%dma_start3A_119, %dma_start3A_120] : memref<1015808x64xf32, #tpu.memory_space<hbm>> -> memref<1015808x64xf32, #tpu.memory_space<hbm>>
    tpu.enqueue_indirect_dma source(%dma_start3A_121 : memref<1015808x64xf32, #tpu.memory_space<hbm>>) target(%dma_start3A_115 : memref<72x64xf32, #tpu.memory_space<vmem>>) offsets(%dma_start3A_118 : memref<72xi32, #tpu.memory_space<vmem>>) semaphore(%arg11 : memref<!tpu.dma_semaphore, #tpu.memory_space<semaphore_mem>>)
    %scan3A = arith.constant 0 : i32
    %scan3A_122 = arith.constant 0 : i32
    %scan3A_123 = arith.constant 32 : i32
    %scan3A_124 = arith.addi %scan3A_122, %scan3A_123 : i32
    %scan3A_125 = arith.constant 1 : i32
    scf.for %scan3A_127 = %scan3A_122 to %scan3A_124 step %scan3A_125  : i32 {
      %mul3A_128 = arith.constant 4 : i32
      %mul3A_129 = arith.muli %scan3A_127, %mul3A_128 : i32
      %add3A_130 = arith.constant 0 : i32
      %add3A_131 = arith.addi %mul3A_129, %add3A_130 : i32
      %dma_wait3A = arith.constant 0 : i32
      %dma_wait3A_132 = arith.constant 0 : i32
      %dma_wait3A_133 = arith.constant 0 : i32
      %dma_wait3A_134 = tpu.memref_slice %arg6[%dma_wait3A, %dma_wait3A_132, %dma_wait3A_133] : memref<4x200x64xf32, #tpu.memory_space<vmem>> -> memref<1x200x64xf32, #tpu.memory_space<vmem>>
      %dma_wait3A_135 = tpu.memref_squeeze %dma_wait3A_134 : memref<1x200x64xf32, #tpu.memory_space<vmem>> -> memref<200x64xf32, #tpu.memory_space<vmem>>
      %dma_wait3A_136 = arith.constant 0 : i32
      %dma_wait3A_137 = arith.constant 0 : i32
      %dma_wait3A_138 = tpu.memref_slice %dma_wait3A_135[%dma_wait3A_136, %dma_wait3A_137] : memref<200x64xf32, #tpu.memory_space<vmem>> -> memref<128x64xf32, #tpu.memory_space<vmem>>
      %dma_wait3A_139 = arith.constant 0 : i32
      %dma_wait3A_140 = tpu.memref_slice %arg5[%add3A_131, %dma_wait3A_139] : memref<128x200xi32, #tpu.memory_space<vmem>> -> memref<1x128xi32, #tpu.memory_space<vmem>>
      %dma_wait3A_141 = tpu.memref_squeeze %dma_wait3A_140 : memref<1x128xi32, #tpu.memory_space<vmem>> -> memref<128xi32, #tpu.memory_space<vmem>>
      %dma_wait3A_142 = arith.constant 0 : i32
      %dma_wait3A_143 = arith.constant 0 : i32
      %dma_wait3A_144 = tpu.memref_slice %arg3[%dma_wait3A_142, %dma_wait3A_143] : memref<1015808x64xf32, #tpu.memory_space<hbm>> -> memref<1015808x64xf32, #tpu.memory_space<hbm>>
      tpu.wait_indirect_dma semaphore(%arg8 : memref<!tpu.dma_semaphore, #tpu.memory_space<semaphore_mem>>) src(%dma_wait3A_144 : memref<1015808x64xf32, #tpu.memory_space<hbm>>) dst(%dma_wait3A_138 : memref<128x64xf32, #tpu.memory_space<vmem>>)
      %dma_wait3A_145 = arith.constant 0 : i32
      %dma_wait3A_146 = arith.constant 0 : i32
      %dma_wait3A_147 = arith.constant 0 : i32
      %dma_wait3A_148 = tpu.memref_slice %arg6[%dma_wait3A_145, %dma_wait3A_146, %dma_wait3A_147] : memref<4x200x64xf32, #tpu.memory_space<vmem>> -> memref<1x200x64xf32, #tpu.memory_space<vmem>>
      %dma_wait3A_149 = tpu.memref_squeeze %dma_wait3A_148 : memref<1x200x64xf32, #tpu.memory_space<vmem>> -> memref<200x64xf32, #tpu.memory_space<vmem>>
      %dma_wait3A_150 = arith.constant 128 : i32
      %dma_wait3A_151 = arith.constant 0 : i32
      %dma_wait3A_152 = tpu.memref_slice %dma_wait3A_149[%dma_wait3A_150, %dma_wait3A_151] : memref<200x64xf32, #tpu.memory_space<vmem>> -> memref<72x64xf32, #tpu.memory_space<vmem>>
      %dma_wait3A_153 = arith.constant 128 : i32
      %dma_wait3A_154 = tpu.memref_slice %arg5[%add3A_131, %dma_wait3A_153] : memref<128x200xi32, #tpu.memory_space<vmem>> -> memref<1x72xi32, #tpu.memory_space<vmem>>
      %dma_wait3A_155 = tpu.memref_squeeze %dma_wait3A_154 : memref<1x72xi32, #tpu.memory_space<vmem>> -> memref<72xi32, #tpu.memory_space<vmem>>
      %dma_wait3A_156 = arith.constant 0 : i32
      %dma_wait3A_157 = arith.constant 0 : i32
      %dma_wait3A_158 = tpu.memref_slice %arg3[%dma_wait3A_156, %dma_wait3A_157] : memref<1015808x64xf32, #tpu.memory_space<hbm>> -> memref<1015808x64xf32, #tpu.memory_space<hbm>>
      tpu.wait_indirect_dma semaphore(%arg8 : memref<!tpu.dma_semaphore, #tpu.memory_space<semaphore_mem>>) src(%dma_wait3A_158 : memref<1015808x64xf32, #tpu.memory_space<hbm>>) dst(%dma_wait3A_152 : memref<72x64xf32, #tpu.memory_space<vmem>>)
      %broadcast_in_dim3A = arith.constant 0.000000e+00 : f32
      %broadcast_in_dim3A_159 = vector.broadcast %broadcast_in_dim3A : f32 to vector<16xf32>
      %broadcast_in_dim3A_160 = arith.constant 0.000000e+00 : f32
      %broadcast_in_dim3A_161 = vector.broadcast %broadcast_in_dim3A_160 : f32 to vector<16xf32>
      %broadcast_in_dim3A_162 = arith.constant 0.000000e+00 : f32
      %broadcast_in_dim3A_163 = vector.broadcast %broadcast_in_dim3A_162 : f32 to vector<16xf32>
      %broadcast_in_dim3A_164 = arith.constant 0.000000e+00 : f32
      %broadcast_in_dim3A_165 = vector.broadcast %broadcast_in_dim3A_164 : f32 to vector<16xf32>
      %broadcast_in_dim3A_166 = arith.constant 0xFF800000 : f32
      %broadcast_in_dim3A_167 = vector.broadcast %broadcast_in_dim3A_166 : f32 to vector<16xf32>
      %broadcast_in_dim3A_168 = arith.constant 0xFF800000 : f32
      %broadcast_in_dim3A_169 = vector.broadcast %broadcast_in_dim3A_168 : f32 to vector<16xf32>
      %broadcast_in_dim3A_170 = arith.constant 0xFF800000 : f32
      %broadcast_in_dim3A_171 = vector.broadcast %broadcast_in_dim3A_170 : f32 to vector<16xf32>
      %broadcast_in_dim3A_172 = arith.constant 0xFF800000 : f32
      %broadcast_in_dim3A_173 = vector.broadcast %broadcast_in_dim3A_172 : f32 to vector<16xf32>
      %broadcast_in_dim3A_174 = arith.constant 0x7F800000 : f32
      %broadcast_in_dim3A_175 = vector.broadcast %broadcast_in_dim3A_174 : f32 to vector<16xf32>
      %broadcast_in_dim3A_176 = arith.constant 0x7F800000 : f32
      %broadcast_in_dim3A_177 = vector.broadcast %broadcast_in_dim3A_176 : f32 to vector<16xf32>
      %broadcast_in_dim3A_178 = arith.constant 0x7F800000 : f32
      %broadcast_in_dim3A_179 = vector.broadcast %broadcast_in_dim3A_178 : f32 to vector<16xf32>
      %broadcast_in_dim3A_180 = arith.constant 0x7F800000 : f32
      %broadcast_in_dim3A_181 = vector.broadcast %broadcast_in_dim3A_180 : f32 to vector<16xf32>
      %scan3A_182 = arith.constant 0 : i32
      %scan3A_183 = arith.constant 0 : i32
      %scan3A_184 = arith.constant 25 : i32
      %scan3A_185 = arith.addi %scan3A_183, %scan3A_184 : i32
      %scan3A_186 = arith.constant 1 : i32
      %scan3A_187:16 = scf.for %scan3A_722 = %scan3A_183 to %scan3A_185 step %scan3A_186 iter_args(%scan3A_723 = %broadcast_in_dim3A_159, %scan3A_724 = %broadcast_in_dim3A_161, %scan3A_725 = %broadcast_in_dim3A_163, %scan3A_726 = %broadcast_in_dim3A_165, %scan3A_727 = %broadcast_in_dim3A_159, %scan3A_728 = %broadcast_in_dim3A_161, %scan3A_729 = %broadcast_in_dim3A_163, %scan3A_730 = %broadcast_in_dim3A_165, %scan3A_731 = %broadcast_in_dim3A_167, %scan3A_732 = %broadcast_in_dim3A_169, %scan3A_733 = %broadcast_in_dim3A_171, %scan3A_734 = %broadcast_in_dim3A_173, %scan3A_735 = %broadcast_in_dim3A_175, %scan3A_736 = %broadcast_in_dim3A_177, %scan3A_737 = %broadcast_in_dim3A_179, %scan3A_738 = %broadcast_in_dim3A_181) -> (vector<16xf32>, vector<16xf32>, vector<16xf32>, vector<16xf32>, vector<16xf32>, vector<16xf32>, vector<16xf32>, vector<16xf32>, vector<16xf32>, vector<16xf32>, vector<16xf32>, vector<16xf32>, vector<16xf32>, vector<16xf32>, vector<16xf32>, vector<16xf32>)  : i32 {
        %mul3A_739 = arith.constant 8 : i32
        %mul3A_740 = arith.muli %scan3A_722, %mul3A_739 : i32
        %add3A_741 = arith.constant 0 : i32
        %add3A_742 = arith.addi %mul3A_740, %add3A_741 : i32
        %get3A = arith.constant 0 : i32
        %get3A_743 = arith.constant 0 : i32
        %get3A_744 = tpu.memref_slice %arg6[%scan3A_182, %get3A, %get3A_743] : memref<4x200x64xf32, #tpu.memory_space<vmem>> -> memref<1x200x64xf32, #tpu.memory_space<vmem>>
        %get3A_745 = tpu.memref_squeeze %get3A_744 : memref<1x200x64xf32, #tpu.memory_space<vmem>> -> memref<200x64xf32, #tpu.memory_space<vmem>>
        %get3A_746 = arith.index_cast %add3A_742 : i32 to index
        %get3A_747 = arith.constant 0 : index
        %get3A_748 = tpu.vector_load %get3A_745[%get3A_746, %get3A_747] {strides = array<i32>} : memref<200x64xf32, #tpu.memory_space<vmem>>, vector<1x16xf32>,
        %get3A_749 = vector.shape_cast %get3A_748 : vector<1x16xf32> to vector<16xf32>
        %add3A_750 = arith.addf %scan3A_723, %get3A_749 : vector<16xf32>
        %mul3A_751 = arith.mulf %get3A_749, %get3A_749 : vector<16xf32>
        %add3A_752 = arith.addf %scan3A_727, %mul3A_751 : vector<16xf32>
        %max3A = arith.maximumf %scan3A_731, %get3A_749 : vector<16xf32>
        %min3A = arith.minimumf %scan3A_735, %get3A_749 : vector<16xf32>
        %add3A_753 = arith.constant 0 : i32
        %add3A_754 = arith.addi %mul3A_740, %add3A_753 : i32
        %get3A_755 = arith.constant 0 : i32
        %get3A_756 = arith.constant 0 : i32
        %get3A_757 = tpu.memref_slice %arg6[%scan3A_182, %get3A_755, %get3A_756] : memref<4x200x64xf32, #tpu.memory_space<vmem>> -> memref<1x200x64xf32, #tpu.memory_space<vmem>>
        %get3A_758 = tpu.memref_squeeze %get3A_757 : memref<1x200x64xf32, #tpu.memory_space<vmem>> -> memref<200x64xf32, #tpu.memory_space<vmem>>
        %get3A_759 = arith.index_cast %add3A_754 : i32 to index
        %get3A_760 = arith.constant 16 : index
        %get3A_761 = tpu.vector_load %get3A_758[%get3A_759, %get3A_760] {strides = array<i32>} : memref<200x64xf32, #tpu.memory_space<vmem>>, vector<1x16xf32>,
        %get3A_762 = vector.shape_cast %get3A_761 : vector<1x16xf32> to vector<16xf32>
        %add3A_763 = arith.addf %scan3A_724, %get3A_762 : vector<16xf32>
        %mul3A_764 = arith.mulf %get3A_762, %get3A_762 : vector<16xf32>
        %add3A_765 = arith.addf %scan3A_728, %mul3A_764 : vector<16xf32>
        %max3A_766 = arith.maximumf %scan3A_732, %get3A_762 : vector<16xf32>
        %min3A_767 = arith.minimumf %scan3A_736, %get3A_762 : vector<16xf32>
        %add3A_768 = arith.constant 0 : i32
        %add3A_769 = arith.addi %mul3A_740, %add3A_768 : i32
        %get3A_770 = arith.constant 0 : i32
        %get3A_771 = arith.constant 0 : i32
        %get3A_772 = tpu.memref_slice %arg6[%scan3A_182, %get3A_770, %get3A_771] : memref<4x200x64xf32, #tpu.memory_space<vmem>> -> memref<1x200x64xf32, #tpu.memory_space<vmem>>
        %get3A_773 = tpu.memref_squeeze %get3A_772 : memref<1x200x64xf32, #tpu.memory_space<vmem>> -> memref<200x64xf32, #tpu.memory_space<vmem>>
        %get3A_774 = arith.index_cast %add3A_769 : i32 to index
        %get3A_775 = arith.constant 32 : index
        %get3A_776 = tpu.vector_load %get3A_773[%get3A_774, %get3A_775] {strides = array<i32>} : memref<200x64xf32, #tpu.memory_space<vmem>>, vector<1x16xf32>,
        %get3A_777 = vector.shape_cast %get3A_776 : vector<1x16xf32> to vector<16xf32>
        %add3A_778 = arith.addf %scan3A_725, %get3A_777 : vector<16xf32>
        %mul3A_779 = arith.mulf %get3A_777, %get3A_777 : vector<16xf32>
        %add3A_780 = arith.addf %scan3A_729, %mul3A_779 : vector<16xf32>
        %max3A_781 = arith.maximumf %scan3A_733, %get3A_777 : vector<16xf32>
        %min3A_782 = arith.minimumf %scan3A_737, %get3A_777 : vector<16xf32>
        %add3A_783 = arith.constant 0 : i32
        %add3A_784 = arith.addi %mul3A_740, %add3A_783 : i32
        %get3A_785 = arith.constant 0 : i32
        %get3A_786 = arith.constant 0 : i32
        %get3A_787 = tpu.memref_slice %arg6[%scan3A_182, %get3A_785, %get3A_786] : memref<4x200x64xf32, #tpu.memory_space<vmem>> -> memref<1x200x64xf32, #tpu.memory_space<vmem>>
        %get3A_788 = tpu.memref_squeeze %get3A_787 : memref<1x200x64xf32, #tpu.memory_space<vmem>> -> memref<200x64xf32, #tpu.memory_space<vmem>>
        %get3A_789 = arith.index_cast %add3A_784 : i32 to index
        %get3A_790 = arith.constant 48 : index
        %get3A_791 = tpu.vector_load %get3A_788[%get3A_789, %get3A_790] {strides = array<i32>} : memref<200x64xf32, #tpu.memory_space<vmem>>, vector<1x16xf32>,
        %get3A_792 = vector.shape_cast %get3A_791 : vector<1x16xf32> to vector<16xf32>
        %add3A_793 = arith.addf %scan3A_726, %get3A_792 : vector<16xf32>
        %mul3A_794 = arith.mulf %get3A_792, %get3A_792 : vector<16xf32>
        %add3A_795 = arith.addf %scan3A_730, %mul3A_794 : vector<16xf32>
        %max3A_796 = arith.maximumf %scan3A_734, %get3A_792 : vector<16xf32>
        %min3A_797 = arith.minimumf %scan3A_738, %get3A_792 : vector<16xf32>
        %add3A_798 = arith.constant 1 : i32
        %add3A_799 = arith.addi %mul3A_740, %add3A_798 : i32
        %get3A_800 = arith.constant 0 : i32
        %get3A_801 = arith.constant 0 : i32
        %get3A_802 = tpu.memref_slice %arg6[%scan3A_182, %get3A_800, %get3A_801] : memref<4x200x64xf32, #tpu.memory_space<vmem>> -> memref<1x200x64xf32, #tpu.memory_space<vmem>>
        %get3A_803 = tpu.memref_squeeze %get3A_802 : memref<1x200x64xf32, #tpu.memory_space<vmem>> -> memref<200x64xf32, #tpu.memory_space<vmem>>
        %get3A_804 = arith.index_cast %add3A_799 : i32 to index
        %get3A_805 = arith.constant 0 : index
        %get3A_806 = tpu.vector_load %get3A_803[%get3A_804, %get3A_805] {strides = array<i32>} : memref<200x64xf32, #tpu.memory_space<vmem>>, vector<1x16xf32>,
        %get3A_807 = vector.shape_cast %get3A_806 : vector<1x16xf32> to vector<16xf32>
        %add3A_808 = arith.addf %add3A_750, %get3A_807 : vector<16xf32>
        %mul3A_809 = arith.mulf %get3A_807, %get3A_807 : vector<16xf32>
        %add3A_810 = arith.addf %add3A_752, %mul3A_809 : vector<16xf32>
        %max3A_811 = arith.maximumf %max3A, %get3A_807 : vector<16xf32>
        %min3A_812 = arith.minimumf %min3A, %get3A_807 : vector<16xf32>
        %add3A_813 = arith.constant 1 : i32
        %add3A_814 = arith.addi %mul3A_740, %add3A_813 : i32
        %get3A_815 = arith.constant 0 : i32
        %get3A_816 = arith.constant 0 : i32
        %get3A_817 = tpu.memref_slice %arg6[%scan3A_182, %get3A_815, %get3A_816] : memref<4x200x64xf32, #tpu.memory_space<vmem>> -> memref<1x200x64xf32, #tpu.memory_space<vmem>>
        %get3A_818 = tpu.memref_squeeze %get3A_817 : memref<1x200x64xf32, #tpu.memory_space<vmem>> -> memref<200x64xf32, #tpu.memory_space<vmem>>
        %get3A_819 = arith.index_cast %add3A_814 : i32 to index
        %get3A_820 = arith.constant 16 : index
        %get3A_821 = tpu.vector_load %get3A_818[%get3A_819, %get3A_820] {strides = array<i32>} : memref<200x64xf32, #tpu.memory_space<vmem>>, vector<1x16xf32>,
        %get3A_822 = vector.shape_cast %get3A_821 : vector<1x16xf32> to vector<16xf32>
        %add3A_823 = arith.addf %add3A_763, %get3A_822 : vector<16xf32>
        %mul3A_824 = arith.mulf %get3A_822, %get3A_822 : vector<16xf32>
        %add3A_825 = arith.addf %add3A_765, %mul3A_824 : vector<16xf32>
        %max3A_826 = arith.maximumf %max3A_766, %get3A_822 : vector<16xf32>
        %min3A_827 = arith.minimumf %min3A_767, %get3A_822 : vector<16xf32>
        %add3A_828 = arith.constant 1 : i32
        %add3A_829 = arith.addi %mul3A_740, %add3A_828 : i32
        %get3A_830 = arith.constant 0 : i32
        %get3A_831 = arith.constant 0 : i32
        %get3A_832 = tpu.memref_slice %arg6[%scan3A_182, %get3A_830, %get3A_831] : memref<4x200x64xf32, #tpu.memory_space<vmem>> -> memref<1x200x64xf32, #tpu.memory_space<vmem>>
        %get3A_833 = tpu.memref_squeeze %get3A_832 : memref<1x200x64xf32, #tpu.memory_space<vmem>> -> memref<200x64xf32, #tpu.memory_space<vmem>>
        %get3A_834 = arith.index_cast %add3A_829 : i32 to index
        %get3A_835 = arith.constant 32 : index
        %get3A_836 = tpu.vector_load %get3A_833[%get3A_834, %get3A_835] {strides = array<i32>} : memref<200x64xf32, #tpu.memory_space<vmem>>, vector<1x16xf32>,
        %get3A_837 = vector.shape_cast %get3A_836 : vector<1x16xf32> to vector<16xf32>
        %add3A_838 = arith.addf %add3A_778, %get3A_837 : vector<16xf32>
        %mul3A_839 = arith.mulf %get3A_837, %get3A_837 : vector<16xf32>
        %add3A_840 = arith.addf %add3A_780, %mul3A_839 : vector<16xf32>
        %max3A_841 = arith.maximumf %max3A_781, %get3A_837 : vector<16xf32>
        %min3A_842 = arith.minimumf %min3A_782, %get3A_837 : vector<16xf32>
        %add3A_843 = arith.constant 1 : i32
        %add3A_844 = arith.addi %mul3A_740, %add3A_843 : i32
        %get3A_845 = arith.constant 0 : i32
        %get3A_846 = arith.constant 0 : i32
        %get3A_847 = tpu.memref_slice %arg6[%scan3A_182, %get3A_845, %get3A_846] : memref<4x200x64xf32, #tpu.memory_space<vmem>> -> memref<1x200x64xf32, #tpu.memory_space<vmem>>
        %get3A_848 = tpu.memref_squeeze %get3A_847 : memref<1x200x64xf32, #tpu.memory_space<vmem>> -> memref<200x64xf32, #tpu.memory_space<vmem>>
        %get3A_849 = arith.index_cast %add3A_844 : i32 to index
        %get3A_850 = arith.constant 48 : index
        %get3A_851 = tpu.vector_load %get3A_848[%get3A_849, %get3A_850] {strides = array<i32>} : memref<200x64xf32, #tpu.memory_space<vmem>>, vector<1x16xf32>,
        %get3A_852 = vector.shape_cast %get3A_851 : vector<1x16xf32> to vector<16xf32>
        %add3A_853 = arith.addf %add3A_793, %get3A_852 : vector<16xf32>
        %mul3A_854 = arith.mulf %get3A_852, %get3A_852 : vector<16xf32>
        %add3A_855 = arith.addf %add3A_795, %mul3A_854 : vector<16xf32>
        %max3A_856 = arith.maximumf %max3A_796, %get3A_852 : vector<16xf32>
        %min3A_857 = arith.minimumf %min3A_797, %get3A_852 : vector<16xf32>
        %add3A_858 = arith.constant 2 : i32
        %add3A_859 = arith.addi %mul3A_740, %add3A_858 : i32
        %get3A_860 = arith.constant 0 : i32
        %get3A_861 = arith.constant 0 : i32
        %get3A_862 = tpu.memref_slice %arg6[%scan3A_182, %get3A_860, %get3A_861] : memref<4x200x64xf32, #tpu.memory_space<vmem>> -> memref<1x200x64xf32, #tpu.memory_space<vmem>>
        %get3A_863 = tpu.memref_squeeze %get3A_862 : memref<1x200x64xf32, #tpu.memory_space<vmem>> -> memref<200x64xf32, #tpu.memory_space<vmem>>
        %get3A_864 = arith.index_cast %add3A_859 : i32 to index
        %get3A_865 = arith.constant 0 : index
        %get3A_866 = tpu.vector_load %get3A_863[%get3A_864, %get3A_865] {strides = array<i32>} : memref<200x64xf32, #tpu.memory_space<vmem>>, vector<1x16xf32>,
        %get3A_867 = vector.shape_cast %get3A_866 : vector<1x16xf32> to vector<16xf32>
        %add3A_868 = arith.addf %add3A_808, %get3A_867 : vector<16xf32>
        %mul3A_869 = arith.mulf %get3A_867, %get3A_867 : vector<16xf32>
        %add3A_870 = arith.addf %add3A_810, %mul3A_869 : vector<16xf32>
        %max3A_871 = arith.maximumf %max3A_811, %get3A_867 : vector<16xf32>
        %min3A_872 = arith.minimumf %min3A_812, %get3A_867 : vector<16xf32>
        %add3A_873 = arith.constant 2 : i32
        %add3A_874 = arith.addi %mul3A_740, %add3A_873 : i32
        %get3A_875 = arith.constant 0 : i32
        %get3A_876 = arith.constant 0 : i32
        %get3A_877 = tpu.memref_slice %arg6[%scan3A_182, %get3A_875, %get3A_876] : memref<4x200x64xf32, #tpu.memory_space<vmem>> -> memref<1x200x64xf32, #tpu.memory_space<vmem>>
        %get3A_878 = tpu.memref_squeeze %get3A_877 : memref<1x200x64xf32, #tpu.memory_space<vmem>> -> memref<200x64xf32, #tpu.memory_space<vmem>>
        %get3A_879 = arith.index_cast %add3A_874 : i32 to index
        %get3A_880 = arith.constant 16 : index
        %get3A_881 = tpu.vector_load %get3A_878[%get3A_879, %get3A_880] {strides = array<i32>} : memref<200x64xf32, #tpu.memory_space<vmem>>, vector<1x16xf32>,
        %get3A_882 = vector.shape_cast %get3A_881 : vector<1x16xf32> to vector<16xf32>
        %add3A_883 = arith.addf %add3A_823, %get3A_882 : vector<16xf32>
        %mul3A_884 = arith.mulf %get3A_882, %get3A_882 : vector<16xf32>
        %add3A_885 = arith.addf %add3A_825, %mul3A_884 : vector<16xf32>
        %max3A_886 = arith.maximumf %max3A_826, %get3A_882 : vector<16xf32>
        %min3A_887 = arith.minimumf %min3A_827, %get3A_882 : vector<16xf32>
        %add3A_888 = arith.constant 2 : i32
        %add3A_889 = arith.addi %mul3A_740, %add3A_888 : i32
        %get3A_890 = arith.constant 0 : i32
        %get3A_891 = arith.constant 0 : i32
        %get3A_892 = tpu.memref_slice %arg6[%scan3A_182, %get3A_890, %get3A_891] : memref<4x200x64xf32, #tpu.memory_space<vmem>> -> memref<1x200x64xf32, #tpu.memory_space<vmem>>
        %get3A_893 = tpu.memref_squeeze %get3A_892 : memref<1x200x64xf32, #tpu.memory_space<vmem>> -> memref<200x64xf32, #tpu.memory_space<vmem>>
        %get3A_894 = arith.index_cast %add3A_889 : i32 to index
        %get3A_895 = arith.constant 32 : index
        %get3A_896 = tpu.vector_load %get3A_893[%get3A_894, %get3A_895] {strides = array<i32>} : memref<200x64xf32, #tpu.memory_space<vmem>>, vector<1x16xf32>,
        %get3A_897 = vector.shape_cast %get3A_896 : vector<1x16xf32> to vector<16xf32>
        %add3A_898 = arith.addf %add3A_838, %get3A_897 : vector<16xf32>
        %mul3A_899 = arith.mulf %get3A_897, %get3A_897 : vector<16xf32>
        %add3A_900 = arith.addf %add3A_840, %mul3A_899 : vector<16xf32>
        %max3A_901 = arith.maximumf %max3A_841, %get3A_897 : vector<16xf32>
        %min3A_902 = arith.minimumf %min3A_842, %get3A_897 : vector<16xf32>
        %add3A_903 = arith.constant 2 : i32
        %add3A_904 = arith.addi %mul3A_740, %add3A_903 : i32
        %get3A_905 = arith.constant 0 : i32
        %get3A_906 = arith.constant 0 : i32
        %get3A_907 = tpu.memref_slice %arg6[%scan3A_182, %get3A_905, %get3A_906] : memref<4x200x64xf32, #tpu.memory_space<vmem>> -> memref<1x200x64xf32, #tpu.memory_space<vmem>>
        %get3A_908 = tpu.memref_squeeze %get3A_907 : memref<1x200x64xf32, #tpu.memory_space<vmem>> -> memref<200x64xf32, #tpu.memory_space<vmem>>
        %get3A_909 = arith.index_cast %add3A_904 : i32 to index
        %get3A_910 = arith.constant 48 : index
        %get3A_911 = tpu.vector_load %get3A_908[%get3A_909, %get3A_910] {strides = array<i32>} : memref<200x64xf32, #tpu.memory_space<vmem>>, vector<1x16xf32>,
        %get3A_912 = vector.shape_cast %get3A_911 : vector<1x16xf32> to vector<16xf32>
        %add3A_913 = arith.addf %add3A_853, %get3A_912 : vector<16xf32>
        %mul3A_914 = arith.mulf %get3A_912, %get3A_912 : vector<16xf32>
        %add3A_915 = arith.addf %add3A_855, %mul3A_914 : vector<16xf32>
        %max3A_916 = arith.maximumf %max3A_856, %get3A_912 : vector<16xf32>
        %min3A_917 = arith.minimumf %min3A_857, %get3A_912 : vector<16xf32>
        %add3A_918 = arith.constant 3 : i32
        %add3A_919 = arith.addi %mul3A_740, %add3A_918 : i32
        %get3A_920 = arith.constant 0 : i32
        %get3A_921 = arith.constant 0 : i32
        %get3A_922 = tpu.memref_slice %arg6[%scan3A_182, %get3A_920, %get3A_921] : memref<4x200x64xf32, #tpu.memory_space<vmem>> -> memref<1x200x64xf32, #tpu.memory_space<vmem>>
        %get3A_923 = tpu.memref_squeeze %get3A_922 : memref<1x200x64xf32, #tpu.memory_space<vmem>> -> memref<200x64xf32, #tpu.memory_space<vmem>>
        %get3A_924 = arith.index_cast %add3A_919 : i32 to index
        %get3A_925 = arith.constant 0 : index
        %get3A_926 = tpu.vector_load %get3A_923[%get3A_924, %get3A_925] {strides = array<i32>} : memref<200x64xf32, #tpu.memory_space<vmem>>, vector<1x16xf32>,
        %get3A_927 = vector.shape_cast %get3A_926 : vector<1x16xf32> to vector<16xf32>
        %add3A_928 = arith.addf %add3A_868, %get3A_927 : vector<16xf32>
        %mul3A_929 = arith.mulf %get3A_927, %get3A_927 : vector<16xf32>
        %add3A_930 = arith.addf %add3A_870, %mul3A_929 : vector<16xf32>
        %max3A_931 = arith.maximumf %max3A_871, %get3A_927 : vector<16xf32>
        %min3A_932 = arith.minimumf %min3A_872, %get3A_927 : vector<16xf32>
        %add3A_933 = arith.constant 3 : i32
        %add3A_934 = arith.addi %mul3A_740, %add3A_933 : i32
        %get3A_935 = arith.constant 0 : i32
        %get3A_936 = arith.constant 0 : i32
        %get3A_937 = tpu.memref_slice %arg6[%scan3A_182, %get3A_935, %get3A_936] : memref<4x200x64xf32, #tpu.memory_space<vmem>> -> memref<1x200x64xf32, #tpu.memory_space<vmem>>
        %get3A_938 = tpu.memref_squeeze %get3A_937 : memref<1x200x64xf32, #tpu.memory_space<vmem>> -> memref<200x64xf32, #tpu.memory_space<vmem>>
        %get3A_939 = arith.index_cast %add3A_934 : i32 to index
        %get3A_940 = arith.constant 16 : index
        %get3A_941 = tpu.vector_load %get3A_938[%get3A_939, %get3A_940] {strides = array<i32>} : memref<200x64xf32, #tpu.memory_space<vmem>>, vector<1x16xf32>,
        %get3A_942 = vector.shape_cast %get3A_941 : vector<1x16xf32> to vector<16xf32>
        %add3A_943 = arith.addf %add3A_883, %get3A_942 : vector<16xf32>
        %mul3A_944 = arith.mulf %get3A_942, %get3A_942 : vector<16xf32>
        %add3A_945 = arith.addf %add3A_885, %mul3A_944 : vector<16xf32>
        %max3A_946 = arith.maximumf %max3A_886, %get3A_942 : vector<16xf32>
        %min3A_947 = arith.minimumf %min3A_887, %get3A_942 : vector<16xf32>
        %add3A_948 = arith.constant 3 : i32
        %add3A_949 = arith.addi %mul3A_740, %add3A_948 : i32
        %get3A_950 = arith.constant 0 : i32
        %get3A_951 = arith.constant 0 : i32
        %get3A_952 = tpu.memref_slice %arg6[%scan3A_182, %get3A_950, %get3A_951] : memref<4x200x64xf32, #tpu.memory_space<vmem>> -> memref<1x200x64xf32, #tpu.memory_space<vmem>>
        %get3A_953 = tpu.memref_squeeze %get3A_952 : memref<1x200x64xf32, #tpu.memory_space<vmem>> -> memref<200x64xf32, #tpu.memory_space<vmem>>
        %get3A_954 = arith.index_cast %add3A_949 : i32 to index
        %get3A_955 = arith.constant 32 : index
        %get3A_956 = tpu.vector_load %get3A_953[%get3A_954, %get3A_955] {strides = array<i32>} : memref<200x64xf32, #tpu.memory_space<vmem>>, vector<1x16xf32>,
        %get3A_957 = vector.shape_cast %get3A_956 : vector<1x16xf32> to vector<16xf32>
        %add3A_958 = arith.addf %add3A_898, %get3A_957 : vector<16xf32>
        %mul3A_959 = arith.mulf %get3A_957, %get3A_957 : vector<16xf32>
        %add3A_960 = arith.addf %add3A_900, %mul3A_959 : vector<16xf32>
        %max3A_961 = arith.maximumf %max3A_901, %get3A_957 : vector<16xf32>
        %min3A_962 = arith.minimumf %min3A_902, %get3A_957 : vector<16xf32>
        %add3A_963 = arith.constant 3 : i32
        %add3A_964 = arith.addi %mul3A_740, %add3A_963 : i32
        %get3A_965 = arith.constant 0 : i32
        %get3A_966 = arith.constant 0 : i32
        %get3A_967 = tpu.memref_slice %arg6[%scan3A_182, %get3A_965, %get3A_966] : memref<4x200x64xf32, #tpu.memory_space<vmem>> -> memref<1x200x64xf32, #tpu.memory_space<vmem>>
        %get3A_968 = tpu.memref_squeeze %get3A_967 : memref<1x200x64xf32, #tpu.memory_space<vmem>> -> memref<200x64xf32, #tpu.memory_space<vmem>>
        %get3A_969 = arith.index_cast %add3A_964 : i32 to index
        %get3A_970 = arith.constant 48 : index
        %get3A_971 = tpu.vector_load %get3A_968[%get3A_969, %get3A_970] {strides = array<i32>} : memref<200x64xf32, #tpu.memory_space<vmem>>, vector<1x16xf32>,
        %get3A_972 = vector.shape_cast %get3A_971 : vector<1x16xf32> to vector<16xf32>
        %add3A_973 = arith.addf %add3A_913, %get3A_972 : vector<16xf32>
        %mul3A_974 = arith.mulf %get3A_972, %get3A_972 : vector<16xf32>
        %add3A_975 = arith.addf %add3A_915, %mul3A_974 : vector<16xf32>
        %max3A_976 = arith.maximumf %max3A_916, %get3A_972 : vector<16xf32>
        %min3A_977 = arith.minimumf %min3A_917, %get3A_972 : vector<16xf32>
        %add3A_978 = arith.constant 4 : i32
        %add3A_979 = arith.addi %mul3A_740, %add3A_978 : i32
        %get3A_980 = arith.constant 0 : i32
        %get3A_981 = arith.constant 0 : i32
        %get3A_982 = tpu.memref_slice %arg6[%scan3A_182, %get3A_980, %get3A_981] : memref<4x200x64xf32, #tpu.memory_space<vmem>> -> memref<1x200x64xf32, #tpu.memory_space<vmem>>
        %get3A_983 = tpu.memref_squeeze %get3A_982 : memref<1x200x64xf32, #tpu.memory_space<vmem>> -> memref<200x64xf32, #tpu.memory_space<vmem>>
        %get3A_984 = arith.index_cast %add3A_979 : i32 to index
        %get3A_985 = arith.constant 0 : index
        %get3A_986 = tpu.vector_load %get3A_983[%get3A_984, %get3A_985] {strides = array<i32>} : memref<200x64xf32, #tpu.memory_space<vmem>>, vector<1x16xf32>,
        %get3A_987 = vector.shape_cast %get3A_986 : vector<1x16xf32> to vector<16xf32>
        %add3A_988 = arith.addf %add3A_928, %get3A_987 : vector<16xf32>
        %mul3A_989 = arith.mulf %get3A_987, %get3A_987 : vector<16xf32>
        %add3A_990 = arith.addf %add3A_930, %mul3A_989 : vector<16xf32>
        %max3A_991 = arith.maximumf %max3A_931, %get3A_987 : vector<16xf32>
        %min3A_992 = arith.minimumf %min3A_932, %get3A_987 : vector<16xf32>
        %add3A_993 = arith.constant 4 : i32
        %add3A_994 = arith.addi %mul3A_740, %add3A_993 : i32
        %get3A_995 = arith.constant 0 : i32
        %get3A_996 = arith.constant 0 : i32
        %get3A_997 = tpu.memref_slice %arg6[%scan3A_182, %get3A_995, %get3A_996] : memref<4x200x64xf32, #tpu.memory_space<vmem>> -> memref<1x200x64xf32, #tpu.memory_space<vmem>>
        %get3A_998 = tpu.memref_squeeze %get3A_997 : memref<1x200x64xf32, #tpu.memory_space<vmem>> -> memref<200x64xf32, #tpu.memory_space<vmem>>
        %get3A_999 = arith.index_cast %add3A_994 : i32 to index
        %get3A_1000 = arith.constant 16 : index
        %get3A_1001 = tpu.vector_load %get3A_998[%get3A_999, %get3A_1000] {strides = array<i32>} : memref<200x64xf32, #tpu.memory_space<vmem>>, vector<1x16xf32>,
        %get3A_1002 = vector.shape_cast %get3A_1001 : vector<1x16xf32> to vector<16xf32>
        %add3A_1003 = arith.addf %add3A_943, %get3A_1002 : vector<16xf32>
        %mul3A_1004 = arith.mulf %get3A_1002, %get3A_1002 : vector<16xf32>
        %add3A_1005 = arith.addf %add3A_945, %mul3A_1004 : vector<16xf32>
        %max3A_1006 = arith.maximumf %max3A_946, %get3A_1002 : vector<16xf32>
        %min3A_1007 = arith.minimumf %min3A_947, %get3A_1002 : vector<16xf32>
        %add3A_1008 = arith.constant 4 : i32
        %add3A_1009 = arith.addi %mul3A_740, %add3A_1008 : i32
        %get3A_1010 = arith.constant 0 : i32
        %get3A_1011 = arith.constant 0 : i32
        %get3A_1012 = tpu.memref_slice %arg6[%scan3A_182, %get3A_1010, %get3A_1011] : memref<4x200x64xf32, #tpu.memory_space<vmem>> -> memref<1x200x64xf32, #tpu.memory_space<vmem>>
        %get3A_1013 = tpu.memref_squeeze %get3A_1012 : memref<1x200x64xf32, #tpu.memory_space<vmem>> -> memref<200x64xf32, #tpu.memory_space<vmem>>
        %get3A_1014 = arith.index_cast %add3A_1009 : i32 to index
        %get3A_1015 = arith.constant 32 : index
        %get3A_1016 = tpu.vector_load %get3A_1013[%get3A_1014, %get3A_1015] {strides = array<i32>} : memref<200x64xf32, #tpu.memory_space<vmem>>, vector<1x16xf32>,
        %get3A_1017 = vector.shape_cast %get3A_1016 : vector<1x16xf32> to vector<16xf32>
        %add3A_1018 = arith.addf %add3A_958, %get3A_1017 : vector<16xf32>
        %mul3A_1019 = arith.mulf %get3A_1017, %get3A_1017 : vector<16xf32>
        %add3A_1020 = arith.addf %add3A_960, %mul3A_1019 : vector<16xf32>
        %max3A_1021 = arith.maximumf %max3A_961, %get3A_1017 : vector<16xf32>
        %min3A_1022 = arith.minimumf %min3A_962, %get3A_1017 : vector<16xf32>
        %add3A_1023 = arith.constant 4 : i32
        %add3A_1024 = arith.addi %mul3A_740, %add3A_1023 : i32
        %get3A_1025 = arith.constant 0 : i32
        %get3A_1026 = arith.constant 0 : i32
        %get3A_1027 = tpu.memref_slice %arg6[%scan3A_182, %get3A_1025, %get3A_1026] : memref<4x200x64xf32, #tpu.memory_space<vmem>> -> memref<1x200x64xf32, #tpu.memory_space<vmem>>
        %get3A_1028 = tpu.memref_squeeze %get3A_1027 : memref<1x200x64xf32, #tpu.memory_space<vmem>> -> memref<200x64xf32, #tpu.memory_space<vmem>>
        %get3A_1029 = arith.index_cast %add3A_1024 : i32 to index
        %get3A_1030 = arith.constant 48 : index
        %get3A_1031 = tpu.vector_load %get3A_1028[%get3A_1029, %get3A_1030] {strides = array<i32>} : memref<200x64xf32, #tpu.memory_space<vmem>>, vector<1x16xf32>,
        %get3A_1032 = vector.shape_cast %get3A_1031 : vector<1x16xf32> to vector<16xf32>
        %add3A_1033 = arith.addf %add3A_973, %get3A_1032 : vector<16xf32>
        %mul3A_1034 = arith.mulf %get3A_1032, %get3A_1032 : vector<16xf32>
        %add3A_1035 = arith.addf %add3A_975, %mul3A_1034 : vector<16xf32>
        %max3A_1036 = arith.maximumf %max3A_976, %get3A_1032 : vector<16xf32>
        %min3A_1037 = arith.minimumf %min3A_977, %get3A_1032 : vector<16xf32>
        %add3A_1038 = arith.constant 5 : i32
        %add3A_1039 = arith.addi %mul3A_740, %add3A_1038 : i32
        %get3A_1040 = arith.constant 0 : i32
        %get3A_1041 = arith.constant 0 : i32
        %get3A_1042 = tpu.memref_slice %arg6[%scan3A_182, %get3A_1040, %get3A_1041] : memref<4x200x64xf32, #tpu.memory_space<vmem>> -> memref<1x200x64xf32, #tpu.memory_space<vmem>>
        %get3A_1043 = tpu.memref_squeeze %get3A_1042 : memref<1x200x64xf32, #tpu.memory_space<vmem>> -> memref<200x64xf32, #tpu.memory_space<vmem>>
        %get3A_1044 = arith.index_cast %add3A_1039 : i32 to index
        %get3A_1045 = arith.constant 0 : index
        %get3A_1046 = tpu.vector_load %get3A_1043[%get3A_1044, %get3A_1045] {strides = array<i32>} : memref<200x64xf32, #tpu.memory_space<vmem>>, vector<1x16xf32>,
        %get3A_1047 = vector.shape_cast %get3A_1046 : vector<1x16xf32> to vector<16xf32>
        %add3A_1048 = arith.addf %add3A_988, %get3A_1047 : vector<16xf32>
        %mul3A_1049 = arith.mulf %get3A_1047, %get3A_1047 : vector<16xf32>
        %add3A_1050 = arith.addf %add3A_990, %mul3A_1049 : vector<16xf32>
        %max3A_1051 = arith.maximumf %max3A_991, %get3A_1047 : vector<16xf32>
        %min3A_1052 = arith.minimumf %min3A_992, %get3A_1047 : vector<16xf32>
        %add3A_1053 = arith.constant 5 : i32
        %add3A_1054 = arith.addi %mul3A_740, %add3A_1053 : i32
        %get3A_1055 = arith.constant 0 : i32
        %get3A_1056 = arith.constant 0 : i32
        %get3A_1057 = tpu.memref_slice %arg6[%scan3A_182, %get3A_1055, %get3A_1056] : memref<4x200x64xf32, #tpu.memory_space<vmem>> -> memref<1x200x64xf32, #tpu.memory_space<vmem>>
        %get3A_1058 = tpu.memref_squeeze %get3A_1057 : memref<1x200x64xf32, #tpu.memory_space<vmem>> -> memref<200x64xf32, #tpu.memory_space<vmem>>
        %get3A_1059 = arith.index_cast %add3A_1054 : i32 to index
        %get3A_1060 = arith.constant 16 : index
        %get3A_1061 = tpu.vector_load %get3A_1058[%get3A_1059, %get3A_1060] {strides = array<i32>} : memref<200x64xf32, #tpu.memory_space<vmem>>, vector<1x16xf32>,
        %get3A_1062 = vector.shape_cast %get3A_1061 : vector<1x16xf32> to vector<16xf32>
        %add3A_1063 = arith.addf %add3A_1003, %get3A_1062 : vector<16xf32>
        %mul3A_1064 = arith.mulf %get3A_1062, %get3A_1062 : vector<16xf32>
        %add3A_1065 = arith.addf %add3A_1005, %mul3A_1064 : vector<16xf32>
        %max3A_1066 = arith.maximumf %max3A_1006, %get3A_1062 : vector<16xf32>
        %min3A_1067 = arith.minimumf %min3A_1007, %get3A_1062 : vector<16xf32>
        %add3A_1068 = arith.constant 5 : i32
        %add3A_1069 = arith.addi %mul3A_740, %add3A_1068 : i32
        %get3A_1070 = arith.constant 0 : i32
        %get3A_1071 = arith.constant 0 : i32
        %get3A_1072 = tpu.memref_slice %arg6[%scan3A_182, %get3A_1070, %get3A_1071] : memref<4x200x64xf32, #tpu.memory_space<vmem>> -> memref<1x200x64xf32, #tpu.memory_space<vmem>>
        %get3A_1073 = tpu.memref_squeeze %get3A_1072 : memref<1x200x64xf32, #tpu.memory_space<vmem>> -> memref<200x64xf32, #tpu.memory_space<vmem>>
        %get3A_1074 = arith.index_cast %add3A_1069 : i32 to index
        %get3A_1075 = arith.constant 32 : index
        %get3A_1076 = tpu.vector_load %get3A_1073[%get3A_1074, %get3A_1075] {strides = array<i32>} : memref<200x64xf32, #tpu.memory_space<vmem>>, vector<1x16xf32>,
        %get3A_1077 = vector.shape_cast %get3A_1076 : vector<1x16xf32> to vector<16xf32>
        %add3A_1078 = arith.addf %add3A_1018, %get3A_1077 : vector<16xf32>
        %mul3A_1079 = arith.mulf %get3A_1077, %get3A_1077 : vector<16xf32>
        %add3A_1080 = arith.addf %add3A_1020, %mul3A_1079 : vector<16xf32>
        %max3A_1081 = arith.maximumf %max3A_1021, %get3A_1077 : vector<16xf32>
        %min3A_1082 = arith.minimumf %min3A_1022, %get3A_1077 : vector<16xf32>
        %add3A_1083 = arith.constant 5 : i32
        %add3A_1084 = arith.addi %mul3A_740, %add3A_1083 : i32
        %get3A_1085 = arith.constant 0 : i32
        %get3A_1086 = arith.constant 0 : i32
        %get3A_1087 = tpu.memref_slice %arg6[%scan3A_182, %get3A_1085, %get3A_1086] : memref<4x200x64xf32, #tpu.memory_space<vmem>> -> memref<1x200x64xf32, #tpu.memory_space<vmem>>
        %get3A_1088 = tpu.memref_squeeze %get3A_1087 : memref<1x200x64xf32, #tpu.memory_space<vmem>> -> memref<200x64xf32, #tpu.memory_space<vmem>>
        %get3A_1089 = arith.index_cast %add3A_1084 : i32 to index
        %get3A_1090 = arith.constant 48 : index
        %get3A_1091 = tpu.vector_load %get3A_1088[%get3A_1089, %get3A_1090] {strides = array<i32>} : memref<200x64xf32, #tpu.memory_space<vmem>>, vector<1x16xf32>,
        %get3A_1092 = vector.shape_cast %get3A_1091 : vector<1x16xf32> to vector<16xf32>
        %add3A_1093 = arith.addf %add3A_1033, %get3A_1092 : vector<16xf32>
        %mul3A_1094 = arith.mulf %get3A_1092, %get3A_1092 : vector<16xf32>
        %add3A_1095 = arith.addf %add3A_1035, %mul3A_1094 : vector<16xf32>
        %max3A_1096 = arith.maximumf %max3A_1036, %get3A_1092 : vector<16xf32>
        %min3A_1097 = arith.minimumf %min3A_1037, %get3A_1092 : vector<16xf32>
        %add3A_1098 = arith.constant 6 : i32
        %add3A_1099 = arith.addi %mul3A_740, %add3A_1098 : i32
        %get3A_1100 = arith.constant 0 : i32
        %get3A_1101 = arith.constant 0 : i32
        %get3A_1102 = tpu.memref_slice %arg6[%scan3A_182, %get3A_1100, %get3A_1101] : memref<4x200x64xf32, #tpu.memory_space<vmem>> -> memref<1x200x64xf32, #tpu.memory_space<vmem>>
        %get3A_1103 = tpu.memref_squeeze %get3A_1102 : memref<1x200x64xf32, #tpu.memory_space<vmem>> -> memref<200x64xf32, #tpu.memory_space<vmem>>
        %get3A_1104 = arith.index_cast %add3A_1099 : i32 to index
        %get3A_1105 = arith.constant 0 : index
        %get3A_1106 = tpu.vector_load %get3A_1103[%get3A_1104, %get3A_1105] {strides = array<i32>} : memref<200x64xf32, #tpu.memory_space<vmem>>, vector<1x16xf32>,
        %get3A_1107 = vector.shape_cast %get3A_1106 : vector<1x16xf32> to vector<16xf32>
        %add3A_1108 = arith.addf %add3A_1048, %get3A_1107 : vector<16xf32>
        %mul3A_1109 = arith.mulf %get3A_1107, %get3A_1107 : vector<16xf32>
        %add3A_1110 = arith.addf %add3A_1050, %mul3A_1109 : vector<16xf32>
        %max3A_1111 = arith.maximumf %max3A_1051, %get3A_1107 : vector<16xf32>
        %min3A_1112 = arith.minimumf %min3A_1052, %get3A_1107 : vector<16xf32>
        %add3A_1113 = arith.constant 6 : i32
        %add3A_1114 = arith.addi %mul3A_740, %add3A_1113 : i32
        %get3A_1115 = arith.constant 0 : i32
        %get3A_1116 = arith.constant 0 : i32
        %get3A_1117 = tpu.memref_slice %arg6[%scan3A_182, %get3A_1115, %get3A_1116] : memref<4x200x64xf32, #tpu.memory_space<vmem>> -> memref<1x200x64xf32, #tpu.memory_space<vmem>>
        %get3A_1118 = tpu.memref_squeeze %get3A_1117 : memref<1x200x64xf32, #tpu.memory_space<vmem>> -> memref<200x64xf32, #tpu.memory_space<vmem>>
        %get3A_1119 = arith.index_cast %add3A_1114 : i32 to index
        %get3A_1120 = arith.constant 16 : index
        %get3A_1121 = tpu.vector_load %get3A_1118[%get3A_1119, %get3A_1120] {strides = array<i32>} : memref<200x64xf32, #tpu.memory_space<vmem>>, vector<1x16xf32>,
        %get3A_1122 = vector.shape_cast %get3A_1121 : vector<1x16xf32> to vector<16xf32>
        %add3A_1123 = arith.addf %add3A_1063, %get3A_1122 : vector<16xf32>
        %mul3A_1124 = arith.mulf %get3A_1122, %get3A_1122 : vector<16xf32>
        %add3A_1125 = arith.addf %add3A_1065, %mul3A_1124 : vector<16xf32>
        %max3A_1126 = arith.maximumf %max3A_1066, %get3A_1122 : vector<16xf32>
        %min3A_1127 = arith.minimumf %min3A_1067, %get3A_1122 : vector<16xf32>
        %add3A_1128 = arith.constant 6 : i32
        %add3A_1129 = arith.addi %mul3A_740, %add3A_1128 : i32
        %get3A_1130 = arith.constant 0 : i32
        %get3A_1131 = arith.constant 0 : i32
        %get3A_1132 = tpu.memref_slice %arg6[%scan3A_182, %get3A_1130, %get3A_1131] : memref<4x200x64xf32, #tpu.memory_space<vmem>> -> memref<1x200x64xf32, #tpu.memory_space<vmem>>
        %get3A_1133 = tpu.memref_squeeze %get3A_1132 : memref<1x200x64xf32, #tpu.memory_space<vmem>> -> memref<200x64xf32, #tpu.memory_space<vmem>>
        %get3A_1134 = arith.index_cast %add3A_1129 : i32 to index
        %get3A_1135 = arith.constant 32 : index
        %get3A_1136 = tpu.vector_load %get3A_1133[%get3A_1134, %get3A_1135] {strides = array<i32>} : memref<200x64xf32, #tpu.memory_space<vmem>>, vector<1x16xf32>,
        %get3A_1137 = vector.shape_cast %get3A_1136 : vector<1x16xf32> to vector<16xf32>
        %add3A_1138 = arith.addf %add3A_1078, %get3A_1137 : vector<16xf32>
        %mul3A_1139 = arith.mulf %get3A_1137, %get3A_1137 : vector<16xf32>
        %add3A_1140 = arith.addf %add3A_1080, %mul3A_1139 : vector<16xf32>
        %max3A_1141 = arith.maximumf %max3A_1081, %get3A_1137 : vector<16xf32>
        %min3A_1142 = arith.minimumf %min3A_1082, %get3A_1137 : vector<16xf32>
        %add3A_1143 = arith.constant 6 : i32
        %add3A_1144 = arith.addi %mul3A_740, %add3A_1143 : i32
        %get3A_1145 = arith.constant 0 : i32
        %get3A_1146 = arith.constant 0 : i32
        %get3A_1147 = tpu.memref_slice %arg6[%scan3A_182, %get3A_1145, %get3A_1146] : memref<4x200x64xf32, #tpu.memory_space<vmem>> -> memref<1x200x64xf32, #tpu.memory_space<vmem>>
        %get3A_1148 = tpu.memref_squeeze %get3A_1147 : memref<1x200x64xf32, #tpu.memory_space<vmem>> -> memref<200x64xf32, #tpu.memory_space<vmem>>
        %get3A_1149 = arith.index_cast %add3A_1144 : i32 to index
        %get3A_1150 = arith.constant 48 : index
        %get3A_1151 = tpu.vector_load %get3A_1148[%get3A_1149, %get3A_1150] {strides = array<i32>} : memref<200x64xf32, #tpu.memory_space<vmem>>, vector<1x16xf32>,
        %get3A_1152 = vector.shape_cast %get3A_1151 : vector<1x16xf32> to vector<16xf32>
        %add3A_1153 = arith.addf %add3A_1093, %get3A_1152 : vector<16xf32>
        %mul3A_1154 = arith.mulf %get3A_1152, %get3A_1152 : vector<16xf32>
        %add3A_1155 = arith.addf %add3A_1095, %mul3A_1154 : vector<16xf32>
        %max3A_1156 = arith.maximumf %max3A_1096, %get3A_1152 : vector<16xf32>
        %min3A_1157 = arith.minimumf %min3A_1097, %get3A_1152 : vector<16xf32>
        %add3A_1158 = arith.constant 7 : i32
        %add3A_1159 = arith.addi %mul3A_740, %add3A_1158 : i32
        %get3A_1160 = arith.constant 0 : i32
        %get3A_1161 = arith.constant 0 : i32
        %get3A_1162 = tpu.memref_slice %arg6[%scan3A_182, %get3A_1160, %get3A_1161] : memref<4x200x64xf32, #tpu.memory_space<vmem>> -> memref<1x200x64xf32, #tpu.memory_space<vmem>>
        %get3A_1163 = tpu.memref_squeeze %get3A_1162 : memref<1x200x64xf32, #tpu.memory_space<vmem>> -> memref<200x64xf32, #tpu.memory_space<vmem>>
        %get3A_1164 = arith.index_cast %add3A_1159 : i32 to index
        %get3A_1165 = arith.constant 0 : index
        %get3A_1166 = tpu.vector_load %get3A_1163[%get3A_1164, %get3A_1165] {strides = array<i32>} : memref<200x64xf32, #tpu.memory_space<vmem>>, vector<1x16xf32>,
        %get3A_1167 = vector.shape_cast %get3A_1166 : vector<1x16xf32> to vector<16xf32>
        %add3A_1168 = arith.addf %add3A_1108, %get3A_1167 : vector<16xf32>
        %mul3A_1169 = arith.mulf %get3A_1167, %get3A_1167 : vector<16xf32>
        %add3A_1170 = arith.addf %add3A_1110, %mul3A_1169 : vector<16xf32>
        %max3A_1171 = arith.maximumf %max3A_1111, %get3A_1167 : vector<16xf32>
        %min3A_1172 = arith.minimumf %min3A_1112, %get3A_1167 : vector<16xf32>
        %add3A_1173 = arith.constant 7 : i32
        %add3A_1174 = arith.addi %mul3A_740, %add3A_1173 : i32
        %get3A_1175 = arith.constant 0 : i32
        %get3A_1176 = arith.constant 0 : i32
        %get3A_1177 = tpu.memref_slice %arg6[%scan3A_182, %get3A_1175, %get3A_1176] : memref<4x200x64xf32, #tpu.memory_space<vmem>> -> memref<1x200x64xf32, #tpu.memory_space<vmem>>
        %get3A_1178 = tpu.memref_squeeze %get3A_1177 : memref<1x200x64xf32, #tpu.memory_space<vmem>> -> memref<200x64xf32, #tpu.memory_space<vmem>>
        %get3A_1179 = arith.index_cast %add3A_1174 : i32 to index
        %get3A_1180 = arith.constant 16 : index
        %get3A_1181 = tpu.vector_load %get3A_1178[%get3A_1179, %get3A_1180] {strides = array<i32>} : memref<200x64xf32, #tpu.memory_space<vmem>>, vector<1x16xf32>,
        %get3A_1182 = vector.shape_cast %get3A_1181 : vector<1x16xf32> to vector<16xf32>
        %add3A_1183 = arith.addf %add3A_1123, %get3A_1182 : vector<16xf32>
        %mul3A_1184 = arith.mulf %get3A_1182, %get3A_1182 : vector<16xf32>
        %add3A_1185 = arith.addf %add3A_1125, %mul3A_1184 : vector<16xf32>
        %max3A_1186 = arith.maximumf %max3A_1126, %get3A_1182 : vector<16xf32>
        %min3A_1187 = arith.minimumf %min3A_1127, %get3A_1182 : vector<16xf32>
        %add3A_1188 = arith.constant 7 : i32
        %add3A_1189 = arith.addi %mul3A_740, %add3A_1188 : i32
        %get3A_1190 = arith.constant 0 : i32
        %get3A_1191 = arith.constant 0 : i32
        %get3A_1192 = tpu.memref_slice %arg6[%scan3A_182, %get3A_1190, %get3A_1191] : memref<4x200x64xf32, #tpu.memory_space<vmem>> -> memref<1x200x64xf32, #tpu.memory_space<vmem>>
        %get3A_1193 = tpu.memref_squeeze %get3A_1192 : memref<1x200x64xf32, #tpu.memory_space<vmem>> -> memref<200x64xf32, #tpu.memory_space<vmem>>
        %get3A_1194 = arith.index_cast %add3A_1189 : i32 to index
        %get3A_1195 = arith.constant 32 : index
        %get3A_1196 = tpu.vector_load %get3A_1193[%get3A_1194, %get3A_1195] {strides = array<i32>} : memref<200x64xf32, #tpu.memory_space<vmem>>, vector<1x16xf32>,
        %get3A_1197 = vector.shape_cast %get3A_1196 : vector<1x16xf32> to vector<16xf32>
        %add3A_1198 = arith.addf %add3A_1138, %get3A_1197 : vector<16xf32>
        %mul3A_1199 = arith.mulf %get3A_1197, %get3A_1197 : vector<16xf32>
        %add3A_1200 = arith.addf %add3A_1140, %mul3A_1199 : vector<16xf32>
        %max3A_1201 = arith.maximumf %max3A_1141, %get3A_1197 : vector<16xf32>
        %min3A_1202 = arith.minimumf %min3A_1142, %get3A_1197 : vector<16xf32>
        %add3A_1203 = arith.constant 7 : i32
        %add3A_1204 = arith.addi %mul3A_740, %add3A_1203 : i32
        %get3A_1205 = arith.constant 0 : i32
        %get3A_1206 = arith.constant 0 : i32
        %get3A_1207 = tpu.memref_slice %arg6[%scan3A_182, %get3A_1205, %get3A_1206] : memref<4x200x64xf32, #tpu.memory_space<vmem>> -> memref<1x200x64xf32, #tpu.memory_space<vmem>>
        %get3A_1208 = tpu.memref_squeeze %get3A_1207 : memref<1x200x64xf32, #tpu.memory_space<vmem>> -> memref<200x64xf32, #tpu.memory_space<vmem>>
        %get3A_1209 = arith.index_cast %add3A_1204 : i32 to index
        %get3A_1210 = arith.constant 48 : index
        %get3A_1211 = tpu.vector_load %get3A_1208[%get3A_1209, %get3A_1210] {strides = array<i32>} : memref<200x64xf32, #tpu.memory_space<vmem>>, vector<1x16xf32>,
        %get3A_1212 = vector.shape_cast %get3A_1211 : vector<1x16xf32> to vector<16xf32>
        %add3A_1213 = arith.addf %add3A_1153, %get3A_1212 : vector<16xf32>
        %mul3A_1214 = arith.mulf %get3A_1212, %get3A_1212 : vector<16xf32>
        %add3A_1215 = arith.addf %add3A_1155, %mul3A_1214 : vector<16xf32>
        %max3A_1216 = arith.maximumf %max3A_1156, %get3A_1212 : vector<16xf32>
        %min3A_1217 = arith.minimumf %min3A_1157, %get3A_1212 : vector<16xf32>
        scf.yield %add3A_1168, %add3A_1183, %add3A_1198, %add3A_1213, %add3A_1170, %add3A_1185, %add3A_1200, %add3A_1215, %max3A_1171, %max3A_1186, %max3A_1201, %max3A_1216, %min3A_1172, %min3A_1187, %min3A_1202, %min3A_1217 : vector<16xf32>, vector<16xf32>, vector<16xf32>, vector<16xf32>, vector<16xf32>, vector<16xf32>, vector<16xf32>, vector<16xf32>, vector<16xf32>, vector<16xf32>, vector<16xf32>, vector<16xf32>, vector<16xf32>, vector<16xf32>, vector<16xf32>, vector<16xf32>
      }
      %scan3A_188 = arith.constant 25 : i32
      %swap3A = arith.index_cast %add3A_131 : i32 to index
      %swap3A_189 = arith.constant 0 : index
      %swap3A_190 = tpu.vector_load %arg7[%swap3A, %swap3A_189] {strides = array<i32>} : memref<128x256xf32, #tpu.memory_space<vmem>>, vector<1x16xf32>,
      %swap3A_191 = vector.shape_cast %swap3A_190 : vector<1x16xf32> to vector<16xf32>
      %swap3A_192 = vector.shape_cast %scan3A_187#0 : vector<16xf32> to vector<1x16xf32>
      tpu.vector_store %arg7[%swap3A, %swap3A_189], %swap3A_192 {strides = array<i32>} : memref<128x256xf32, #tpu.memory_space<vmem>>, vector<1x16xf32>,
      %swap3A_193 = arith.index_cast %add3A_131 : i32 to index
      %swap3A_194 = arith.constant 64 : index
      %swap3A_195 = tpu.vector_load %arg7[%swap3A_193, %swap3A_194] {strides = array<i32>} : memref<128x256xf32, #tpu.memory_space<vmem>>, vector<1x16xf32>,
      %swap3A_196 = vector.shape_cast %swap3A_195 : vector<1x16xf32> to vector<16xf32>
      %swap3A_197 = vector.shape_cast %scan3A_187#8 : vector<16xf32> to vector<1x16xf32>
      tpu.vector_store %arg7[%swap3A_193, %swap3A_194], %swap3A_197 {strides = array<i32>} : memref<128x256xf32, #tpu.memory_space<vmem>>, vector<1x16xf32>,
      %swap3A_198 = arith.index_cast %add3A_131 : i32 to index
      %swap3A_199 = arith.constant 128 : index
      %swap3A_200 = tpu.vector_load %arg7[%swap3A_198, %swap3A_199] {strides = array<i32>} : memref<128x256xf32, #tpu.memory_space<vmem>>, vector<1x16xf32>,
      %swap3A_201 = vector.shape_cast %swap3A_200 : vector<1x16xf32> to vector<16xf32>
      %swap3A_202 = vector.shape_cast %scan3A_187#12 : vector<16xf32> to vector<1x16xf32>
      tpu.vector_store %arg7[%swap3A_198, %swap3A_199], %swap3A_202 {strides = array<i32>} : memref<128x256xf32, #tpu.memory_space<vmem>>, vector<1x16xf32>,
      %swap3A_203 = arith.index_cast %add3A_131 : i32 to index
      %swap3A_204 = arith.constant 192 : index
      %swap3A_205 = tpu.vector_load %arg7[%swap3A_203, %swap3A_204] {strides = array<i32>} : memref<128x256xf32, #tpu.memory_space<vmem>>, vector<1x16xf32>,
      %swap3A_206 = vector.shape_cast %swap3A_205 : vector<1x16xf32> to vector<16xf32>
      %swap3A_207 = vector.shape_cast %scan3A_187#4 : vector<16xf32> to vector<1x16xf32>
      tpu.vector_store %arg7[%swap3A_203, %swap3A_204], %swap3A_207 {strides = array<i32>} : memref<128x256xf32, #tpu.memory_space<vmem>>, vector<1x16xf32>,
      %swap3A_208 = arith.index_cast %add3A_131 : i32 to index
      %swap3A_209 = arith.constant 16 : index
      %swap3A_210 = tpu.vector_load %arg7[%swap3A_208, %swap3A_209] {strides = array<i32>} : memref<128x256xf32, #tpu.memory_space<vmem>>, vector<1x16xf32>,
      %swap3A_211 = vector.shape_cast %swap3A_210 : vector<1x16xf32> to vector<16xf32>
      %swap3A_212 = vector.shape_cast %scan3A_187#1 : vector<16xf32> to vector<1x16xf32>
      tpu.vector_store %arg7[%swap3A_208, %swap3A_209], %swap3A_212 {strides = array<i32>} : memref<128x256xf32, #tpu.memory_space<vmem>>, vector<1x16xf32>,
      %swap3A_213 = arith.index_cast %add3A_131 : i32 to index
      %swap3A_214 = arith.constant 80 : index
      %swap3A_215 = tpu.vector_load %arg7[%swap3A_213, %swap3A_214] {strides = array<i32>} : memref<128x256xf32, #tpu.memory_space<vmem>>, vector<1x16xf32>,
      %swap3A_216 = vector.shape_cast %swap3A_215 : vector<1x16xf32> to vector<16xf32>
      %swap3A_217 = vector.shape_cast %scan3A_187#9 : vector<16xf32> to vector<1x16xf32>
      tpu.vector_store %arg7[%swap3A_213, %swap3A_214], %swap3A_217 {strides = array<i32>} : memref<128x256xf32, #tpu.memory_space<vmem>>, vector<1x16xf32>,
      %swap3A_218 = arith.index_cast %add3A_131 : i32 to index
      %swap3A_219 = arith.constant 144 : index
      %swap3A_220 = tpu.vector_load %arg7[%swap3A_218, %swap3A_219] {strides = array<i32>} : memref<128x256xf32, #tpu.memory_space<vmem>>, vector<1x16xf32>,
      %swap3A_221 = vector.shape_cast %swap3A_220 : vector<1x16xf32> to vector<16xf32>
      %swap3A_222 = vector.shape_cast %scan3A_187#13 : vector<16xf32> to vector<1x16xf32>
      tpu.vector_store %arg7[%swap3A_218, %swap3A_219], %swap3A_222 {strides = array<i32>} : memref<128x256xf32, #tpu.memory_space<vmem>>, vector<1x16xf32>,
      %swap3A_223 = arith.index_cast %add3A_131 : i32 to index
      %swap3A_224 = arith.constant 208 : index
      %swap3A_225 = tpu.vector_load %arg7[%swap3A_223, %swap3A_224] {strides = array<i32>} : memref<128x256xf32, #tpu.memory_space<vmem>>, vector<1x16xf32>,
      %swap3A_226 = vector.shape_cast %swap3A_225 : vector<1x16xf32> to vector<16xf32>
      %swap3A_227 = vector.shape_cast %scan3A_187#5 : vector<16xf32> to vector<1x16xf32>
      tpu.vector_store %arg7[%swap3A_223, %swap3A_224], %swap3A_227 {strides = array<i32>} : memref<128x256xf32, #tpu.memory_space<vmem>>, vector<1x16xf32>,
      %swap3A_228 = arith.index_cast %add3A_131 : i32 to index
      %swap3A_229 = arith.constant 32 : index
      %swap3A_230 = tpu.vector_load %arg7[%swap3A_228, %swap3A_229] {strides = array<i32>} : memref<128x256xf32, #tpu.memory_space<vmem>>, vector<1x16xf32>,
      %swap3A_231 = vector.shape_cast %swap3A_230 : vector<1x16xf32> to vector<16xf32>
      %swap3A_232 = vector.shape_cast %scan3A_187#2 : vector<16xf32> to vector<1x16xf32>
      tpu.vector_store %arg7[%swap3A_228, %swap3A_229], %swap3A_232 {strides = array<i32>} : memref<128x256xf32, #tpu.memory_space<vmem>>, vector<1x16xf32>,
      %swap3A_233 = arith.index_cast %add3A_131 : i32 to index
      %swap3A_234 = arith.constant 96 : index
      %swap3A_235 = tpu.vector_load %arg7[%swap3A_233, %swap3A_234] {strides = array<i32>} : memref<128x256xf32, #tpu.memory_space<vmem>>, vector<1x16xf32>,
      %swap3A_236 = vector.shape_cast %swap3A_235 : vector<1x16xf32> to vector<16xf32>
      %swap3A_237 = vector.shape_cast %scan3A_187#10 : vector<16xf32> to vector<1x16xf32>
      tpu.vector_store %arg7[%swap3A_233, %swap3A_234], %swap3A_237 {strides = array<i32>} : memref<128x256xf32, #tpu.memory_space<vmem>>, vector<1x16xf32>,
      %swap3A_238 = arith.index_cast %add3A_131 : i32 to index
      %swap3A_239 = arith.constant 160 : index
      %swap3A_240 = tpu.vector_load %arg7[%swap3A_238, %swap3A_239] {strides = array<i32>} : memref<128x256xf32, #tpu.memory_space<vmem>>, vector<1x16xf32>,
      %swap3A_241 = vector.shape_cast %swap3A_240 : vector<1x16xf32> to vector<16xf32>
      %swap3A_242 = vector.shape_cast %scan3A_187#14 : vector<16xf32> to vector<1x16xf32>
      tpu.vector_store %arg7[%swap3A_238, %swap3A_239], %swap3A_242 {strides = array<i32>} : memref<128x256xf32, #tpu.memory_space<vmem>>, vector<1x16xf32>,
      %swap3A_243 = arith.index_cast %add3A_131 : i32 to index
      %swap3A_244 = arith.constant 224 : index
      %swap3A_245 = tpu.vector_load %arg7[%swap3A_243, %swap3A_244] {strides = array<i32>} : memref<128x256xf32, #tpu.memory_space<vmem>>, vector<1x16xf32>,
      %swap3A_246 = vector.shape_cast %swap3A_245 : vector<1x16xf32> to vector<16xf32>
      %swap3A_247 = vector.shape_cast %scan3A_187#6 : vector<16xf32> to vector<1x16xf32>
      tpu.vector_store %arg7[%swap3A_243, %swap3A_244], %swap3A_247 {strides = array<i32>} : memref<128x256xf32, #tpu.memory_space<vmem>>, vector<1x16xf32>,
      %swap3A_248 = arith.index_cast %add3A_131 : i32 to index
      %swap3A_249 = arith.constant 48 : index
      %swap3A_250 = tpu.vector_load %arg7[%swap3A_248, %swap3A_249] {strides = array<i32>} : memref<128x256xf32, #tpu.memory_space<vmem>>, vector<1x16xf32>,
      %swap3A_251 = vector.shape_cast %swap3A_250 : vector<1x16xf32> to vector<16xf32>
      %swap3A_252 = vector.shape_cast %scan3A_187#3 : vector<16xf32> to vector<1x16xf32>
      tpu.vector_store %arg7[%swap3A_248, %swap3A_249], %swap3A_252 {strides = array<i32>} : memref<128x256xf32, #tpu.memory_space<vmem>>, vector<1x16xf32>,
      %swap3A_253 = arith.index_cast %add3A_131 : i32 to index
      %swap3A_254 = arith.constant 112 : index
      %swap3A_255 = tpu.vector_load %arg7[%swap3A_253, %swap3A_254] {strides = array<i32>} : memref<128x256xf32, #tpu.memory_space<vmem>>, vector<1x16xf32>,
      %swap3A_256 = vector.shape_cast %swap3A_255 : vector<1x16xf32> to vector<16xf32>
      %swap3A_257 = vector.shape_cast %scan3A_187#11 : vector<16xf32> to vector<1x16xf32>
      tpu.vector_store %arg7[%swap3A_253, %swap3A_254], %swap3A_257 {strides = array<i32>} : memref<128x256xf32, #tpu.memory_space<vmem>>, vector<1x16xf32>,
      %swap3A_258 = arith.index_cast %add3A_131 : i32 to index
      %swap3A_259 = arith.constant 176 : index
      %swap3A_260 = tpu.vector_load %arg7[%swap3A_258, %swap3A_259] {strides = array<i32>} : memref<128x256xf32, #tpu.memory_space<vmem>>, vector<1x16xf32>,
      %swap3A_261 = vector.shape_cast %swap3A_260 : vector<1x16xf32> to vector<16xf32>
      %swap3A_262 = vector.shape_cast %scan3A_187#15 : vector<16xf32> to vector<1x16xf32>
      tpu.vector_store %arg7[%swap3A_258, %swap3A_259], %swap3A_262 {strides = array<i32>} : memref<128x256xf32, #tpu.memory_space<vmem>>, vector<1x16xf32>,
      %swap3A_263 = arith.index_cast %add3A_131 : i32 to index
      %swap3A_264 = arith.constant 240 : index
      %swap3A_265 = tpu.vector_load %arg7[%swap3A_263, %swap3A_264] {strides = array<i32>} : memref<128x256xf32, #tpu.memory_space<vmem>>, vector<1x16xf32>,
      %swap3A_266 = vector.shape_cast %swap3A_265 : vector<1x16xf32> to vector<16xf32>
      %swap3A_267 = vector.shape_cast %scan3A_187#7 : vector<16xf32> to vector<1x16xf32>
      tpu.vector_store %arg7[%swap3A_263, %swap3A_264], %swap3A_267 {strides = array<i32>} : memref<128x256xf32, #tpu.memory_space<vmem>>, vector<1x16xf32>,
      %add3A_268 = arith.constant 4 : i32
      %add3A_269 = arith.addi %add3A_131, %add3A_268 : i32
      %lt3A = arith.constant 128 : i32
      %lt3A_270 = arith.cmpi slt, %add3A_269, %lt3A : i32
      %convert_element_type3A = arith.extui %lt3A_270 : i1 to i32
      %cond3A = arith.constant 0 : i32
      %cond3A_271 = arith.cmpi ne, %convert_element_type3A, %cond3A : i32
      scf.if %cond3A_271 {
        %add3A_722 = arith.constant 4 : i32
        %add3A_723 = arith.addi %add3A_131, %add3A_722 : i32
        %dma_start3A_724 = arith.constant 0 : i32
        %dma_start3A_725 = arith.constant 0 : i32
        %dma_start3A_726 = arith.constant 0 : i32
        %dma_start3A_727 = tpu.memref_slice %arg6[%dma_start3A_724, %dma_start3A_725, %dma_start3A_726] : memref<4x200x64xf32, #tpu.memory_space<vmem>> -> memref<1x200x64xf32, #tpu.memory_space<vmem>>
        %dma_start3A_728 = tpu.memref_squeeze %dma_start3A_727 : memref<1x200x64xf32, #tpu.memory_space<vmem>> -> memref<200x64xf32, #tpu.memory_space<vmem>>
        %dma_start3A_729 = arith.constant 0 : i32
        %dma_start3A_730 = arith.constant 0 : i32
        %dma_start3A_731 = tpu.memref_slice %dma_start3A_728[%dma_start3A_729, %dma_start3A_730] : memref<200x64xf32, #tpu.memory_space<vmem>> -> memref<128x64xf32, #tpu.memory_space<vmem>>
        %dma_start3A_732 = arith.constant 0 : i32
        %dma_start3A_733 = tpu.memref_slice %arg5[%add3A_723, %dma_start3A_732] : memref<128x200xi32, #tpu.memory_space<vmem>> -> memref<1x128xi32, #tpu.memory_space<vmem>>
        %dma_start3A_734 = tpu.memref_squeeze %dma_start3A_733 : memref<1x128xi32, #tpu.memory_space<vmem>> -> memref<128xi32, #tpu.memory_space<vmem>>
        %dma_start3A_735 = arith.constant 0 : i32
        %dma_start3A_736 = arith.constant 0 : i32
        %dma_start3A_737 = tpu.memref_slice %arg3[%dma_start3A_735, %dma_start3A_736] : memref<1015808x64xf32, #tpu.memory_space<hbm>> -> memref<1015808x64xf32, #tpu.memory_space<hbm>>
        tpu.enqueue_indirect_dma source(%dma_start3A_737 : memref<1015808x64xf32, #tpu.memory_space<hbm>>) target(%dma_start3A_731 : memref<128x64xf32, #tpu.memory_space<vmem>>) offsets(%dma_start3A_734 : memref<128xi32, #tpu.memory_space<vmem>>) semaphore(%arg8 : memref<!tpu.dma_semaphore, #tpu.memory_space<semaphore_mem>>)
        %dma_start3A_738 = arith.constant 0 : i32
        %dma_start3A_739 = arith.constant 0 : i32
        %dma_start3A_740 = arith.constant 0 : i32
        %dma_start3A_741 = tpu.memref_slice %arg6[%dma_start3A_738, %dma_start3A_739, %dma_start3A_740] : memref<4x200x64xf32, #tpu.memory_space<vmem>> -> memref<1x200x64xf32, #tpu.memory_space<vmem>>
        %dma_start3A_742 = tpu.memref_squeeze %dma_start3A_741 : memref<1x200x64xf32, #tpu.memory_space<vmem>> -> memref<200x64xf32, #tpu.memory_space<vmem>>
        %dma_start3A_743 = arith.constant 128 : i32
        %dma_start3A_744 = arith.constant 0 : i32
        %dma_start3A_745 = tpu.memref_slice %dma_start3A_742[%dma_start3A_743, %dma_start3A_744] : memref<200x64xf32, #tpu.memory_space<vmem>> -> memref<72x64xf32, #tpu.memory_space<vmem>>
        %dma_start3A_746 = arith.constant 128 : i32
        %dma_start3A_747 = tpu.memref_slice %arg5[%add3A_723, %dma_start3A_746] : memref<128x200xi32, #tpu.memory_space<vmem>> -> memref<1x72xi32, #tpu.memory_space<vmem>>
        %dma_start3A_748 = tpu.memref_squeeze %dma_start3A_747 : memref<1x72xi32, #tpu.memory_space<vmem>> -> memref<72xi32, #tpu.memory_space<vmem>>
        %dma_start3A_749 = arith.constant 0 : i32
        %dma_start3A_750 = arith.constant 0 : i32
        %dma_start3A_751 = tpu.memref_slice %arg3[%dma_start3A_749, %dma_start3A_750] : memref<1015808x64xf32, #tpu.memory_space<hbm>> -> memref<1015808x64xf32, #tpu.memory_space<hbm>>
        tpu.enqueue_indirect_dma source(%dma_start3A_751 : memref<1015808x64xf32, #tpu.memory_space<hbm>>) target(%dma_start3A_745 : memref<72x64xf32, #tpu.memory_space<vmem>>) offsets(%dma_start3A_748 : memref<72xi32, #tpu.memory_space<vmem>>) semaphore(%arg8 : memref<!tpu.dma_semaphore, #tpu.memory_space<semaphore_mem>>)
      } else {
      }
      %mul3A_272 = arith.constant 4 : i32
      %mul3A_273 = arith.muli %scan3A_127, %mul3A_272 : i32
      %add3A_274 = arith.constant 1 : i32
      %add3A_275 = arith.addi %mul3A_273, %add3A_274 : i32
      %dma_wait3A_276 = arith.constant 1 : i32
      %dma_wait3A_277 = arith.constant 0 : i32
      %dma_wait3A_278 = arith.constant 0 : i32
      %dma_wait3A_279 = tpu.memref_slice %arg6[%dma_wait3A_276, %dma_wait3A_277, %dma_wait3A_278] : memref<4x200x64xf32, #tpu.memory_space<vmem>> -> memref<1x200x64xf32, #tpu.memory_space<vmem>>
      %dma_wait3A_280 = tpu.memref_squeeze %dma_wait3A_279 : memref<1x200x64xf32, #tpu.memory_space<vmem>> -> memref<200x64xf32, #tpu.memory_space<vmem>>
      %dma_wait3A_281 = arith.constant 0 : i32
      %dma_wait3A_282 = arith.constant 0 : i32
      %dma_wait3A_283 = tpu.memref_slice %dma_wait3A_280[%dma_wait3A_281, %dma_wait3A_282] : memref<200x64xf32, #tpu.memory_space<vmem>> -> memref<128x64xf32, #tpu.memory_space<vmem>>
      %dma_wait3A_284 = arith.constant 0 : i32
      %dma_wait3A_285 = tpu.memref_slice %arg5[%add3A_275, %dma_wait3A_284] : memref<128x200xi32, #tpu.memory_space<vmem>> -> memref<1x128xi32, #tpu.memory_space<vmem>>
      %dma_wait3A_286 = tpu.memref_squeeze %dma_wait3A_285 : memref<1x128xi32, #tpu.memory_space<vmem>> -> memref<128xi32, #tpu.memory_space<vmem>>
      %dma_wait3A_287 = arith.constant 0 : i32
      %dma_wait3A_288 = arith.constant 0 : i32
      %dma_wait3A_289 = tpu.memref_slice %arg3[%dma_wait3A_287, %dma_wait3A_288] : memref<1015808x64xf32, #tpu.memory_space<hbm>> -> memref<1015808x64xf32, #tpu.memory_space<hbm>>
      tpu.wait_indirect_dma semaphore(%arg9 : memref<!tpu.dma_semaphore, #tpu.memory_space<semaphore_mem>>) src(%dma_wait3A_289 : memref<1015808x64xf32, #tpu.memory_space<hbm>>) dst(%dma_wait3A_283 : memref<128x64xf32, #tpu.memory_space<vmem>>)
      %dma_wait3A_290 = arith.constant 1 : i32
      %dma_wait3A_291 = arith.constant 0 : i32
      %dma_wait3A_292 = arith.constant 0 : i32
      %dma_wait3A_293 = tpu.memref_slice %arg6[%dma_wait3A_290, %dma_wait3A_291, %dma_wait3A_292] : memref<4x200x64xf32, #tpu.memory_space<vmem>> -> memref<1x200x64xf32, #tpu.memory_space<vmem>>
      %dma_wait3A_294 = tpu.memref_squeeze %dma_wait3A_293 : memref<1x200x64xf32, #tpu.memory_space<vmem>> -> memref<200x64xf32, #tpu.memory_space<vmem>>
      %dma_wait3A_295 = arith.constant 128 : i32
      %dma_wait3A_296 = arith.constant 0 : i32
      %dma_wait3A_297 = tpu.memref_slice %dma_wait3A_294[%dma_wait3A_295, %dma_wait3A_296] : memref<200x64xf32, #tpu.memory_space<vmem>> -> memref<72x64xf32, #tpu.memory_space<vmem>>
      %dma_wait3A_298 = arith.constant 128 : i32
      %dma_wait3A_299 = tpu.memref_slice %arg5[%add3A_275, %dma_wait3A_298] : memref<128x200xi32, #tpu.memory_space<vmem>> -> memref<1x72xi32, #tpu.memory_space<vmem>>
      %dma_wait3A_300 = tpu.memref_squeeze %dma_wait3A_299 : memref<1x72xi32, #tpu.memory_space<vmem>> -> memref<72xi32, #tpu.memory_space<vmem>>
      %dma_wait3A_301 = arith.constant 0 : i32
      %dma_wait3A_302 = arith.constant 0 : i32
      %dma_wait3A_303 = tpu.memref_slice %arg3[%dma_wait3A_301, %dma_wait3A_302] : memref<1015808x64xf32, #tpu.memory_space<hbm>> -> memref<1015808x64xf32, #tpu.memory_space<hbm>>
      tpu.wait_indirect_dma semaphore(%arg9 : memref<!tpu.dma_semaphore, #tpu.memory_space<semaphore_mem>>) src(%dma_wait3A_303 : memref<1015808x64xf32, #tpu.memory_space<hbm>>) dst(%dma_wait3A_297 : memref<72x64xf32, #tpu.memory_space<vmem>>)
      %broadcast_in_dim3A_304 = arith.constant 0.000000e+00 : f32
      %broadcast_in_dim3A_305 = vector.broadcast %broadcast_in_dim3A_304 : f32 to vector<16xf32>
      %broadcast_in_dim3A_306 = arith.constant 0.000000e+00 : f32
      %broadcast_in_dim3A_307 = vector.broadcast %broadcast_in_dim3A_306 : f32 to vector<16xf32>
      %broadcast_in_dim3A_308 = arith.constant 0.000000e+00 : f32
      %broadcast_in_dim3A_309 = vector.broadcast %broadcast_in_dim3A_308 : f32 to vector<16xf32>
      %broadcast_in_dim3A_310 = arith.constant 0.000000e+00 : f32
      %broadcast_in_dim3A_311 = vector.broadcast %broadcast_in_dim3A_310 : f32 to vector<16xf32>
      %broadcast_in_dim3A_312 = arith.constant 0xFF800000 : f32
      %broadcast_in_dim3A_313 = vector.broadcast %broadcast_in_dim3A_312 : f32 to vector<16xf32>
      %broadcast_in_dim3A_314 = arith.constant 0xFF800000 : f32
      %broadcast_in_dim3A_315 = vector.broadcast %broadcast_in_dim3A_314 : f32 to vector<16xf32>
      %broadcast_in_dim3A_316 = arith.constant 0xFF800000 : f32
      %broadcast_in_dim3A_317 = vector.broadcast %broadcast_in_dim3A_316 : f32 to vector<16xf32>
      %broadcast_in_dim3A_318 = arith.constant 0xFF800000 : f32
      %broadcast_in_dim3A_319 = vector.broadcast %broadcast_in_dim3A_318 : f32 to vector<16xf32>
      %broadcast_in_dim3A_320 = arith.constant 0x7F800000 : f32
      %broadcast_in_dim3A_321 = vector.broadcast %broadcast_in_dim3A_320 : f32 to vector<16xf32>
      %broadcast_in_dim3A_322 = arith.constant 0x7F800000 : f32
      %broadcast_in_dim3A_323 = vector.broadcast %broadcast_in_dim3A_322 : f32 to vector<16xf32>
      %broadcast_in_dim3A_324 = arith.constant 0x7F800000 : f32
      %broadcast_in_dim3A_325 = vector.broadcast %broadcast_in_dim3A_324 : f32 to vector<16xf32>
      %broadcast_in_dim3A_326 = arith.constant 0x7F800000 : f32
      %broadcast_in_dim3A_327 = vector.broadcast %broadcast_in_dim3A_326 : f32 to vector<16xf32>
      %scan3A_328 = arith.constant 1 : i32
      %scan3A_329 = arith.constant 0 : i32
      %scan3A_330 = arith.constant 25 : i32
      %scan3A_331 = arith.addi %scan3A_329, %scan3A_330 : i32
      %scan3A_332 = arith.constant 1 : i32
      %scan3A_333:16 = scf.for %scan3A_722 = %scan3A_329 to %scan3A_331 step %scan3A_332 iter_args(%scan3A_723 = %broadcast_in_dim3A_305, %scan3A_724 = %broadcast_in_dim3A_307, %scan3A_725 = %broadcast_in_dim3A_309, %scan3A_726 = %broadcast_in_dim3A_311, %scan3A_727 = %broadcast_in_dim3A_305, %scan3A_728 = %broadcast_in_dim3A_307, %scan3A_729 = %broadcast_in_dim3A_309, %scan3A_730 = %broadcast_in_dim3A_311, %scan3A_731 = %broadcast_in_dim3A_313, %scan3A_732 = %broadcast_in_dim3A_315, %scan3A_733 = %broadcast_in_dim3A_317, %scan3A_734 = %broadcast_in_dim3A_319, %scan3A_735 = %broadcast_in_dim3A_321, %scan3A_736 = %broadcast_in_dim3A_323, %scan3A_737 = %broadcast_in_dim3A_325, %scan3A_738 = %broadcast_in_dim3A_327) -> (vector<16xf32>, vector<16xf32>, vector<16xf32>, vector<16xf32>, vector<16xf32>, vector<16xf32>, vector<16xf32>, vector<16xf32>, vector<16xf32>, vector<16xf32>, vector<16xf32>, vector<16xf32>, vector<16xf32>, vector<16xf32>, vector<16xf32>, vector<16xf32>)  : i32 {
        %mul3A_739 = arith.constant 8 : i32
        %mul3A_740 = arith.muli %scan3A_722, %mul3A_739 : i32
        %add3A_741 = arith.constant 0 : i32
        %add3A_742 = arith.addi %mul3A_740, %add3A_741 : i32
        %get3A = arith.constant 0 : i32
        %get3A_743 = arith.constant 0 : i32
        %get3A_744 = tpu.memref_slice %arg6[%scan3A_328, %get3A, %get3A_743] : memref<4x200x64xf32, #tpu.memory_space<vmem>> -> memref<1x200x64xf32, #tpu.memory_space<vmem>>
        %get3A_745 = tpu.memref_squeeze %get3A_744 : memref<1x200x64xf32, #tpu.memory_space<vmem>> -> memref<200x64xf32, #tpu.memory_space<vmem>>
        %get3A_746 = arith.index_cast %add3A_742 : i32 to index
        %get3A_747 = arith.constant 0 : index
        %get3A_748 = tpu.vector_load %get3A_745[%get3A_746, %get3A_747] {strides = array<i32>} : memref<200x64xf32, #tpu.memory_space<vmem>>, vector<1x16xf32>,
        %get3A_749 = vector.shape_cast %get3A_748 : vector<1x16xf32> to vector<16xf32>
        %add3A_750 = arith.addf %scan3A_723, %get3A_749 : vector<16xf32>
        %mul3A_751 = arith.mulf %get3A_749, %get3A_749 : vector<16xf32>
        %add3A_752 = arith.addf %scan3A_727, %mul3A_751 : vector<16xf32>
        %max3A = arith.maximumf %scan3A_731, %get3A_749 : vector<16xf32>
        %min3A = arith.minimumf %scan3A_735, %get3A_749 : vector<16xf32>
        %add3A_753 = arith.constant 0 : i32
        %add3A_754 = arith.addi %mul3A_740, %add3A_753 : i32
        %get3A_755 = arith.constant 0 : i32
        %get3A_756 = arith.constant 0 : i32
        %get3A_757 = tpu.memref_slice %arg6[%scan3A_328, %get3A_755, %get3A_756] : memref<4x200x64xf32, #tpu.memory_space<vmem>> -> memref<1x200x64xf32, #tpu.memory_space<vmem>>
        %get3A_758 = tpu.memref_squeeze %get3A_757 : memref<1x200x64xf32, #tpu.memory_space<vmem>> -> memref<200x64xf32, #tpu.memory_space<vmem>>
        %get3A_759 = arith.index_cast %add3A_754 : i32 to index
        %get3A_760 = arith.constant 16 : index
        %get3A_761 = tpu.vector_load %get3A_758[%get3A_759, %get3A_760] {strides = array<i32>} : memref<200x64xf32, #tpu.memory_space<vmem>>, vector<1x16xf32>,
        %get3A_762 = vector.shape_cast %get3A_761 : vector<1x16xf32> to vector<16xf32>
        %add3A_763 = arith.addf %scan3A_724, %get3A_762 : vector<16xf32>
        %mul3A_764 = arith.mulf %get3A_762, %get3A_762 : vector<16xf32>
        %add3A_765 = arith.addf %scan3A_728, %mul3A_764 : vector<16xf32>
        %max3A_766 = arith.maximumf %scan3A_732, %get3A_762 : vector<16xf32>
        %min3A_767 = arith.minimumf %scan3A_736, %get3A_762 : vector<16xf32>
        %add3A_768 = arith.constant 0 : i32
        %add3A_769 = arith.addi %mul3A_740, %add3A_768 : i32
        %get3A_770 = arith.constant 0 : i32
        %get3A_771 = arith.constant 0 : i32
        %get3A_772 = tpu.memref_slice %arg6[%scan3A_328, %get3A_770, %get3A_771] : memref<4x200x64xf32, #tpu.memory_space<vmem>> -> memref<1x200x64xf32, #tpu.memory_space<vmem>>
        %get3A_773 = tpu.memref_squeeze %get3A_772 : memref<1x200x64xf32, #tpu.memory_space<vmem>> -> memref<200x64xf32, #tpu.memory_space<vmem>>
        %get3A_774 = arith.index_cast %add3A_769 : i32 to index
        %get3A_775 = arith.constant 32 : index
        %get3A_776 = tpu.vector_load %get3A_773[%get3A_774, %get3A_775] {strides = array<i32>} : memref<200x64xf32, #tpu.memory_space<vmem>>, vector<1x16xf32>,
        %get3A_777 = vector.shape_cast %get3A_776 : vector<1x16xf32> to vector<16xf32>
        %add3A_778 = arith.addf %scan3A_725, %get3A_777 : vector<16xf32>
        %mul3A_779 = arith.mulf %get3A_777, %get3A_777 : vector<16xf32>
        %add3A_780 = arith.addf %scan3A_729, %mul3A_779 : vector<16xf32>
        %max3A_781 = arith.maximumf %scan3A_733, %get3A_777 : vector<16xf32>
        %min3A_782 = arith.minimumf %scan3A_737, %get3A_777 : vector<16xf32>
        %add3A_783 = arith.constant 0 : i32
        %add3A_784 = arith.addi %mul3A_740, %add3A_783 : i32
        %get3A_785 = arith.constant 0 : i32
        %get3A_786 = arith.constant 0 : i32
        %get3A_787 = tpu.memref_slice %arg6[%scan3A_328, %get3A_785, %get3A_786] : memref<4x200x64xf32, #tpu.memory_space<vmem>> -> memref<1x200x64xf32, #tpu.memory_space<vmem>>
        %get3A_788 = tpu.memref_squeeze %get3A_787 : memref<1x200x64xf32, #tpu.memory_space<vmem>> -> memref<200x64xf32, #tpu.memory_space<vmem>>
        %get3A_789 = arith.index_cast %add3A_784 : i32 to index
        %get3A_790 = arith.constant 48 : index
        %get3A_791 = tpu.vector_load %get3A_788[%get3A_789, %get3A_790] {strides = array<i32>} : memref<200x64xf32, #tpu.memory_space<vmem>>, vector<1x16xf32>,
        %get3A_792 = vector.shape_cast %get3A_791 : vector<1x16xf32> to vector<16xf32>
        %add3A_793 = arith.addf %scan3A_726, %get3A_792 : vector<16xf32>
        %mul3A_794 = arith.mulf %get3A_792, %get3A_792 : vector<16xf32>
        %add3A_795 = arith.addf %scan3A_730, %mul3A_794 : vector<16xf32>
        %max3A_796 = arith.maximumf %scan3A_734, %get3A_792 : vector<16xf32>
        %min3A_797 = arith.minimumf %scan3A_738, %get3A_792 : vector<16xf32>
        %add3A_798 = arith.constant 1 : i32
        %add3A_799 = arith.addi %mul3A_740, %add3A_798 : i32
        %get3A_800 = arith.constant 0 : i32
        %get3A_801 = arith.constant 0 : i32
        %get3A_802 = tpu.memref_slice %arg6[%scan3A_328, %get3A_800, %get3A_801] : memref<4x200x64xf32, #tpu.memory_space<vmem>> -> memref<1x200x64xf32, #tpu.memory_space<vmem>>
        %get3A_803 = tpu.memref_squeeze %get3A_802 : memref<1x200x64xf32, #tpu.memory_space<vmem>> -> memref<200x64xf32, #tpu.memory_space<vmem>>
        %get3A_804 = arith.index_cast %add3A_799 : i32 to index
        %get3A_805 = arith.constant 0 : index
        %get3A_806 = tpu.vector_load %get3A_803[%get3A_804, %get3A_805] {strides = array<i32>} : memref<200x64xf32, #tpu.memory_space<vmem>>, vector<1x16xf32>,
        %get3A_807 = vector.shape_cast %get3A_806 : vector<1x16xf32> to vector<16xf32>
        %add3A_808 = arith.addf %add3A_750, %get3A_807 : vector<16xf32>
        %mul3A_809 = arith.mulf %get3A_807, %get3A_807 : vector<16xf32>
        %add3A_810 = arith.addf %add3A_752, %mul3A_809 : vector<16xf32>
        %max3A_811 = arith.maximumf %max3A, %get3A_807 : vector<16xf32>
        %min3A_812 = arith.minimumf %min3A, %get3A_807 : vector<16xf32>
        %add3A_813 = arith.constant 1 : i32
        %add3A_814 = arith.addi %mul3A_740, %add3A_813 : i32
        %get3A_815 = arith.constant 0 : i32
        %get3A_816 = arith.constant 0 : i32
        %get3A_817 = tpu.memref_slice %arg6[%scan3A_328, %get3A_815, %get3A_816] : memref<4x200x64xf32, #tpu.memory_space<vmem>> -> memref<1x200x64xf32, #tpu.memory_space<vmem>>
        %get3A_818 = tpu.memref_squeeze %get3A_817 : memref<1x200x64xf32, #tpu.memory_space<vmem>> -> memref<200x64xf32, #tpu.memory_space<vmem>>
        %get3A_819 = arith.index_cast %add3A_814 : i32 to index
        %get3A_820 = arith.constant 16 : index
        %get3A_821 = tpu.vector_load %get3A_818[%get3A_819, %get3A_820] {strides = array<i32>} : memref<200x64xf32, #tpu.memory_space<vmem>>, vector<1x16xf32>,
        %get3A_822 = vector.shape_cast %get3A_821 : vector<1x16xf32> to vector<16xf32>
        %add3A_823 = arith.addf %add3A_763, %get3A_822 : vector<16xf32>
        %mul3A_824 = arith.mulf %get3A_822, %get3A_822 : vector<16xf32>
        %add3A_825 = arith.addf %add3A_765, %mul3A_824 : vector<16xf32>
        %max3A_826 = arith.maximumf %max3A_766, %get3A_822 : vector<16xf32>
        %min3A_827 = arith.minimumf %min3A_767, %get3A_822 : vector<16xf32>
        %add3A_828 = arith.constant 1 : i32
        %add3A_829 = arith.addi %mul3A_740, %add3A_828 : i32
        %get3A_830 = arith.constant 0 : i32
        %get3A_831 = arith.constant 0 : i32
        %get3A_832 = tpu.memref_slice %arg6[%scan3A_328, %get3A_830, %get3A_831] : memref<4x200x64xf32, #tpu.memory_space<vmem>> -> memref<1x200x64xf32, #tpu.memory_space<vmem>>
        %get3A_833 = tpu.memref_squeeze %get3A_832 : memref<1x200x64xf32, #tpu.memory_space<vmem>> -> memref<200x64xf32, #tpu.memory_space<vmem>>
        %get3A_834 = arith.index_cast %add3A_829 : i32 to index
        %get3A_835 = arith.constant 32 : index
        %get3A_836 = tpu.vector_load %get3A_833[%get3A_834, %get3A_835] {strides = array<i32>} : memref<200x64xf32, #tpu.memory_space<vmem>>, vector<1x16xf32>,
        %get3A_837 = vector.shape_cast %get3A_836 : vector<1x16xf32> to vector<16xf32>
        %add3A_838 = arith.addf %add3A_778, %get3A_837 : vector<16xf32>
        %mul3A_839 = arith.mulf %get3A_837, %get3A_837 : vector<16xf32>
        %add3A_840 = arith.addf %add3A_780, %mul3A_839 : vector<16xf32>
        %max3A_841 = arith.maximumf %max3A_781, %get3A_837 : vector<16xf32>
        %min3A_842 = arith.minimumf %min3A_782, %get3A_837 : vector<16xf32>
        %add3A_843 = arith.constant 1 : i32
        %add3A_844 = arith.addi %mul3A_740, %add3A_843 : i32
        %get3A_845 = arith.constant 0 : i32
        %get3A_846 = arith.constant 0 : i32
        %get3A_847 = tpu.memref_slice %arg6[%scan3A_328, %get3A_845, %get3A_846] : memref<4x200x64xf32, #tpu.memory_space<vmem>> -> memref<1x200x64xf32, #tpu.memory_space<vmem>>
        %get3A_848 = tpu.memref_squeeze %get3A_847 : memref<1x200x64xf32, #tpu.memory_space<vmem>> -> memref<200x64xf32, #tpu.memory_space<vmem>>
        %get3A_849 = arith.index_cast %add3A_844 : i32 to index
        %get3A_850 = arith.constant 48 : index
        %get3A_851 = tpu.vector_load %get3A_848[%get3A_849, %get3A_850] {strides = array<i32>} : memref<200x64xf32, #tpu.memory_space<vmem>>, vector<1x16xf32>,
        %get3A_852 = vector.shape_cast %get3A_851 : vector<1x16xf32> to vector<16xf32>
        %add3A_853 = arith.addf %add3A_793, %get3A_852 : vector<16xf32>
        %mul3A_854 = arith.mulf %get3A_852, %get3A_852 : vector<16xf32>
        %add3A_855 = arith.addf %add3A_795, %mul3A_854 : vector<16xf32>
        %max3A_856 = arith.maximumf %max3A_796, %get3A_852 : vector<16xf32>
        %min3A_857 = arith.minimumf %min3A_797, %get3A_852 : vector<16xf32>
        %add3A_858 = arith.constant 2 : i32
        %add3A_859 = arith.addi %mul3A_740, %add3A_858 : i32
        %get3A_860 = arith.constant 0 : i32
        %get3A_861 = arith.constant 0 : i32
        %get3A_862 = tpu.memref_slice %arg6[%scan3A_328, %get3A_860, %get3A_861] : memref<4x200x64xf32, #tpu.memory_space<vmem>> -> memref<1x200x64xf32, #tpu.memory_space<vmem>>
        %get3A_863 = tpu.memref_squeeze %get3A_862 : memref<1x200x64xf32, #tpu.memory_space<vmem>> -> memref<200x64xf32, #tpu.memory_space<vmem>>
        %get3A_864 = arith.index_cast %add3A_859 : i32 to index
        %get3A_865 = arith.constant 0 : index
        %get3A_866 = tpu.vector_load %get3A_863[%get3A_864, %get3A_865] {strides = array<i32>} : memref<200x64xf32, #tpu.memory_space<vmem>>, vector<1x16xf32>,
        %get3A_867 = vector.shape_cast %get3A_866 : vector<1x16xf32> to vector<16xf32>
        %add3A_868 = arith.addf %add3A_808, %get3A_867 : vector<16xf32>
        %mul3A_869 = arith.mulf %get3A_867, %get3A_867 : vector<16xf32>
        %add3A_870 = arith.addf %add3A_810, %mul3A_869 : vector<16xf32>
        %max3A_871 = arith.maximumf %max3A_811, %get3A_867 : vector<16xf32>
        %min3A_872 = arith.minimumf %min3A_812, %get3A_867 : vector<16xf32>
        %add3A_873 = arith.constant 2 : i32
        %add3A_874 = arith.addi %mul3A_740, %add3A_873 : i32
        %get3A_875 = arith.constant 0 : i32
        %get3A_876 = arith.constant 0 : i32
        %get3A_877 = tpu.memref_slice %arg6[%scan3A_328, %get3A_875, %get3A_876] : memref<4x200x64xf32, #tpu.memory_space<vmem>> -> memref<1x200x64xf32, #tpu.memory_space<vmem>>
        %get3A_878 = tpu.memref_squeeze %get3A_877 : memref<1x200x64xf32, #tpu.memory_space<vmem>> -> memref<200x64xf32, #tpu.memory_space<vmem>>
        %get3A_879 = arith.index_cast %add3A_874 : i32 to index
        %get3A_880 = arith.constant 16 : index
        %get3A_881 = tpu.vector_load %get3A_878[%get3A_879, %get3A_880] {strides = array<i32>} : memref<200x64xf32, #tpu.memory_space<vmem>>, vector<1x16xf32>,
        %get3A_882 = vector.shape_cast %get3A_881 : vector<1x16xf32> to vector<16xf32>
        %add3A_883 = arith.addf %add3A_823, %get3A_882 : vector<16xf32>
        %mul3A_884 = arith.mulf %get3A_882, %get3A_882 : vector<16xf32>
        %add3A_885 = arith.addf %add3A_825, %mul3A_884 : vector<16xf32>
        %max3A_886 = arith.maximumf %max3A_826, %get3A_882 : vector<16xf32>
        %min3A_887 = arith.minimumf %min3A_827, %get3A_882 : vector<16xf32>
        %add3A_888 = arith.constant 2 : i32
        %add3A_889 = arith.addi %mul3A_740, %add3A_888 : i32
        %get3A_890 = arith.constant 0 : i32
        %get3A_891 = arith.constant 0 : i32
        %get3A_892 = tpu.memref_slice %arg6[%scan3A_328, %get3A_890, %get3A_891] : memref<4x200x64xf32, #tpu.memory_space<vmem>> -> memref<1x200x64xf32, #tpu.memory_space<vmem>>
        %get3A_893 = tpu.memref_squeeze %get3A_892 : memref<1x200x64xf32, #tpu.memory_space<vmem>> -> memref<200x64xf32, #tpu.memory_space<vmem>>
        %get3A_894 = arith.index_cast %add3A_889 : i32 to index
        %get3A_895 = arith.constant 32 : index
        %get3A_896 = tpu.vector_load %get3A_893[%get3A_894, %get3A_895] {strides = array<i32>} : memref<200x64xf32, #tpu.memory_space<vmem>>, vector<1x16xf32>,
        %get3A_897 = vector.shape_cast %get3A_896 : vector<1x16xf32> to vector<16xf32>
        %add3A_898 = arith.addf %add3A_838, %get3A_897 : vector<16xf32>
        %mul3A_899 = arith.mulf %get3A_897, %get3A_897 : vector<16xf32>
        %add3A_900 = arith.addf %add3A_840, %mul3A_899 : vector<16xf32>
        %max3A_901 = arith.maximumf %max3A_841, %get3A_897 : vector<16xf32>
        %min3A_902 = arith.minimumf %min3A_842, %get3A_897 : vector<16xf32>
        %add3A_903 = arith.constant 2 : i32
        %add3A_904 = arith.addi %mul3A_740, %add3A_903 : i32
        %get3A_905 = arith.constant 0 : i32
        %get3A_906 = arith.constant 0 : i32
        %get3A_907 = tpu.memref_slice %arg6[%scan3A_328, %get3A_905, %get3A_906] : memref<4x200x64xf32, #tpu.memory_space<vmem>> -> memref<1x200x64xf32, #tpu.memory_space<vmem>>
        %get3A_908 = tpu.memref_squeeze %get3A_907 : memref<1x200x64xf32, #tpu.memory_space<vmem>> -> memref<200x64xf32, #tpu.memory_space<vmem>>
        %get3A_909 = arith.index_cast %add3A_904 : i32 to index
        %get3A_910 = arith.constant 48 : index
        %get3A_911 = tpu.vector_load %get3A_908[%get3A_909, %get3A_910] {strides = array<i32>} : memref<200x64xf32, #tpu.memory_space<vmem>>, vector<1x16xf32>,
        %get3A_912 = vector.shape_cast %get3A_911 : vector<1x16xf32> to vector<16xf32>
        %add3A_913 = arith.addf %add3A_853, %get3A_912 : vector<16xf32>
        %mul3A_914 = arith.mulf %get3A_912, %get3A_912 : vector<16xf32>
        %add3A_915 = arith.addf %add3A_855, %mul3A_914 : vector<16xf32>
        %max3A_916 = arith.maximumf %max3A_856, %get3A_912 : vector<16xf32>
        %min3A_917 = arith.minimumf %min3A_857, %get3A_912 : vector<16xf32>
        %add3A_918 = arith.constant 3 : i32
        %add3A_919 = arith.addi %mul3A_740, %add3A_918 : i32
        %get3A_920 = arith.constant 0 : i32
        %get3A_921 = arith.constant 0 : i32
        %get3A_922 = tpu.memref_slice %arg6[%scan3A_328, %get3A_920, %get3A_921] : memref<4x200x64xf32, #tpu.memory_space<vmem>> -> memref<1x200x64xf32, #tpu.memory_space<vmem>>
        %get3A_923 = tpu.memref_squeeze %get3A_922 : memref<1x200x64xf32, #tpu.memory_space<vmem>> -> memref<200x64xf32, #tpu.memory_space<vmem>>
        %get3A_924 = arith.index_cast %add3A_919 : i32 to index
        %get3A_925 = arith.constant 0 : index
        %get3A_926 = tpu.vector_load %get3A_923[%get3A_924, %get3A_925] {strides = array<i32>} : memref<200x64xf32, #tpu.memory_space<vmem>>, vector<1x16xf32>,
        %get3A_927 = vector.shape_cast %get3A_926 : vector<1x16xf32> to vector<16xf32>
        %add3A_928 = arith.addf %add3A_868, %get3A_927 : vector<16xf32>
        %mul3A_929 = arith.mulf %get3A_927, %get3A_927 : vector<16xf32>
        %add3A_930 = arith.addf %add3A_870, %mul3A_929 : vector<16xf32>
        %max3A_931 = arith.maximumf %max3A_871, %get3A_927 : vector<16xf32>
        %min3A_932 = arith.minimumf %min3A_872, %get3A_927 : vector<16xf32>
        %add3A_933 = arith.constant 3 : i32
        %add3A_934 = arith.addi %mul3A_740, %add3A_933 : i32
        %get3A_935 = arith.constant 0 : i32
        %get3A_936 = arith.constant 0 : i32
        %get3A_937 = tpu.memref_slice %arg6[%scan3A_328, %get3A_935, %get3A_936] : memref<4x200x64xf32, #tpu.memory_space<vmem>> -> memref<1x200x64xf32, #tpu.memory_space<vmem>>
        %get3A_938 = tpu.memref_squeeze %get3A_937 : memref<1x200x64xf32, #tpu.memory_space<vmem>> -> memref<200x64xf32, #tpu.memory_space<vmem>>
        %get3A_939 = arith.index_cast %add3A_934 : i32 to index
        %get3A_940 = arith.constant 16 : index
        %get3A_941 = tpu.vector_load %get3A_938[%get3A_939, %get3A_940] {strides = array<i32>} : memref<200x64xf32, #tpu.memory_space<vmem>>, vector<1x16xf32>,
        %get3A_942 = vector.shape_cast %get3A_941 : vector<1x16xf32> to vector<16xf32>
        %add3A_943 = arith.addf %add3A_883, %get3A_942 : vector<16xf32>
        %mul3A_944 = arith.mulf %get3A_942, %get3A_942 : vector<16xf32>
        %add3A_945 = arith.addf %add3A_885, %mul3A_944 : vector<16xf32>
        %max3A_946 = arith.maximumf %max3A_886, %get3A_942 : vector<16xf32>
        %min3A_947 = arith.minimumf %min3A_887, %get3A_942 : vector<16xf32>
        %add3A_948 = arith.constant 3 : i32
        %add3A_949 = arith.addi %mul3A_740, %add3A_948 : i32
        %get3A_950 = arith.constant 0 : i32
        %get3A_951 = arith.constant 0 : i32
        %get3A_952 = tpu.memref_slice %arg6[%scan3A_328, %get3A_950, %get3A_951] : memref<4x200x64xf32, #tpu.memory_space<vmem>> -> memref<1x200x64xf32, #tpu.memory_space<vmem>>
        %get3A_953 = tpu.memref_squeeze %get3A_952 : memref<1x200x64xf32, #tpu.memory_space<vmem>> -> memref<200x64xf32, #tpu.memory_space<vmem>>
        %get3A_954 = arith.index_cast %add3A_949 : i32 to index
        %get3A_955 = arith.constant 32 : index
        %get3A_956 = tpu.vector_load %get3A_953[%get3A_954, %get3A_955] {strides = array<i32>} : memref<200x64xf32, #tpu.memory_space<vmem>>, vector<1x16xf32>,
        %get3A_957 = vector.shape_cast %get3A_956 : vector<1x16xf32> to vector<16xf32>
        %add3A_958 = arith.addf %add3A_898, %get3A_957 : vector<16xf32>
        %mul3A_959 = arith.mulf %get3A_957, %get3A_957 : vector<16xf32>
        %add3A_960 = arith.addf %add3A_900, %mul3A_959 : vector<16xf32>
        %max3A_961 = arith.maximumf %max3A_901, %get3A_957 : vector<16xf32>
        %min3A_962 = arith.minimumf %min3A_902, %get3A_957 : vector<16xf32>
        %add3A_963 = arith.constant 3 : i32
        %add3A_964 = arith.addi %mul3A_740, %add3A_963 : i32
        %get3A_965 = arith.constant 0 : i32
        %get3A_966 = arith.constant 0 : i32
        %get3A_967 = tpu.memref_slice %arg6[%scan3A_328, %get3A_965, %get3A_966] : memref<4x200x64xf32, #tpu.memory_space<vmem>> -> memref<1x200x64xf32, #tpu.memory_space<vmem>>
        %get3A_968 = tpu.memref_squeeze %get3A_967 : memref<1x200x64xf32, #tpu.memory_space<vmem>> -> memref<200x64xf32, #tpu.memory_space<vmem>>
        %get3A_969 = arith.index_cast %add3A_964 : i32 to index
        %get3A_970 = arith.constant 48 : index
        %get3A_971 = tpu.vector_load %get3A_968[%get3A_969, %get3A_970] {strides = array<i32>} : memref<200x64xf32, #tpu.memory_space<vmem>>, vector<1x16xf32>,
        %get3A_972 = vector.shape_cast %get3A_971 : vector<1x16xf32> to vector<16xf32>
        %add3A_973 = arith.addf %add3A_913, %get3A_972 : vector<16xf32>
        %mul3A_974 = arith.mulf %get3A_972, %get3A_972 : vector<16xf32>
        %add3A_975 = arith.addf %add3A_915, %mul3A_974 : vector<16xf32>
        %max3A_976 = arith.maximumf %max3A_916, %get3A_972 : vector<16xf32>
        %min3A_977 = arith.minimumf %min3A_917, %get3A_972 : vector<16xf32>
        %add3A_978 = arith.constant 4 : i32
        %add3A_979 = arith.addi %mul3A_740, %add3A_978 : i32
        %get3A_980 = arith.constant 0 : i32
        %get3A_981 = arith.constant 0 : i32
        %get3A_982 = tpu.memref_slice %arg6[%scan3A_328, %get3A_980, %get3A_981] : memref<4x200x64xf32, #tpu.memory_space<vmem>> -> memref<1x200x64xf32, #tpu.memory_space<vmem>>
        %get3A_983 = tpu.memref_squeeze %get3A_982 : memref<1x200x64xf32, #tpu.memory_space<vmem>> -> memref<200x64xf32, #tpu.memory_space<vmem>>
        %get3A_984 = arith.index_cast %add3A_979 : i32 to index
        %get3A_985 = arith.constant 0 : index
        %get3A_986 = tpu.vector_load %get3A_983[%get3A_984, %get3A_985] {strides = array<i32>} : memref<200x64xf32, #tpu.memory_space<vmem>>, vector<1x16xf32>,
        %get3A_987 = vector.shape_cast %get3A_986 : vector<1x16xf32> to vector<16xf32>
        %add3A_988 = arith.addf %add3A_928, %get3A_987 : vector<16xf32>
        %mul3A_989 = arith.mulf %get3A_987, %get3A_987 : vector<16xf32>
        %add3A_990 = arith.addf %add3A_930, %mul3A_989 : vector<16xf32>
        %max3A_991 = arith.maximumf %max3A_931, %get3A_987 : vector<16xf32>
        %min3A_992 = arith.minimumf %min3A_932, %get3A_987 : vector<16xf32>
        %add3A_993 = arith.constant 4 : i32
        %add3A_994 = arith.addi %mul3A_740, %add3A_993 : i32
        %get3A_995 = arith.constant 0 : i32
        %get3A_996 = arith.constant 0 : i32
        %get3A_997 = tpu.memref_slice %arg6[%scan3A_328, %get3A_995, %get3A_996] : memref<4x200x64xf32, #tpu.memory_space<vmem>> -> memref<1x200x64xf32, #tpu.memory_space<vmem>>
        %get3A_998 = tpu.memref_squeeze %get3A_997 : memref<1x200x64xf32, #tpu.memory_space<vmem>> -> memref<200x64xf32, #tpu.memory_space<vmem>>
        %get3A_999 = arith.index_cast %add3A_994 : i32 to index
        %get3A_1000 = arith.constant 16 : index
        %get3A_1001 = tpu.vector_load %get3A_998[%get3A_999, %get3A_1000] {strides = array<i32>} : memref<200x64xf32, #tpu.memory_space<vmem>>, vector<1x16xf32>,
        %get3A_1002 = vector.shape_cast %get3A_1001 : vector<1x16xf32> to vector<16xf32>
        %add3A_1003 = arith.addf %add3A_943, %get3A_1002 : vector<16xf32>
        %mul3A_1004 = arith.mulf %get3A_1002, %get3A_1002 : vector<16xf32>
        %add3A_1005 = arith.addf %add3A_945, %mul3A_1004 : vector<16xf32>
        %max3A_1006 = arith.maximumf %max3A_946, %get3A_1002 : vector<16xf32>
        %min3A_1007 = arith.minimumf %min3A_947, %get3A_1002 : vector<16xf32>
        %add3A_1008 = arith.constant 4 : i32
        %add3A_1009 = arith.addi %mul3A_740, %add3A_1008 : i32
        %get3A_1010 = arith.constant 0 : i32
        %get3A_1011 = arith.constant 0 : i32
        %get3A_1012 = tpu.memref_slice %arg6[%scan3A_328, %get3A_1010, %get3A_1011] : memref<4x200x64xf32, #tpu.memory_space<vmem>> -> memref<1x200x64xf32, #tpu.memory_space<vmem>>
        %get3A_1013 = tpu.memref_squeeze %get3A_1012 : memref<1x200x64xf32, #tpu.memory_space<vmem>> -> memref<200x64xf32, #tpu.memory_space<vmem>>
        %get3A_1014 = arith.index_cast %add3A_1009 : i32 to index
        %get3A_1015 = arith.constant 32 : index
        %get3A_1016 = tpu.vector_load %get3A_1013[%get3A_1014, %get3A_1015] {strides = array<i32>} : memref<200x64xf32, #tpu.memory_space<vmem>>, vector<1x16xf32>,
        %get3A_1017 = vector.shape_cast %get3A_1016 : vector<1x16xf32> to vector<16xf32>
        %add3A_1018 = arith.addf %add3A_958, %get3A_1017 : vector<16xf32>
        %mul3A_1019 = arith.mulf %get3A_1017, %get3A_1017 : vector<16xf32>
        %add3A_1020 = arith.addf %add3A_960, %mul3A_1019 : vector<16xf32>
        %max3A_1021 = arith.maximumf %max3A_961, %get3A_1017 : vector<16xf32>
        %min3A_1022 = arith.minimumf %min3A_962, %get3A_1017 : vector<16xf32>
        %add3A_1023 = arith.constant 4 : i32
        %add3A_1024 = arith.addi %mul3A_740, %add3A_1023 : i32
        %get3A_1025 = arith.constant 0 : i32
        %get3A_1026 = arith.constant 0 : i32
        %get3A_1027 = tpu.memref_slice %arg6[%scan3A_328, %get3A_1025, %get3A_1026] : memref<4x200x64xf32, #tpu.memory_space<vmem>> -> memref<1x200x64xf32, #tpu.memory_space<vmem>>
        %get3A_1028 = tpu.memref_squeeze %get3A_1027 : memref<1x200x64xf32, #tpu.memory_space<vmem>> -> memref<200x64xf32, #tpu.memory_space<vmem>>
        %get3A_1029 = arith.index_cast %add3A_1024 : i32 to index
        %get3A_1030 = arith.constant 48 : index
        %get3A_1031 = tpu.vector_load %get3A_1028[%get3A_1029, %get3A_1030] {strides = array<i32>} : memref<200x64xf32, #tpu.memory_space<vmem>>, vector<1x16xf32>,
        %get3A_1032 = vector.shape_cast %get3A_1031 : vector<1x16xf32> to vector<16xf32>
        %add3A_1033 = arith.addf %add3A_973, %get3A_1032 : vector<16xf32>
        %mul3A_1034 = arith.mulf %get3A_1032, %get3A_1032 : vector<16xf32>
        %add3A_1035 = arith.addf %add3A_975, %mul3A_1034 : vector<16xf32>
        %max3A_1036 = arith.maximumf %max3A_976, %get3A_1032 : vector<16xf32>
        %min3A_1037 = arith.minimumf %min3A_977, %get3A_1032 : vector<16xf32>
        %add3A_1038 = arith.constant 5 : i32
        %add3A_1039 = arith.addi %mul3A_740, %add3A_1038 : i32
        %get3A_1040 = arith.constant 0 : i32
        %get3A_1041 = arith.constant 0 : i32
        %get3A_1042 = tpu.memref_slice %arg6[%scan3A_328, %get3A_1040, %get3A_1041] : memref<4x200x64xf32, #tpu.memory_space<vmem>> -> memref<1x200x64xf32, #tpu.memory_space<vmem>>
        %get3A_1043 = tpu.memref_squeeze %get3A_1042 : memref<1x200x64xf32, #tpu.memory_space<vmem>> -> memref<200x64xf32, #tpu.memory_space<vmem>>
        %get3A_1044 = arith.index_cast %add3A_1039 : i32 to index
        %get3A_1045 = arith.constant 0 : index
        %get3A_1046 = tpu.vector_load %get3A_1043[%get3A_1044, %get3A_1045] {strides = array<i32>} : memref<200x64xf32, #tpu.memory_space<vmem>>, vector<1x16xf32>,
        %get3A_1047 = vector.shape_cast %get3A_1046 : vector<1x16xf32> to vector<16xf32>
        %add3A_1048 = arith.addf %add3A_988, %get3A_1047 : vector<16xf32>
        %mul3A_1049 = arith.mulf %get3A_1047, %get3A_1047 : vector<16xf32>
        %add3A_1050 = arith.addf %add3A_990, %mul3A_1049 : vector<16xf32>
        %max3A_1051 = arith.maximumf %max3A_991, %get3A_1047 : vector<16xf32>
        %min3A_1052 = arith.minimumf %min3A_992, %get3A_1047 : vector<16xf32>
        %add3A_1053 = arith.constant 5 : i32
        %add3A_1054 = arith.addi %mul3A_740, %add3A_1053 : i32
        %get3A_1055 = arith.constant 0 : i32
        %get3A_1056 = arith.constant 0 : i32
        %get3A_1057 = tpu.memref_slice %arg6[%scan3A_328, %get3A_1055, %get3A_1056] : memref<4x200x64xf32, #tpu.memory_space<vmem>> -> memref<1x200x64xf32, #tpu.memory_space<vmem>>
        %get3A_1058 = tpu.memref_squeeze %get3A_1057 : memref<1x200x64xf32, #tpu.memory_space<vmem>> -> memref<200x64xf32, #tpu.memory_space<vmem>>
        %get3A_1059 = arith.index_cast %add3A_1054 : i32 to index
        %get3A_1060 = arith.constant 16 : index
        %get3A_1061 = tpu.vector_load %get3A_1058[%get3A_1059, %get3A_1060] {strides = array<i32>} : memref<200x64xf32, #tpu.memory_space<vmem>>, vector<1x16xf32>,
        %get3A_1062 = vector.shape_cast %get3A_1061 : vector<1x16xf32> to vector<16xf32>
        %add3A_1063 = arith.addf %add3A_1003, %get3A_1062 : vector<16xf32>
        %mul3A_1064 = arith.mulf %get3A_1062, %get3A_1062 : vector<16xf32>
        %add3A_1065 = arith.addf %add3A_1005, %mul3A_1064 : vector<16xf32>
        %max3A_1066 = arith.maximumf %max3A_1006, %get3A_1062 : vector<16xf32>
        %min3A_1067 = arith.minimumf %min3A_1007, %get3A_1062 : vector<16xf32>
        %add3A_1068 = arith.constant 5 : i32
        %add3A_1069 = arith.addi %mul3A_740, %add3A_1068 : i32
        %get3A_1070 = arith.constant 0 : i32
        %get3A_1071 = arith.constant 0 : i32
        %get3A_1072 = tpu.memref_slice %arg6[%scan3A_328, %get3A_1070, %get3A_1071] : memref<4x200x64xf32, #tpu.memory_space<vmem>> -> memref<1x200x64xf32, #tpu.memory_space<vmem>>
        %get3A_1073 = tpu.memref_squeeze %get3A_1072 : memref<1x200x64xf32, #tpu.memory_space<vmem>> -> memref<200x64xf32, #tpu.memory_space<vmem>>
        %get3A_1074 = arith.index_cast %add3A_1069 : i32 to index
        %get3A_1075 = arith.constant 32 : index
        %get3A_1076 = tpu.vector_load %get3A_1073[%get3A_1074, %get3A_1075] {strides = array<i32>} : memref<200x64xf32, #tpu.memory_space<vmem>>, vector<1x16xf32>,
        %get3A_1077 = vector.shape_cast %get3A_1076 : vector<1x16xf32> to vector<16xf32>
        %add3A_1078 = arith.addf %add3A_1018, %get3A_1077 : vector<16xf32>
        %mul3A_1079 = arith.mulf %get3A_1077, %get3A_1077 : vector<16xf32>
        %add3A_1080 = arith.addf %add3A_1020, %mul3A_1079 : vector<16xf32>
        %max3A_1081 = arith.maximumf %max3A_1021, %get3A_1077 : vector<16xf32>
        %min3A_1082 = arith.minimumf %min3A_1022, %get3A_1077 : vector<16xf32>
        %add3A_1083 = arith.constant 5 : i32
        %add3A_1084 = arith.addi %mul3A_740, %add3A_1083 : i32
        %get3A_1085 = arith.constant 0 : i32
        %get3A_1086 = arith.constant 0 : i32
        %get3A_1087 = tpu.memref_slice %arg6[%scan3A_328, %get3A_1085, %get3A_1086] : memref<4x200x64xf32, #tpu.memory_space<vmem>> -> memref<1x200x64xf32, #tpu.memory_space<vmem>>
        %get3A_1088 = tpu.memref_squeeze %get3A_1087 : memref<1x200x64xf32, #tpu.memory_space<vmem>> -> memref<200x64xf32, #tpu.memory_space<vmem>>
        %get3A_1089 = arith.index_cast %add3A_1084 : i32 to index
        %get3A_1090 = arith.constant 48 : index
        %get3A_1091 = tpu.vector_load %get3A_1088[%get3A_1089, %get3A_1090] {strides = array<i32>} : memref<200x64xf32, #tpu.memory_space<vmem>>, vector<1x16xf32>,
        %get3A_1092 = vector.shape_cast %get3A_1091 : vector<1x16xf32> to vector<16xf32>
        %add3A_1093 = arith.addf %add3A_1033, %get3A_1092 : vector<16xf32>
        %mul3A_1094 = arith.mulf %get3A_1092, %get3A_1092 : vector<16xf32>
        %add3A_1095 = arith.addf %add3A_1035, %mul3A_1094 : vector<16xf32>
        %max3A_1096 = arith.maximumf %max3A_1036, %get3A_1092 : vector<16xf32>
        %min3A_1097 = arith.minimumf %min3A_1037, %get3A_1092 : vector<16xf32>
        %add3A_1098 = arith.constant 6 : i32
        %add3A_1099 = arith.addi %mul3A_740, %add3A_1098 : i32
        %get3A_1100 = arith.constant 0 : i32
        %get3A_1101 = arith.constant 0 : i32
        %get3A_1102 = tpu.memref_slice %arg6[%scan3A_328, %get3A_1100, %get3A_1101] : memref<4x200x64xf32, #tpu.memory_space<vmem>> -> memref<1x200x64xf32, #tpu.memory_space<vmem>>
        %get3A_1103 = tpu.memref_squeeze %get3A_1102 : memref<1x200x64xf32, #tpu.memory_space<vmem>> -> memref<200x64xf32, #tpu.memory_space<vmem>>
        %get3A_1104 = arith.index_cast %add3A_1099 : i32 to index
        %get3A_1105 = arith.constant 0 : index
        %get3A_1106 = tpu.vector_load %get3A_1103[%get3A_1104, %get3A_1105] {strides = array<i32>} : memref<200x64xf32, #tpu.memory_space<vmem>>, vector<1x16xf32>,
        %get3A_1107 = vector.shape_cast %get3A_1106 : vector<1x16xf32> to vector<16xf32>
        %add3A_1108 = arith.addf %add3A_1048, %get3A_1107 : vector<16xf32>
        %mul3A_1109 = arith.mulf %get3A_1107, %get3A_1107 : vector<16xf32>
        %add3A_1110 = arith.addf %add3A_1050, %mul3A_1109 : vector<16xf32>
        %max3A_1111 = arith.maximumf %max3A_1051, %get3A_1107 : vector<16xf32>
        %min3A_1112 = arith.minimumf %min3A_1052, %get3A_1107 : vector<16xf32>
        %add3A_1113 = arith.constant 6 : i32
        %add3A_1114 = arith.addi %mul3A_740, %add3A_1113 : i32
        %get3A_1115 = arith.constant 0 : i32
        %get3A_1116 = arith.constant 0 : i32
        %get3A_1117 = tpu.memref_slice %arg6[%scan3A_328, %get3A_1115, %get3A_1116] : memref<4x200x64xf32, #tpu.memory_space<vmem>> -> memref<1x200x64xf32, #tpu.memory_space<vmem>>
        %get3A_1118 = tpu.memref_squeeze %get3A_1117 : memref<1x200x64xf32, #tpu.memory_space<vmem>> -> memref<200x64xf32, #tpu.memory_space<vmem>>
        %get3A_1119 = arith.index_cast %add3A_1114 : i32 to index
        %get3A_1120 = arith.constant 16 : index
        %get3A_1121 = tpu.vector_load %get3A_1118[%get3A_1119, %get3A_1120] {strides = array<i32>} : memref<200x64xf32, #tpu.memory_space<vmem>>, vector<1x16xf32>,
        %get3A_1122 = vector.shape_cast %get3A_1121 : vector<1x16xf32> to vector<16xf32>
        %add3A_1123 = arith.addf %add3A_1063, %get3A_1122 : vector<16xf32>
        %mul3A_1124 = arith.mulf %get3A_1122, %get3A_1122 : vector<16xf32>
        %add3A_1125 = arith.addf %add3A_1065, %mul3A_1124 : vector<16xf32>
        %max3A_1126 = arith.maximumf %max3A_1066, %get3A_1122 : vector<16xf32>
        %min3A_1127 = arith.minimumf %min3A_1067, %get3A_1122 : vector<16xf32>
        %add3A_1128 = arith.constant 6 : i32
        %add3A_1129 = arith.addi %mul3A_740, %add3A_1128 : i32
        %get3A_1130 = arith.constant 0 : i32
        %get3A_1131 = arith.constant 0 : i32
        %get3A_1132 = tpu.memref_slice %arg6[%scan3A_328, %get3A_1130, %get3A_1131] : memref<4x200x64xf32, #tpu.memory_space<vmem>> -> memref<1x200x64xf32, #tpu.memory_space<vmem>>
        %get3A_1133 = tpu.memref_squeeze %get3A_1132 : memref<1x200x64xf32, #tpu.memory_space<vmem>> -> memref<200x64xf32, #tpu.memory_space<vmem>>
        %get3A_1134 = arith.index_cast %add3A_1129 : i32 to index
        %get3A_1135 = arith.constant 32 : index
        %get3A_1136 = tpu.vector_load %get3A_1133[%get3A_1134, %get3A_1135] {strides = array<i32>} : memref<200x64xf32, #tpu.memory_space<vmem>>, vector<1x16xf32>,
        %get3A_1137 = vector.shape_cast %get3A_1136 : vector<1x16xf32> to vector<16xf32>
        %add3A_1138 = arith.addf %add3A_1078, %get3A_1137 : vector<16xf32>
        %mul3A_1139 = arith.mulf %get3A_1137, %get3A_1137 : vector<16xf32>
        %add3A_1140 = arith.addf %add3A_1080, %mul3A_1139 : vector<16xf32>
        %max3A_1141 = arith.maximumf %max3A_1081, %get3A_1137 : vector<16xf32>
        %min3A_1142 = arith.minimumf %min3A_1082, %get3A_1137 : vector<16xf32>
        %add3A_1143 = arith.constant 6 : i32
        %add3A_1144 = arith.addi %mul3A_740, %add3A_1143 : i32
        %get3A_1145 = arith.constant 0 : i32
        %get3A_1146 = arith.constant 0 : i32
        %get3A_1147 = tpu.memref_slice %arg6[%scan3A_328, %get3A_1145, %get3A_1146] : memref<4x200x64xf32, #tpu.memory_space<vmem>> -> memref<1x200x64xf32, #tpu.memory_space<vmem>>
        %get3A_1148 = tpu.memref_squeeze %get3A_1147 : memref<1x200x64xf32, #tpu.memory_space<vmem>> -> memref<200x64xf32, #tpu.memory_space<vmem>>
        %get3A_1149 = arith.index_cast %add3A_1144 : i32 to index
        %get3A_1150 = arith.constant 48 : index
        %get3A_1151 = tpu.vector_load %get3A_1148[%get3A_1149, %get3A_1150] {strides = array<i32>} : memref<200x64xf32, #tpu.memory_space<vmem>>, vector<1x16xf32>,
        %get3A_1152 = vector.shape_cast %get3A_1151 : vector<1x16xf32> to vector<16xf32>
        %add3A_1153 = arith.addf %add3A_1093, %get3A_1152 : vector<16xf32>
        %mul3A_1154 = arith.mulf %get3A_1152, %get3A_1152 : vector<16xf32>
        %add3A_1155 = arith.addf %add3A_1095, %mul3A_1154 : vector<16xf32>
        %max3A_1156 = arith.maximumf %max3A_1096, %get3A_1152 : vector<16xf32>
        %min3A_1157 = arith.minimumf %min3A_1097, %get3A_1152 : vector<16xf32>
        %add3A_1158 = arith.constant 7 : i32
        %add3A_1159 = arith.addi %mul3A_740, %add3A_1158 : i32
        %get3A_1160 = arith.constant 0 : i32
        %get3A_1161 = arith.constant 0 : i32
        %get3A_1162 = tpu.memref_slice %arg6[%scan3A_328, %get3A_1160, %get3A_1161] : memref<4x200x64xf32, #tpu.memory_space<vmem>> -> memref<1x200x64xf32, #tpu.memory_space<vmem>>
        %get3A_1163 = tpu.memref_squeeze %get3A_1162 : memref<1x200x64xf32, #tpu.memory_space<vmem>> -> memref<200x64xf32, #tpu.memory_space<vmem>>
        %get3A_1164 = arith.index_cast %add3A_1159 : i32 to index
        %get3A_1165 = arith.constant 0 : index
        %get3A_1166 = tpu.vector_load %get3A_1163[%get3A_1164, %get3A_1165] {strides = array<i32>} : memref<200x64xf32, #tpu.memory_space<vmem>>, vector<1x16xf32>,
        %get3A_1167 = vector.shape_cast %get3A_1166 : vector<1x16xf32> to vector<16xf32>
        %add3A_1168 = arith.addf %add3A_1108, %get3A_1167 : vector<16xf32>
        %mul3A_1169 = arith.mulf %get3A_1167, %get3A_1167 : vector<16xf32>
        %add3A_1170 = arith.addf %add3A_1110, %mul3A_1169 : vector<16xf32>
        %max3A_1171 = arith.maximumf %max3A_1111, %get3A_1167 : vector<16xf32>
        %min3A_1172 = arith.minimumf %min3A_1112, %get3A_1167 : vector<16xf32>
        %add3A_1173 = arith.constant 7 : i32
        %add3A_1174 = arith.addi %mul3A_740, %add3A_1173 : i32
        %get3A_1175 = arith.constant 0 : i32
        %get3A_1176 = arith.constant 0 : i32
        %get3A_1177 = tpu.memref_slice %arg6[%scan3A_328, %get3A_1175, %get3A_1176] : memref<4x200x64xf32, #tpu.memory_space<vmem>> -> memref<1x200x64xf32, #tpu.memory_space<vmem>>
        %get3A_1178 = tpu.memref_squeeze %get3A_1177 : memref<1x200x64xf32, #tpu.memory_space<vmem>> -> memref<200x64xf32, #tpu.memory_space<vmem>>
        %get3A_1179 = arith.index_cast %add3A_1174 : i32 to index
        %get3A_1180 = arith.constant 16 : index
        %get3A_1181 = tpu.vector_load %get3A_1178[%get3A_1179, %get3A_1180] {strides = array<i32>} : memref<200x64xf32, #tpu.memory_space<vmem>>, vector<1x16xf32>,
        %get3A_1182 = vector.shape_cast %get3A_1181 : vector<1x16xf32> to vector<16xf32>
        %add3A_1183 = arith.addf %add3A_1123, %get3A_1182 : vector<16xf32>
        %mul3A_1184 = arith.mulf %get3A_1182, %get3A_1182 : vector<16xf32>
        %add3A_1185 = arith.addf %add3A_1125, %mul3A_1184 : vector<16xf32>
        %max3A_1186 = arith.maximumf %max3A_1126, %get3A_1182 : vector<16xf32>
        %min3A_1187 = arith.minimumf %min3A_1127, %get3A_1182 : vector<16xf32>
        %add3A_1188 = arith.constant 7 : i32
        %add3A_1189 = arith.addi %mul3A_740, %add3A_1188 : i32
        %get3A_1190 = arith.constant 0 : i32
        %get3A_1191 = arith.constant 0 : i32
        %get3A_1192 = tpu.memref_slice %arg6[%scan3A_328, %get3A_1190, %get3A_1191] : memref<4x200x64xf32, #tpu.memory_space<vmem>> -> memref<1x200x64xf32, #tpu.memory_space<vmem>>
        %get3A_1193 = tpu.memref_squeeze %get3A_1192 : memref<1x200x64xf32, #tpu.memory_space<vmem>> -> memref<200x64xf32, #tpu.memory_space<vmem>>
        %get3A_1194 = arith.index_cast %add3A_1189 : i32 to index
        %get3A_1195 = arith.constant 32 : index
        %get3A_1196 = tpu.vector_load %get3A_1193[%get3A_1194, %get3A_1195] {strides = array<i32>} : memref<200x64xf32, #tpu.memory_space<vmem>>, vector<1x16xf32>,
        %get3A_1197 = vector.shape_cast %get3A_1196 : vector<1x16xf32> to vector<16xf32>
        %add3A_1198 = arith.addf %add3A_1138, %get3A_1197 : vector<16xf32>
        %mul3A_1199 = arith.mulf %get3A_1197, %get3A_1197 : vector<16xf32>
        %add3A_1200 = arith.addf %add3A_1140, %mul3A_1199 : vector<16xf32>
        %max3A_1201 = arith.maximumf %max3A_1141, %get3A_1197 : vector<16xf32>
        %min3A_1202 = arith.minimumf %min3A_1142, %get3A_1197 : vector<16xf32>
        %add3A_1203 = arith.constant 7 : i32
        %add3A_1204 = arith.addi %mul3A_740, %add3A_1203 : i32
        %get3A_1205 = arith.constant 0 : i32
        %get3A_1206 = arith.constant 0 : i32
        %get3A_1207 = tpu.memref_slice %arg6[%scan3A_328, %get3A_1205, %get3A_1206] : memref<4x200x64xf32, #tpu.memory_space<vmem>> -> memref<1x200x64xf32, #tpu.memory_space<vmem>>
        %get3A_1208 = tpu.memref_squeeze %get3A_1207 : memref<1x200x64xf32, #tpu.memory_space<vmem>> -> memref<200x64xf32, #tpu.memory_space<vmem>>
        %get3A_1209 = arith.index_cast %add3A_1204 : i32 to index
        %get3A_1210 = arith.constant 48 : index
        %get3A_1211 = tpu.vector_load %get3A_1208[%get3A_1209, %get3A_1210] {strides = array<i32>} : memref<200x64xf32, #tpu.memory_space<vmem>>, vector<1x16xf32>,
        %get3A_1212 = vector.shape_cast %get3A_1211 : vector<1x16xf32> to vector<16xf32>
        %add3A_1213 = arith.addf %add3A_1153, %get3A_1212 : vector<16xf32>
        %mul3A_1214 = arith.mulf %get3A_1212, %get3A_1212 : vector<16xf32>
        %add3A_1215 = arith.addf %add3A_1155, %mul3A_1214 : vector<16xf32>
        %max3A_1216 = arith.maximumf %max3A_1156, %get3A_1212 : vector<16xf32>
        %min3A_1217 = arith.minimumf %min3A_1157, %get3A_1212 : vector<16xf32>
        scf.yield %add3A_1168, %add3A_1183, %add3A_1198, %add3A_1213, %add3A_1170, %add3A_1185, %add3A_1200, %add3A_1215, %max3A_1171, %max3A_1186, %max3A_1201, %max3A_1216, %min3A_1172, %min3A_1187, %min3A_1202, %min3A_1217 : vector<16xf32>, vector<16xf32>, vector<16xf32>, vector<16xf32>, vector<16xf32>, vector<16xf32>, vector<16xf32>, vector<16xf32>, vector<16xf32>, vector<16xf32>, vector<16xf32>, vector<16xf32>, vector<16xf32>, vector<16xf32>, vector<16xf32>, vector<16xf32>
      }
      %scan3A_334 = arith.constant 25 : i32
      %swap3A_335 = arith.index_cast %add3A_275 : i32 to index
      %swap3A_336 = arith.constant 0 : index
      %swap3A_337 = tpu.vector_load %arg7[%swap3A_335, %swap3A_336] {strides = array<i32>} : memref<128x256xf32, #tpu.memory_space<vmem>>, vector<1x16xf32>,
      %swap3A_338 = vector.shape_cast %swap3A_337 : vector<1x16xf32> to vector<16xf32>
      %swap3A_339 = vector.shape_cast %scan3A_333#0 : vector<16xf32> to vector<1x16xf32>
      tpu.vector_store %arg7[%swap3A_335, %swap3A_336], %swap3A_339 {strides = array<i32>} : memref<128x256xf32, #tpu.memory_space<vmem>>, vector<1x16xf32>,
      %swap3A_340 = arith.index_cast %add3A_275 : i32 to index
      %swap3A_341 = arith.constant 64 : index
      %swap3A_342 = tpu.vector_load %arg7[%swap3A_340, %swap3A_341] {strides = array<i32>} : memref<128x256xf32, #tpu.memory_space<vmem>>, vector<1x16xf32>,
      %swap3A_343 = vector.shape_cast %swap3A_342 : vector<1x16xf32> to vector<16xf32>
      %swap3A_344 = vector.shape_cast %scan3A_333#8 : vector<16xf32> to vector<1x16xf32>
      tpu.vector_store %arg7[%swap3A_340, %swap3A_341], %swap3A_344 {strides = array<i32>} : memref<128x256xf32, #tpu.memory_space<vmem>>, vector<1x16xf32>,
      %swap3A_345 = arith.index_cast %add3A_275 : i32 to index
      %swap3A_346 = arith.constant 128 : index
      %swap3A_347 = tpu.vector_load %arg7[%swap3A_345, %swap3A_346] {strides = array<i32>} : memref<128x256xf32, #tpu.memory_space<vmem>>, vector<1x16xf32>,
      %swap3A_348 = vector.shape_cast %swap3A_347 : vector<1x16xf32> to vector<16xf32>
      %swap3A_349 = vector.shape_cast %scan3A_333#12 : vector<16xf32> to vector<1x16xf32>
      tpu.vector_store %arg7[%swap3A_345, %swap3A_346], %swap3A_349 {strides = array<i32>} : memref<128x256xf32, #tpu.memory_space<vmem>>, vector<1x16xf32>,
      %swap3A_350 = arith.index_cast %add3A_275 : i32 to index
      %swap3A_351 = arith.constant 192 : index
      %swap3A_352 = tpu.vector_load %arg7[%swap3A_350, %swap3A_351] {strides = array<i32>} : memref<128x256xf32, #tpu.memory_space<vmem>>, vector<1x16xf32>,
      %swap3A_353 = vector.shape_cast %swap3A_352 : vector<1x16xf32> to vector<16xf32>
      %swap3A_354 = vector.shape_cast %scan3A_333#4 : vector<16xf32> to vector<1x16xf32>
      tpu.vector_store %arg7[%swap3A_350, %swap3A_351], %swap3A_354 {strides = array<i32>} : memref<128x256xf32, #tpu.memory_space<vmem>>, vector<1x16xf32>,
      %swap3A_355 = arith.index_cast %add3A_275 : i32 to index
      %swap3A_356 = arith.constant 16 : index
      %swap3A_357 = tpu.vector_load %arg7[%swap3A_355, %swap3A_356] {strides = array<i32>} : memref<128x256xf32, #tpu.memory_space<vmem>>, vector<1x16xf32>,
      %swap3A_358 = vector.shape_cast %swap3A_357 : vector<1x16xf32> to vector<16xf32>
      %swap3A_359 = vector.shape_cast %scan3A_333#1 : vector<16xf32> to vector<1x16xf32>
      tpu.vector_store %arg7[%swap3A_355, %swap3A_356], %swap3A_359 {strides = array<i32>} : memref<128x256xf32, #tpu.memory_space<vmem>>, vector<1x16xf32>,
      %swap3A_360 = arith.index_cast %add3A_275 : i32 to index
      %swap3A_361 = arith.constant 80 : index
      %swap3A_362 = tpu.vector_load %arg7[%swap3A_360, %swap3A_361] {strides = array<i32>} : memref<128x256xf32, #tpu.memory_space<vmem>>, vector<1x16xf32>,
      %swap3A_363 = vector.shape_cast %swap3A_362 : vector<1x16xf32> to vector<16xf32>
      %swap3A_364 = vector.shape_cast %scan3A_333#9 : vector<16xf32> to vector<1x16xf32>
      tpu.vector_store %arg7[%swap3A_360, %swap3A_361], %swap3A_364 {strides = array<i32>} : memref<128x256xf32, #tpu.memory_space<vmem>>, vector<1x16xf32>,
      %swap3A_365 = arith.index_cast %add3A_275 : i32 to index
      %swap3A_366 = arith.constant 144 : index
      %swap3A_367 = tpu.vector_load %arg7[%swap3A_365, %swap3A_366] {strides = array<i32>} : memref<128x256xf32, #tpu.memory_space<vmem>>, vector<1x16xf32>,
      %swap3A_368 = vector.shape_cast %swap3A_367 : vector<1x16xf32> to vector<16xf32>
      %swap3A_369 = vector.shape_cast %scan3A_333#13 : vector<16xf32> to vector<1x16xf32>
      tpu.vector_store %arg7[%swap3A_365, %swap3A_366], %swap3A_369 {strides = array<i32>} : memref<128x256xf32, #tpu.memory_space<vmem>>, vector<1x16xf32>,
      %swap3A_370 = arith.index_cast %add3A_275 : i32 to index
      %swap3A_371 = arith.constant 208 : index
      %swap3A_372 = tpu.vector_load %arg7[%swap3A_370, %swap3A_371] {strides = array<i32>} : memref<128x256xf32, #tpu.memory_space<vmem>>, vector<1x16xf32>,
      %swap3A_373 = vector.shape_cast %swap3A_372 : vector<1x16xf32> to vector<16xf32>
      %swap3A_374 = vector.shape_cast %scan3A_333#5 : vector<16xf32> to vector<1x16xf32>
      tpu.vector_store %arg7[%swap3A_370, %swap3A_371], %swap3A_374 {strides = array<i32>} : memref<128x256xf32, #tpu.memory_space<vmem>>, vector<1x16xf32>,
      %swap3A_375 = arith.index_cast %add3A_275 : i32 to index
      %swap3A_376 = arith.constant 32 : index
      %swap3A_377 = tpu.vector_load %arg7[%swap3A_375, %swap3A_376] {strides = array<i32>} : memref<128x256xf32, #tpu.memory_space<vmem>>, vector<1x16xf32>,
      %swap3A_378 = vector.shape_cast %swap3A_377 : vector<1x16xf32> to vector<16xf32>
      %swap3A_379 = vector.shape_cast %scan3A_333#2 : vector<16xf32> to vector<1x16xf32>
      tpu.vector_store %arg7[%swap3A_375, %swap3A_376], %swap3A_379 {strides = array<i32>} : memref<128x256xf32, #tpu.memory_space<vmem>>, vector<1x16xf32>,
      %swap3A_380 = arith.index_cast %add3A_275 : i32 to index
      %swap3A_381 = arith.constant 96 : index
      %swap3A_382 = tpu.vector_load %arg7[%swap3A_380, %swap3A_381] {strides = array<i32>} : memref<128x256xf32, #tpu.memory_space<vmem>>, vector<1x16xf32>,
      %swap3A_383 = vector.shape_cast %swap3A_382 : vector<1x16xf32> to vector<16xf32>
      %swap3A_384 = vector.shape_cast %scan3A_333#10 : vector<16xf32> to vector<1x16xf32>
      tpu.vector_store %arg7[%swap3A_380, %swap3A_381], %swap3A_384 {strides = array<i32>} : memref<128x256xf32, #tpu.memory_space<vmem>>, vector<1x16xf32>,
      %swap3A_385 = arith.index_cast %add3A_275 : i32 to index
      %swap3A_386 = arith.constant 160 : index
      %swap3A_387 = tpu.vector_load %arg7[%swap3A_385, %swap3A_386] {strides = array<i32>} : memref<128x256xf32, #tpu.memory_space<vmem>>, vector<1x16xf32>,
      %swap3A_388 = vector.shape_cast %swap3A_387 : vector<1x16xf32> to vector<16xf32>
      %swap3A_389 = vector.shape_cast %scan3A_333#14 : vector<16xf32> to vector<1x16xf32>
      tpu.vector_store %arg7[%swap3A_385, %swap3A_386], %swap3A_389 {strides = array<i32>} : memref<128x256xf32, #tpu.memory_space<vmem>>, vector<1x16xf32>,
      %swap3A_390 = arith.index_cast %add3A_275 : i32 to index
      %swap3A_391 = arith.constant 224 : index
      %swap3A_392 = tpu.vector_load %arg7[%swap3A_390, %swap3A_391] {strides = array<i32>} : memref<128x256xf32, #tpu.memory_space<vmem>>, vector<1x16xf32>,
      %swap3A_393 = vector.shape_cast %swap3A_392 : vector<1x16xf32> to vector<16xf32>
      %swap3A_394 = vector.shape_cast %scan3A_333#6 : vector<16xf32> to vector<1x16xf32>
      tpu.vector_store %arg7[%swap3A_390, %swap3A_391], %swap3A_394 {strides = array<i32>} : memref<128x256xf32, #tpu.memory_space<vmem>>, vector<1x16xf32>,
      %swap3A_395 = arith.index_cast %add3A_275 : i32 to index
      %swap3A_396 = arith.constant 48 : index
      %swap3A_397 = tpu.vector_load %arg7[%swap3A_395, %swap3A_396] {strides = array<i32>} : memref<128x256xf32, #tpu.memory_space<vmem>>, vector<1x16xf32>,
      %swap3A_398 = vector.shape_cast %swap3A_397 : vector<1x16xf32> to vector<16xf32>
      %swap3A_399 = vector.shape_cast %scan3A_333#3 : vector<16xf32> to vector<1x16xf32>
      tpu.vector_store %arg7[%swap3A_395, %swap3A_396], %swap3A_399 {strides = array<i32>} : memref<128x256xf32, #tpu.memory_space<vmem>>, vector<1x16xf32>,
      %swap3A_400 = arith.index_cast %add3A_275 : i32 to index
      %swap3A_401 = arith.constant 112 : index
      %swap3A_402 = tpu.vector_load %arg7[%swap3A_400, %swap3A_401] {strides = array<i32>} : memref<128x256xf32, #tpu.memory_space<vmem>>, vector<1x16xf32>,
      %swap3A_403 = vector.shape_cast %swap3A_402 : vector<1x16xf32> to vector<16xf32>
      %swap3A_404 = vector.shape_cast %scan3A_333#11 : vector<16xf32> to vector<1x16xf32>
      tpu.vector_store %arg7[%swap3A_400, %swap3A_401], %swap3A_404 {strides = array<i32>} : memref<128x256xf32, #tpu.memory_space<vmem>>, vector<1x16xf32>,
      %swap3A_405 = arith.index_cast %add3A_275 : i32 to index
      %swap3A_406 = arith.constant 176 : index
      %swap3A_407 = tpu.vector_load %arg7[%swap3A_405, %swap3A_406] {strides = array<i32>} : memref<128x256xf32, #tpu.memory_space<vmem>>, vector<1x16xf32>,
      %swap3A_408 = vector.shape_cast %swap3A_407 : vector<1x16xf32> to vector<16xf32>
      %swap3A_409 = vector.shape_cast %scan3A_333#15 : vector<16xf32> to vector<1x16xf32>
      tpu.vector_store %arg7[%swap3A_405, %swap3A_406], %swap3A_409 {strides = array<i32>} : memref<128x256xf32, #tpu.memory_space<vmem>>, vector<1x16xf32>,
      %swap3A_410 = arith.index_cast %add3A_275 : i32 to index
      %swap3A_411 = arith.constant 240 : index
      %swap3A_412 = tpu.vector_load %arg7[%swap3A_410, %swap3A_411] {strides = array<i32>} : memref<128x256xf32, #tpu.memory_space<vmem>>, vector<1x16xf32>,
      %swap3A_413 = vector.shape_cast %swap3A_412 : vector<1x16xf32> to vector<16xf32>
      %swap3A_414 = vector.shape_cast %scan3A_333#7 : vector<16xf32> to vector<1x16xf32>
      tpu.vector_store %arg7[%swap3A_410, %swap3A_411], %swap3A_414 {strides = array<i32>} : memref<128x256xf32, #tpu.memory_space<vmem>>, vector<1x16xf32>,
      %add3A_415 = arith.constant 4 : i32
      %add3A_416 = arith.addi %add3A_275, %add3A_415 : i32
      %lt3A_417 = arith.constant 128 : i32
      %lt3A_418 = arith.cmpi slt, %add3A_416, %lt3A_417 : i32
      %convert_element_type3A_419 = arith.extui %lt3A_418 : i1 to i32
      %cond3A_420 = arith.constant 0 : i32
      %cond3A_421 = arith.cmpi ne, %convert_element_type3A_419, %cond3A_420 : i32
      scf.if %cond3A_421 {
        %add3A_722 = arith.constant 4 : i32
        %add3A_723 = arith.addi %add3A_275, %add3A_722 : i32
        %dma_start3A_724 = arith.constant 1 : i32
        %dma_start3A_725 = arith.constant 0 : i32
        %dma_start3A_726 = arith.constant 0 : i32
        %dma_start3A_727 = tpu.memref_slice %arg6[%dma_start3A_724, %dma_start3A_725, %dma_start3A_726] : memref<4x200x64xf32, #tpu.memory_space<vmem>> -> memref<1x200x64xf32, #tpu.memory_space<vmem>>
        %dma_start3A_728 = tpu.memref_squeeze %dma_start3A_727 : memref<1x200x64xf32, #tpu.memory_space<vmem>> -> memref<200x64xf32, #tpu.memory_space<vmem>>
        %dma_start3A_729 = arith.constant 0 : i32
        %dma_start3A_730 = arith.constant 0 : i32
        %dma_start3A_731 = tpu.memref_slice %dma_start3A_728[%dma_start3A_729, %dma_start3A_730] : memref<200x64xf32, #tpu.memory_space<vmem>> -> memref<128x64xf32, #tpu.memory_space<vmem>>
        %dma_start3A_732 = arith.constant 0 : i32
        %dma_start3A_733 = tpu.memref_slice %arg5[%add3A_723, %dma_start3A_732] : memref<128x200xi32, #tpu.memory_space<vmem>> -> memref<1x128xi32, #tpu.memory_space<vmem>>
        %dma_start3A_734 = tpu.memref_squeeze %dma_start3A_733 : memref<1x128xi32, #tpu.memory_space<vmem>> -> memref<128xi32, #tpu.memory_space<vmem>>
        %dma_start3A_735 = arith.constant 0 : i32
        %dma_start3A_736 = arith.constant 0 : i32
        %dma_start3A_737 = tpu.memref_slice %arg3[%dma_start3A_735, %dma_start3A_736] : memref<1015808x64xf32, #tpu.memory_space<hbm>> -> memref<1015808x64xf32, #tpu.memory_space<hbm>>
        tpu.enqueue_indirect_dma source(%dma_start3A_737 : memref<1015808x64xf32, #tpu.memory_space<hbm>>) target(%dma_start3A_731 : memref<128x64xf32, #tpu.memory_space<vmem>>) offsets(%dma_start3A_734 : memref<128xi32, #tpu.memory_space<vmem>>) semaphore(%arg9 : memref<!tpu.dma_semaphore, #tpu.memory_space<semaphore_mem>>)
        %dma_start3A_738 = arith.constant 1 : i32
        %dma_start3A_739 = arith.constant 0 : i32
        %dma_start3A_740 = arith.constant 0 : i32
        %dma_start3A_741 = tpu.memref_slice %arg6[%dma_start3A_738, %dma_start3A_739, %dma_start3A_740] : memref<4x200x64xf32, #tpu.memory_space<vmem>> -> memref<1x200x64xf32, #tpu.memory_space<vmem>>
        %dma_start3A_742 = tpu.memref_squeeze %dma_start3A_741 : memref<1x200x64xf32, #tpu.memory_space<vmem>> -> memref<200x64xf32, #tpu.memory_space<vmem>>
        %dma_start3A_743 = arith.constant 128 : i32
        %dma_start3A_744 = arith.constant 0 : i32
        %dma_start3A_745 = tpu.memref_slice %dma_start3A_742[%dma_start3A_743, %dma_start3A_744] : memref<200x64xf32, #tpu.memory_space<vmem>> -> memref<72x64xf32, #tpu.memory_space<vmem>>
        %dma_start3A_746 = arith.constant 128 : i32
        %dma_start3A_747 = tpu.memref_slice %arg5[%add3A_723, %dma_start3A_746] : memref<128x200xi32, #tpu.memory_space<vmem>> -> memref<1x72xi32, #tpu.memory_space<vmem>>
        %dma_start3A_748 = tpu.memref_squeeze %dma_start3A_747 : memref<1x72xi32, #tpu.memory_space<vmem>> -> memref<72xi32, #tpu.memory_space<vmem>>
        %dma_start3A_749 = arith.constant 0 : i32
        %dma_start3A_750 = arith.constant 0 : i32
        %dma_start3A_751 = tpu.memref_slice %arg3[%dma_start3A_749, %dma_start3A_750] : memref<1015808x64xf32, #tpu.memory_space<hbm>> -> memref<1015808x64xf32, #tpu.memory_space<hbm>>
        tpu.enqueue_indirect_dma source(%dma_start3A_751 : memref<1015808x64xf32, #tpu.memory_space<hbm>>) target(%dma_start3A_745 : memref<72x64xf32, #tpu.memory_space<vmem>>) offsets(%dma_start3A_748 : memref<72xi32, #tpu.memory_space<vmem>>) semaphore(%arg9 : memref<!tpu.dma_semaphore, #tpu.memory_space<semaphore_mem>>)
      } else {
      }
      %mul3A_422 = arith.constant 4 : i32
      %mul3A_423 = arith.muli %scan3A_127, %mul3A_422 : i32
      %add3A_424 = arith.constant 2 : i32
      %add3A_425 = arith.addi %mul3A_423, %add3A_424 : i32
      %dma_wait3A_426 = arith.constant 2 : i32
      %dma_wait3A_427 = arith.constant 0 : i32
      %dma_wait3A_428 = arith.constant 0 : i32
      %dma_wait3A_429 = tpu.memref_slice %arg6[%dma_wait3A_426, %dma_wait3A_427, %dma_wait3A_428] : memref<4x200x64xf32, #tpu.memory_space<vmem>> -> memref<1x200x64xf32, #tpu.memory_space<vmem>>
      %dma_wait3A_430 = tpu.memref_squeeze %dma_wait3A_429 : memref<1x200x64xf32, #tpu.memory_space<vmem>> -> memref<200x64xf32, #tpu.memory_space<vmem>>
      %dma_wait3A_431 = arith.constant 0 : i32
      %dma_wait3A_432 = arith.constant 0 : i32
      %dma_wait3A_433 = tpu.memref_slice %dma_wait3A_430[%dma_wait3A_431, %dma_wait3A_432] : memref<200x64xf32, #tpu.memory_space<vmem>> -> memref<128x64xf32, #tpu.memory_space<vmem>>
      %dma_wait3A_434 = arith.constant 0 : i32
      %dma_wait3A_435 = tpu.memref_slice %arg5[%add3A_425, %dma_wait3A_434] : memref<128x200xi32, #tpu.memory_space<vmem>> -> memref<1x128xi32, #tpu.memory_space<vmem>>
      %dma_wait3A_436 = tpu.memref_squeeze %dma_wait3A_435 : memref<1x128xi32, #tpu.memory_space<vmem>> -> memref<128xi32, #tpu.memory_space<vmem>>
      %dma_wait3A_437 = arith.constant 0 : i32
      %dma_wait3A_438 = arith.constant 0 : i32
      %dma_wait3A_439 = tpu.memref_slice %arg3[%dma_wait3A_437, %dma_wait3A_438] : memref<1015808x64xf32, #tpu.memory_space<hbm>> -> memref<1015808x64xf32, #tpu.memory_space<hbm>>
      tpu.wait_indirect_dma semaphore(%arg10 : memref<!tpu.dma_semaphore, #tpu.memory_space<semaphore_mem>>) src(%dma_wait3A_439 : memref<1015808x64xf32, #tpu.memory_space<hbm>>) dst(%dma_wait3A_433 : memref<128x64xf32, #tpu.memory_space<vmem>>)
      %dma_wait3A_440 = arith.constant 2 : i32
      %dma_wait3A_441 = arith.constant 0 : i32
      %dma_wait3A_442 = arith.constant 0 : i32
      %dma_wait3A_443 = tpu.memref_slice %arg6[%dma_wait3A_440, %dma_wait3A_441, %dma_wait3A_442] : memref<4x200x64xf32, #tpu.memory_space<vmem>> -> memref<1x200x64xf32, #tpu.memory_space<vmem>>
      %dma_wait3A_444 = tpu.memref_squeeze %dma_wait3A_443 : memref<1x200x64xf32, #tpu.memory_space<vmem>> -> memref<200x64xf32, #tpu.memory_space<vmem>>
      %dma_wait3A_445 = arith.constant 128 : i32
      %dma_wait3A_446 = arith.constant 0 : i32
      %dma_wait3A_447 = tpu.memref_slice %dma_wait3A_444[%dma_wait3A_445, %dma_wait3A_446] : memref<200x64xf32, #tpu.memory_space<vmem>> -> memref<72x64xf32, #tpu.memory_space<vmem>>
      %dma_wait3A_448 = arith.constant 128 : i32
      %dma_wait3A_449 = tpu.memref_slice %arg5[%add3A_425, %dma_wait3A_448] : memref<128x200xi32, #tpu.memory_space<vmem>> -> memref<1x72xi32, #tpu.memory_space<vmem>>
      %dma_wait3A_450 = tpu.memref_squeeze %dma_wait3A_449 : memref<1x72xi32, #tpu.memory_space<vmem>> -> memref<72xi32, #tpu.memory_space<vmem>>
      %dma_wait3A_451 = arith.constant 0 : i32
      %dma_wait3A_452 = arith.constant 0 : i32
      %dma_wait3A_453 = tpu.memref_slice %arg3[%dma_wait3A_451, %dma_wait3A_452] : memref<1015808x64xf32, #tpu.memory_space<hbm>> -> memref<1015808x64xf32, #tpu.memory_space<hbm>>
      tpu.wait_indirect_dma semaphore(%arg10 : memref<!tpu.dma_semaphore, #tpu.memory_space<semaphore_mem>>) src(%dma_wait3A_453 : memref<1015808x64xf32, #tpu.memory_space<hbm>>) dst(%dma_wait3A_447 : memref<72x64xf32, #tpu.memory_space<vmem>>)
      %broadcast_in_dim3A_454 = arith.constant 0.000000e+00 : f32
      %broadcast_in_dim3A_455 = vector.broadcast %broadcast_in_dim3A_454 : f32 to vector<16xf32>
      %broadcast_in_dim3A_456 = arith.constant 0.000000e+00 : f32
      %broadcast_in_dim3A_457 = vector.broadcast %broadcast_in_dim3A_456 : f32 to vector<16xf32>
      %broadcast_in_dim3A_458 = arith.constant 0.000000e+00 : f32
      %broadcast_in_dim3A_459 = vector.broadcast %broadcast_in_dim3A_458 : f32 to vector<16xf32>
      %broadcast_in_dim3A_460 = arith.constant 0.000000e+00 : f32
      %broadcast_in_dim3A_461 = vector.broadcast %broadcast_in_dim3A_460 : f32 to vector<16xf32>
      %broadcast_in_dim3A_462 = arith.constant 0xFF800000 : f32
      %broadcast_in_dim3A_463 = vector.broadcast %broadcast_in_dim3A_462 : f32 to vector<16xf32>
      %broadcast_in_dim3A_464 = arith.constant 0xFF800000 : f32
      %broadcast_in_dim3A_465 = vector.broadcast %broadcast_in_dim3A_464 : f32 to vector<16xf32>
      %broadcast_in_dim3A_466 = arith.constant 0xFF800000 : f32
      %broadcast_in_dim3A_467 = vector.broadcast %broadcast_in_dim3A_466 : f32 to vector<16xf32>
      %broadcast_in_dim3A_468 = arith.constant 0xFF800000 : f32
      %broadcast_in_dim3A_469 = vector.broadcast %broadcast_in_dim3A_468 : f32 to vector<16xf32>
      %broadcast_in_dim3A_470 = arith.constant 0x7F800000 : f32
      %broadcast_in_dim3A_471 = vector.broadcast %broadcast_in_dim3A_470 : f32 to vector<16xf32>
      %broadcast_in_dim3A_472 = arith.constant 0x7F800000 : f32
      %broadcast_in_dim3A_473 = vector.broadcast %broadcast_in_dim3A_472 : f32 to vector<16xf32>
      %broadcast_in_dim3A_474 = arith.constant 0x7F800000 : f32
      %broadcast_in_dim3A_475 = vector.broadcast %broadcast_in_dim3A_474 : f32 to vector<16xf32>
      %broadcast_in_dim3A_476 = arith.constant 0x7F800000 : f32
      %broadcast_in_dim3A_477 = vector.broadcast %broadcast_in_dim3A_476 : f32 to vector<16xf32>
      %scan3A_478 = arith.constant 2 : i32
      %scan3A_479 = arith.constant 0 : i32
      %scan3A_480 = arith.constant 25 : i32
      %scan3A_481 = arith.addi %scan3A_479, %scan3A_480 : i32
      %scan3A_482 = arith.constant 1 : i32
      %scan3A_483:16 = scf.for %scan3A_722 = %scan3A_479 to %scan3A_481 step %scan3A_482 iter_args(%scan3A_723 = %broadcast_in_dim3A_455, %scan3A_724 = %broadcast_in_dim3A_457, %scan3A_725 = %broadcast_in_dim3A_459, %scan3A_726 = %broadcast_in_dim3A_461, %scan3A_727 = %broadcast_in_dim3A_455, %scan3A_728 = %broadcast_in_dim3A_457, %scan3A_729 = %broadcast_in_dim3A_459, %scan3A_730 = %broadcast_in_dim3A_461, %scan3A_731 = %broadcast_in_dim3A_463, %scan3A_732 = %broadcast_in_dim3A_465, %scan3A_733 = %broadcast_in_dim3A_467, %scan3A_734 = %broadcast_in_dim3A_469, %scan3A_735 = %broadcast_in_dim3A_471, %scan3A_736 = %broadcast_in_dim3A_473, %scan3A_737 = %broadcast_in_dim3A_475, %scan3A_738 = %broadcast_in_dim3A_477) -> (vector<16xf32>, vector<16xf32>, vector<16xf32>, vector<16xf32>, vector<16xf32>, vector<16xf32>, vector<16xf32>, vector<16xf32>, vector<16xf32>, vector<16xf32>, vector<16xf32>, vector<16xf32>, vector<16xf32>, vector<16xf32>, vector<16xf32>, vector<16xf32>)  : i32 {
        %mul3A_739 = arith.constant 8 : i32
        %mul3A_740 = arith.muli %scan3A_722, %mul3A_739 : i32
        %add3A_741 = arith.constant 0 : i32
        %add3A_742 = arith.addi %mul3A_740, %add3A_741 : i32
        %get3A = arith.constant 0 : i32
        %get3A_743 = arith.constant 0 : i32
        %get3A_744 = tpu.memref_slice %arg6[%scan3A_478, %get3A, %get3A_743] : memref<4x200x64xf32, #tpu.memory_space<vmem>> -> memref<1x200x64xf32, #tpu.memory_space<vmem>>
        %get3A_745 = tpu.memref_squeeze %get3A_744 : memref<1x200x64xf32, #tpu.memory_space<vmem>> -> memref<200x64xf32, #tpu.memory_space<vmem>>
        %get3A_746 = arith.index_cast %add3A_742 : i32 to index
        %get3A_747 = arith.constant 0 : index
        %get3A_748 = tpu.vector_load %get3A_745[%get3A_746, %get3A_747] {strides = array<i32>} : memref<200x64xf32, #tpu.memory_space<vmem>>, vector<1x16xf32>,
        %get3A_749 = vector.shape_cast %get3A_748 : vector<1x16xf32> to vector<16xf32>
        %add3A_750 = arith.addf %scan3A_723, %get3A_749 : vector<16xf32>
        %mul3A_751 = arith.mulf %get3A_749, %get3A_749 : vector<16xf32>
        %add3A_752 = arith.addf %scan3A_727, %mul3A_751 : vector<16xf32>
        %max3A = arith.maximumf %scan3A_731, %get3A_749 : vector<16xf32>
        %min3A = arith.minimumf %scan3A_735, %get3A_749 : vector<16xf32>
        %add3A_753 = arith.constant 0 : i32
        %add3A_754 = arith.addi %mul3A_740, %add3A_753 : i32
        %get3A_755 = arith.constant 0 : i32
        %get3A_756 = arith.constant 0 : i32
        %get3A_757 = tpu.memref_slice %arg6[%scan3A_478, %get3A_755, %get3A_756] : memref<4x200x64xf32, #tpu.memory_space<vmem>> -> memref<1x200x64xf32, #tpu.memory_space<vmem>>
        %get3A_758 = tpu.memref_squeeze %get3A_757 : memref<1x200x64xf32, #tpu.memory_space<vmem>> -> memref<200x64xf32, #tpu.memory_space<vmem>>
        %get3A_759 = arith.index_cast %add3A_754 : i32 to index
        %get3A_760 = arith.constant 16 : index
        %get3A_761 = tpu.vector_load %get3A_758[%get3A_759, %get3A_760] {strides = array<i32>} : memref<200x64xf32, #tpu.memory_space<vmem>>, vector<1x16xf32>,
        %get3A_762 = vector.shape_cast %get3A_761 : vector<1x16xf32> to vector<16xf32>
        %add3A_763 = arith.addf %scan3A_724, %get3A_762 : vector<16xf32>
        %mul3A_764 = arith.mulf %get3A_762, %get3A_762 : vector<16xf32>
        %add3A_765 = arith.addf %scan3A_728, %mul3A_764 : vector<16xf32>
        %max3A_766 = arith.maximumf %scan3A_732, %get3A_762 : vector<16xf32>
        %min3A_767 = arith.minimumf %scan3A_736, %get3A_762 : vector<16xf32>
        %add3A_768 = arith.constant 0 : i32
        %add3A_769 = arith.addi %mul3A_740, %add3A_768 : i32
        %get3A_770 = arith.constant 0 : i32
        %get3A_771 = arith.constant 0 : i32
        %get3A_772 = tpu.memref_slice %arg6[%scan3A_478, %get3A_770, %get3A_771] : memref<4x200x64xf32, #tpu.memory_space<vmem>> -> memref<1x200x64xf32, #tpu.memory_space<vmem>>
        %get3A_773 = tpu.memref_squeeze %get3A_772 : memref<1x200x64xf32, #tpu.memory_space<vmem>> -> memref<200x64xf32, #tpu.memory_space<vmem>>
        %get3A_774 = arith.index_cast %add3A_769 : i32 to index
        %get3A_775 = arith.constant 32 : index
        %get3A_776 = tpu.vector_load %get3A_773[%get3A_774, %get3A_775] {strides = array<i32>} : memref<200x64xf32, #tpu.memory_space<vmem>>, vector<1x16xf32>,
        %get3A_777 = vector.shape_cast %get3A_776 : vector<1x16xf32> to vector<16xf32>
        %add3A_778 = arith.addf %scan3A_725, %get3A_777 : vector<16xf32>
        %mul3A_779 = arith.mulf %get3A_777, %get3A_777 : vector<16xf32>
        %add3A_780 = arith.addf %scan3A_729, %mul3A_779 : vector<16xf32>
        %max3A_781 = arith.maximumf %scan3A_733, %get3A_777 : vector<16xf32>
        %min3A_782 = arith.minimumf %scan3A_737, %get3A_777 : vector<16xf32>
        %add3A_783 = arith.constant 0 : i32
        %add3A_784 = arith.addi %mul3A_740, %add3A_783 : i32
        %get3A_785 = arith.constant 0 : i32
        %get3A_786 = arith.constant 0 : i32
        %get3A_787 = tpu.memref_slice %arg6[%scan3A_478, %get3A_785, %get3A_786] : memref<4x200x64xf32, #tpu.memory_space<vmem>> -> memref<1x200x64xf32, #tpu.memory_space<vmem>>
        %get3A_788 = tpu.memref_squeeze %get3A_787 : memref<1x200x64xf32, #tpu.memory_space<vmem>> -> memref<200x64xf32, #tpu.memory_space<vmem>>
        %get3A_789 = arith.index_cast %add3A_784 : i32 to index
        %get3A_790 = arith.constant 48 : index
        %get3A_791 = tpu.vector_load %get3A_788[%get3A_789, %get3A_790] {strides = array<i32>} : memref<200x64xf32, #tpu.memory_space<vmem>>, vector<1x16xf32>,
        %get3A_792 = vector.shape_cast %get3A_791 : vector<1x16xf32> to vector<16xf32>
        %add3A_793 = arith.addf %scan3A_726, %get3A_792 : vector<16xf32>
        %mul3A_794 = arith.mulf %get3A_792, %get3A_792 : vector<16xf32>
        %add3A_795 = arith.addf %scan3A_730, %mul3A_794 : vector<16xf32>
        %max3A_796 = arith.maximumf %scan3A_734, %get3A_792 : vector<16xf32>
        %min3A_797 = arith.minimumf %scan3A_738, %get3A_792 : vector<16xf32>
        %add3A_798 = arith.constant 1 : i32
        %add3A_799 = arith.addi %mul3A_740, %add3A_798 : i32
        %get3A_800 = arith.constant 0 : i32
        %get3A_801 = arith.constant 0 : i32
        %get3A_802 = tpu.memref_slice %arg6[%scan3A_478, %get3A_800, %get3A_801] : memref<4x200x64xf32, #tpu.memory_space<vmem>> -> memref<1x200x64xf32, #tpu.memory_space<vmem>>
        %get3A_803 = tpu.memref_squeeze %get3A_802 : memref<1x200x64xf32, #tpu.memory_space<vmem>> -> memref<200x64xf32, #tpu.memory_space<vmem>>
        %get3A_804 = arith.index_cast %add3A_799 : i32 to index
        %get3A_805 = arith.constant 0 : index
        %get3A_806 = tpu.vector_load %get3A_803[%get3A_804, %get3A_805] {strides = array<i32>} : memref<200x64xf32, #tpu.memory_space<vmem>>, vector<1x16xf32>,
        %get3A_807 = vector.shape_cast %get3A_806 : vector<1x16xf32> to vector<16xf32>
        %add3A_808 = arith.addf %add3A_750, %get3A_807 : vector<16xf32>
        %mul3A_809 = arith.mulf %get3A_807, %get3A_807 : vector<16xf32>
        %add3A_810 = arith.addf %add3A_752, %mul3A_809 : vector<16xf32>
        %max3A_811 = arith.maximumf %max3A, %get3A_807 : vector<16xf32>
        %min3A_812 = arith.minimumf %min3A, %get3A_807 : vector<16xf32>
        %add3A_813 = arith.constant 1 : i32
        %add3A_814 = arith.addi %mul3A_740, %add3A_813 : i32
        %get3A_815 = arith.constant 0 : i32
        %get3A_816 = arith.constant 0 : i32
        %get3A_817 = tpu.memref_slice %arg6[%scan3A_478, %get3A_815, %get3A_816] : memref<4x200x64xf32, #tpu.memory_space<vmem>> -> memref<1x200x64xf32, #tpu.memory_space<vmem>>
        %get3A_818 = tpu.memref_squeeze %get3A_817 : memref<1x200x64xf32, #tpu.memory_space<vmem>> -> memref<200x64xf32, #tpu.memory_space<vmem>>
        %get3A_819 = arith.index_cast %add3A_814 : i32 to index
        %get3A_820 = arith.constant 16 : index
        %get3A_821 = tpu.vector_load %get3A_818[%get3A_819, %get3A_820] {strides = array<i32>} : memref<200x64xf32, #tpu.memory_space<vmem>>, vector<1x16xf32>,
        %get3A_822 = vector.shape_cast %get3A_821 : vector<1x16xf32> to vector<16xf32>
        %add3A_823 = arith.addf %add3A_763, %get3A_822 : vector<16xf32>
        %mul3A_824 = arith.mulf %get3A_822, %get3A_822 : vector<16xf32>
        %add3A_825 = arith.addf %add3A_765, %mul3A_824 : vector<16xf32>
        %max3A_826 = arith.maximumf %max3A_766, %get3A_822 : vector<16xf32>
        %min3A_827 = arith.minimumf %min3A_767, %get3A_822 : vector<16xf32>
        %add3A_828 = arith.constant 1 : i32
        %add3A_829 = arith.addi %mul3A_740, %add3A_828 : i32
        %get3A_830 = arith.constant 0 : i32
        %get3A_831 = arith.constant 0 : i32
        %get3A_832 = tpu.memref_slice %arg6[%scan3A_478, %get3A_830, %get3A_831] : memref<4x200x64xf32, #tpu.memory_space<vmem>> -> memref<1x200x64xf32, #tpu.memory_space<vmem>>
        %get3A_833 = tpu.memref_squeeze %get3A_832 : memref<1x200x64xf32, #tpu.memory_space<vmem>> -> memref<200x64xf32, #tpu.memory_space<vmem>>
        %get3A_834 = arith.index_cast %add3A_829 : i32 to index
        %get3A_835 = arith.constant 32 : index
        %get3A_836 = tpu.vector_load %get3A_833[%get3A_834, %get3A_835] {strides = array<i32>} : memref<200x64xf32, #tpu.memory_space<vmem>>, vector<1x16xf32>,
        %get3A_837 = vector.shape_cast %get3A_836 : vector<1x16xf32> to vector<16xf32>
        %add3A_838 = arith.addf %add3A_778, %get3A_837 : vector<16xf32>
        %mul3A_839 = arith.mulf %get3A_837, %get3A_837 : vector<16xf32>
        %add3A_840 = arith.addf %add3A_780, %mul3A_839 : vector<16xf32>
        %max3A_841 = arith.maximumf %max3A_781, %get3A_837 : vector<16xf32>
        %min3A_842 = arith.minimumf %min3A_782, %get3A_837 : vector<16xf32>
        %add3A_843 = arith.constant 1 : i32
        %add3A_844 = arith.addi %mul3A_740, %add3A_843 : i32
        %get3A_845 = arith.constant 0 : i32
        %get3A_846 = arith.constant 0 : i32
        %get3A_847 = tpu.memref_slice %arg6[%scan3A_478, %get3A_845, %get3A_846] : memref<4x200x64xf32, #tpu.memory_space<vmem>> -> memref<1x200x64xf32, #tpu.memory_space<vmem>>
        %get3A_848 = tpu.memref_squeeze %get3A_847 : memref<1x200x64xf32, #tpu.memory_space<vmem>> -> memref<200x64xf32, #tpu.memory_space<vmem>>
        %get3A_849 = arith.index_cast %add3A_844 : i32 to index
        %get3A_850 = arith.constant 48 : index
        %get3A_851 = tpu.vector_load %get3A_848[%get3A_849, %get3A_850] {strides = array<i32>} : memref<200x64xf32, #tpu.memory_space<vmem>>, vector<1x16xf32>,
        %get3A_852 = vector.shape_cast %get3A_851 : vector<1x16xf32> to vector<16xf32>
        %add3A_853 = arith.addf %add3A_793, %get3A_852 : vector<16xf32>
        %mul3A_854 = arith.mulf %get3A_852, %get3A_852 : vector<16xf32>
        %add3A_855 = arith.addf %add3A_795, %mul3A_854 : vector<16xf32>
        %max3A_856 = arith.maximumf %max3A_796, %get3A_852 : vector<16xf32>
        %min3A_857 = arith.minimumf %min3A_797, %get3A_852 : vector<16xf32>
        %add3A_858 = arith.constant 2 : i32
        %add3A_859 = arith.addi %mul3A_740, %add3A_858 : i32
        %get3A_860 = arith.constant 0 : i32
        %get3A_861 = arith.constant 0 : i32
        %get3A_862 = tpu.memref_slice %arg6[%scan3A_478, %get3A_860, %get3A_861] : memref<4x200x64xf32, #tpu.memory_space<vmem>> -> memref<1x200x64xf32, #tpu.memory_space<vmem>>
        %get3A_863 = tpu.memref_squeeze %get3A_862 : memref<1x200x64xf32, #tpu.memory_space<vmem>> -> memref<200x64xf32, #tpu.memory_space<vmem>>
        %get3A_864 = arith.index_cast %add3A_859 : i32 to index
        %get3A_865 = arith.constant 0 : index
        %get3A_866 = tpu.vector_load %get3A_863[%get3A_864, %get3A_865] {strides = array<i32>} : memref<200x64xf32, #tpu.memory_space<vmem>>, vector<1x16xf32>,
        %get3A_867 = vector.shape_cast %get3A_866 : vector<1x16xf32> to vector<16xf32>
        %add3A_868 = arith.addf %add3A_808, %get3A_867 : vector<16xf32>
        %mul3A_869 = arith.mulf %get3A_867, %get3A_867 : vector<16xf32>
        %add3A_870 = arith.addf %add3A_810, %mul3A_869 : vector<16xf32>
        %max3A_871 = arith.maximumf %max3A_811, %get3A_867 : vector<16xf32>
        %min3A_872 = arith.minimumf %min3A_812, %get3A_867 : vector<16xf32>
        %add3A_873 = arith.constant 2 : i32
        %add3A_874 = arith.addi %mul3A_740, %add3A_873 : i32
        %get3A_875 = arith.constant 0 : i32
        %get3A_876 = arith.constant 0 : i32
        %get3A_877 = tpu.memref_slice %arg6[%scan3A_478, %get3A_875, %get3A_876] : memref<4x200x64xf32, #tpu.memory_space<vmem>> -> memref<1x200x64xf32, #tpu.memory_space<vmem>>
        %get3A_878 = tpu.memref_squeeze %get3A_877 : memref<1x200x64xf32, #tpu.memory_space<vmem>> -> memref<200x64xf32, #tpu.memory_space<vmem>>
        %get3A_879 = arith.index_cast %add3A_874 : i32 to index
        %get3A_880 = arith.constant 16 : index
        %get3A_881 = tpu.vector_load %get3A_878[%get3A_879, %get3A_880] {strides = array<i32>} : memref<200x64xf32, #tpu.memory_space<vmem>>, vector<1x16xf32>,
        %get3A_882 = vector.shape_cast %get3A_881 : vector<1x16xf32> to vector<16xf32>
        %add3A_883 = arith.addf %add3A_823, %get3A_882 : vector<16xf32>
        %mul3A_884 = arith.mulf %get3A_882, %get3A_882 : vector<16xf32>
        %add3A_885 = arith.addf %add3A_825, %mul3A_884 : vector<16xf32>
        %max3A_886 = arith.maximumf %max3A_826, %get3A_882 : vector<16xf32>
        %min3A_887 = arith.minimumf %min3A_827, %get3A_882 : vector<16xf32>
        %add3A_888 = arith.constant 2 : i32
        %add3A_889 = arith.addi %mul3A_740, %add3A_888 : i32
        %get3A_890 = arith.constant 0 : i32
        %get3A_891 = arith.constant 0 : i32
        %get3A_892 = tpu.memref_slice %arg6[%scan3A_478, %get3A_890, %get3A_891] : memref<4x200x64xf32, #tpu.memory_space<vmem>> -> memref<1x200x64xf32, #tpu.memory_space<vmem>>
        %get3A_893 = tpu.memref_squeeze %get3A_892 : memref<1x200x64xf32, #tpu.memory_space<vmem>> -> memref<200x64xf32, #tpu.memory_space<vmem>>
        %get3A_894 = arith.index_cast %add3A_889 : i32 to index
        %get3A_895 = arith.constant 32 : index
        %get3A_896 = tpu.vector_load %get3A_893[%get3A_894, %get3A_895] {strides = array<i32>} : memref<200x64xf32, #tpu.memory_space<vmem>>, vector<1x16xf32>,
        %get3A_897 = vector.shape_cast %get3A_896 : vector<1x16xf32> to vector<16xf32>
        %add3A_898 = arith.addf %add3A_838, %get3A_897 : vector<16xf32>
        %mul3A_899 = arith.mulf %get3A_897, %get3A_897 : vector<16xf32>
        %add3A_900 = arith.addf %add3A_840, %mul3A_899 : vector<16xf32>
        %max3A_901 = arith.maximumf %max3A_841, %get3A_897 : vector<16xf32>
        %min3A_902 = arith.minimumf %min3A_842, %get3A_897 : vector<16xf32>
        %add3A_903 = arith.constant 2 : i32
        %add3A_904 = arith.addi %mul3A_740, %add3A_903 : i32
        %get3A_905 = arith.constant 0 : i32
        %get3A_906 = arith.constant 0 : i32
        %get3A_907 = tpu.memref_slice %arg6[%scan3A_478, %get3A_905, %get3A_906] : memref<4x200x64xf32, #tpu.memory_space<vmem>> -> memref<1x200x64xf32, #tpu.memory_space<vmem>>
        %get3A_908 = tpu.memref_squeeze %get3A_907 : memref<1x200x64xf32, #tpu.memory_space<vmem>> -> memref<200x64xf32, #tpu.memory_space<vmem>>
        %get3A_909 = arith.index_cast %add3A_904 : i32 to index
        %get3A_910 = arith.constant 48 : index
        %get3A_911 = tpu.vector_load %get3A_908[%get3A_909, %get3A_910] {strides = array<i32>} : memref<200x64xf32, #tpu.memory_space<vmem>>, vector<1x16xf32>,
        %get3A_912 = vector.shape_cast %get3A_911 : vector<1x16xf32> to vector<16xf32>
        %add3A_913 = arith.addf %add3A_853, %get3A_912 : vector<16xf32>
        %mul3A_914 = arith.mulf %get3A_912, %get3A_912 : vector<16xf32>
        %add3A_915 = arith.addf %add3A_855, %mul3A_914 : vector<16xf32>
        %max3A_916 = arith.maximumf %max3A_856, %get3A_912 : vector<16xf32>
        %min3A_917 = arith.minimumf %min3A_857, %get3A_912 : vector<16xf32>
        %add3A_918 = arith.constant 3 : i32
        %add3A_919 = arith.addi %mul3A_740, %add3A_918 : i32
        %get3A_920 = arith.constant 0 : i32
        %get3A_921 = arith.constant 0 : i32
        %get3A_922 = tpu.memref_slice %arg6[%scan3A_478, %get3A_920, %get3A_921] : memref<4x200x64xf32, #tpu.memory_space<vmem>> -> memref<1x200x64xf32, #tpu.memory_space<vmem>>
        %get3A_923 = tpu.memref_squeeze %get3A_922 : memref<1x200x64xf32, #tpu.memory_space<vmem>> -> memref<200x64xf32, #tpu.memory_space<vmem>>
        %get3A_924 = arith.index_cast %add3A_919 : i32 to index
        %get3A_925 = arith.constant 0 : index
        %get3A_926 = tpu.vector_load %get3A_923[%get3A_924, %get3A_925] {strides = array<i32>} : memref<200x64xf32, #tpu.memory_space<vmem>>, vector<1x16xf32>,
        %get3A_927 = vector.shape_cast %get3A_926 : vector<1x16xf32> to vector<16xf32>
        %add3A_928 = arith.addf %add3A_868, %get3A_927 : vector<16xf32>
        %mul3A_929 = arith.mulf %get3A_927, %get3A_927 : vector<16xf32>
        %add3A_930 = arith.addf %add3A_870, %mul3A_929 : vector<16xf32>
        %max3A_931 = arith.maximumf %max3A_871, %get3A_927 : vector<16xf32>
        %min3A_932 = arith.minimumf %min3A_872, %get3A_927 : vector<16xf32>
        %add3A_933 = arith.constant 3 : i32
        %add3A_934 = arith.addi %mul3A_740, %add3A_933 : i32
        %get3A_935 = arith.constant 0 : i32
        %get3A_936 = arith.constant 0 : i32
        %get3A_937 = tpu.memref_slice %arg6[%scan3A_478, %get3A_935, %get3A_936] : memref<4x200x64xf32, #tpu.memory_space<vmem>> -> memref<1x200x64xf32, #tpu.memory_space<vmem>>
        %get3A_938 = tpu.memref_squeeze %get3A_937 : memref<1x200x64xf32, #tpu.memory_space<vmem>> -> memref<200x64xf32, #tpu.memory_space<vmem>>
        %get3A_939 = arith.index_cast %add3A_934 : i32 to index
        %get3A_940 = arith.constant 16 : index
        %get3A_941 = tpu.vector_load %get3A_938[%get3A_939, %get3A_940] {strides = array<i32>} : memref<200x64xf32, #tpu.memory_space<vmem>>, vector<1x16xf32>,
        %get3A_942 = vector.shape_cast %get3A_941 : vector<1x16xf32> to vector<16xf32>
        %add3A_943 = arith.addf %add3A_883, %get3A_942 : vector<16xf32>
        %mul3A_944 = arith.mulf %get3A_942, %get3A_942 : vector<16xf32>
        %add3A_945 = arith.addf %add3A_885, %mul3A_944 : vector<16xf32>
        %max3A_946 = arith.maximumf %max3A_886, %get3A_942 : vector<16xf32>
        %min3A_947 = arith.minimumf %min3A_887, %get3A_942 : vector<16xf32>
        %add3A_948 = arith.constant 3 : i32
        %add3A_949 = arith.addi %mul3A_740, %add3A_948 : i32
        %get3A_950 = arith.constant 0 : i32
        %get3A_951 = arith.constant 0 : i32
        %get3A_952 = tpu.memref_slice %arg6[%scan3A_478, %get3A_950, %get3A_951] : memref<4x200x64xf32, #tpu.memory_space<vmem>> -> memref<1x200x64xf32, #tpu.memory_space<vmem>>
        %get3A_953 = tpu.memref_squeeze %get3A_952 : memref<1x200x64xf32, #tpu.memory_space<vmem>> -> memref<200x64xf32, #tpu.memory_space<vmem>>
        %get3A_954 = arith.index_cast %add3A_949 : i32 to index
        %get3A_955 = arith.constant 32 : index
        %get3A_956 = tpu.vector_load %get3A_953[%get3A_954, %get3A_955] {strides = array<i32>} : memref<200x64xf32, #tpu.memory_space<vmem>>, vector<1x16xf32>,
        %get3A_957 = vector.shape_cast %get3A_956 : vector<1x16xf32> to vector<16xf32>
        %add3A_958 = arith.addf %add3A_898, %get3A_957 : vector<16xf32>
        %mul3A_959 = arith.mulf %get3A_957, %get3A_957 : vector<16xf32>
        %add3A_960 = arith.addf %add3A_900, %mul3A_959 : vector<16xf32>
        %max3A_961 = arith.maximumf %max3A_901, %get3A_957 : vector<16xf32>
        %min3A_962 = arith.minimumf %min3A_902, %get3A_957 : vector<16xf32>
        %add3A_963 = arith.constant 3 : i32
        %add3A_964 = arith.addi %mul3A_740, %add3A_963 : i32
        %get3A_965 = arith.constant 0 : i32
        %get3A_966 = arith.constant 0 : i32
        %get3A_967 = tpu.memref_slice %arg6[%scan3A_478, %get3A_965, %get3A_966] : memref<4x200x64xf32, #tpu.memory_space<vmem>> -> memref<1x200x64xf32, #tpu.memory_space<vmem>>
        %get3A_968 = tpu.memref_squeeze %get3A_967 : memref<1x200x64xf32, #tpu.memory_space<vmem>> -> memref<200x64xf32, #tpu.memory_space<vmem>>
        %get3A_969 = arith.index_cast %add3A_964 : i32 to index
        %get3A_970 = arith.constant 48 : index
        %get3A_971 = tpu.vector_load %get3A_968[%get3A_969, %get3A_970] {strides = array<i32>} : memref<200x64xf32, #tpu.memory_space<vmem>>, vector<1x16xf32>,
        %get3A_972 = vector.shape_cast %get3A_971 : vector<1x16xf32> to vector<16xf32>
        %add3A_973 = arith.addf %add3A_913, %get3A_972 : vector<16xf32>
        %mul3A_974 = arith.mulf %get3A_972, %get3A_972 : vector<16xf32>
        %add3A_975 = arith.addf %add3A_915, %mul3A_974 : vector<16xf32>
        %max3A_976 = arith.maximumf %max3A_916, %get3A_972 : vector<16xf32>
        %min3A_977 = arith.minimumf %min3A_917, %get3A_972 : vector<16xf32>
        %add3A_978 = arith.constant 4 : i32
        %add3A_979 = arith.addi %mul3A_740, %add3A_978 : i32
        %get3A_980 = arith.constant 0 : i32
        %get3A_981 = arith.constant 0 : i32
        %get3A_982 = tpu.memref_slice %arg6[%scan3A_478, %get3A_980, %get3A_981] : memref<4x200x64xf32, #tpu.memory_space<vmem>> -> memref<1x200x64xf32, #tpu.memory_space<vmem>>
        %get3A_983 = tpu.memref_squeeze %get3A_982 : memref<1x200x64xf32, #tpu.memory_space<vmem>> -> memref<200x64xf32, #tpu.memory_space<vmem>>
        %get3A_984 = arith.index_cast %add3A_979 : i32 to index
        %get3A_985 = arith.constant 0 : index
        %get3A_986 = tpu.vector_load %get3A_983[%get3A_984, %get3A_985] {strides = array<i32>} : memref<200x64xf32, #tpu.memory_space<vmem>>, vector<1x16xf32>,
        %get3A_987 = vector.shape_cast %get3A_986 : vector<1x16xf32> to vector<16xf32>
        %add3A_988 = arith.addf %add3A_928, %get3A_987 : vector<16xf32>
        %mul3A_989 = arith.mulf %get3A_987, %get3A_987 : vector<16xf32>
        %add3A_990 = arith.addf %add3A_930, %mul3A_989 : vector<16xf32>
        %max3A_991 = arith.maximumf %max3A_931, %get3A_987 : vector<16xf32>
        %min3A_992 = arith.minimumf %min3A_932, %get3A_987 : vector<16xf32>
        %add3A_993 = arith.constant 4 : i32
        %add3A_994 = arith.addi %mul3A_740, %add3A_993 : i32
        %get3A_995 = arith.constant 0 : i32
        %get3A_996 = arith.constant 0 : i32
        %get3A_997 = tpu.memref_slice %arg6[%scan3A_478, %get3A_995, %get3A_996] : memref<4x200x64xf32, #tpu.memory_space<vmem>> -> memref<1x200x64xf32, #tpu.memory_space<vmem>>
        %get3A_998 = tpu.memref_squeeze %get3A_997 : memref<1x200x64xf32, #tpu.memory_space<vmem>> -> memref<200x64xf32, #tpu.memory_space<vmem>>
        %get3A_999 = arith.index_cast %add3A_994 : i32 to index
        %get3A_1000 = arith.constant 16 : index
        %get3A_1001 = tpu.vector_load %get3A_998[%get3A_999, %get3A_1000] {strides = array<i32>} : memref<200x64xf32, #tpu.memory_space<vmem>>, vector<1x16xf32>,
        %get3A_1002 = vector.shape_cast %get3A_1001 : vector<1x16xf32> to vector<16xf32>
        %add3A_1003 = arith.addf %add3A_943, %get3A_1002 : vector<16xf32>
        %mul3A_1004 = arith.mulf %get3A_1002, %get3A_1002 : vector<16xf32>
        %add3A_1005 = arith.addf %add3A_945, %mul3A_1004 : vector<16xf32>
        %max3A_1006 = arith.maximumf %max3A_946, %get3A_1002 : vector<16xf32>
        %min3A_1007 = arith.minimumf %min3A_947, %get3A_1002 : vector<16xf32>
        %add3A_1008 = arith.constant 4 : i32
        %add3A_1009 = arith.addi %mul3A_740, %add3A_1008 : i32
        %get3A_1010 = arith.constant 0 : i32
        %get3A_1011 = arith.constant 0 : i32
        %get3A_1012 = tpu.memref_slice %arg6[%scan3A_478, %get3A_1010, %get3A_1011] : memref<4x200x64xf32, #tpu.memory_space<vmem>> -> memref<1x200x64xf32, #tpu.memory_space<vmem>>
        %get3A_1013 = tpu.memref_squeeze %get3A_1012 : memref<1x200x64xf32, #tpu.memory_space<vmem>> -> memref<200x64xf32, #tpu.memory_space<vmem>>
        %get3A_1014 = arith.index_cast %add3A_1009 : i32 to index
        %get3A_1015 = arith.constant 32 : index
        %get3A_1016 = tpu.vector_load %get3A_1013[%get3A_1014, %get3A_1015] {strides = array<i32>} : memref<200x64xf32, #tpu.memory_space<vmem>>, vector<1x16xf32>,
        %get3A_1017 = vector.shape_cast %get3A_1016 : vector<1x16xf32> to vector<16xf32>
        %add3A_1018 = arith.addf %add3A_958, %get3A_1017 : vector<16xf32>
        %mul3A_1019 = arith.mulf %get3A_1017, %get3A_1017 : vector<16xf32>
        %add3A_1020 = arith.addf %add3A_960, %mul3A_1019 : vector<16xf32>
        %max3A_1021 = arith.maximumf %max3A_961, %get3A_1017 : vector<16xf32>
        %min3A_1022 = arith.minimumf %min3A_962, %get3A_1017 : vector<16xf32>
        %add3A_1023 = arith.constant 4 : i32
        %add3A_1024 = arith.addi %mul3A_740, %add3A_1023 : i32
        %get3A_1025 = arith.constant 0 : i32
        %get3A_1026 = arith.constant 0 : i32
        %get3A_1027 = tpu.memref_slice %arg6[%scan3A_478, %get3A_1025, %get3A_1026] : memref<4x200x64xf32, #tpu.memory_space<vmem>> -> memref<1x200x64xf32, #tpu.memory_space<vmem>>
        %get3A_1028 = tpu.memref_squeeze %get3A_1027 : memref<1x200x64xf32, #tpu.memory_space<vmem>> -> memref<200x64xf32, #tpu.memory_space<vmem>>
        %get3A_1029 = arith.index_cast %add3A_1024 : i32 to index
        %get3A_1030 = arith.constant 48 : index
        %get3A_1031 = tpu.vector_load %get3A_1028[%get3A_1029, %get3A_1030] {strides = array<i32>} : memref<200x64xf32, #tpu.memory_space<vmem>>, vector<1x16xf32>,
        %get3A_1032 = vector.shape_cast %get3A_1031 : vector<1x16xf32> to vector<16xf32>
        %add3A_1033 = arith.addf %add3A_973, %get3A_1032 : vector<16xf32>
        %mul3A_1034 = arith.mulf %get3A_1032, %get3A_1032 : vector<16xf32>
        %add3A_1035 = arith.addf %add3A_975, %mul3A_1034 : vector<16xf32>
        %max3A_1036 = arith.maximumf %max3A_976, %get3A_1032 : vector<16xf32>
        %min3A_1037 = arith.minimumf %min3A_977, %get3A_1032 : vector<16xf32>
        %add3A_1038 = arith.constant 5 : i32
        %add3A_1039 = arith.addi %mul3A_740, %add3A_1038 : i32
        %get3A_1040 = arith.constant 0 : i32
        %get3A_1041 = arith.constant 0 : i32
        %get3A_1042 = tpu.memref_slice %arg6[%scan3A_478, %get3A_1040, %get3A_1041] : memref<4x200x64xf32, #tpu.memory_space<vmem>> -> memref<1x200x64xf32, #tpu.memory_space<vmem>>
        %get3A_1043 = tpu.memref_squeeze %get3A_1042 : memref<1x200x64xf32, #tpu.memory_space<vmem>> -> memref<200x64xf32, #tpu.memory_space<vmem>>
        %get3A_1044 = arith.index_cast %add3A_1039 : i32 to index
        %get3A_1045 = arith.constant 0 : index
        %get3A_1046 = tpu.vector_load %get3A_1043[%get3A_1044, %get3A_1045] {strides = array<i32>} : memref<200x64xf32, #tpu.memory_space<vmem>>, vector<1x16xf32>,
        %get3A_1047 = vector.shape_cast %get3A_1046 : vector<1x16xf32> to vector<16xf32>
        %add3A_1048 = arith.addf %add3A_988, %get3A_1047 : vector<16xf32>
        %mul3A_1049 = arith.mulf %get3A_1047, %get3A_1047 : vector<16xf32>
        %add3A_1050 = arith.addf %add3A_990, %mul3A_1049 : vector<16xf32>
        %max3A_1051 = arith.maximumf %max3A_991, %get3A_1047 : vector<16xf32>
        %min3A_1052 = arith.minimumf %min3A_992, %get3A_1047 : vector<16xf32>
        %add3A_1053 = arith.constant 5 : i32
        %add3A_1054 = arith.addi %mul3A_740, %add3A_1053 : i32
        %get3A_1055 = arith.constant 0 : i32
        %get3A_1056 = arith.constant 0 : i32
        %get3A_1057 = tpu.memref_slice %arg6[%scan3A_478, %get3A_1055, %get3A_1056] : memref<4x200x64xf32, #tpu.memory_space<vmem>> -> memref<1x200x64xf32, #tpu.memory_space<vmem>>
        %get3A_1058 = tpu.memref_squeeze %get3A_1057 : memref<1x200x64xf32, #tpu.memory_space<vmem>> -> memref<200x64xf32, #tpu.memory_space<vmem>>
        %get3A_1059 = arith.index_cast %add3A_1054 : i32 to index
        %get3A_1060 = arith.constant 16 : index
        %get3A_1061 = tpu.vector_load %get3A_1058[%get3A_1059, %get3A_1060] {strides = array<i32>} : memref<200x64xf32, #tpu.memory_space<vmem>>, vector<1x16xf32>,
        %get3A_1062 = vector.shape_cast %get3A_1061 : vector<1x16xf32> to vector<16xf32>
        %add3A_1063 = arith.addf %add3A_1003, %get3A_1062 : vector<16xf32>
        %mul3A_1064 = arith.mulf %get3A_1062, %get3A_1062 : vector<16xf32>
        %add3A_1065 = arith.addf %add3A_1005, %mul3A_1064 : vector<16xf32>
        %max3A_1066 = arith.maximumf %max3A_1006, %get3A_1062 : vector<16xf32>
        %min3A_1067 = arith.minimumf %min3A_1007, %get3A_1062 : vector<16xf32>
        %add3A_1068 = arith.constant 5 : i32
        %add3A_1069 = arith.addi %mul3A_740, %add3A_1068 : i32
        %get3A_1070 = arith.constant 0 : i32
        %get3A_1071 = arith.constant 0 : i32
        %get3A_1072 = tpu.memref_slice %arg6[%scan3A_478, %get3A_1070, %get3A_1071] : memref<4x200x64xf32, #tpu.memory_space<vmem>> -> memref<1x200x64xf32, #tpu.memory_space<vmem>>
        %get3A_1073 = tpu.memref_squeeze %get3A_1072 : memref<1x200x64xf32, #tpu.memory_space<vmem>> -> memref<200x64xf32, #tpu.memory_space<vmem>>
        %get3A_1074 = arith.index_cast %add3A_1069 : i32 to index
        %get3A_1075 = arith.constant 32 : index
        %get3A_1076 = tpu.vector_load %get3A_1073[%get3A_1074, %get3A_1075] {strides = array<i32>} : memref<200x64xf32, #tpu.memory_space<vmem>>, vector<1x16xf32>,
        %get3A_1077 = vector.shape_cast %get3A_1076 : vector<1x16xf32> to vector<16xf32>
        %add3A_1078 = arith.addf %add3A_1018, %get3A_1077 : vector<16xf32>
        %mul3A_1079 = arith.mulf %get3A_1077, %get3A_1077 : vector<16xf32>
        %add3A_1080 = arith.addf %add3A_1020, %mul3A_1079 : vector<16xf32>
        %max3A_1081 = arith.maximumf %max3A_1021, %get3A_1077 : vector<16xf32>
        %min3A_1082 = arith.minimumf %min3A_1022, %get3A_1077 : vector<16xf32>
        %add3A_1083 = arith.constant 5 : i32
        %add3A_1084 = arith.addi %mul3A_740, %add3A_1083 : i32
        %get3A_1085 = arith.constant 0 : i32
        %get3A_1086 = arith.constant 0 : i32
        %get3A_1087 = tpu.memref_slice %arg6[%scan3A_478, %get3A_1085, %get3A_1086] : memref<4x200x64xf32, #tpu.memory_space<vmem>> -> memref<1x200x64xf32, #tpu.memory_space<vmem>>
        %get3A_1088 = tpu.memref_squeeze %get3A_1087 : memref<1x200x64xf32, #tpu.memory_space<vmem>> -> memref<200x64xf32, #tpu.memory_space<vmem>>
        %get3A_1089 = arith.index_cast %add3A_1084 : i32 to index
        %get3A_1090 = arith.constant 48 : index
        %get3A_1091 = tpu.vector_load %get3A_1088[%get3A_1089, %get3A_1090] {strides = array<i32>} : memref<200x64xf32, #tpu.memory_space<vmem>>, vector<1x16xf32>,
        %get3A_1092 = vector.shape_cast %get3A_1091 : vector<1x16xf32> to vector<16xf32>
        %add3A_1093 = arith.addf %add3A_1033, %get3A_1092 : vector<16xf32>
        %mul3A_1094 = arith.mulf %get3A_1092, %get3A_1092 : vector<16xf32>
        %add3A_1095 = arith.addf %add3A_1035, %mul3A_1094 : vector<16xf32>
        %max3A_1096 = arith.maximumf %max3A_1036, %get3A_1092 : vector<16xf32>
        %min3A_1097 = arith.minimumf %min3A_1037, %get3A_1092 : vector<16xf32>
        %add3A_1098 = arith.constant 6 : i32
        %add3A_1099 = arith.addi %mul3A_740, %add3A_1098 : i32
        %get3A_1100 = arith.constant 0 : i32
        %get3A_1101 = arith.constant 0 : i32
        %get3A_1102 = tpu.memref_slice %arg6[%scan3A_478, %get3A_1100, %get3A_1101] : memref<4x200x64xf32, #tpu.memory_space<vmem>> -> memref<1x200x64xf32, #tpu.memory_space<vmem>>
        %get3A_1103 = tpu.memref_squeeze %get3A_1102 : memref<1x200x64xf32, #tpu.memory_space<vmem>> -> memref<200x64xf32, #tpu.memory_space<vmem>>
        %get3A_1104 = arith.index_cast %add3A_1099 : i32 to index
        %get3A_1105 = arith.constant 0 : index
        %get3A_1106 = tpu.vector_load %get3A_1103[%get3A_1104, %get3A_1105] {strides = array<i32>} : memref<200x64xf32, #tpu.memory_space<vmem>>, vector<1x16xf32>,
        %get3A_1107 = vector.shape_cast %get3A_1106 : vector<1x16xf32> to vector<16xf32>
        %add3A_1108 = arith.addf %add3A_1048, %get3A_1107 : vector<16xf32>
        %mul3A_1109 = arith.mulf %get3A_1107, %get3A_1107 : vector<16xf32>
        %add3A_1110 = arith.addf %add3A_1050, %mul3A_1109 : vector<16xf32>
        %max3A_1111 = arith.maximumf %max3A_1051, %get3A_1107 : vector<16xf32>
        %min3A_1112 = arith.minimumf %min3A_1052, %get3A_1107 : vector<16xf32>
        %add3A_1113 = arith.constant 6 : i32
        %add3A_1114 = arith.addi %mul3A_740, %add3A_1113 : i32
        %get3A_1115 = arith.constant 0 : i32
        %get3A_1116 = arith.constant 0 : i32
        %get3A_1117 = tpu.memref_slice %arg6[%scan3A_478, %get3A_1115, %get3A_1116] : memref<4x200x64xf32, #tpu.memory_space<vmem>> -> memref<1x200x64xf32, #tpu.memory_space<vmem>>
        %get3A_1118 = tpu.memref_squeeze %get3A_1117 : memref<1x200x64xf32, #tpu.memory_space<vmem>> -> memref<200x64xf32, #tpu.memory_space<vmem>>
        %get3A_1119 = arith.index_cast %add3A_1114 : i32 to index
        %get3A_1120 = arith.constant 16 : index
        %get3A_1121 = tpu.vector_load %get3A_1118[%get3A_1119, %get3A_1120] {strides = array<i32>} : memref<200x64xf32, #tpu.memory_space<vmem>>, vector<1x16xf32>,
        %get3A_1122 = vector.shape_cast %get3A_1121 : vector<1x16xf32> to vector<16xf32>
        %add3A_1123 = arith.addf %add3A_1063, %get3A_1122 : vector<16xf32>
        %mul3A_1124 = arith.mulf %get3A_1122, %get3A_1122 : vector<16xf32>
        %add3A_1125 = arith.addf %add3A_1065, %mul3A_1124 : vector<16xf32>
        %max3A_1126 = arith.maximumf %max3A_1066, %get3A_1122 : vector<16xf32>
        %min3A_1127 = arith.minimumf %min3A_1067, %get3A_1122 : vector<16xf32>
        %add3A_1128 = arith.constant 6 : i32
        %add3A_1129 = arith.addi %mul3A_740, %add3A_1128 : i32
        %get3A_1130 = arith.constant 0 : i32
        %get3A_1131 = arith.constant 0 : i32
        %get3A_1132 = tpu.memref_slice %arg6[%scan3A_478, %get3A_1130, %get3A_1131] : memref<4x200x64xf32, #tpu.memory_space<vmem>> -> memref<1x200x64xf32, #tpu.memory_space<vmem>>
        %get3A_1133 = tpu.memref_squeeze %get3A_1132 : memref<1x200x64xf32, #tpu.memory_space<vmem>> -> memref<200x64xf32, #tpu.memory_space<vmem>>
        %get3A_1134 = arith.index_cast %add3A_1129 : i32 to index
        %get3A_1135 = arith.constant 32 : index
        %get3A_1136 = tpu.vector_load %get3A_1133[%get3A_1134, %get3A_1135] {strides = array<i32>} : memref<200x64xf32, #tpu.memory_space<vmem>>, vector<1x16xf32>,
        %get3A_1137 = vector.shape_cast %get3A_1136 : vector<1x16xf32> to vector<16xf32>
        %add3A_1138 = arith.addf %add3A_1078, %get3A_1137 : vector<16xf32>
        %mul3A_1139 = arith.mulf %get3A_1137, %get3A_1137 : vector<16xf32>
        %add3A_1140 = arith.addf %add3A_1080, %mul3A_1139 : vector<16xf32>
        %max3A_1141 = arith.maximumf %max3A_1081, %get3A_1137 : vector<16xf32>
        %min3A_1142 = arith.minimumf %min3A_1082, %get3A_1137 : vector<16xf32>
        %add3A_1143 = arith.constant 6 : i32
        %add3A_1144 = arith.addi %mul3A_740, %add3A_1143 : i32
        %get3A_1145 = arith.constant 0 : i32
        %get3A_1146 = arith.constant 0 : i32
        %get3A_1147 = tpu.memref_slice %arg6[%scan3A_478, %get3A_1145, %get3A_1146] : memref<4x200x64xf32, #tpu.memory_space<vmem>> -> memref<1x200x64xf32, #tpu.memory_space<vmem>>
        %get3A_1148 = tpu.memref_squeeze %get3A_1147 : memref<1x200x64xf32, #tpu.memory_space<vmem>> -> memref<200x64xf32, #tpu.memory_space<vmem>>
        %get3A_1149 = arith.index_cast %add3A_1144 : i32 to index
        %get3A_1150 = arith.constant 48 : index
        %get3A_1151 = tpu.vector_load %get3A_1148[%get3A_1149, %get3A_1150] {strides = array<i32>} : memref<200x64xf32, #tpu.memory_space<vmem>>, vector<1x16xf32>,
        %get3A_1152 = vector.shape_cast %get3A_1151 : vector<1x16xf32> to vector<16xf32>
        %add3A_1153 = arith.addf %add3A_1093, %get3A_1152 : vector<16xf32>
        %mul3A_1154 = arith.mulf %get3A_1152, %get3A_1152 : vector<16xf32>
        %add3A_1155 = arith.addf %add3A_1095, %mul3A_1154 : vector<16xf32>
        %max3A_1156 = arith.maximumf %max3A_1096, %get3A_1152 : vector<16xf32>
        %min3A_1157 = arith.minimumf %min3A_1097, %get3A_1152 : vector<16xf32>
        %add3A_1158 = arith.constant 7 : i32
        %add3A_1159 = arith.addi %mul3A_740, %add3A_1158 : i32
        %get3A_1160 = arith.constant 0 : i32
        %get3A_1161 = arith.constant 0 : i32
        %get3A_1162 = tpu.memref_slice %arg6[%scan3A_478, %get3A_1160, %get3A_1161] : memref<4x200x64xf32, #tpu.memory_space<vmem>> -> memref<1x200x64xf32, #tpu.memory_space<vmem>>
        %get3A_1163 = tpu.memref_squeeze %get3A_1162 : memref<1x200x64xf32, #tpu.memory_space<vmem>> -> memref<200x64xf32, #tpu.memory_space<vmem>>
        %get3A_1164 = arith.index_cast %add3A_1159 : i32 to index
        %get3A_1165 = arith.constant 0 : index
        %get3A_1166 = tpu.vector_load %get3A_1163[%get3A_1164, %get3A_1165] {strides = array<i32>} : memref<200x64xf32, #tpu.memory_space<vmem>>, vector<1x16xf32>,
        %get3A_1167 = vector.shape_cast %get3A_1166 : vector<1x16xf32> to vector<16xf32>
        %add3A_1168 = arith.addf %add3A_1108, %get3A_1167 : vector<16xf32>
        %mul3A_1169 = arith.mulf %get3A_1167, %get3A_1167 : vector<16xf32>
        %add3A_1170 = arith.addf %add3A_1110, %mul3A_1169 : vector<16xf32>
        %max3A_1171 = arith.maximumf %max3A_1111, %get3A_1167 : vector<16xf32>
        %min3A_1172 = arith.minimumf %min3A_1112, %get3A_1167 : vector<16xf32>
        %add3A_1173 = arith.constant 7 : i32
        %add3A_1174 = arith.addi %mul3A_740, %add3A_1173 : i32
        %get3A_1175 = arith.constant 0 : i32
        %get3A_1176 = arith.constant 0 : i32
        %get3A_1177 = tpu.memref_slice %arg6[%scan3A_478, %get3A_1175, %get3A_1176] : memref<4x200x64xf32, #tpu.memory_space<vmem>> -> memref<1x200x64xf32, #tpu.memory_space<vmem>>
        %get3A_1178 = tpu.memref_squeeze %get3A_1177 : memref<1x200x64xf32, #tpu.memory_space<vmem>> -> memref<200x64xf32, #tpu.memory_space<vmem>>
        %get3A_1179 = arith.index_cast %add3A_1174 : i32 to index
        %get3A_1180 = arith.constant 16 : index
        %get3A_1181 = tpu.vector_load %get3A_1178[%get3A_1179, %get3A_1180] {strides = array<i32>} : memref<200x64xf32, #tpu.memory_space<vmem>>, vector<1x16xf32>,
        %get3A_1182 = vector.shape_cast %get3A_1181 : vector<1x16xf32> to vector<16xf32>
        %add3A_1183 = arith.addf %add3A_1123, %get3A_1182 : vector<16xf32>
        %mul3A_1184 = arith.mulf %get3A_1182, %get3A_1182 : vector<16xf32>
        %add3A_1185 = arith.addf %add3A_1125, %mul3A_1184 : vector<16xf32>
        %max3A_1186 = arith.maximumf %max3A_1126, %get3A_1182 : vector<16xf32>
        %min3A_1187 = arith.minimumf %min3A_1127, %get3A_1182 : vector<16xf32>
        %add3A_1188 = arith.constant 7 : i32
        %add3A_1189 = arith.addi %mul3A_740, %add3A_1188 : i32
        %get3A_1190 = arith.constant 0 : i32
        %get3A_1191 = arith.constant 0 : i32
        %get3A_1192 = tpu.memref_slice %arg6[%scan3A_478, %get3A_1190, %get3A_1191] : memref<4x200x64xf32, #tpu.memory_space<vmem>> -> memref<1x200x64xf32, #tpu.memory_space<vmem>>
        %get3A_1193 = tpu.memref_squeeze %get3A_1192 : memref<1x200x64xf32, #tpu.memory_space<vmem>> -> memref<200x64xf32, #tpu.memory_space<vmem>>
        %get3A_1194 = arith.index_cast %add3A_1189 : i32 to index
        %get3A_1195 = arith.constant 32 : index
        %get3A_1196 = tpu.vector_load %get3A_1193[%get3A_1194, %get3A_1195] {strides = array<i32>} : memref<200x64xf32, #tpu.memory_space<vmem>>, vector<1x16xf32>,
        %get3A_1197 = vector.shape_cast %get3A_1196 : vector<1x16xf32> to vector<16xf32>
        %add3A_1198 = arith.addf %add3A_1138, %get3A_1197 : vector<16xf32>
        %mul3A_1199 = arith.mulf %get3A_1197, %get3A_1197 : vector<16xf32>
        %add3A_1200 = arith.addf %add3A_1140, %mul3A_1199 : vector<16xf32>
        %max3A_1201 = arith.maximumf %max3A_1141, %get3A_1197 : vector<16xf32>
        %min3A_1202 = arith.minimumf %min3A_1142, %get3A_1197 : vector<16xf32>
        %add3A_1203 = arith.constant 7 : i32
        %add3A_1204 = arith.addi %mul3A_740, %add3A_1203 : i32
        %get3A_1205 = arith.constant 0 : i32
        %get3A_1206 = arith.constant 0 : i32
        %get3A_1207 = tpu.memref_slice %arg6[%scan3A_478, %get3A_1205, %get3A_1206] : memref<4x200x64xf32, #tpu.memory_space<vmem>> -> memref<1x200x64xf32, #tpu.memory_space<vmem>>
        %get3A_1208 = tpu.memref_squeeze %get3A_1207 : memref<1x200x64xf32, #tpu.memory_space<vmem>> -> memref<200x64xf32, #tpu.memory_space<vmem>>
        %get3A_1209 = arith.index_cast %add3A_1204 : i32 to index
        %get3A_1210 = arith.constant 48 : index
        %get3A_1211 = tpu.vector_load %get3A_1208[%get3A_1209, %get3A_1210] {strides = array<i32>} : memref<200x64xf32, #tpu.memory_space<vmem>>, vector<1x16xf32>,
        %get3A_1212 = vector.shape_cast %get3A_1211 : vector<1x16xf32> to vector<16xf32>
        %add3A_1213 = arith.addf %add3A_1153, %get3A_1212 : vector<16xf32>
        %mul3A_1214 = arith.mulf %get3A_1212, %get3A_1212 : vector<16xf32>
        %add3A_1215 = arith.addf %add3A_1155, %mul3A_1214 : vector<16xf32>
        %max3A_1216 = arith.maximumf %max3A_1156, %get3A_1212 : vector<16xf32>
        %min3A_1217 = arith.minimumf %min3A_1157, %get3A_1212 : vector<16xf32>
        scf.yield %add3A_1168, %add3A_1183, %add3A_1198, %add3A_1213, %add3A_1170, %add3A_1185, %add3A_1200, %add3A_1215, %max3A_1171, %max3A_1186, %max3A_1201, %max3A_1216, %min3A_1172, %min3A_1187, %min3A_1202, %min3A_1217 : vector<16xf32>, vector<16xf32>, vector<16xf32>, vector<16xf32>, vector<16xf32>, vector<16xf32>, vector<16xf32>, vector<16xf32>, vector<16xf32>, vector<16xf32>, vector<16xf32>, vector<16xf32>, vector<16xf32>, vector<16xf32>, vector<16xf32>, vector<16xf32>
      }
      %scan3A_484 = arith.constant 25 : i32
      %swap3A_485 = arith.index_cast %add3A_425 : i32 to index
      %swap3A_486 = arith.constant 0 : index
      %swap3A_487 = tpu.vector_load %arg7[%swap3A_485, %swap3A_486] {strides = array<i32>} : memref<128x256xf32, #tpu.memory_space<vmem>>, vector<1x16xf32>,
      %swap3A_488 = vector.shape_cast %swap3A_487 : vector<1x16xf32> to vector<16xf32>
      %swap3A_489 = vector.shape_cast %scan3A_483#0 : vector<16xf32> to vector<1x16xf32>
      tpu.vector_store %arg7[%swap3A_485, %swap3A_486], %swap3A_489 {strides = array<i32>} : memref<128x256xf32, #tpu.memory_space<vmem>>, vector<1x16xf32>,
      %swap3A_490 = arith.index_cast %add3A_425 : i32 to index
      %swap3A_491 = arith.constant 64 : index
      %swap3A_492 = tpu.vector_load %arg7[%swap3A_490, %swap3A_491] {strides = array<i32>} : memref<128x256xf32, #tpu.memory_space<vmem>>, vector<1x16xf32>,
      %swap3A_493 = vector.shape_cast %swap3A_492 : vector<1x16xf32> to vector<16xf32>
      %swap3A_494 = vector.shape_cast %scan3A_483#8 : vector<16xf32> to vector<1x16xf32>
      tpu.vector_store %arg7[%swap3A_490, %swap3A_491], %swap3A_494 {strides = array<i32>} : memref<128x256xf32, #tpu.memory_space<vmem>>, vector<1x16xf32>,
      %swap3A_495 = arith.index_cast %add3A_425 : i32 to index
      %swap3A_496 = arith.constant 128 : index
      %swap3A_497 = tpu.vector_load %arg7[%swap3A_495, %swap3A_496] {strides = array<i32>} : memref<128x256xf32, #tpu.memory_space<vmem>>, vector<1x16xf32>,
      %swap3A_498 = vector.shape_cast %swap3A_497 : vector<1x16xf32> to vector<16xf32>
      %swap3A_499 = vector.shape_cast %scan3A_483#12 : vector<16xf32> to vector<1x16xf32>
      tpu.vector_store %arg7[%swap3A_495, %swap3A_496], %swap3A_499 {strides = array<i32>} : memref<128x256xf32, #tpu.memory_space<vmem>>, vector<1x16xf32>,
      %swap3A_500 = arith.index_cast %add3A_425 : i32 to index
      %swap3A_501 = arith.constant 192 : index
      %swap3A_502 = tpu.vector_load %arg7[%swap3A_500, %swap3A_501] {strides = array<i32>} : memref<128x256xf32, #tpu.memory_space<vmem>>, vector<1x16xf32>,
      %swap3A_503 = vector.shape_cast %swap3A_502 : vector<1x16xf32> to vector<16xf32>
      %swap3A_504 = vector.shape_cast %scan3A_483#4 : vector<16xf32> to vector<1x16xf32>
      tpu.vector_store %arg7[%swap3A_500, %swap3A_501], %swap3A_504 {strides = array<i32>} : memref<128x256xf32, #tpu.memory_space<vmem>>, vector<1x16xf32>,
      %swap3A_505 = arith.index_cast %add3A_425 : i32 to index
      %swap3A_506 = arith.constant 16 : index
      %swap3A_507 = tpu.vector_load %arg7[%swap3A_505, %swap3A_506] {strides = array<i32>} : memref<128x256xf32, #tpu.memory_space<vmem>>, vector<1x16xf32>,
      %swap3A_508 = vector.shape_cast %swap3A_507 : vector<1x16xf32> to vector<16xf32>
      %swap3A_509 = vector.shape_cast %scan3A_483#1 : vector<16xf32> to vector<1x16xf32>
      tpu.vector_store %arg7[%swap3A_505, %swap3A_506], %swap3A_509 {strides = array<i32>} : memref<128x256xf32, #tpu.memory_space<vmem>>, vector<1x16xf32>,
      %swap3A_510 = arith.index_cast %add3A_425 : i32 to index
      %swap3A_511 = arith.constant 80 : index
      %swap3A_512 = tpu.vector_load %arg7[%swap3A_510, %swap3A_511] {strides = array<i32>} : memref<128x256xf32, #tpu.memory_space<vmem>>, vector<1x16xf32>,
      %swap3A_513 = vector.shape_cast %swap3A_512 : vector<1x16xf32> to vector<16xf32>
      %swap3A_514 = vector.shape_cast %scan3A_483#9 : vector<16xf32> to vector<1x16xf32>
      tpu.vector_store %arg7[%swap3A_510, %swap3A_511], %swap3A_514 {strides = array<i32>} : memref<128x256xf32, #tpu.memory_space<vmem>>, vector<1x16xf32>,
      %swap3A_515 = arith.index_cast %add3A_425 : i32 to index
      %swap3A_516 = arith.constant 144 : index
      %swap3A_517 = tpu.vector_load %arg7[%swap3A_515, %swap3A_516] {strides = array<i32>} : memref<128x256xf32, #tpu.memory_space<vmem>>, vector<1x16xf32>,
      %swap3A_518 = vector.shape_cast %swap3A_517 : vector<1x16xf32> to vector<16xf32>
      %swap3A_519 = vector.shape_cast %scan3A_483#13 : vector<16xf32> to vector<1x16xf32>
      tpu.vector_store %arg7[%swap3A_515, %swap3A_516], %swap3A_519 {strides = array<i32>} : memref<128x256xf32, #tpu.memory_space<vmem>>, vector<1x16xf32>,
      %swap3A_520 = arith.index_cast %add3A_425 : i32 to index
      %swap3A_521 = arith.constant 208 : index
      %swap3A_522 = tpu.vector_load %arg7[%swap3A_520, %swap3A_521] {strides = array<i32>} : memref<128x256xf32, #tpu.memory_space<vmem>>, vector<1x16xf32>,
      %swap3A_523 = vector.shape_cast %swap3A_522 : vector<1x16xf32> to vector<16xf32>
      %swap3A_524 = vector.shape_cast %scan3A_483#5 : vector<16xf32> to vector<1x16xf32>
      tpu.vector_store %arg7[%swap3A_520, %swap3A_521], %swap3A_524 {strides = array<i32>} : memref<128x256xf32, #tpu.memory_space<vmem>>, vector<1x16xf32>,
      %swap3A_525 = arith.index_cast %add3A_425 : i32 to index
      %swap3A_526 = arith.constant 32 : index
      %swap3A_527 = tpu.vector_load %arg7[%swap3A_525, %swap3A_526] {strides = array<i32>} : memref<128x256xf32, #tpu.memory_space<vmem>>, vector<1x16xf32>,
      %swap3A_528 = vector.shape_cast %swap3A_527 : vector<1x16xf32> to vector<16xf32>
      %swap3A_529 = vector.shape_cast %scan3A_483#2 : vector<16xf32> to vector<1x16xf32>
      tpu.vector_store %arg7[%swap3A_525, %swap3A_526], %swap3A_529 {strides = array<i32>} : memref<128x256xf32, #tpu.memory_space<vmem>>, vector<1x16xf32>,
      %swap3A_530 = arith.index_cast %add3A_425 : i32 to index
      %swap3A_531 = arith.constant 96 : index
      %swap3A_532 = tpu.vector_load %arg7[%swap3A_530, %swap3A_531] {strides = array<i32>} : memref<128x256xf32, #tpu.memory_space<vmem>>, vector<1x16xf32>,
      %swap3A_533 = vector.shape_cast %swap3A_532 : vector<1x16xf32> to vector<16xf32>
      %swap3A_534 = vector.shape_cast %scan3A_483#10 : vector<16xf32> to vector<1x16xf32>
      tpu.vector_store %arg7[%swap3A_530, %swap3A_531], %swap3A_534 {strides = array<i32>} : memref<128x256xf32, #tpu.memory_space<vmem>>, vector<1x16xf32>,
      %swap3A_535 = arith.index_cast %add3A_425 : i32 to index
      %swap3A_536 = arith.constant 160 : index
      %swap3A_537 = tpu.vector_load %arg7[%swap3A_535, %swap3A_536] {strides = array<i32>} : memref<128x256xf32, #tpu.memory_space<vmem>>, vector<1x16xf32>,
      %swap3A_538 = vector.shape_cast %swap3A_537 : vector<1x16xf32> to vector<16xf32>
      %swap3A_539 = vector.shape_cast %scan3A_483#14 : vector<16xf32> to vector<1x16xf32>
      tpu.vector_store %arg7[%swap3A_535, %swap3A_536], %swap3A_539 {strides = array<i32>} : memref<128x256xf32, #tpu.memory_space<vmem>>, vector<1x16xf32>,
      %swap3A_540 = arith.index_cast %add3A_425 : i32 to index
      %swap3A_541 = arith.constant 224 : index
      %swap3A_542 = tpu.vector_load %arg7[%swap3A_540, %swap3A_541] {strides = array<i32>} : memref<128x256xf32, #tpu.memory_space<vmem>>, vector<1x16xf32>,
      %swap3A_543 = vector.shape_cast %swap3A_542 : vector<1x16xf32> to vector<16xf32>
      %swap3A_544 = vector.shape_cast %scan3A_483#6 : vector<16xf32> to vector<1x16xf32>
      tpu.vector_store %arg7[%swap3A_540, %swap3A_541], %swap3A_544 {strides = array<i32>} : memref<128x256xf32, #tpu.memory_space<vmem>>, vector<1x16xf32>,
      %swap3A_545 = arith.index_cast %add3A_425 : i32 to index
      %swap3A_546 = arith.constant 48 : index
      %swap3A_547 = tpu.vector_load %arg7[%swap3A_545, %swap3A_546] {strides = array<i32>} : memref<128x256xf32, #tpu.memory_space<vmem>>, vector<1x16xf32>,
      %swap3A_548 = vector.shape_cast %swap3A_547 : vector<1x16xf32> to vector<16xf32>
      %swap3A_549 = vector.shape_cast %scan3A_483#3 : vector<16xf32> to vector<1x16xf32>
      tpu.vector_store %arg7[%swap3A_545, %swap3A_546], %swap3A_549 {strides = array<i32>} : memref<128x256xf32, #tpu.memory_space<vmem>>, vector<1x16xf32>,
      %swap3A_550 = arith.index_cast %add3A_425 : i32 to index
      %swap3A_551 = arith.constant 112 : index
      %swap3A_552 = tpu.vector_load %arg7[%swap3A_550, %swap3A_551] {strides = array<i32>} : memref<128x256xf32, #tpu.memory_space<vmem>>, vector<1x16xf32>,
      %swap3A_553 = vector.shape_cast %swap3A_552 : vector<1x16xf32> to vector<16xf32>
      %swap3A_554 = vector.shape_cast %scan3A_483#11 : vector<16xf32> to vector<1x16xf32>
      tpu.vector_store %arg7[%swap3A_550, %swap3A_551], %swap3A_554 {strides = array<i32>} : memref<128x256xf32, #tpu.memory_space<vmem>>, vector<1x16xf32>,
      %swap3A_555 = arith.index_cast %add3A_425 : i32 to index
      %swap3A_556 = arith.constant 176 : index
      %swap3A_557 = tpu.vector_load %arg7[%swap3A_555, %swap3A_556] {strides = array<i32>} : memref<128x256xf32, #tpu.memory_space<vmem>>, vector<1x16xf32>,
      %swap3A_558 = vector.shape_cast %swap3A_557 : vector<1x16xf32> to vector<16xf32>
      %swap3A_559 = vector.shape_cast %scan3A_483#15 : vector<16xf32> to vector<1x16xf32>
      tpu.vector_store %arg7[%swap3A_555, %swap3A_556], %swap3A_559 {strides = array<i32>} : memref<128x256xf32, #tpu.memory_space<vmem>>, vector<1x16xf32>,
      %swap3A_560 = arith.index_cast %add3A_425 : i32 to index
      %swap3A_561 = arith.constant 240 : index
      %swap3A_562 = tpu.vector_load %arg7[%swap3A_560, %swap3A_561] {strides = array<i32>} : memref<128x256xf32, #tpu.memory_space<vmem>>, vector<1x16xf32>,
      %swap3A_563 = vector.shape_cast %swap3A_562 : vector<1x16xf32> to vector<16xf32>
      %swap3A_564 = vector.shape_cast %scan3A_483#7 : vector<16xf32> to vector<1x16xf32>
      tpu.vector_store %arg7[%swap3A_560, %swap3A_561], %swap3A_564 {strides = array<i32>} : memref<128x256xf32, #tpu.memory_space<vmem>>, vector<1x16xf32>,
      %add3A_565 = arith.constant 4 : i32
      %add3A_566 = arith.addi %add3A_425, %add3A_565 : i32
      %lt3A_567 = arith.constant 128 : i32
      %lt3A_568 = arith.cmpi slt, %add3A_566, %lt3A_567 : i32
      %convert_element_type3A_569 = arith.extui %lt3A_568 : i1 to i32
      %cond3A_570 = arith.constant 0 : i32
      %cond3A_571 = arith.cmpi ne, %convert_element_type3A_569, %cond3A_570 : i32
      scf.if %cond3A_571 {
        %add3A_722 = arith.constant 4 : i32
        %add3A_723 = arith.addi %add3A_425, %add3A_722 : i32
        %dma_start3A_724 = arith.constant 2 : i32
        %dma_start3A_725 = arith.constant 0 : i32
        %dma_start3A_726 = arith.constant 0 : i32
        %dma_start3A_727 = tpu.memref_slice %arg6[%dma_start3A_724, %dma_start3A_725, %dma_start3A_726] : memref<4x200x64xf32, #tpu.memory_space<vmem>> -> memref<1x200x64xf32, #tpu.memory_space<vmem>>
        %dma_start3A_728 = tpu.memref_squeeze %dma_start3A_727 : memref<1x200x64xf32, #tpu.memory_space<vmem>> -> memref<200x64xf32, #tpu.memory_space<vmem>>
        %dma_start3A_729 = arith.constant 0 : i32
        %dma_start3A_730 = arith.constant 0 : i32
        %dma_start3A_731 = tpu.memref_slice %dma_start3A_728[%dma_start3A_729, %dma_start3A_730] : memref<200x64xf32, #tpu.memory_space<vmem>> -> memref<128x64xf32, #tpu.memory_space<vmem>>
        %dma_start3A_732 = arith.constant 0 : i32
        %dma_start3A_733 = tpu.memref_slice %arg5[%add3A_723, %dma_start3A_732] : memref<128x200xi32, #tpu.memory_space<vmem>> -> memref<1x128xi32, #tpu.memory_space<vmem>>
        %dma_start3A_734 = tpu.memref_squeeze %dma_start3A_733 : memref<1x128xi32, #tpu.memory_space<vmem>> -> memref<128xi32, #tpu.memory_space<vmem>>
        %dma_start3A_735 = arith.constant 0 : i32
        %dma_start3A_736 = arith.constant 0 : i32
        %dma_start3A_737 = tpu.memref_slice %arg3[%dma_start3A_735, %dma_start3A_736] : memref<1015808x64xf32, #tpu.memory_space<hbm>> -> memref<1015808x64xf32, #tpu.memory_space<hbm>>
        tpu.enqueue_indirect_dma source(%dma_start3A_737 : memref<1015808x64xf32, #tpu.memory_space<hbm>>) target(%dma_start3A_731 : memref<128x64xf32, #tpu.memory_space<vmem>>) offsets(%dma_start3A_734 : memref<128xi32, #tpu.memory_space<vmem>>) semaphore(%arg10 : memref<!tpu.dma_semaphore, #tpu.memory_space<semaphore_mem>>)
        %dma_start3A_738 = arith.constant 2 : i32
        %dma_start3A_739 = arith.constant 0 : i32
        %dma_start3A_740 = arith.constant 0 : i32
        %dma_start3A_741 = tpu.memref_slice %arg6[%dma_start3A_738, %dma_start3A_739, %dma_start3A_740] : memref<4x200x64xf32, #tpu.memory_space<vmem>> -> memref<1x200x64xf32, #tpu.memory_space<vmem>>
        %dma_start3A_742 = tpu.memref_squeeze %dma_start3A_741 : memref<1x200x64xf32, #tpu.memory_space<vmem>> -> memref<200x64xf32, #tpu.memory_space<vmem>>
        %dma_start3A_743 = arith.constant 128 : i32
        %dma_start3A_744 = arith.constant 0 : i32
        %dma_start3A_745 = tpu.memref_slice %dma_start3A_742[%dma_start3A_743, %dma_start3A_744] : memref<200x64xf32, #tpu.memory_space<vmem>> -> memref<72x64xf32, #tpu.memory_space<vmem>>
        %dma_start3A_746 = arith.constant 128 : i32
        %dma_start3A_747 = tpu.memref_slice %arg5[%add3A_723, %dma_start3A_746] : memref<128x200xi32, #tpu.memory_space<vmem>> -> memref<1x72xi32, #tpu.memory_space<vmem>>
        %dma_start3A_748 = tpu.memref_squeeze %dma_start3A_747 : memref<1x72xi32, #tpu.memory_space<vmem>> -> memref<72xi32, #tpu.memory_space<vmem>>
        %dma_start3A_749 = arith.constant 0 : i32
        %dma_start3A_750 = arith.constant 0 : i32
        %dma_start3A_751 = tpu.memref_slice %arg3[%dma_start3A_749, %dma_start3A_750] : memref<1015808x64xf32, #tpu.memory_space<hbm>> -> memref<1015808x64xf32, #tpu.memory_space<hbm>>
        tpu.enqueue_indirect_dma source(%dma_start3A_751 : memref<1015808x64xf32, #tpu.memory_space<hbm>>) target(%dma_start3A_745 : memref<72x64xf32, #tpu.memory_space<vmem>>) offsets(%dma_start3A_748 : memref<72xi32, #tpu.memory_space<vmem>>) semaphore(%arg10 : memref<!tpu.dma_semaphore, #tpu.memory_space<semaphore_mem>>)
      } else {
      }
      %mul3A_572 = arith.constant 4 : i32
      %mul3A_573 = arith.muli %scan3A_127, %mul3A_572 : i32
      %add3A_574 = arith.constant 3 : i32
      %add3A_575 = arith.addi %mul3A_573, %add3A_574 : i32
      %dma_wait3A_576 = arith.constant 3 : i32
      %dma_wait3A_577 = arith.constant 0 : i32
      %dma_wait3A_578 = arith.constant 0 : i32
      %dma_wait3A_579 = tpu.memref_slice %arg6[%dma_wait3A_576, %dma_wait3A_577, %dma_wait3A_578] : memref<4x200x64xf32, #tpu.memory_space<vmem>> -> memref<1x200x64xf32, #tpu.memory_space<vmem>>
      %dma_wait3A_580 = tpu.memref_squeeze %dma_wait3A_579 : memref<1x200x64xf32, #tpu.memory_space<vmem>> -> memref<200x64xf32, #tpu.memory_space<vmem>>
      %dma_wait3A_581 = arith.constant 0 : i32
      %dma_wait3A_582 = arith.constant 0 : i32
      %dma_wait3A_583 = tpu.memref_slice %dma_wait3A_580[%dma_wait3A_581, %dma_wait3A_582] : memref<200x64xf32, #tpu.memory_space<vmem>> -> memref<128x64xf32, #tpu.memory_space<vmem>>
      %dma_wait3A_584 = arith.constant 0 : i32
      %dma_wait3A_585 = tpu.memref_slice %arg5[%add3A_575, %dma_wait3A_584] : memref<128x200xi32, #tpu.memory_space<vmem>> -> memref<1x128xi32, #tpu.memory_space<vmem>>
      %dma_wait3A_586 = tpu.memref_squeeze %dma_wait3A_585 : memref<1x128xi32, #tpu.memory_space<vmem>> -> memref<128xi32, #tpu.memory_space<vmem>>
      %dma_wait3A_587 = arith.constant 0 : i32
      %dma_wait3A_588 = arith.constant 0 : i32
      %dma_wait3A_589 = tpu.memref_slice %arg3[%dma_wait3A_587, %dma_wait3A_588] : memref<1015808x64xf32, #tpu.memory_space<hbm>> -> memref<1015808x64xf32, #tpu.memory_space<hbm>>
      tpu.wait_indirect_dma semaphore(%arg11 : memref<!tpu.dma_semaphore, #tpu.memory_space<semaphore_mem>>) src(%dma_wait3A_589 : memref<1015808x64xf32, #tpu.memory_space<hbm>>) dst(%dma_wait3A_583 : memref<128x64xf32, #tpu.memory_space<vmem>>)
      %dma_wait3A_590 = arith.constant 3 : i32
      %dma_wait3A_591 = arith.constant 0 : i32
      %dma_wait3A_592 = arith.constant 0 : i32
      %dma_wait3A_593 = tpu.memref_slice %arg6[%dma_wait3A_590, %dma_wait3A_591, %dma_wait3A_592] : memref<4x200x64xf32, #tpu.memory_space<vmem>> -> memref<1x200x64xf32, #tpu.memory_space<vmem>>
      %dma_wait3A_594 = tpu.memref_squeeze %dma_wait3A_593 : memref<1x200x64xf32, #tpu.memory_space<vmem>> -> memref<200x64xf32, #tpu.memory_space<vmem>>
      %dma_wait3A_595 = arith.constant 128 : i32
      %dma_wait3A_596 = arith.constant 0 : i32
      %dma_wait3A_597 = tpu.memref_slice %dma_wait3A_594[%dma_wait3A_595, %dma_wait3A_596] : memref<200x64xf32, #tpu.memory_space<vmem>> -> memref<72x64xf32, #tpu.memory_space<vmem>>
      %dma_wait3A_598 = arith.constant 128 : i32
      %dma_wait3A_599 = tpu.memref_slice %arg5[%add3A_575, %dma_wait3A_598] : memref<128x200xi32, #tpu.memory_space<vmem>> -> memref<1x72xi32, #tpu.memory_space<vmem>>
      %dma_wait3A_600 = tpu.memref_squeeze %dma_wait3A_599 : memref<1x72xi32, #tpu.memory_space<vmem>> -> memref<72xi32, #tpu.memory_space<vmem>>
      %dma_wait3A_601 = arith.constant 0 : i32
      %dma_wait3A_602 = arith.constant 0 : i32
      %dma_wait3A_603 = tpu.memref_slice %arg3[%dma_wait3A_601, %dma_wait3A_602] : memref<1015808x64xf32, #tpu.memory_space<hbm>> -> memref<1015808x64xf32, #tpu.memory_space<hbm>>
      tpu.wait_indirect_dma semaphore(%arg11 : memref<!tpu.dma_semaphore, #tpu.memory_space<semaphore_mem>>) src(%dma_wait3A_603 : memref<1015808x64xf32, #tpu.memory_space<hbm>>) dst(%dma_wait3A_597 : memref<72x64xf32, #tpu.memory_space<vmem>>)
      %broadcast_in_dim3A_604 = arith.constant 0.000000e+00 : f32
      %broadcast_in_dim3A_605 = vector.broadcast %broadcast_in_dim3A_604 : f32 to vector<16xf32>
      %broadcast_in_dim3A_606 = arith.constant 0.000000e+00 : f32
      %broadcast_in_dim3A_607 = vector.broadcast %broadcast_in_dim3A_606 : f32 to vector<16xf32>
      %broadcast_in_dim3A_608 = arith.constant 0.000000e+00 : f32
      %broadcast_in_dim3A_609 = vector.broadcast %broadcast_in_dim3A_608 : f32 to vector<16xf32>
      %broadcast_in_dim3A_610 = arith.constant 0.000000e+00 : f32
      %broadcast_in_dim3A_611 = vector.broadcast %broadcast_in_dim3A_610 : f32 to vector<16xf32>
      %broadcast_in_dim3A_612 = arith.constant 0xFF800000 : f32
      %broadcast_in_dim3A_613 = vector.broadcast %broadcast_in_dim3A_612 : f32 to vector<16xf32>
      %broadcast_in_dim3A_614 = arith.constant 0xFF800000 : f32
      %broadcast_in_dim3A_615 = vector.broadcast %broadcast_in_dim3A_614 : f32 to vector<16xf32>
      %broadcast_in_dim3A_616 = arith.constant 0xFF800000 : f32
      %broadcast_in_dim3A_617 = vector.broadcast %broadcast_in_dim3A_616 : f32 to vector<16xf32>
      %broadcast_in_dim3A_618 = arith.constant 0xFF800000 : f32
      %broadcast_in_dim3A_619 = vector.broadcast %broadcast_in_dim3A_618 : f32 to vector<16xf32>
      %broadcast_in_dim3A_620 = arith.constant 0x7F800000 : f32
      %broadcast_in_dim3A_621 = vector.broadcast %broadcast_in_dim3A_620 : f32 to vector<16xf32>
      %broadcast_in_dim3A_622 = arith.constant 0x7F800000 : f32
      %broadcast_in_dim3A_623 = vector.broadcast %broadcast_in_dim3A_622 : f32 to vector<16xf32>
      %broadcast_in_dim3A_624 = arith.constant 0x7F800000 : f32
      %broadcast_in_dim3A_625 = vector.broadcast %broadcast_in_dim3A_624 : f32 to vector<16xf32>
      %broadcast_in_dim3A_626 = arith.constant 0x7F800000 : f32
      %broadcast_in_dim3A_627 = vector.broadcast %broadcast_in_dim3A_626 : f32 to vector<16xf32>
      %scan3A_628 = arith.constant 3 : i32
      %scan3A_629 = arith.constant 0 : i32
      %scan3A_630 = arith.constant 25 : i32
      %scan3A_631 = arith.addi %scan3A_629, %scan3A_630 : i32
      %scan3A_632 = arith.constant 1 : i32
      %scan3A_633:16 = scf.for %scan3A_722 = %scan3A_629 to %scan3A_631 step %scan3A_632 iter_args(%scan3A_723 = %broadcast_in_dim3A_605, %scan3A_724 = %broadcast_in_dim3A_607, %scan3A_725 = %broadcast_in_dim3A_609, %scan3A_726 = %broadcast_in_dim3A_611, %scan3A_727 = %broadcast_in_dim3A_605, %scan3A_728 = %broadcast_in_dim3A_607, %scan3A_729 = %broadcast_in_dim3A_609, %scan3A_730 = %broadcast_in_dim3A_611, %scan3A_731 = %broadcast_in_dim3A_613, %scan3A_732 = %broadcast_in_dim3A_615, %scan3A_733 = %broadcast_in_dim3A_617, %scan3A_734 = %broadcast_in_dim3A_619, %scan3A_735 = %broadcast_in_dim3A_621, %scan3A_736 = %broadcast_in_dim3A_623, %scan3A_737 = %broadcast_in_dim3A_625, %scan3A_738 = %broadcast_in_dim3A_627) -> (vector<16xf32>, vector<16xf32>, vector<16xf32>, vector<16xf32>, vector<16xf32>, vector<16xf32>, vector<16xf32>, vector<16xf32>, vector<16xf32>, vector<16xf32>, vector<16xf32>, vector<16xf32>, vector<16xf32>, vector<16xf32>, vector<16xf32>, vector<16xf32>)  : i32 {
        %mul3A_739 = arith.constant 8 : i32
        %mul3A_740 = arith.muli %scan3A_722, %mul3A_739 : i32
        %add3A_741 = arith.constant 0 : i32
        %add3A_742 = arith.addi %mul3A_740, %add3A_741 : i32
        %get3A = arith.constant 0 : i32
        %get3A_743 = arith.constant 0 : i32
        %get3A_744 = tpu.memref_slice %arg6[%scan3A_628, %get3A, %get3A_743] : memref<4x200x64xf32, #tpu.memory_space<vmem>> -> memref<1x200x64xf32, #tpu.memory_space<vmem>>
        %get3A_745 = tpu.memref_squeeze %get3A_744 : memref<1x200x64xf32, #tpu.memory_space<vmem>> -> memref<200x64xf32, #tpu.memory_space<vmem>>
        %get3A_746 = arith.index_cast %add3A_742 : i32 to index
        %get3A_747 = arith.constant 0 : index
        %get3A_748 = tpu.vector_load %get3A_745[%get3A_746, %get3A_747] {strides = array<i32>} : memref<200x64xf32, #tpu.memory_space<vmem>>, vector<1x16xf32>,
        %get3A_749 = vector.shape_cast %get3A_748 : vector<1x16xf32> to vector<16xf32>
        %add3A_750 = arith.addf %scan3A_723, %get3A_749 : vector<16xf32>
        %mul3A_751 = arith.mulf %get3A_749, %get3A_749 : vector<16xf32>
        %add3A_752 = arith.addf %scan3A_727, %mul3A_751 : vector<16xf32>
        %max3A = arith.maximumf %scan3A_731, %get3A_749 : vector<16xf32>
        %min3A = arith.minimumf %scan3A_735, %get3A_749 : vector<16xf32>
        %add3A_753 = arith.constant 0 : i32
        %add3A_754 = arith.addi %mul3A_740, %add3A_753 : i32
        %get3A_755 = arith.constant 0 : i32
        %get3A_756 = arith.constant 0 : i32
        %get3A_757 = tpu.memref_slice %arg6[%scan3A_628, %get3A_755, %get3A_756] : memref<4x200x64xf32, #tpu.memory_space<vmem>> -> memref<1x200x64xf32, #tpu.memory_space<vmem>>
        %get3A_758 = tpu.memref_squeeze %get3A_757 : memref<1x200x64xf32, #tpu.memory_space<vmem>> -> memref<200x64xf32, #tpu.memory_space<vmem>>
        %get3A_759 = arith.index_cast %add3A_754 : i32 to index
        %get3A_760 = arith.constant 16 : index
        %get3A_761 = tpu.vector_load %get3A_758[%get3A_759, %get3A_760] {strides = array<i32>} : memref<200x64xf32, #tpu.memory_space<vmem>>, vector<1x16xf32>,
        %get3A_762 = vector.shape_cast %get3A_761 : vector<1x16xf32> to vector<16xf32>
        %add3A_763 = arith.addf %scan3A_724, %get3A_762 : vector<16xf32>
        %mul3A_764 = arith.mulf %get3A_762, %get3A_762 : vector<16xf32>
        %add3A_765 = arith.addf %scan3A_728, %mul3A_764 : vector<16xf32>
        %max3A_766 = arith.maximumf %scan3A_732, %get3A_762 : vector<16xf32>
        %min3A_767 = arith.minimumf %scan3A_736, %get3A_762 : vector<16xf32>
        %add3A_768 = arith.constant 0 : i32
        %add3A_769 = arith.addi %mul3A_740, %add3A_768 : i32
        %get3A_770 = arith.constant 0 : i32
        %get3A_771 = arith.constant 0 : i32
        %get3A_772 = tpu.memref_slice %arg6[%scan3A_628, %get3A_770, %get3A_771] : memref<4x200x64xf32, #tpu.memory_space<vmem>> -> memref<1x200x64xf32, #tpu.memory_space<vmem>>
        %get3A_773 = tpu.memref_squeeze %get3A_772 : memref<1x200x64xf32, #tpu.memory_space<vmem>> -> memref<200x64xf32, #tpu.memory_space<vmem>>
        %get3A_774 = arith.index_cast %add3A_769 : i32 to index
        %get3A_775 = arith.constant 32 : index
        %get3A_776 = tpu.vector_load %get3A_773[%get3A_774, %get3A_775] {strides = array<i32>} : memref<200x64xf32, #tpu.memory_space<vmem>>, vector<1x16xf32>,
        %get3A_777 = vector.shape_cast %get3A_776 : vector<1x16xf32> to vector<16xf32>
        %add3A_778 = arith.addf %scan3A_725, %get3A_777 : vector<16xf32>
        %mul3A_779 = arith.mulf %get3A_777, %get3A_777 : vector<16xf32>
        %add3A_780 = arith.addf %scan3A_729, %mul3A_779 : vector<16xf32>
        %max3A_781 = arith.maximumf %scan3A_733, %get3A_777 : vector<16xf32>
        %min3A_782 = arith.minimumf %scan3A_737, %get3A_777 : vector<16xf32>
        %add3A_783 = arith.constant 0 : i32
        %add3A_784 = arith.addi %mul3A_740, %add3A_783 : i32
        %get3A_785 = arith.constant 0 : i32
        %get3A_786 = arith.constant 0 : i32
        %get3A_787 = tpu.memref_slice %arg6[%scan3A_628, %get3A_785, %get3A_786] : memref<4x200x64xf32, #tpu.memory_space<vmem>> -> memref<1x200x64xf32, #tpu.memory_space<vmem>>
        %get3A_788 = tpu.memref_squeeze %get3A_787 : memref<1x200x64xf32, #tpu.memory_space<vmem>> -> memref<200x64xf32, #tpu.memory_space<vmem>>
        %get3A_789 = arith.index_cast %add3A_784 : i32 to index
        %get3A_790 = arith.constant 48 : index
        %get3A_791 = tpu.vector_load %get3A_788[%get3A_789, %get3A_790] {strides = array<i32>} : memref<200x64xf32, #tpu.memory_space<vmem>>, vector<1x16xf32>,
        %get3A_792 = vector.shape_cast %get3A_791 : vector<1x16xf32> to vector<16xf32>
        %add3A_793 = arith.addf %scan3A_726, %get3A_792 : vector<16xf32>
        %mul3A_794 = arith.mulf %get3A_792, %get3A_792 : vector<16xf32>
        %add3A_795 = arith.addf %scan3A_730, %mul3A_794 : vector<16xf32>
        %max3A_796 = arith.maximumf %scan3A_734, %get3A_792 : vector<16xf32>
        %min3A_797 = arith.minimumf %scan3A_738, %get3A_792 : vector<16xf32>
        %add3A_798 = arith.constant 1 : i32
        %add3A_799 = arith.addi %mul3A_740, %add3A_798 : i32
        %get3A_800 = arith.constant 0 : i32
        %get3A_801 = arith.constant 0 : i32
        %get3A_802 = tpu.memref_slice %arg6[%scan3A_628, %get3A_800, %get3A_801] : memref<4x200x64xf32, #tpu.memory_space<vmem>> -> memref<1x200x64xf32, #tpu.memory_space<vmem>>
        %get3A_803 = tpu.memref_squeeze %get3A_802 : memref<1x200x64xf32, #tpu.memory_space<vmem>> -> memref<200x64xf32, #tpu.memory_space<vmem>>
        %get3A_804 = arith.index_cast %add3A_799 : i32 to index
        %get3A_805 = arith.constant 0 : index
        %get3A_806 = tpu.vector_load %get3A_803[%get3A_804, %get3A_805] {strides = array<i32>} : memref<200x64xf32, #tpu.memory_space<vmem>>, vector<1x16xf32>,
        %get3A_807 = vector.shape_cast %get3A_806 : vector<1x16xf32> to vector<16xf32>
        %add3A_808 = arith.addf %add3A_750, %get3A_807 : vector<16xf32>
        %mul3A_809 = arith.mulf %get3A_807, %get3A_807 : vector<16xf32>
        %add3A_810 = arith.addf %add3A_752, %mul3A_809 : vector<16xf32>
        %max3A_811 = arith.maximumf %max3A, %get3A_807 : vector<16xf32>
        %min3A_812 = arith.minimumf %min3A, %get3A_807 : vector<16xf32>
        %add3A_813 = arith.constant 1 : i32
        %add3A_814 = arith.addi %mul3A_740, %add3A_813 : i32
        %get3A_815 = arith.constant 0 : i32
        %get3A_816 = arith.constant 0 : i32
        %get3A_817 = tpu.memref_slice %arg6[%scan3A_628, %get3A_815, %get3A_816] : memref<4x200x64xf32, #tpu.memory_space<vmem>> -> memref<1x200x64xf32, #tpu.memory_space<vmem>>
        %get3A_818 = tpu.memref_squeeze %get3A_817 : memref<1x200x64xf32, #tpu.memory_space<vmem>> -> memref<200x64xf32, #tpu.memory_space<vmem>>
        %get3A_819 = arith.index_cast %add3A_814 : i32 to index
        %get3A_820 = arith.constant 16 : index
        %get3A_821 = tpu.vector_load %get3A_818[%get3A_819, %get3A_820] {strides = array<i32>} : memref<200x64xf32, #tpu.memory_space<vmem>>, vector<1x16xf32>,
        %get3A_822 = vector.shape_cast %get3A_821 : vector<1x16xf32> to vector<16xf32>
        %add3A_823 = arith.addf %add3A_763, %get3A_822 : vector<16xf32>
        %mul3A_824 = arith.mulf %get3A_822, %get3A_822 : vector<16xf32>
        %add3A_825 = arith.addf %add3A_765, %mul3A_824 : vector<16xf32>
        %max3A_826 = arith.maximumf %max3A_766, %get3A_822 : vector<16xf32>
        %min3A_827 = arith.minimumf %min3A_767, %get3A_822 : vector<16xf32>
        %add3A_828 = arith.constant 1 : i32
        %add3A_829 = arith.addi %mul3A_740, %add3A_828 : i32
        %get3A_830 = arith.constant 0 : i32
        %get3A_831 = arith.constant 0 : i32
        %get3A_832 = tpu.memref_slice %arg6[%scan3A_628, %get3A_830, %get3A_831] : memref<4x200x64xf32, #tpu.memory_space<vmem>> -> memref<1x200x64xf32, #tpu.memory_space<vmem>>
        %get3A_833 = tpu.memref_squeeze %get3A_832 : memref<1x200x64xf32, #tpu.memory_space<vmem>> -> memref<200x64xf32, #tpu.memory_space<vmem>>
        %get3A_834 = arith.index_cast %add3A_829 : i32 to index
        %get3A_835 = arith.constant 32 : index
        %get3A_836 = tpu.vector_load %get3A_833[%get3A_834, %get3A_835] {strides = array<i32>} : memref<200x64xf32, #tpu.memory_space<vmem>>, vector<1x16xf32>,
        %get3A_837 = vector.shape_cast %get3A_836 : vector<1x16xf32> to vector<16xf32>
        %add3A_838 = arith.addf %add3A_778, %get3A_837 : vector<16xf32>
        %mul3A_839 = arith.mulf %get3A_837, %get3A_837 : vector<16xf32>
        %add3A_840 = arith.addf %add3A_780, %mul3A_839 : vector<16xf32>
        %max3A_841 = arith.maximumf %max3A_781, %get3A_837 : vector<16xf32>
        %min3A_842 = arith.minimumf %min3A_782, %get3A_837 : vector<16xf32>
        %add3A_843 = arith.constant 1 : i32
        %add3A_844 = arith.addi %mul3A_740, %add3A_843 : i32
        %get3A_845 = arith.constant 0 : i32
        %get3A_846 = arith.constant 0 : i32
        %get3A_847 = tpu.memref_slice %arg6[%scan3A_628, %get3A_845, %get3A_846] : memref<4x200x64xf32, #tpu.memory_space<vmem>> -> memref<1x200x64xf32, #tpu.memory_space<vmem>>
        %get3A_848 = tpu.memref_squeeze %get3A_847 : memref<1x200x64xf32, #tpu.memory_space<vmem>> -> memref<200x64xf32, #tpu.memory_space<vmem>>
        %get3A_849 = arith.index_cast %add3A_844 : i32 to index
        %get3A_850 = arith.constant 48 : index
        %get3A_851 = tpu.vector_load %get3A_848[%get3A_849, %get3A_850] {strides = array<i32>} : memref<200x64xf32, #tpu.memory_space<vmem>>, vector<1x16xf32>,
        %get3A_852 = vector.shape_cast %get3A_851 : vector<1x16xf32> to vector<16xf32>
        %add3A_853 = arith.addf %add3A_793, %get3A_852 : vector<16xf32>
        %mul3A_854 = arith.mulf %get3A_852, %get3A_852 : vector<16xf32>
        %add3A_855 = arith.addf %add3A_795, %mul3A_854 : vector<16xf32>
        %max3A_856 = arith.maximumf %max3A_796, %get3A_852 : vector<16xf32>
        %min3A_857 = arith.minimumf %min3A_797, %get3A_852 : vector<16xf32>
        %add3A_858 = arith.constant 2 : i32
        %add3A_859 = arith.addi %mul3A_740, %add3A_858 : i32
        %get3A_860 = arith.constant 0 : i32
        %get3A_861 = arith.constant 0 : i32
        %get3A_862 = tpu.memref_slice %arg6[%scan3A_628, %get3A_860, %get3A_861] : memref<4x200x64xf32, #tpu.memory_space<vmem>> -> memref<1x200x64xf32, #tpu.memory_space<vmem>>
        %get3A_863 = tpu.memref_squeeze %get3A_862 : memref<1x200x64xf32, #tpu.memory_space<vmem>> -> memref<200x64xf32, #tpu.memory_space<vmem>>
        %get3A_864 = arith.index_cast %add3A_859 : i32 to index
        %get3A_865 = arith.constant 0 : index
        %get3A_866 = tpu.vector_load %get3A_863[%get3A_864, %get3A_865] {strides = array<i32>} : memref<200x64xf32, #tpu.memory_space<vmem>>, vector<1x16xf32>,
        %get3A_867 = vector.shape_cast %get3A_866 : vector<1x16xf32> to vector<16xf32>
        %add3A_868 = arith.addf %add3A_808, %get3A_867 : vector<16xf32>
        %mul3A_869 = arith.mulf %get3A_867, %get3A_867 : vector<16xf32>
        %add3A_870 = arith.addf %add3A_810, %mul3A_869 : vector<16xf32>
        %max3A_871 = arith.maximumf %max3A_811, %get3A_867 : vector<16xf32>
        %min3A_872 = arith.minimumf %min3A_812, %get3A_867 : vector<16xf32>
        %add3A_873 = arith.constant 2 : i32
        %add3A_874 = arith.addi %mul3A_740, %add3A_873 : i32
        %get3A_875 = arith.constant 0 : i32
        %get3A_876 = arith.constant 0 : i32
        %get3A_877 = tpu.memref_slice %arg6[%scan3A_628, %get3A_875, %get3A_876] : memref<4x200x64xf32, #tpu.memory_space<vmem>> -> memref<1x200x64xf32, #tpu.memory_space<vmem>>
        %get3A_878 = tpu.memref_squeeze %get3A_877 : memref<1x200x64xf32, #tpu.memory_space<vmem>> -> memref<200x64xf32, #tpu.memory_space<vmem>>
        %get3A_879 = arith.index_cast %add3A_874 : i32 to index
        %get3A_880 = arith.constant 16 : index
        %get3A_881 = tpu.vector_load %get3A_878[%get3A_879, %get3A_880] {strides = array<i32>} : memref<200x64xf32, #tpu.memory_space<vmem>>, vector<1x16xf32>,
        %get3A_882 = vector.shape_cast %get3A_881 : vector<1x16xf32> to vector<16xf32>
        %add3A_883 = arith.addf %add3A_823, %get3A_882 : vector<16xf32>
        %mul3A_884 = arith.mulf %get3A_882, %get3A_882 : vector<16xf32>
        %add3A_885 = arith.addf %add3A_825, %mul3A_884 : vector<16xf32>
        %max3A_886 = arith.maximumf %max3A_826, %get3A_882 : vector<16xf32>
        %min3A_887 = arith.minimumf %min3A_827, %get3A_882 : vector<16xf32>
        %add3A_888 = arith.constant 2 : i32
        %add3A_889 = arith.addi %mul3A_740, %add3A_888 : i32
        %get3A_890 = arith.constant 0 : i32
        %get3A_891 = arith.constant 0 : i32
        %get3A_892 = tpu.memref_slice %arg6[%scan3A_628, %get3A_890, %get3A_891] : memref<4x200x64xf32, #tpu.memory_space<vmem>> -> memref<1x200x64xf32, #tpu.memory_space<vmem>>
        %get3A_893 = tpu.memref_squeeze %get3A_892 : memref<1x200x64xf32, #tpu.memory_space<vmem>> -> memref<200x64xf32, #tpu.memory_space<vmem>>
        %get3A_894 = arith.index_cast %add3A_889 : i32 to index
        %get3A_895 = arith.constant 32 : index
        %get3A_896 = tpu.vector_load %get3A_893[%get3A_894, %get3A_895] {strides = array<i32>} : memref<200x64xf32, #tpu.memory_space<vmem>>, vector<1x16xf32>,
        %get3A_897 = vector.shape_cast %get3A_896 : vector<1x16xf32> to vector<16xf32>
        %add3A_898 = arith.addf %add3A_838, %get3A_897 : vector<16xf32>
        %mul3A_899 = arith.mulf %get3A_897, %get3A_897 : vector<16xf32>
        %add3A_900 = arith.addf %add3A_840, %mul3A_899 : vector<16xf32>
        %max3A_901 = arith.maximumf %max3A_841, %get3A_897 : vector<16xf32>
        %min3A_902 = arith.minimumf %min3A_842, %get3A_897 : vector<16xf32>
        %add3A_903 = arith.constant 2 : i32
        %add3A_904 = arith.addi %mul3A_740, %add3A_903 : i32
        %get3A_905 = arith.constant 0 : i32
        %get3A_906 = arith.constant 0 : i32
        %get3A_907 = tpu.memref_slice %arg6[%scan3A_628, %get3A_905, %get3A_906] : memref<4x200x64xf32, #tpu.memory_space<vmem>> -> memref<1x200x64xf32, #tpu.memory_space<vmem>>
        %get3A_908 = tpu.memref_squeeze %get3A_907 : memref<1x200x64xf32, #tpu.memory_space<vmem>> -> memref<200x64xf32, #tpu.memory_space<vmem>>
        %get3A_909 = arith.index_cast %add3A_904 : i32 to index
        %get3A_910 = arith.constant 48 : index
        %get3A_911 = tpu.vector_load %get3A_908[%get3A_909, %get3A_910] {strides = array<i32>} : memref<200x64xf32, #tpu.memory_space<vmem>>, vector<1x16xf32>,
        %get3A_912 = vector.shape_cast %get3A_911 : vector<1x16xf32> to vector<16xf32>
        %add3A_913 = arith.addf %add3A_853, %get3A_912 : vector<16xf32>
        %mul3A_914 = arith.mulf %get3A_912, %get3A_912 : vector<16xf32>
        %add3A_915 = arith.addf %add3A_855, %mul3A_914 : vector<16xf32>
        %max3A_916 = arith.maximumf %max3A_856, %get3A_912 : vector<16xf32>
        %min3A_917 = arith.minimumf %min3A_857, %get3A_912 : vector<16xf32>
        %add3A_918 = arith.constant 3 : i32
        %add3A_919 = arith.addi %mul3A_740, %add3A_918 : i32
        %get3A_920 = arith.constant 0 : i32
        %get3A_921 = arith.constant 0 : i32
        %get3A_922 = tpu.memref_slice %arg6[%scan3A_628, %get3A_920, %get3A_921] : memref<4x200x64xf32, #tpu.memory_space<vmem>> -> memref<1x200x64xf32, #tpu.memory_space<vmem>>
        %get3A_923 = tpu.memref_squeeze %get3A_922 : memref<1x200x64xf32, #tpu.memory_space<vmem>> -> memref<200x64xf32, #tpu.memory_space<vmem>>
        %get3A_924 = arith.index_cast %add3A_919 : i32 to index
        %get3A_925 = arith.constant 0 : index
        %get3A_926 = tpu.vector_load %get3A_923[%get3A_924, %get3A_925] {strides = array<i32>} : memref<200x64xf32, #tpu.memory_space<vmem>>, vector<1x16xf32>,
        %get3A_927 = vector.shape_cast %get3A_926 : vector<1x16xf32> to vector<16xf32>
        %add3A_928 = arith.addf %add3A_868, %get3A_927 : vector<16xf32>
        %mul3A_929 = arith.mulf %get3A_927, %get3A_927 : vector<16xf32>
        %add3A_930 = arith.addf %add3A_870, %mul3A_929 : vector<16xf32>
        %max3A_931 = arith.maximumf %max3A_871, %get3A_927 : vector<16xf32>
        %min3A_932 = arith.minimumf %min3A_872, %get3A_927 : vector<16xf32>
        %add3A_933 = arith.constant 3 : i32
        %add3A_934 = arith.addi %mul3A_740, %add3A_933 : i32
        %get3A_935 = arith.constant 0 : i32
        %get3A_936 = arith.constant 0 : i32
        %get3A_937 = tpu.memref_slice %arg6[%scan3A_628, %get3A_935, %get3A_936] : memref<4x200x64xf32, #tpu.memory_space<vmem>> -> memref<1x200x64xf32, #tpu.memory_space<vmem>>
        %get3A_938 = tpu.memref_squeeze %get3A_937 : memref<1x200x64xf32, #tpu.memory_space<vmem>> -> memref<200x64xf32, #tpu.memory_space<vmem>>
        %get3A_939 = arith.index_cast %add3A_934 : i32 to index
        %get3A_940 = arith.constant 16 : index
        %get3A_941 = tpu.vector_load %get3A_938[%get3A_939, %get3A_940] {strides = array<i32>} : memref<200x64xf32, #tpu.memory_space<vmem>>, vector<1x16xf32>,
        %get3A_942 = vector.shape_cast %get3A_941 : vector<1x16xf32> to vector<16xf32>
        %add3A_943 = arith.addf %add3A_883, %get3A_942 : vector<16xf32>
        %mul3A_944 = arith.mulf %get3A_942, %get3A_942 : vector<16xf32>
        %add3A_945 = arith.addf %add3A_885, %mul3A_944 : vector<16xf32>
        %max3A_946 = arith.maximumf %max3A_886, %get3A_942 : vector<16xf32>
        %min3A_947 = arith.minimumf %min3A_887, %get3A_942 : vector<16xf32>
        %add3A_948 = arith.constant 3 : i32
        %add3A_949 = arith.addi %mul3A_740, %add3A_948 : i32
        %get3A_950 = arith.constant 0 : i32
        %get3A_951 = arith.constant 0 : i32
        %get3A_952 = tpu.memref_slice %arg6[%scan3A_628, %get3A_950, %get3A_951] : memref<4x200x64xf32, #tpu.memory_space<vmem>> -> memref<1x200x64xf32, #tpu.memory_space<vmem>>
        %get3A_953 = tpu.memref_squeeze %get3A_952 : memref<1x200x64xf32, #tpu.memory_space<vmem>> -> memref<200x64xf32, #tpu.memory_space<vmem>>
        %get3A_954 = arith.index_cast %add3A_949 : i32 to index
        %get3A_955 = arith.constant 32 : index
        %get3A_956 = tpu.vector_load %get3A_953[%get3A_954, %get3A_955] {strides = array<i32>} : memref<200x64xf32, #tpu.memory_space<vmem>>, vector<1x16xf32>,
        %get3A_957 = vector.shape_cast %get3A_956 : vector<1x16xf32> to vector<16xf32>
        %add3A_958 = arith.addf %add3A_898, %get3A_957 : vector<16xf32>
        %mul3A_959 = arith.mulf %get3A_957, %get3A_957 : vector<16xf32>
        %add3A_960 = arith.addf %add3A_900, %mul3A_959 : vector<16xf32>
        %max3A_961 = arith.maximumf %max3A_901, %get3A_957 : vector<16xf32>
        %min3A_962 = arith.minimumf %min3A_902, %get3A_957 : vector<16xf32>
        %add3A_963 = arith.constant 3 : i32
        %add3A_964 = arith.addi %mul3A_740, %add3A_963 : i32
        %get3A_965 = arith.constant 0 : i32
        %get3A_966 = arith.constant 0 : i32
        %get3A_967 = tpu.memref_slice %arg6[%scan3A_628, %get3A_965, %get3A_966] : memref<4x200x64xf32, #tpu.memory_space<vmem>> -> memref<1x200x64xf32, #tpu.memory_space<vmem>>
        %get3A_968 = tpu.memref_squeeze %get3A_967 : memref<1x200x64xf32, #tpu.memory_space<vmem>> -> memref<200x64xf32, #tpu.memory_space<vmem>>
        %get3A_969 = arith.index_cast %add3A_964 : i32 to index
        %get3A_970 = arith.constant 48 : index
        %get3A_971 = tpu.vector_load %get3A_968[%get3A_969, %get3A_970] {strides = array<i32>} : memref<200x64xf32, #tpu.memory_space<vmem>>, vector<1x16xf32>,
        %get3A_972 = vector.shape_cast %get3A_971 : vector<1x16xf32> to vector<16xf32>
        %add3A_973 = arith.addf %add3A_913, %get3A_972 : vector<16xf32>
        %mul3A_974 = arith.mulf %get3A_972, %get3A_972 : vector<16xf32>
        %add3A_975 = arith.addf %add3A_915, %mul3A_974 : vector<16xf32>
        %max3A_976 = arith.maximumf %max3A_916, %get3A_972 : vector<16xf32>
        %min3A_977 = arith.minimumf %min3A_917, %get3A_972 : vector<16xf32>
        %add3A_978 = arith.constant 4 : i32
        %add3A_979 = arith.addi %mul3A_740, %add3A_978 : i32
        %get3A_980 = arith.constant 0 : i32
        %get3A_981 = arith.constant 0 : i32
        %get3A_982 = tpu.memref_slice %arg6[%scan3A_628, %get3A_980, %get3A_981] : memref<4x200x64xf32, #tpu.memory_space<vmem>> -> memref<1x200x64xf32, #tpu.memory_space<vmem>>
        %get3A_983 = tpu.memref_squeeze %get3A_982 : memref<1x200x64xf32, #tpu.memory_space<vmem>> -> memref<200x64xf32, #tpu.memory_space<vmem>>
        %get3A_984 = arith.index_cast %add3A_979 : i32 to index
        %get3A_985 = arith.constant 0 : index
        %get3A_986 = tpu.vector_load %get3A_983[%get3A_984, %get3A_985] {strides = array<i32>} : memref<200x64xf32, #tpu.memory_space<vmem>>, vector<1x16xf32>,
        %get3A_987 = vector.shape_cast %get3A_986 : vector<1x16xf32> to vector<16xf32>
        %add3A_988 = arith.addf %add3A_928, %get3A_987 : vector<16xf32>
        %mul3A_989 = arith.mulf %get3A_987, %get3A_987 : vector<16xf32>
        %add3A_990 = arith.addf %add3A_930, %mul3A_989 : vector<16xf32>
        %max3A_991 = arith.maximumf %max3A_931, %get3A_987 : vector<16xf32>
        %min3A_992 = arith.minimumf %min3A_932, %get3A_987 : vector<16xf32>
        %add3A_993 = arith.constant 4 : i32
        %add3A_994 = arith.addi %mul3A_740, %add3A_993 : i32
        %get3A_995 = arith.constant 0 : i32
        %get3A_996 = arith.constant 0 : i32
        %get3A_997 = tpu.memref_slice %arg6[%scan3A_628, %get3A_995, %get3A_996] : memref<4x200x64xf32, #tpu.memory_space<vmem>> -> memref<1x200x64xf32, #tpu.memory_space<vmem>>
        %get3A_998 = tpu.memref_squeeze %get3A_997 : memref<1x200x64xf32, #tpu.memory_space<vmem>> -> memref<200x64xf32, #tpu.memory_space<vmem>>
        %get3A_999 = arith.index_cast %add3A_994 : i32 to index
        %get3A_1000 = arith.constant 16 : index
        %get3A_1001 = tpu.vector_load %get3A_998[%get3A_999, %get3A_1000] {strides = array<i32>} : memref<200x64xf32, #tpu.memory_space<vmem>>, vector<1x16xf32>,
        %get3A_1002 = vector.shape_cast %get3A_1001 : vector<1x16xf32> to vector<16xf32>
        %add3A_1003 = arith.addf %add3A_943, %get3A_1002 : vector<16xf32>
        %mul3A_1004 = arith.mulf %get3A_1002, %get3A_1002 : vector<16xf32>
        %add3A_1005 = arith.addf %add3A_945, %mul3A_1004 : vector<16xf32>
        %max3A_1006 = arith.maximumf %max3A_946, %get3A_1002 : vector<16xf32>
        %min3A_1007 = arith.minimumf %min3A_947, %get3A_1002 : vector<16xf32>
        %add3A_1008 = arith.constant 4 : i32
        %add3A_1009 = arith.addi %mul3A_740, %add3A_1008 : i32
        %get3A_1010 = arith.constant 0 : i32
        %get3A_1011 = arith.constant 0 : i32
        %get3A_1012 = tpu.memref_slice %arg6[%scan3A_628, %get3A_1010, %get3A_1011] : memref<4x200x64xf32, #tpu.memory_space<vmem>> -> memref<1x200x64xf32, #tpu.memory_space<vmem>>
        %get3A_1013 = tpu.memref_squeeze %get3A_1012 : memref<1x200x64xf32, #tpu.memory_space<vmem>> -> memref<200x64xf32, #tpu.memory_space<vmem>>
        %get3A_1014 = arith.index_cast %add3A_1009 : i32 to index
        %get3A_1015 = arith.constant 32 : index
        %get3A_1016 = tpu.vector_load %get3A_1013[%get3A_1014, %get3A_1015] {strides = array<i32>} : memref<200x64xf32, #tpu.memory_space<vmem>>, vector<1x16xf32>,
        %get3A_1017 = vector.shape_cast %get3A_1016 : vector<1x16xf32> to vector<16xf32>
        %add3A_1018 = arith.addf %add3A_958, %get3A_1017 : vector<16xf32>
        %mul3A_1019 = arith.mulf %get3A_1017, %get3A_1017 : vector<16xf32>
        %add3A_1020 = arith.addf %add3A_960, %mul3A_1019 : vector<16xf32>
        %max3A_1021 = arith.maximumf %max3A_961, %get3A_1017 : vector<16xf32>
        %min3A_1022 = arith.minimumf %min3A_962, %get3A_1017 : vector<16xf32>
        %add3A_1023 = arith.constant 4 : i32
        %add3A_1024 = arith.addi %mul3A_740, %add3A_1023 : i32
        %get3A_1025 = arith.constant 0 : i32
        %get3A_1026 = arith.constant 0 : i32
        %get3A_1027 = tpu.memref_slice %arg6[%scan3A_628, %get3A_1025, %get3A_1026] : memref<4x200x64xf32, #tpu.memory_space<vmem>> -> memref<1x200x64xf32, #tpu.memory_space<vmem>>
        %get3A_1028 = tpu.memref_squeeze %get3A_1027 : memref<1x200x64xf32, #tpu.memory_space<vmem>> -> memref<200x64xf32, #tpu.memory_space<vmem>>
        %get3A_1029 = arith.index_cast %add3A_1024 : i32 to index
        %get3A_1030 = arith.constant 48 : index
        %get3A_1031 = tpu.vector_load %get3A_1028[%get3A_1029, %get3A_1030] {strides = array<i32>} : memref<200x64xf32, #tpu.memory_space<vmem>>, vector<1x16xf32>,
        %get3A_1032 = vector.shape_cast %get3A_1031 : vector<1x16xf32> to vector<16xf32>
        %add3A_1033 = arith.addf %add3A_973, %get3A_1032 : vector<16xf32>
        %mul3A_1034 = arith.mulf %get3A_1032, %get3A_1032 : vector<16xf32>
        %add3A_1035 = arith.addf %add3A_975, %mul3A_1034 : vector<16xf32>
        %max3A_1036 = arith.maximumf %max3A_976, %get3A_1032 : vector<16xf32>
        %min3A_1037 = arith.minimumf %min3A_977, %get3A_1032 : vector<16xf32>
        %add3A_1038 = arith.constant 5 : i32
        %add3A_1039 = arith.addi %mul3A_740, %add3A_1038 : i32
        %get3A_1040 = arith.constant 0 : i32
        %get3A_1041 = arith.constant 0 : i32
        %get3A_1042 = tpu.memref_slice %arg6[%scan3A_628, %get3A_1040, %get3A_1041] : memref<4x200x64xf32, #tpu.memory_space<vmem>> -> memref<1x200x64xf32, #tpu.memory_space<vmem>>
        %get3A_1043 = tpu.memref_squeeze %get3A_1042 : memref<1x200x64xf32, #tpu.memory_space<vmem>> -> memref<200x64xf32, #tpu.memory_space<vmem>>
        %get3A_1044 = arith.index_cast %add3A_1039 : i32 to index
        %get3A_1045 = arith.constant 0 : index
        %get3A_1046 = tpu.vector_load %get3A_1043[%get3A_1044, %get3A_1045] {strides = array<i32>} : memref<200x64xf32, #tpu.memory_space<vmem>>, vector<1x16xf32>,
        %get3A_1047 = vector.shape_cast %get3A_1046 : vector<1x16xf32> to vector<16xf32>
        %add3A_1048 = arith.addf %add3A_988, %get3A_1047 : vector<16xf32>
        %mul3A_1049 = arith.mulf %get3A_1047, %get3A_1047 : vector<16xf32>
        %add3A_1050 = arith.addf %add3A_990, %mul3A_1049 : vector<16xf32>
        %max3A_1051 = arith.maximumf %max3A_991, %get3A_1047 : vector<16xf32>
        %min3A_1052 = arith.minimumf %min3A_992, %get3A_1047 : vector<16xf32>
        %add3A_1053 = arith.constant 5 : i32
        %add3A_1054 = arith.addi %mul3A_740, %add3A_1053 : i32
        %get3A_1055 = arith.constant 0 : i32
        %get3A_1056 = arith.constant 0 : i32
        %get3A_1057 = tpu.memref_slice %arg6[%scan3A_628, %get3A_1055, %get3A_1056] : memref<4x200x64xf32, #tpu.memory_space<vmem>> -> memref<1x200x64xf32, #tpu.memory_space<vmem>>
        %get3A_1058 = tpu.memref_squeeze %get3A_1057 : memref<1x200x64xf32, #tpu.memory_space<vmem>> -> memref<200x64xf32, #tpu.memory_space<vmem>>
        %get3A_1059 = arith.index_cast %add3A_1054 : i32 to index
        %get3A_1060 = arith.constant 16 : index
        %get3A_1061 = tpu.vector_load %get3A_1058[%get3A_1059, %get3A_1060] {strides = array<i32>} : memref<200x64xf32, #tpu.memory_space<vmem>>, vector<1x16xf32>,
        %get3A_1062 = vector.shape_cast %get3A_1061 : vector<1x16xf32> to vector<16xf32>
        %add3A_1063 = arith.addf %add3A_1003, %get3A_1062 : vector<16xf32>
        %mul3A_1064 = arith.mulf %get3A_1062, %get3A_1062 : vector<16xf32>
        %add3A_1065 = arith.addf %add3A_1005, %mul3A_1064 : vector<16xf32>
        %max3A_1066 = arith.maximumf %max3A_1006, %get3A_1062 : vector<16xf32>
        %min3A_1067 = arith.minimumf %min3A_1007, %get3A_1062 : vector<16xf32>
        %add3A_1068 = arith.constant 5 : i32
        %add3A_1069 = arith.addi %mul3A_740, %add3A_1068 : i32
        %get3A_1070 = arith.constant 0 : i32
        %get3A_1071 = arith.constant 0 : i32
        %get3A_1072 = tpu.memref_slice %arg6[%scan3A_628, %get3A_1070, %get3A_1071] : memref<4x200x64xf32, #tpu.memory_space<vmem>> -> memref<1x200x64xf32, #tpu.memory_space<vmem>>
        %get3A_1073 = tpu.memref_squeeze %get3A_1072 : memref<1x200x64xf32, #tpu.memory_space<vmem>> -> memref<200x64xf32, #tpu.memory_space<vmem>>
        %get3A_1074 = arith.index_cast %add3A_1069 : i32 to index
        %get3A_1075 = arith.constant 32 : index
        %get3A_1076 = tpu.vector_load %get3A_1073[%get3A_1074, %get3A_1075] {strides = array<i32>} : memref<200x64xf32, #tpu.memory_space<vmem>>, vector<1x16xf32>,
        %get3A_1077 = vector.shape_cast %get3A_1076 : vector<1x16xf32> to vector<16xf32>
        %add3A_1078 = arith.addf %add3A_1018, %get3A_1077 : vector<16xf32>
        %mul3A_1079 = arith.mulf %get3A_1077, %get3A_1077 : vector<16xf32>
        %add3A_1080 = arith.addf %add3A_1020, %mul3A_1079 : vector<16xf32>
        %max3A_1081 = arith.maximumf %max3A_1021, %get3A_1077 : vector<16xf32>
        %min3A_1082 = arith.minimumf %min3A_1022, %get3A_1077 : vector<16xf32>
        %add3A_1083 = arith.constant 5 : i32
        %add3A_1084 = arith.addi %mul3A_740, %add3A_1083 : i32
        %get3A_1085 = arith.constant 0 : i32
        %get3A_1086 = arith.constant 0 : i32
        %get3A_1087 = tpu.memref_slice %arg6[%scan3A_628, %get3A_1085, %get3A_1086] : memref<4x200x64xf32, #tpu.memory_space<vmem>> -> memref<1x200x64xf32, #tpu.memory_space<vmem>>
        %get3A_1088 = tpu.memref_squeeze %get3A_1087 : memref<1x200x64xf32, #tpu.memory_space<vmem>> -> memref<200x64xf32, #tpu.memory_space<vmem>>
        %get3A_1089 = arith.index_cast %add3A_1084 : i32 to index
        %get3A_1090 = arith.constant 48 : index
        %get3A_1091 = tpu.vector_load %get3A_1088[%get3A_1089, %get3A_1090] {strides = array<i32>} : memref<200x64xf32, #tpu.memory_space<vmem>>, vector<1x16xf32>,
        %get3A_1092 = vector.shape_cast %get3A_1091 : vector<1x16xf32> to vector<16xf32>
        %add3A_1093 = arith.addf %add3A_1033, %get3A_1092 : vector<16xf32>
        %mul3A_1094 = arith.mulf %get3A_1092, %get3A_1092 : vector<16xf32>
        %add3A_1095 = arith.addf %add3A_1035, %mul3A_1094 : vector<16xf32>
        %max3A_1096 = arith.maximumf %max3A_1036, %get3A_1092 : vector<16xf32>
        %min3A_1097 = arith.minimumf %min3A_1037, %get3A_1092 : vector<16xf32>
        %add3A_1098 = arith.constant 6 : i32
        %add3A_1099 = arith.addi %mul3A_740, %add3A_1098 : i32
        %get3A_1100 = arith.constant 0 : i32
        %get3A_1101 = arith.constant 0 : i32
        %get3A_1102 = tpu.memref_slice %arg6[%scan3A_628, %get3A_1100, %get3A_1101] : memref<4x200x64xf32, #tpu.memory_space<vmem>> -> memref<1x200x64xf32, #tpu.memory_space<vmem>>
        %get3A_1103 = tpu.memref_squeeze %get3A_1102 : memref<1x200x64xf32, #tpu.memory_space<vmem>> -> memref<200x64xf32, #tpu.memory_space<vmem>>
        %get3A_1104 = arith.index_cast %add3A_1099 : i32 to index
        %get3A_1105 = arith.constant 0 : index
        %get3A_1106 = tpu.vector_load %get3A_1103[%get3A_1104, %get3A_1105] {strides = array<i32>} : memref<200x64xf32, #tpu.memory_space<vmem>>, vector<1x16xf32>,
        %get3A_1107 = vector.shape_cast %get3A_1106 : vector<1x16xf32> to vector<16xf32>
        %add3A_1108 = arith.addf %add3A_1048, %get3A_1107 : vector<16xf32>
        %mul3A_1109 = arith.mulf %get3A_1107, %get3A_1107 : vector<16xf32>
        %add3A_1110 = arith.addf %add3A_1050, %mul3A_1109 : vector<16xf32>
        %max3A_1111 = arith.maximumf %max3A_1051, %get3A_1107 : vector<16xf32>
        %min3A_1112 = arith.minimumf %min3A_1052, %get3A_1107 : vector<16xf32>
        %add3A_1113 = arith.constant 6 : i32
        %add3A_1114 = arith.addi %mul3A_740, %add3A_1113 : i32
        %get3A_1115 = arith.constant 0 : i32
        %get3A_1116 = arith.constant 0 : i32
        %get3A_1117 = tpu.memref_slice %arg6[%scan3A_628, %get3A_1115, %get3A_1116] : memref<4x200x64xf32, #tpu.memory_space<vmem>> -> memref<1x200x64xf32, #tpu.memory_space<vmem>>
        %get3A_1118 = tpu.memref_squeeze %get3A_1117 : memref<1x200x64xf32, #tpu.memory_space<vmem>> -> memref<200x64xf32, #tpu.memory_space<vmem>>
        %get3A_1119 = arith.index_cast %add3A_1114 : i32 to index
        %get3A_1120 = arith.constant 16 : index
        %get3A_1121 = tpu.vector_load %get3A_1118[%get3A_1119, %get3A_1120] {strides = array<i32>} : memref<200x64xf32, #tpu.memory_space<vmem>>, vector<1x16xf32>,
        %get3A_1122 = vector.shape_cast %get3A_1121 : vector<1x16xf32> to vector<16xf32>
        %add3A_1123 = arith.addf %add3A_1063, %get3A_1122 : vector<16xf32>
        %mul3A_1124 = arith.mulf %get3A_1122, %get3A_1122 : vector<16xf32>
        %add3A_1125 = arith.addf %add3A_1065, %mul3A_1124 : vector<16xf32>
        %max3A_1126 = arith.maximumf %max3A_1066, %get3A_1122 : vector<16xf32>
        %min3A_1127 = arith.minimumf %min3A_1067, %get3A_1122 : vector<16xf32>
        %add3A_1128 = arith.constant 6 : i32
        %add3A_1129 = arith.addi %mul3A_740, %add3A_1128 : i32
        %get3A_1130 = arith.constant 0 : i32
        %get3A_1131 = arith.constant 0 : i32
        %get3A_1132 = tpu.memref_slice %arg6[%scan3A_628, %get3A_1130, %get3A_1131] : memref<4x200x64xf32, #tpu.memory_space<vmem>> -> memref<1x200x64xf32, #tpu.memory_space<vmem>>
        %get3A_1133 = tpu.memref_squeeze %get3A_1132 : memref<1x200x64xf32, #tpu.memory_space<vmem>> -> memref<200x64xf32, #tpu.memory_space<vmem>>
        %get3A_1134 = arith.index_cast %add3A_1129 : i32 to index
        %get3A_1135 = arith.constant 32 : index
        %get3A_1136 = tpu.vector_load %get3A_1133[%get3A_1134, %get3A_1135] {strides = array<i32>} : memref<200x64xf32, #tpu.memory_space<vmem>>, vector<1x16xf32>,
        %get3A_1137 = vector.shape_cast %get3A_1136 : vector<1x16xf32> to vector<16xf32>
        %add3A_1138 = arith.addf %add3A_1078, %get3A_1137 : vector<16xf32>
        %mul3A_1139 = arith.mulf %get3A_1137, %get3A_1137 : vector<16xf32>
        %add3A_1140 = arith.addf %add3A_1080, %mul3A_1139 : vector<16xf32>
        %max3A_1141 = arith.maximumf %max3A_1081, %get3A_1137 : vector<16xf32>
        %min3A_1142 = arith.minimumf %min3A_1082, %get3A_1137 : vector<16xf32>
        %add3A_1143 = arith.constant 6 : i32
        %add3A_1144 = arith.addi %mul3A_740, %add3A_1143 : i32
        %get3A_1145 = arith.constant 0 : i32
        %get3A_1146 = arith.constant 0 : i32
        %get3A_1147 = tpu.memref_slice %arg6[%scan3A_628, %get3A_1145, %get3A_1146] : memref<4x200x64xf32, #tpu.memory_space<vmem>> -> memref<1x200x64xf32, #tpu.memory_space<vmem>>
        %get3A_1148 = tpu.memref_squeeze %get3A_1147 : memref<1x200x64xf32, #tpu.memory_space<vmem>> -> memref<200x64xf32, #tpu.memory_space<vmem>>
        %get3A_1149 = arith.index_cast %add3A_1144 : i32 to index
        %get3A_1150 = arith.constant 48 : index
        %get3A_1151 = tpu.vector_load %get3A_1148[%get3A_1149, %get3A_1150] {strides = array<i32>} : memref<200x64xf32, #tpu.memory_space<vmem>>, vector<1x16xf32>,
        %get3A_1152 = vector.shape_cast %get3A_1151 : vector<1x16xf32> to vector<16xf32>
        %add3A_1153 = arith.addf %add3A_1093, %get3A_1152 : vector<16xf32>
        %mul3A_1154 = arith.mulf %get3A_1152, %get3A_1152 : vector<16xf32>
        %add3A_1155 = arith.addf %add3A_1095, %mul3A_1154 : vector<16xf32>
        %max3A_1156 = arith.maximumf %max3A_1096, %get3A_1152 : vector<16xf32>
        %min3A_1157 = arith.minimumf %min3A_1097, %get3A_1152 : vector<16xf32>
        %add3A_1158 = arith.constant 7 : i32
        %add3A_1159 = arith.addi %mul3A_740, %add3A_1158 : i32
        %get3A_1160 = arith.constant 0 : i32
        %get3A_1161 = arith.constant 0 : i32
        %get3A_1162 = tpu.memref_slice %arg6[%scan3A_628, %get3A_1160, %get3A_1161] : memref<4x200x64xf32, #tpu.memory_space<vmem>> -> memref<1x200x64xf32, #tpu.memory_space<vmem>>
        %get3A_1163 = tpu.memref_squeeze %get3A_1162 : memref<1x200x64xf32, #tpu.memory_space<vmem>> -> memref<200x64xf32, #tpu.memory_space<vmem>>
        %get3A_1164 = arith.index_cast %add3A_1159 : i32 to index
        %get3A_1165 = arith.constant 0 : index
        %get3A_1166 = tpu.vector_load %get3A_1163[%get3A_1164, %get3A_1165] {strides = array<i32>} : memref<200x64xf32, #tpu.memory_space<vmem>>, vector<1x16xf32>,
        %get3A_1167 = vector.shape_cast %get3A_1166 : vector<1x16xf32> to vector<16xf32>
        %add3A_1168 = arith.addf %add3A_1108, %get3A_1167 : vector<16xf32>
        %mul3A_1169 = arith.mulf %get3A_1167, %get3A_1167 : vector<16xf32>
        %add3A_1170 = arith.addf %add3A_1110, %mul3A_1169 : vector<16xf32>
        %max3A_1171 = arith.maximumf %max3A_1111, %get3A_1167 : vector<16xf32>
        %min3A_1172 = arith.minimumf %min3A_1112, %get3A_1167 : vector<16xf32>
        %add3A_1173 = arith.constant 7 : i32
        %add3A_1174 = arith.addi %mul3A_740, %add3A_1173 : i32
        %get3A_1175 = arith.constant 0 : i32
        %get3A_1176 = arith.constant 0 : i32
        %get3A_1177 = tpu.memref_slice %arg6[%scan3A_628, %get3A_1175, %get3A_1176] : memref<4x200x64xf32, #tpu.memory_space<vmem>> -> memref<1x200x64xf32, #tpu.memory_space<vmem>>
        %get3A_1178 = tpu.memref_squeeze %get3A_1177 : memref<1x200x64xf32, #tpu.memory_space<vmem>> -> memref<200x64xf32, #tpu.memory_space<vmem>>
        %get3A_1179 = arith.index_cast %add3A_1174 : i32 to index
        %get3A_1180 = arith.constant 16 : index
        %get3A_1181 = tpu.vector_load %get3A_1178[%get3A_1179, %get3A_1180] {strides = array<i32>} : memref<200x64xf32, #tpu.memory_space<vmem>>, vector<1x16xf32>,
        %get3A_1182 = vector.shape_cast %get3A_1181 : vector<1x16xf32> to vector<16xf32>
        %add3A_1183 = arith.addf %add3A_1123, %get3A_1182 : vector<16xf32>
        %mul3A_1184 = arith.mulf %get3A_1182, %get3A_1182 : vector<16xf32>
        %add3A_1185 = arith.addf %add3A_1125, %mul3A_1184 : vector<16xf32>
        %max3A_1186 = arith.maximumf %max3A_1126, %get3A_1182 : vector<16xf32>
        %min3A_1187 = arith.minimumf %min3A_1127, %get3A_1182 : vector<16xf32>
        %add3A_1188 = arith.constant 7 : i32
        %add3A_1189 = arith.addi %mul3A_740, %add3A_1188 : i32
        %get3A_1190 = arith.constant 0 : i32
        %get3A_1191 = arith.constant 0 : i32
        %get3A_1192 = tpu.memref_slice %arg6[%scan3A_628, %get3A_1190, %get3A_1191] : memref<4x200x64xf32, #tpu.memory_space<vmem>> -> memref<1x200x64xf32, #tpu.memory_space<vmem>>
        %get3A_1193 = tpu.memref_squeeze %get3A_1192 : memref<1x200x64xf32, #tpu.memory_space<vmem>> -> memref<200x64xf32, #tpu.memory_space<vmem>>
        %get3A_1194 = arith.index_cast %add3A_1189 : i32 to index
        %get3A_1195 = arith.constant 32 : index
        %get3A_1196 = tpu.vector_load %get3A_1193[%get3A_1194, %get3A_1195] {strides = array<i32>} : memref<200x64xf32, #tpu.memory_space<vmem>>, vector<1x16xf32>,
        %get3A_1197 = vector.shape_cast %get3A_1196 : vector<1x16xf32> to vector<16xf32>
        %add3A_1198 = arith.addf %add3A_1138, %get3A_1197 : vector<16xf32>
        %mul3A_1199 = arith.mulf %get3A_1197, %get3A_1197 : vector<16xf32>
        %add3A_1200 = arith.addf %add3A_1140, %mul3A_1199 : vector<16xf32>
        %max3A_1201 = arith.maximumf %max3A_1141, %get3A_1197 : vector<16xf32>
        %min3A_1202 = arith.minimumf %min3A_1142, %get3A_1197 : vector<16xf32>
        %add3A_1203 = arith.constant 7 : i32
        %add3A_1204 = arith.addi %mul3A_740, %add3A_1203 : i32
        %get3A_1205 = arith.constant 0 : i32
        %get3A_1206 = arith.constant 0 : i32
        %get3A_1207 = tpu.memref_slice %arg6[%scan3A_628, %get3A_1205, %get3A_1206] : memref<4x200x64xf32, #tpu.memory_space<vmem>> -> memref<1x200x64xf32, #tpu.memory_space<vmem>>
        %get3A_1208 = tpu.memref_squeeze %get3A_1207 : memref<1x200x64xf32, #tpu.memory_space<vmem>> -> memref<200x64xf32, #tpu.memory_space<vmem>>
        %get3A_1209 = arith.index_cast %add3A_1204 : i32 to index
        %get3A_1210 = arith.constant 48 : index
        %get3A_1211 = tpu.vector_load %get3A_1208[%get3A_1209, %get3A_1210] {strides = array<i32>} : memref<200x64xf32, #tpu.memory_space<vmem>>, vector<1x16xf32>,
        %get3A_1212 = vector.shape_cast %get3A_1211 : vector<1x16xf32> to vector<16xf32>
        %add3A_1213 = arith.addf %add3A_1153, %get3A_1212 : vector<16xf32>
        %mul3A_1214 = arith.mulf %get3A_1212, %get3A_1212 : vector<16xf32>
        %add3A_1215 = arith.addf %add3A_1155, %mul3A_1214 : vector<16xf32>
        %max3A_1216 = arith.maximumf %max3A_1156, %get3A_1212 : vector<16xf32>
        %min3A_1217 = arith.minimumf %min3A_1157, %get3A_1212 : vector<16xf32>
        scf.yield %add3A_1168, %add3A_1183, %add3A_1198, %add3A_1213, %add3A_1170, %add3A_1185, %add3A_1200, %add3A_1215, %max3A_1171, %max3A_1186, %max3A_1201, %max3A_1216, %min3A_1172, %min3A_1187, %min3A_1202, %min3A_1217 : vector<16xf32>, vector<16xf32>, vector<16xf32>, vector<16xf32>, vector<16xf32>, vector<16xf32>, vector<16xf32>, vector<16xf32>, vector<16xf32>, vector<16xf32>, vector<16xf32>, vector<16xf32>, vector<16xf32>, vector<16xf32>, vector<16xf32>, vector<16xf32>
      }
      %scan3A_634 = arith.constant 25 : i32
      %swap3A_635 = arith.index_cast %add3A_575 : i32 to index
      %swap3A_636 = arith.constant 0 : index
      %swap3A_637 = tpu.vector_load %arg7[%swap3A_635, %swap3A_636] {strides = array<i32>} : memref<128x256xf32, #tpu.memory_space<vmem>>, vector<1x16xf32>,
      %swap3A_638 = vector.shape_cast %swap3A_637 : vector<1x16xf32> to vector<16xf32>
      %swap3A_639 = vector.shape_cast %scan3A_633#0 : vector<16xf32> to vector<1x16xf32>
      tpu.vector_store %arg7[%swap3A_635, %swap3A_636], %swap3A_639 {strides = array<i32>} : memref<128x256xf32, #tpu.memory_space<vmem>>, vector<1x16xf32>,
      %swap3A_640 = arith.index_cast %add3A_575 : i32 to index
      %swap3A_641 = arith.constant 64 : index
      %swap3A_642 = tpu.vector_load %arg7[%swap3A_640, %swap3A_641] {strides = array<i32>} : memref<128x256xf32, #tpu.memory_space<vmem>>, vector<1x16xf32>,
      %swap3A_643 = vector.shape_cast %swap3A_642 : vector<1x16xf32> to vector<16xf32>
      %swap3A_644 = vector.shape_cast %scan3A_633#8 : vector<16xf32> to vector<1x16xf32>
      tpu.vector_store %arg7[%swap3A_640, %swap3A_641], %swap3A_644 {strides = array<i32>} : memref<128x256xf32, #tpu.memory_space<vmem>>, vector<1x16xf32>,
      %swap3A_645 = arith.index_cast %add3A_575 : i32 to index
      %swap3A_646 = arith.constant 128 : index
      %swap3A_647 = tpu.vector_load %arg7[%swap3A_645, %swap3A_646] {strides = array<i32>} : memref<128x256xf32, #tpu.memory_space<vmem>>, vector<1x16xf32>,
      %swap3A_648 = vector.shape_cast %swap3A_647 : vector<1x16xf32> to vector<16xf32>
      %swap3A_649 = vector.shape_cast %scan3A_633#12 : vector<16xf32> to vector<1x16xf32>
      tpu.vector_store %arg7[%swap3A_645, %swap3A_646], %swap3A_649 {strides = array<i32>} : memref<128x256xf32, #tpu.memory_space<vmem>>, vector<1x16xf32>,
      %swap3A_650 = arith.index_cast %add3A_575 : i32 to index
      %swap3A_651 = arith.constant 192 : index
      %swap3A_652 = tpu.vector_load %arg7[%swap3A_650, %swap3A_651] {strides = array<i32>} : memref<128x256xf32, #tpu.memory_space<vmem>>, vector<1x16xf32>,
      %swap3A_653 = vector.shape_cast %swap3A_652 : vector<1x16xf32> to vector<16xf32>
      %swap3A_654 = vector.shape_cast %scan3A_633#4 : vector<16xf32> to vector<1x16xf32>
      tpu.vector_store %arg7[%swap3A_650, %swap3A_651], %swap3A_654 {strides = array<i32>} : memref<128x256xf32, #tpu.memory_space<vmem>>, vector<1x16xf32>,
      %swap3A_655 = arith.index_cast %add3A_575 : i32 to index
      %swap3A_656 = arith.constant 16 : index
      %swap3A_657 = tpu.vector_load %arg7[%swap3A_655, %swap3A_656] {strides = array<i32>} : memref<128x256xf32, #tpu.memory_space<vmem>>, vector<1x16xf32>,
      %swap3A_658 = vector.shape_cast %swap3A_657 : vector<1x16xf32> to vector<16xf32>
      %swap3A_659 = vector.shape_cast %scan3A_633#1 : vector<16xf32> to vector<1x16xf32>
      tpu.vector_store %arg7[%swap3A_655, %swap3A_656], %swap3A_659 {strides = array<i32>} : memref<128x256xf32, #tpu.memory_space<vmem>>, vector<1x16xf32>,
      %swap3A_660 = arith.index_cast %add3A_575 : i32 to index
      %swap3A_661 = arith.constant 80 : index
      %swap3A_662 = tpu.vector_load %arg7[%swap3A_660, %swap3A_661] {strides = array<i32>} : memref<128x256xf32, #tpu.memory_space<vmem>>, vector<1x16xf32>,
      %swap3A_663 = vector.shape_cast %swap3A_662 : vector<1x16xf32> to vector<16xf32>
      %swap3A_664 = vector.shape_cast %scan3A_633#9 : vector<16xf32> to vector<1x16xf32>
      tpu.vector_store %arg7[%swap3A_660, %swap3A_661], %swap3A_664 {strides = array<i32>} : memref<128x256xf32, #tpu.memory_space<vmem>>, vector<1x16xf32>,
      %swap3A_665 = arith.index_cast %add3A_575 : i32 to index
      %swap3A_666 = arith.constant 144 : index
      %swap3A_667 = tpu.vector_load %arg7[%swap3A_665, %swap3A_666] {strides = array<i32>} : memref<128x256xf32, #tpu.memory_space<vmem>>, vector<1x16xf32>,
      %swap3A_668 = vector.shape_cast %swap3A_667 : vector<1x16xf32> to vector<16xf32>
      %swap3A_669 = vector.shape_cast %scan3A_633#13 : vector<16xf32> to vector<1x16xf32>
      tpu.vector_store %arg7[%swap3A_665, %swap3A_666], %swap3A_669 {strides = array<i32>} : memref<128x256xf32, #tpu.memory_space<vmem>>, vector<1x16xf32>,
      %swap3A_670 = arith.index_cast %add3A_575 : i32 to index
      %swap3A_671 = arith.constant 208 : index
      %swap3A_672 = tpu.vector_load %arg7[%swap3A_670, %swap3A_671] {strides = array<i32>} : memref<128x256xf32, #tpu.memory_space<vmem>>, vector<1x16xf32>,
      %swap3A_673 = vector.shape_cast %swap3A_672 : vector<1x16xf32> to vector<16xf32>
      %swap3A_674 = vector.shape_cast %scan3A_633#5 : vector<16xf32> to vector<1x16xf32>
      tpu.vector_store %arg7[%swap3A_670, %swap3A_671], %swap3A_674 {strides = array<i32>} : memref<128x256xf32, #tpu.memory_space<vmem>>, vector<1x16xf32>,
      %swap3A_675 = arith.index_cast %add3A_575 : i32 to index
      %swap3A_676 = arith.constant 32 : index
      %swap3A_677 = tpu.vector_load %arg7[%swap3A_675, %swap3A_676] {strides = array<i32>} : memref<128x256xf32, #tpu.memory_space<vmem>>, vector<1x16xf32>,
      %swap3A_678 = vector.shape_cast %swap3A_677 : vector<1x16xf32> to vector<16xf32>
      %swap3A_679 = vector.shape_cast %scan3A_633#2 : vector<16xf32> to vector<1x16xf32>
      tpu.vector_store %arg7[%swap3A_675, %swap3A_676], %swap3A_679 {strides = array<i32>} : memref<128x256xf32, #tpu.memory_space<vmem>>, vector<1x16xf32>,
      %swap3A_680 = arith.index_cast %add3A_575 : i32 to index
      %swap3A_681 = arith.constant 96 : index
      %swap3A_682 = tpu.vector_load %arg7[%swap3A_680, %swap3A_681] {strides = array<i32>} : memref<128x256xf32, #tpu.memory_space<vmem>>, vector<1x16xf32>,
      %swap3A_683 = vector.shape_cast %swap3A_682 : vector<1x16xf32> to vector<16xf32>
      %swap3A_684 = vector.shape_cast %scan3A_633#10 : vector<16xf32> to vector<1x16xf32>
      tpu.vector_store %arg7[%swap3A_680, %swap3A_681], %swap3A_684 {strides = array<i32>} : memref<128x256xf32, #tpu.memory_space<vmem>>, vector<1x16xf32>,
      %swap3A_685 = arith.index_cast %add3A_575 : i32 to index
      %swap3A_686 = arith.constant 160 : index
      %swap3A_687 = tpu.vector_load %arg7[%swap3A_685, %swap3A_686] {strides = array<i32>} : memref<128x256xf32, #tpu.memory_space<vmem>>, vector<1x16xf32>,
      %swap3A_688 = vector.shape_cast %swap3A_687 : vector<1x16xf32> to vector<16xf32>
      %swap3A_689 = vector.shape_cast %scan3A_633#14 : vector<16xf32> to vector<1x16xf32>
      tpu.vector_store %arg7[%swap3A_685, %swap3A_686], %swap3A_689 {strides = array<i32>} : memref<128x256xf32, #tpu.memory_space<vmem>>, vector<1x16xf32>,
      %swap3A_690 = arith.index_cast %add3A_575 : i32 to index
      %swap3A_691 = arith.constant 224 : index
      %swap3A_692 = tpu.vector_load %arg7[%swap3A_690, %swap3A_691] {strides = array<i32>} : memref<128x256xf32, #tpu.memory_space<vmem>>, vector<1x16xf32>,
      %swap3A_693 = vector.shape_cast %swap3A_692 : vector<1x16xf32> to vector<16xf32>
      %swap3A_694 = vector.shape_cast %scan3A_633#6 : vector<16xf32> to vector<1x16xf32>
      tpu.vector_store %arg7[%swap3A_690, %swap3A_691], %swap3A_694 {strides = array<i32>} : memref<128x256xf32, #tpu.memory_space<vmem>>, vector<1x16xf32>,
      %swap3A_695 = arith.index_cast %add3A_575 : i32 to index
      %swap3A_696 = arith.constant 48 : index
      %swap3A_697 = tpu.vector_load %arg7[%swap3A_695, %swap3A_696] {strides = array<i32>} : memref<128x256xf32, #tpu.memory_space<vmem>>, vector<1x16xf32>,
      %swap3A_698 = vector.shape_cast %swap3A_697 : vector<1x16xf32> to vector<16xf32>
      %swap3A_699 = vector.shape_cast %scan3A_633#3 : vector<16xf32> to vector<1x16xf32>
      tpu.vector_store %arg7[%swap3A_695, %swap3A_696], %swap3A_699 {strides = array<i32>} : memref<128x256xf32, #tpu.memory_space<vmem>>, vector<1x16xf32>,
      %swap3A_700 = arith.index_cast %add3A_575 : i32 to index
      %swap3A_701 = arith.constant 112 : index
      %swap3A_702 = tpu.vector_load %arg7[%swap3A_700, %swap3A_701] {strides = array<i32>} : memref<128x256xf32, #tpu.memory_space<vmem>>, vector<1x16xf32>,
      %swap3A_703 = vector.shape_cast %swap3A_702 : vector<1x16xf32> to vector<16xf32>
      %swap3A_704 = vector.shape_cast %scan3A_633#11 : vector<16xf32> to vector<1x16xf32>
      tpu.vector_store %arg7[%swap3A_700, %swap3A_701], %swap3A_704 {strides = array<i32>} : memref<128x256xf32, #tpu.memory_space<vmem>>, vector<1x16xf32>,
      %swap3A_705 = arith.index_cast %add3A_575 : i32 to index
      %swap3A_706 = arith.constant 176 : index
      %swap3A_707 = tpu.vector_load %arg7[%swap3A_705, %swap3A_706] {strides = array<i32>} : memref<128x256xf32, #tpu.memory_space<vmem>>, vector<1x16xf32>,
      %swap3A_708 = vector.shape_cast %swap3A_707 : vector<1x16xf32> to vector<16xf32>
      %swap3A_709 = vector.shape_cast %scan3A_633#15 : vector<16xf32> to vector<1x16xf32>
      tpu.vector_store %arg7[%swap3A_705, %swap3A_706], %swap3A_709 {strides = array<i32>} : memref<128x256xf32, #tpu.memory_space<vmem>>, vector<1x16xf32>,
      %swap3A_710 = arith.index_cast %add3A_575 : i32 to index
      %swap3A_711 = arith.constant 240 : index
      %swap3A_712 = tpu.vector_load %arg7[%swap3A_710, %swap3A_711] {strides = array<i32>} : memref<128x256xf32, #tpu.memory_space<vmem>>, vector<1x16xf32>,
      %swap3A_713 = vector.shape_cast %swap3A_712 : vector<1x16xf32> to vector<16xf32>
      %swap3A_714 = vector.shape_cast %scan3A_633#7 : vector<16xf32> to vector<1x16xf32>
      tpu.vector_store %arg7[%swap3A_710, %swap3A_711], %swap3A_714 {strides = array<i32>} : memref<128x256xf32, #tpu.memory_space<vmem>>, vector<1x16xf32>,
      %add3A_715 = arith.constant 4 : i32
      %add3A_716 = arith.addi %add3A_575, %add3A_715 : i32
      %lt3A_717 = arith.constant 128 : i32
      %lt3A_718 = arith.cmpi slt, %add3A_716, %lt3A_717 : i32
      %convert_element_type3A_719 = arith.extui %lt3A_718 : i1 to i32
      %cond3A_720 = arith.constant 0 : i32
      %cond3A_721 = arith.cmpi ne, %convert_element_type3A_719, %cond3A_720 : i32
      scf.if %cond3A_721 {
        %add3A_722 = arith.constant 4 : i32
        %add3A_723 = arith.addi %add3A_575, %add3A_722 : i32
        %dma_start3A_724 = arith.constant 3 : i32
        %dma_start3A_725 = arith.constant 0 : i32
        %dma_start3A_726 = arith.constant 0 : i32
        %dma_start3A_727 = tpu.memref_slice %arg6[%dma_start3A_724, %dma_start3A_725, %dma_start3A_726] : memref<4x200x64xf32, #tpu.memory_space<vmem>> -> memref<1x200x64xf32, #tpu.memory_space<vmem>>
        %dma_start3A_728 = tpu.memref_squeeze %dma_start3A_727 : memref<1x200x64xf32, #tpu.memory_space<vmem>> -> memref<200x64xf32, #tpu.memory_space<vmem>>
        %dma_start3A_729 = arith.constant 0 : i32
        %dma_start3A_730 = arith.constant 0 : i32
        %dma_start3A_731 = tpu.memref_slice %dma_start3A_728[%dma_start3A_729, %dma_start3A_730] : memref<200x64xf32, #tpu.memory_space<vmem>> -> memref<128x64xf32, #tpu.memory_space<vmem>>
        %dma_start3A_732 = arith.constant 0 : i32
        %dma_start3A_733 = tpu.memref_slice %arg5[%add3A_723, %dma_start3A_732] : memref<128x200xi32, #tpu.memory_space<vmem>> -> memref<1x128xi32, #tpu.memory_space<vmem>>
        %dma_start3A_734 = tpu.memref_squeeze %dma_start3A_733 : memref<1x128xi32, #tpu.memory_space<vmem>> -> memref<128xi32, #tpu.memory_space<vmem>>
        %dma_start3A_735 = arith.constant 0 : i32
        %dma_start3A_736 = arith.constant 0 : i32
        %dma_start3A_737 = tpu.memref_slice %arg3[%dma_start3A_735, %dma_start3A_736] : memref<1015808x64xf32, #tpu.memory_space<hbm>> -> memref<1015808x64xf32, #tpu.memory_space<hbm>>
        tpu.enqueue_indirect_dma source(%dma_start3A_737 : memref<1015808x64xf32, #tpu.memory_space<hbm>>) target(%dma_start3A_731 : memref<128x64xf32, #tpu.memory_space<vmem>>) offsets(%dma_start3A_734 : memref<128xi32, #tpu.memory_space<vmem>>) semaphore(%arg11 : memref<!tpu.dma_semaphore, #tpu.memory_space<semaphore_mem>>)
        %dma_start3A_738 = arith.constant 3 : i32
        %dma_start3A_739 = arith.constant 0 : i32
        %dma_start3A_740 = arith.constant 0 : i32
        %dma_start3A_741 = tpu.memref_slice %arg6[%dma_start3A_738, %dma_start3A_739, %dma_start3A_740] : memref<4x200x64xf32, #tpu.memory_space<vmem>> -> memref<1x200x64xf32, #tpu.memory_space<vmem>>
        %dma_start3A_742 = tpu.memref_squeeze %dma_start3A_741 : memref<1x200x64xf32, #tpu.memory_space<vmem>> -> memref<200x64xf32, #tpu.memory_space<vmem>>
        %dma_start3A_743 = arith.constant 128 : i32
        %dma_start3A_744 = arith.constant 0 : i32
        %dma_start3A_745 = tpu.memref_slice %dma_start3A_742[%dma_start3A_743, %dma_start3A_744] : memref<200x64xf32, #tpu.memory_space<vmem>> -> memref<72x64xf32, #tpu.memory_space<vmem>>
        %dma_start3A_746 = arith.constant 128 : i32
        %dma_start3A_747 = tpu.memref_slice %arg5[%add3A_723, %dma_start3A_746] : memref<128x200xi32, #tpu.memory_space<vmem>> -> memref<1x72xi32, #tpu.memory_space<vmem>>
        %dma_start3A_748 = tpu.memref_squeeze %dma_start3A_747 : memref<1x72xi32, #tpu.memory_space<vmem>> -> memref<72xi32, #tpu.memory_space<vmem>>
        %dma_start3A_749 = arith.constant 0 : i32
        %dma_start3A_750 = arith.constant 0 : i32
        %dma_start3A_751 = tpu.memref_slice %arg3[%dma_start3A_749, %dma_start3A_750] : memref<1015808x64xf32, #tpu.memory_space<hbm>> -> memref<1015808x64xf32, #tpu.memory_space<hbm>>
        tpu.enqueue_indirect_dma source(%dma_start3A_751 : memref<1015808x64xf32, #tpu.memory_space<hbm>>) target(%dma_start3A_745 : memref<72x64xf32, #tpu.memory_space<vmem>>) offsets(%dma_start3A_748 : memref<72xi32, #tpu.memory_space<vmem>>) semaphore(%arg11 : memref<!tpu.dma_semaphore, #tpu.memory_space<semaphore_mem>>)
      } else {
      }
    }
    %scan3A_126 = arith.constant 32 : i32
    "tpu.region"() ({
      %run_scoped3A = tpu.sem_alloc : memref<!tpu.dma_semaphore, #tpu.memory_space<semaphore_mem>>
      %dma_start3A_127 = arith.constant 0 : i32
      %dma_start3A_128 = tpu.memref_slice %arg4[%mul3A_2, %dma_start3A_127] : memref<4096x256xf32, #tpu.memory_space<hbm>> -> memref<128x256xf32, #tpu.memory_space<hbm>>
      %dma_start3A_129 = arith.constant 0 : i32
      %dma_start3A_130 = tpu.memref_slice %arg4[%mul3A_2, %dma_start3A_129] : memref<4096x256xf32, #tpu.memory_space<hbm>> -> memref<128x256xf32, #tpu.memory_space<hbm>>
      tpu.enqueue_dma source(%arg7 : memref<128x256xf32, #tpu.memory_space<vmem>>) target(%dma_start3A_130 : memref<128x256xf32, #tpu.memory_space<hbm>>) target_semaphore(%run_scoped3A : memref<!tpu.dma_semaphore, #tpu.memory_space<semaphore_mem>>)
      %dma_wait3A = arith.constant 0 : i32
      %dma_wait3A_131 = tpu.memref_slice %arg4[%mul3A_2, %dma_wait3A] : memref<4096x256xf32, #tpu.memory_space<hbm>> -> memref<128x256xf32, #tpu.memory_space<hbm>>
      %dma_wait3A_132 = arith.constant 0 : i32
      %dma_wait3A_133 = tpu.memref_slice %arg4[%mul3A_2, %dma_wait3A_132] : memref<4096x256xf32, #tpu.memory_space<hbm>> -> memref<128x256xf32, #tpu.memory_space<hbm>>
      tpu.wait_dma2 semaphore(%run_scoped3A : memref<!tpu.dma_semaphore, #tpu.memory_space<semaphore_mem>>) src(%arg7 : memref<128x256xf32, #tpu.memory_space<vmem>>) dst(%dma_wait3A_133 : memref<128x256xf32, #tpu.memory_space<hbm>>)
      tpu.yield
    }) : () -> ()
    return
  }
}

module attributes {stable_mosaic.version = 14 : i64} {
  func.func @body(%arg0: i32, %arg1: memref<64x32768xf32, #tpu.memory_space<vmem>>, %arg2: memref<2097152xf32, #tpu.memory_space<vmem>>) attributes {dimension_semantics = [#tpu.dimension_semantics<arbitrary>], iteration_bounds = array<i64: 31>, scalar_prefetch = 0 : i64, scratch_operands = 0 : i64, tpu.core_type = #tpu.core_type<tc>, window_params = [{transform_indices = @transform_0, window_bounds = array<i64: 64, 32768>}, {transform_indices = @transform_1, window_bounds = array<i64: 2097152>}]} {
    %get3A = arith.constant 0 : index
    %get3A_0 = arith.constant 0 : index
    %get3A_1 = vector.load %arg1[%get3A, %get3A_0] : memref<64x32768xf32, #tpu.memory_space<vmem>>, vector<64x32768xf32>
    %slice3A = vector.extract_strided_slice %get3A_1 {offsets = [0, 0], sizes = [64, 16384], strides = [1, 1]} : vector<64x32768xf32> to vector<64x16384xf32>
    %slice3A_2 = vector.extract_strided_slice %get3A_1 {offsets = [0, 16384], sizes = [64, 16384], strides = [1, 1]} : vector<64x32768xf32> to vector<64x16384xf32>
    %concatenate3A = tpu.concatenate %slice3A, %slice3A_2 in 0 : vector<64x16384xf32>, vector<64x16384xf32> -> vector<128x16384xf32>
    %transpose3A = tpu.transpose %concatenate3A, [1, 0] : vector<128x16384xf32> -> vector<16384x128xf32>
    %reshape3A = vector.shape_cast %transpose3A : vector<16384x128xf32> to vector<2097152xf32>
    %swap3A = arith.constant 0 : index
    %swap3A_3 = vector.load %arg2[%swap3A] : memref<2097152xf32, #tpu.memory_space<vmem>>, vector<2097152xf32>
    tpu.vector_store %arg2[%swap3A], %reshape3A {strides = array<i32>} : memref<2097152xf32, #tpu.memory_space<vmem>>, vector<2097152xf32>,
    return
  }
  func.func @transform_0(%arg0: i32) -> (i32, i32) {
    %c0_i32 = arith.constant 0 : i32
    %c0_i32_0 = arith.constant 0 : i32
    return %c0_i32, %arg0 : i32, i32
  }
  func.func @transform_1(%arg0: i32) -> i32 {
    %c0_i32 = arith.constant 0 : i32
    return %arg0 : i32
  }
}

module attributes {stable_mosaic.version = 14 : i64} {
  func.func @body(%arg0: i32, %arg1: memref<512x256xf32, #tpu.memory_space<vmem>>, %arg2: memref<256x2xf32, #tpu.memory_space<vmem>>, %arg3: memref<1x2xf32, #tpu.memory_space<vmem>>, %arg4: memref<512x2xf32, #tpu.memory_space<vmem>>) attributes {dimension_semantics = [#tpu.dimension_semantics<arbitrary>], iteration_bounds = array<i64: 8>, scalar_prefetch = 0 : i64, scratch_operands = 0 : i64, tpu.core_type = #tpu.core_type<tc>, window_params = [{transform_indices = @transform_0, window_bounds = array<i64: 512, 256>}, {pipeline_mode = #tpu.pipeline_mode<synchronous>, transform_indices = @transform_1, window_bounds = array<i64: 256, 2>}, {pipeline_mode = #tpu.pipeline_mode<synchronous>, transform_indices = @transform_2, window_bounds = array<i64: 1, 2>}, {transform_indices = @transform_3, window_bounds = array<i64: 512, 2>}]} {
    %get3A = arith.constant 0 : index
    %get3A_0 = arith.constant 0 : index
    %get3A_1 = vector.load %arg1[%get3A, %get3A_0] : memref<512x256xf32, #tpu.memory_space<vmem>>, vector<512x256xf32>
    %slice3A = vector.extract_strided_slice %get3A_1 {offsets = [0, 0], sizes = [512, 64], strides = [1, 1]} : vector<512x256xf32> to vector<512x64xf32>
    %slice3A_2 = vector.extract_strided_slice %get3A_1 {offsets = [0, 64], sizes = [512, 64], strides = [1, 1]} : vector<512x256xf32> to vector<512x64xf32>
    %slice3A_3 = vector.extract_strided_slice %get3A_1 {offsets = [0, 128], sizes = [512, 64], strides = [1, 1]} : vector<512x256xf32> to vector<512x64xf32>
    %slice3A_4 = vector.extract_strided_slice %get3A_1 {offsets = [0, 192], sizes = [512, 64], strides = [1, 1]} : vector<512x256xf32> to vector<512x64xf32>
    %mul3A = arith.constant 5.000000e-03 : f32
    %mul3A_5 = vector.broadcast %mul3A : f32 to vector<512x64xf32>
    %mul3A_6 = arith.mulf %slice3A, %mul3A_5 : vector<512x64xf32>
    %mul3A_7 = arith.mulf %slice3A, %mul3A_6 : vector<512x64xf32>
    %sub3A = arith.subf %slice3A_4, %mul3A_7 : vector<512x64xf32>
    %mul3A_8 = arith.constant 0.00502512557 : f32
    %mul3A_9 = vector.broadcast %mul3A_8 : f32 to vector<512x64xf32>
    %mul3A_10 = arith.mulf %sub3A, %mul3A_9 : vector<512x64xf32>
    %max3A = arith.constant 0.000000e+00 : f32
    %max3A_11 = vector.broadcast %max3A : f32 to vector<512x64xf32>
    %max3A_12 = arith.maximumf %mul3A_10, %max3A_11 : vector<512x64xf32>
    %sqrt3A = math.sqrt %max3A_12 : vector<512x64xf32>
    %concatenate3A = tpu.concatenate %mul3A_6, %slice3A_2, %slice3A_3, %sqrt3A in 1 : vector<512x64xf32>, vector<512x64xf32>, vector<512x64xf32>, vector<512x64xf32> -> vector<512x256xf32>
    %get3A_13 = arith.constant 0 : index
    %get3A_14 = arith.constant 0 : index
    %get3A_15 = vector.load %arg2[%get3A_13, %get3A_14] : memref<256x2xf32, #tpu.memory_space<vmem>>, vector<256x2xf32>
    %dot_general3A = arith.constant dense<0.000000e+00> : vector<512x2xf32>
    %dot_general3A_16 = tpu.matmul %concatenate3A, %get3A_15, %dot_general3A {dimension_numbers = #tpu.dot_dimension_numbers<[1], [0], [0], [1], [0, 0, 1, 1], [], []>, transpose_lhs_hint = false} : vector<512x256xf32>, vector<256x2xf32>, vector<512x2xf32> -> vector<512x2xf32>
    %get3A_17 = arith.constant 0 : index
    %get3A_18 = arith.constant 0 : index
    %get3A_19 = vector.load %arg3[%get3A_17, %get3A_18] : memref<1x2xf32, #tpu.memory_space<vmem>>, vector<1x2xf32>
    %add3A = vector.broadcast %get3A_19 : vector<1x2xf32> to vector<512x2xf32>
    %add3A_20 = arith.addf %dot_general3A_16, %add3A : vector<512x2xf32>
    %swap3A = arith.constant 0 : index
    %swap3A_21 = arith.constant 0 : index
    %swap3A_22 = vector.load %arg4[%swap3A, %swap3A_21] : memref<512x2xf32, #tpu.memory_space<vmem>>, vector<512x2xf32>
    tpu.vector_store %arg4[%swap3A, %swap3A_21], %add3A_20 {strides = array<i32>} : memref<512x2xf32, #tpu.memory_space<vmem>>, vector<512x2xf32>,
    return
  }
  func.func @transform_0(%arg0: i32) -> (i32, i32) {
    %c0_i32 = arith.constant 0 : i32
    %c0_i32_0 = arith.constant 0 : i32
    return %arg0, %c0_i32 : i32, i32
  }
  func.func @transform_1(%arg0: i32) -> (i32, i32) {
    %c0_i32 = arith.constant 0 : i32
    %c0_i32_0 = arith.constant 0 : i32
    %c0_i32_1 = arith.constant 0 : i32
    return %c0_i32, %c0_i32_0 : i32, i32
  }
  func.func @transform_2(%arg0: i32) -> (i32, i32) {
    %c0_i32 = arith.constant 0 : i32
    %c0_i32_0 = arith.constant 0 : i32
    %c0_i32_1 = arith.constant 0 : i32
    return %c0_i32, %c0_i32_0 : i32, i32
  }
  func.func @transform_3(%arg0: i32) -> (i32, i32) {
    %c0_i32 = arith.constant 0 : i32
    %c0_i32_0 = arith.constant 0 : i32
    return %arg0, %c0_i32 : i32, i32
  }
}

</mosaic_0001>

<sc_bundles>
// kernel: kernel.5.cloned.1.call-start
scs
__scs_entry_jumppad:
0x0: {  	(pc) =	sbr.rel $0x88, $3  }
0x1: {  	(tag) =	ssettag $0x0;
	lr =	simm.s32 $0x1  }
0x2: {  	[smem:$0x3F9D] =	sst lr;
	_ =	strace $0xD0000000  }
0x3: {  	_ = 	snop  }
0x4: {  	_ = 	snop  }
0x5: {  	_ = 	snop  }
0x6: {  	_ = 	snop  }
0x7: {  	_ = 	snop  }
__scs_overlays_trampoline_lowered:
0x8: {  	[smem:$0x3FAC] =	sst s0  }
0x9: {  	[smem:$0x3FAD] =	sst s1  }
0xa: {  	[smem:$0x3FAE] =	sst s2  }
0xb: {  	[smem:$0x3FAF] =	sst s3  }
0xc: {  	[smem:$0x3FB0] =	sst s4  }
0xd: {  	[smem:$0x3FB1] =	sst s5  }
0xe: {  	[smem:$0x3FB2] =	sst s6  }
0xf: {  	[smem:$0x3FB3] =	sst s7  }
0x10: {  	[smem:$0x3FB4] =	sst s8  }
0x11: {  	[smem:$0x3FB5] =	sst s9;
	s0 =	simm.s32 @!p0 $0x0  }
0x12: {  	s1 =	sld [smem:$0x3F9B];
	s0 =	simm.s32 @p0 $0x1  }
0x13: {  	[smem:$0x3FB6] =	sst s0;
	s0 =	simm.s32 @!p1 $0x0  }
0x14: {  	s2 =	sld [smem:$0x3F9A];
	s0 =	simm.s32 @p1 $0x1  }
0x15: {  	[smem:$0x3FB7] =	sst s0;
	s0 =	simm.s32 @!p2 $0x0  }
0x16: {  	s3 =	sld [smem:$0x3FDB];
	s0 =	simm.s32 @p2 $0x1  }
0x17: {  	s4 =	simm.s32 $0x1BF5;
	[smem:$0x3FB9] =	sst s0  }
0x18: {  	s0 =	sld [smem:$0x3F9C];
	_ =	swait.ge [sflag:s4], $0x0  }
0x19: {  	s7 =	sld [smem:$0x3F9D]  }
0x1a: {  	s8 =	sadd.s32 $0xFFFFE003, lr  }
0x1b: {  	s9 =	sadd.s32 $0xFFFFFEF7, lr;
	s5 =	simm.s32 $0xFFFFFFFF;
	p2 =	slt.u32 s8, $0xFFFFF086  }
0x1c: {  	p1 =	slt.u32 s9, $0xF7A;
	s5 =	simm.s32 @!p2 $0x0  }
0x1d: {  	s5 =	simm.s32 @p1 $0x1;
	p0 =	seq.s32 s7, s2  }
0x1e: {  	s7 =	smul.u32 @!p0 $0xF7A, s2;
	p2 =	seq.s32 @!p0 s5, $0x0  }
0x1f: {  	s9 =	smul.u32 $0xF7A, s1;
	s8 =	simm.s32 @!p0 $0x1BF5;
	p2 =	por !p2, p0  }
0x20: {  	[sflag:s8] =	ssyncset.s32 @!p0 $0xFFFFF086;
	s6 =	sadd.s32 @!p0 s3, s7;
	s7 =	simm.s32 @!p0 $0x108  }
0x21: {  	s3 =	sadd.s32 s3, s9;
	s6 =	sadd.s32 @!p0 $0x88, s6;
	s7 =	simm.s32 @p2 $0x1082  }
0x22: {  	[simem:s7], [sflag:s8] =	dma.local @!p0 [hbm:s6], $0xF7A  }
0x23: {  	s9 =	sor.u32 $0xD0000000, s2;
	s6 =	simm.s32 $0x108;
	_ =	swait.ge @!p0 [sflag:s8], $0x0  }
0x24: {  	s3 =	sadd.s32 $0x88, s3;
	s6 =	simm.s32 @!p1 $0x1082;
	[sflag:s4] =	ssyncset.s32 $0xFFFFF086  }
0x25: {  	[simem:s6], [sflag:s4] =	dma.local [hbm:s3], $0xF7A  }
0x26: {  	[smem:$0x3F9D] =	sst s1;
	(tag) =	ssettag s2;
	_ =	strace s9  }
0x27: {  	s1 =	sld [smem:$0x3FAD]  }
0x28: {  	s2 =	sld [smem:$0x3FAE]  }
0x29: {  	s4 =	sld [smem:$0x3FB0]  }
0x2a: {  	p0 =	seq.s32 s5, $0x0;
	s5 =	sld [smem:$0x3FB1]  }
0x2b: {  	s6 =	sld [smem:$0x3FB2]  }
0x2c: {  	s7 =	sld [smem:$0x3FB3]  }
0x2d: {  	s3 =	simm.s32 $0x108;
	s8 =	sld [smem:$0x3FB4]  }
0x2e: {  	s3 =	simm.s32 @!p0 $0x1082;
	s9 =	sld [smem:$0x3FB5]  }
0x2f: {  	lr =	sadd.s32 s0, s3;
	s0 =	sld [smem:$0x3FAC]  }
0x30: {  	s3 =	sld [smem:$0x3FAF]  }
0x31: {  	[smem:$0x3FB8] =	sst s10  }
0x32: {  	s10 =	sld [smem:$0x3FB6];
	_ =	sdelay $0x3  }
0x33: {  	p0 =	seq.s32 s10, $0x1;
	s10 =	sld [smem:$0x3FB8];
	_ =	sdelay $0x3  }
0x34: {  	[smem:$0x3FB8] =	sst s10  }
0x35: {  	s10 =	sld [smem:$0x3FB7];
	_ =	sdelay $0x3  }
0x36: {  	p1 =	seq.s32 s10, $0x1;
	s10 =	sld [smem:$0x3FB8];
	_ =	sdelay $0x3  }
0x37: {  	[smem:$0x3FB8] =	sst s10  }
0x38: {  	s10 =	sld [smem:$0x3FB9]  }
0x39: {  	_ = 	snop;
	(pc) =	sbr.ind lr, $3  }
0x3a: {  	_ = 	snop  }
0x3b: {  	_ = 	snop  }
0x3c: {  	p2 =	seq.s32 s10, $0x1;
	s10 =	sld [smem:$0x3FB8]  }
0x3d: {  	_ =	shalt  }
0x3e: {  	_ =	shalt  }
0x3f: {  	_ =	shalt  }
0x40: {  	_ =	shalt  }
0x41: {  	_ =	shalt  }
0x42: {  	_ =	shalt  }
0x43: {  	_ =	shalt  }
0x44: {  	_ =	shalt  }
0x45: {  	_ =	shalt  }
0x46: {  	_ =	shalt  }
0x47: {  	_ =	shalt  }
0x48: {  	_ =	shalt  }
0x49: {  	_ =	shalt  }
0x4a: {  	_ =	shalt  }
0x4b: {  	_ =	shalt  }
0x4c: {  	_ =	shalt  }
0x4d: {  	_ =	shalt  }
0x4e: {  	_ =	shalt  }
0x4f: {  	_ =	shalt  }
0x50: {  	_ =	shalt  }
0x51: {  	_ =	shalt  }
0x52: {  	_ =	shalt  }
0x53: {  	_ =	shalt  }
0x54: {  	_ =	shalt  }
0x55: {  	_ =	shalt  }
0x56: {  	_ =	shalt  }
0x57: {  	_ =	shalt  }
0x58: {  	_ =	shalt  }
0x59: {  	_ =	shalt  }
0x5a: {  	_ =	shalt  }
0x5b: {  	_ =	shalt  }
0x5c: {  	_ =	shalt  }
0x5d: {  	_ =	shalt  }
0x5e: {  	_ =	shalt  }
0x5f: {  	_ =	shalt  }
0x60: {  	_ =	shalt  }
0x61: {  	_ =	shalt  }
0x62: {  	_ =	shalt  }
0x63: {  	_ =	shalt  }
0x64: {  	_ =	shalt  }
0x65: {  	_ =	shalt  }
0x66: {  	_ =	shalt  }
0x67: {  	_ =	shalt  }
0x68: {  	_ =	shalt  }
0x69: {  	_ =	shalt  }
0x6a: {  	_ =	shalt  }
0x6b: {  	_ =	shalt  }
0x6c: {  	_ =	shalt  }
0x6d: {  	_ =	shalt  }
0x6e: {  	_ =	shalt  }
0x6f: {  	_ =	shalt  }
0x70: {  	_ =	shalt  }
0x71: {  	_ =	shalt  }
0x72: {  	_ =	shalt  }
0x73: {  	_ =	shalt  }
0x74: {  	_ =	shalt  }
0x75: {  	_ =	shalt  }
0x76: {  	_ =	shalt  }
0x77: {  	_ =	shalt  }
0x78: {  	_ =	shalt  }
0x79: {  	_ =	shalt  }
0x7a: {  	_ =	shalt  }
0x7b: {  	_ =	shalt  }
0x7c: {  	_ =	shalt  }
0x7d: {  	_ =	shalt  }
0x7e: {  	_ =	shalt  }
0x7f: {  	_ =	shalt  }
0x80: {  	_ =	shalt  }
0x81: {  	_ =	shalt  }
0x82: {  	_ =	shalt  }
0x83: {  	_ =	shalt  }
0x84: {  	_ =	shalt  }
0x85: {  	_ =	shalt  }
0x86: {  	_ =	shalt  }
0x87: {  	_ =	shalt  }
.Lfunc_end0:
.L_simem_size_0:
called_computation_lowered:
.L_overlay_start_0:
0x88: {  	s2 =	sld [smem:$0x3FD9]  }
0x89: {  	s3 =	sld [smem:$0x3FFE];
	_ =	sdelay $0x1  }
0x8a: {  	s1 =	srdreg.scid  }
0x8b: {  	s0 =	sand.u32 $0x1, s1  }
0x8c: {  	s16 =	sshll.u32 s0, $0xA;
	s2 =	sadd.s32 s3, s2  }
0x8d: {  	s2 =	sadd.s32 s2, s16  }
0x8e: {  	[smem:$0x3FC4] =	sst s2  }
0x8f: {  	_ = 	snop  }
0x90: {  	(tm) =	ssettm $0x1  }
0x91: {  	s17 =	sld [smem:$0x3FFB];
	_ =	sdelay $0x3  }
0x92: {  	_ =	strace s17  }
0x93: {  	s2 =	sld [smem:$0x3FFC];
	_ =	sdelay $0x3  }
0x94: {  	_ =	strace s2  }
0x95: {  	s2 =	sld [smem:$0x3FFD];
	_ =	sdelay $0x3  }
0x96: {  	_ =	strace s2  }
0x97: {  	_ =	strace $0x8FFFFFFF  }
0x98: {  	s18 =	sld [smem:$0x3FDB];
	_ =	sdelay $0x1  }
0x99: {  	s19 =	simm.s32 $_scs_section_size  }
0x9a: {  	s4 =	simm.s32 $_size__tile_overlayer_lowered;
	s5 =	simm.s32 $_tile_overlayer_lowered  }
0x9b: {  	s22 =	simm.s32 $0x1BFF;
	s21 =	sshll.u32 s5, $0x1;
	s2 =	sadd.s32 s19, s18  }
0x9c: {  	s6 =	simm.s32 $0x0;
	s20 =	sshll.u32 s4, $0x1;
	s4 =	sadd.s32 s21, s2  }
0x9d: {  	[timem:s6], [sflag:s22] =	dma.local [hbm:s4], s20  }
0x9e: {  	_ =	swait.ge [sflag:s22], s20  }
0x9f: {  	s3 =	ssub.s32 $0x0, s20;
	[sflag:s22] =	ssyncset.done $0x0  }
0xa0: {  	[sflag:s22] =	ssyncadd.s32 s3;
	_ =	sdelay $0x1  }
0xa1: {  	s23 =	simm.s32 $0x1B8B  }
0xa2: {  	_ =	swait.ge [sflag:s23], $0x1  }
0xa3: {  	[sflag:s23] =	ssyncset.done $0x0  }
0xa4: {  	s25 =	simm.s32 $0x1B8E;
	s24 =	sld [smem:$0x3FFE];
	[sflag:s23] =	ssyncadd.s32 $0xFFFFFFFF  }
0xa5: {  	s26 =	simm.s32 $execute0_lowered;
	[smem:$0x3FD2] =	sst s25  }
0xa6: {  	s4 =	sshll.u32 s26, $0x1;
	_ =	strace $0x80000046;
	[dreg:$0x1] =	wrdreg $0xFFFFFFFF  }
0xa7: {  	s28 =	simm.s32 $_size_execute0_lowered;
	s2 =	sadd.s32 s2, s4;
	[dreg:$0x0] =	wrdreg $0x0  }
0xa8: {  	s4 =	sshll.u32 s28, $0x1;
	[dreg:$0x2] =	wrdreg s2  }
0xa9: {  	[dreg:$0x3] =	wrdreg s4  }
0xaa: {  	[dreg:$0x4] =	wrdreg $0xC0  }
0xab: {  	_ =	task [dreg:s6], $0x5FFFF  }
0xac: {  	[dreg:$0x1] =	wrdreg $0xFFFFFFFF  }
0xad: {  	[dreg:$0x0] =	wrdreg $0x60  }
0xae: {  	[dreg:$0x2] =	wrdreg s24  }
0xaf: {  	[dreg:$0x3] =	wrdreg $0x9  }
0xb0: {  	_ =	task.clear_ibuf [dreg:s6], $0x4FFFF;
	_ =	strace $0x90000046  }
0xb1: {  	s29 =	simm.s32 $0x9;
	_ =	strace $0x80000048  }
0xb2: {  	_ =	swait.ge [sflag:s29], $0x1  }
0xb3: {  	[sflag:s29] =	ssyncadd.s32 $0xFFFFFFFF  }
0xb4: {  	_ =	strace $0x90000048  }
0xb5: {  	_ =	sfence  }
0xb6: {  	s30 =	sld [smem:$0x0];
	_ =	sdelay $0x2  }
0xb7: {  	s31 =	sshll.u32 s1, $0xD;
	s1 =	sshrl.u32 s1, $0x2  }
0xb8: {  	s3 =	sand.u32 $0x4000, s31;
	s1 =	sadd.s32 s1, s30  }
0xb9: {  	s0 =	sor.u32 s3, s0;
	s1 =	sshll.u32 s1, $0x11  }
0xba: {  	s0 =	sor.u32 s1, s0  }
0xbb: {  	s0 =	sadd.s32 $0x8F2B, s0  }
0xbc: {  	[sflag:s0] =	ssyncadd.remote.s32 $0x1  }
0xbd: {  	_ =	sfence.sel $0xFFFF  }
0xbe: {  	[dreg:$0x0] =	wrdreg $0xFFFFFFFF;
	(pc) =	sbr.abs _section_cstart, $3  }
0xbf: {  	[dreg:$0x1] =	wrdreg $0xFFFFFFFF  }
0xc0: {  	_ =	task.clear_ibuf [dreg:s6], $0x2FFFF;
	_ =	strace $0x9FFFFFFF  }
0xc1: {  	(tm) =	ssettm $0x7FFFFFFF  }
tec
execute0_lowered:
.L_overlay_start_1:
0x0: {  	(tag) =	ssettag $0x1  }
0x1: {  	s0 =	srdreg.scid  }
0x2: {  	s2 =	stileid.u32;
	s1 =	rddreg [dreg:$0x0]  }
0x3: {  	s7 =	simm.s32 $0x5;
	s8 =	simm.s32 $0x80;
	s10 =	simm.s32 $0x48  }
0x4: {  	s13 =	simm.s32 $0x9600;
	s14 =	simm.s32 $0x148;
	s15 =	simm.s32 $0xB600  }
0x5: {  	s16 =	simm.s32 $0x190;
	s17 =	simm.s32 $0xC800;
	s18 =	simm.s32 $0x210  }
0x6: {  	s19 =	simm.s32 $0xE800;
	s20 =	simm.s32 $0x258;
	s21 =	simm.s32 $0xFA00  }
0x7: {  	s22 =	simm.s32 $0x2D8;
	s23 =	simm.s32 $0x11A00;
	s24 =	simm.s32 $0x1  }
0x8: {  	s25 =	simm.s32 $0x2;
	s26 =	simm.s32 $0x3;
	s28 =	simm.s32 $0x4  }
0x9: {  	s29 =	simm.s32 $0x12C00;
	s30 =	simm.s32 $0x0;
	s0 =	sand.u32 $0x1, s0  }
0xa: {  	s3 =	sshll.u32 s2, $0x8;
	s2 =	simm.s32 $0x0;
	s4 =	sshll.u32 s0, $0x7  }
.Ltmp0:
0xb: {  	[smem:$0x7FF] =	sst s2;
	s3 =	sor.u32 s4, s3;
	(pc) =	sbr.rel .LBB2_1-.Ltmp0, $4  }
0xc: {  	s0 =	ssub.s32 $0x2, s0;
	_ =	strace $0x80000047;
	s4 =	smul.u32 $0x19, s3  }
0xd: {  	s31 =	sshrl.u32 s0, $0x1;
	s5 =	sshll.u32 s3, $0x5;
	s3 =	sadd.s32 $0xA00, s1  }
0xe: {  	s0 =	ssub.s32 s0, s31;
	s4 =	sadd.s32 s4, s1;
	s1 =	sadd.s32 s5, s1  }
0xf: {  	s6 =	smax.u32 s0, $0x1;
	s4 =	sadd.s32 $0x7C0A00, s4;
	s5 =	sadd.s32 $0x7D9A00, s1  }
.LBB2_12:
0x10: {  	s30 =	sadd.s32 $0x1, s30  }
0x11: {  	p0 =	sne.s32 s30, s6  }
.Ltmp1:
0x12: {  	_ = 	snop;
	(pc) =	sbr.rel @!p0 .LBB2_13-.Ltmp1, $4  }
0x13: {  	[hbm4b:s5+s2] =	stream.linear.scatter [tilespmem:s29], [sflag:$0x5], $0x8000, $0x38;
	[tilespmem:$0x1AC00] =	vst v63  }
0x14: {  	_ =	swait.ge [sflag:s7], $0x8000  }
0x15: {  	[sflag:s7] =	ssyncset.done $0x0  }
0x16: {  	[sflag:s7] =	ssyncadd.s32 $0xFFFF8000  }
.LBB2_1:
0x17: {  	[tilespmem:s2], [sflag:$0x5] =	stream.linear.gather [hbm4b:s4+s2], $0x6400, $0x38;
	[tilespmem:$0x1AC00] =	vst v63  }
0x18: {  	_ =	swait.ge [sflag:s7], $0x6400  }
0x19: {  	[sflag:s7] =	ssyncset.done $0x0  }
0x1a: {  	s0 =	simm.s32 $0x6400;
	[sflag:s7] =	ssyncadd.s32 $0xFFFF9C00  }
0x1b: {  	[tilespmem:s0], [sflag:$0x1] =	stream.indirect.gather [hbm4b:s3+s8], $0x40, s2, s8, $0xb8;
	[tilespmem:$0x1AC00] =	vst v63  }
0x1c: {  	s11 =	simm.s32 $0x8400  }
0x1d: {  	[tilespmem:s11], [sflag:$0x1] =	stream.indirect.gather [hbm4b:s3+s10], $0x40, s8, s10, $0xb8;
	[tilespmem:$0x1AC00] =	vst v63  }
0x1e: {  	s12 =	simm.s32 $0xC8  }
0x1f: {  	[tilespmem:s13], [sflag:$0x2] =	stream.indirect.gather [hbm4b:s3+s8], $0x40, s12, s8, $0xb8;
	[tilespmem:$0x1AC00] =	vst v63  }
0x20: {  	_ = 	snop  }
0x21: {  	[tilespmem:s15], [sflag:$0x2] =	stream.indirect.gather [hbm4b:s3+s10], $0x40, s14, s10, $0xb8;
	[tilespmem:$0x1AC00] =	vst v63  }
0x22: {  	_ = 	snop  }
0x23: {  	[tilespmem:s17], [sflag:$0x3] =	stream.indirect.gather [hbm4b:s3+s8], $0x40, s16, s8, $0xb8;
	[tilespmem:$0x1AC00] =	vst v63  }
0x24: {  	_ = 	snop  }
0x25: {  	[tilespmem:s19], [sflag:$0x3] =	stream.indirect.gather [hbm4b:s3+s10], $0x40, s18, s10, $0xb8;
	[tilespmem:$0x1AC00] =	vst v63  }
0x26: {  	_ = 	snop  }
0x27: {  	[tilespmem:s21], [sflag:$0x4] =	stream.indirect.gather [hbm4b:s3+s8], $0x40, s20, s8, $0xb8;
	[tilespmem:$0x1AC00] =	vst v63  }
0x28: {  	s31 =	simm.s32 $0x0  }
0x29: {  	[tilespmem:s23], [sflag:$0x4] =	stream.indirect.gather [hbm4b:s3+s10], $0x40, s22, s10, $0xb8;
	[tilespmem:$0x1AC00] =	vst v63  }
.LBB2_2:
0x2a: {  	_ =	swait.ge [sflag:s24], $0x2000  }
0x2b: {  	[sflag:s24] =	ssyncset.done $0x0  }
0x2c: {  	[sflag:s24] =	ssyncadd.s32 $0xFFFFE000  }
0x2d: {  	_ =	swait.ge [sflag:s24], $0x1200  }
0x2e: {  	[sflag:s24] =	ssyncset.done $0x0  }
0x2f: {  	s0 =	simm.s32 $0x0;
	[sflag:s24] =	ssyncadd.s32 $0xFFFFEE00  }
0x30: {  	v0 =	vld [tilespmem:s0+$0x65F0]  }
0x31: {  	v1 =	vld [tilespmem:s0+$0x65E0]  }
0x32: {  	v10 =	vld [tilespmem:s0+$0x65C0]  }
0x33: {  	v6 =	vld [tilespmem:s0+$0x6550]  }
0x34: {  	v5 =	vld [tilespmem:s0+$0x6590]  }
0x35: {  	v2 =	vld [tilespmem:s0+$0x65B0]  }
0x36: {  	v4 =	vld [tilespmem:s0+$0x65D0]  }
0x37: {  	v8 =	vld [tilespmem:s0+$0x6490]  }
0x38: {  	v30 =	vld [tilespmem:s0+$0x6570]  }
0x39: {  	v7 =	vld [tilespmem:s0+$0x6510]  }
0x3a: {  	v9 =	vld [tilespmem:s0+$0x64D0]  }
0x3b: {  	v3 =	vld [tilespmem:s0+$0x65A0]  }
0x3c: {  	v16 =	vld [tilespmem:s0+$0x6500]  }
0x3d: {  	v11 =	vld [tilespmem:s0+$0x6450]  }
0x3e: {  	v27 =	vld [tilespmem:s0+$0x64B0]  }
0x3f: {  	v14 =	vld [tilespmem:s0+$0x6460];
	v25 =	vmul.f32 v8, v8  }
0x40: {  	v20 =	vld [tilespmem:s0+$0x6410];
	v34 =	vmul.f32 v7, v7;
	v12 =	vmul.f32 v4, v4  }
0x41: {  	v21 =	vld [tilespmem:s0+$0x6420];
	v29 =	vmul.f32 v9, v9;
	v18 =	vmul.f32 v5, v5  }
0x42: {  	v17 =	vld [tilespmem:s0+$0x6430];
	v31 =	vmul.f32 v16, v16;
	v32 =	vmul.f32 v1, v1  }
0x43: {  	v26 =	vimm.f32 $0.0e+00;
	v33 =	vld [tilespmem:s0+$0x6400];
	v28 =	vmul.f32 v11, v11;
	v35 =	vmul.f32 v3, v3  }
0x44: {  	v15 =	vimm.f32 $-Inf;
	v41 =	vld [tilespmem:s0+$0x6470];
	v24 =	vmul.f32 v6, v6;
	v36 =	vmul.f32 v30, v30  }
0x45: {  	v19 =	vimm.f32 $+Inf;
	v50 =	vld [tilespmem:s0+$0x6440];
	v37 =	vmul.f32 v14, v14;
	v38 =	vmul.f32 v2, v2  }
0x46: {  	v54 =	vld [tilespmem:s0+$0x6480];
	v44 =	vadd.f32 v20, v26;
	v13 =	vmul.f32 v20, v20;
	v39 =	vmul.f32 v27, v27  }
0x47: {  	v42 =	vmax.f32 v15, v20;
	v43 =	vmul.f32 v0, v0;
	v46 =	vmul.f32 v21, v21  }
0x48: {  	v40 =	vadd.f32 v21, v26;
	v22 =	vmul.f32 v10, v10;
	v47 =	vmul.f32 v33, v33  }
0x49: {  	v48 =	vadd.f32 v17, v26;
	v49 =	vmul.f32 v17, v17;
	v51 =	vmax.f32 v15, v17  }
0x4a: {  	v52 =	vmin.f32 v19, v17;
	v53 =	vmin.f32 v19, v21;
	v56 =	vmul.f32 v41, v41  }
0x4b: {  	v57 =	vld [tilespmem:s0+$0x64F0];
	v55 =	vmin.f32 v19, v33;
	v58 =	vmul.f32 v50, v50;
	v59 =	vmul.f32 v54, v54  }
0x4c: {  	v23 =	vld [tilespmem:s0+$0x6580];
	v51 =	vmax.f32 v51, v41;
	v45 =	vadd.f32 v13, v26;
	v46 =	vadd.f32 v46, v26  }
0x4d: {  	v17 =	vld [tilespmem:s0+$0x64E0];
	v63 =	vmin.f32 v52, v41;
	v49 =	vadd.f32 v49, v26;
	v48 =	vadd.f32 v41, v48  }
0x4e: {  	v42 =	vmax.f32 v42, v11;
	v47 =	vadd.f32 v47, v26;
	v26 =	vadd.f32 v33, v26  }
0x4f: {  	v13 =	vld [tilespmem:s0+$0x64A0];
	v51 =	vmax.f32 v51, v27;
	v60 =	vadd.f32 v14, v40;
	v33 =	vmax.f32 v15, v33  }
0x50: {  	v40 =	vld [tilespmem:s0+$0x6540];
	v51 =	vmax.f32 v51, v57;
	v45 =	vadd.f32 v28, v45;
	v37 =	vadd.f32 v37, v46  }
0x51: {  	v28 =	vmul.f32 v23, v23;
	v49 =	vadd.f32 v56, v49;
	v56 =	vld [tilespmem:s0+$0x6530];
	v47 =	vadd.f32 v58, v47  }
0x52: {  	v46 =	vld [tilespmem:s0+$0x64C0];
	v48 =	vadd.f32 v27, v48;
	v27 =	vmin.f32 v63, v27;
	v58 =	vmul.f32 v17, v17  }
0x53: {  	v27 =	vmin.f32 v27, v57;
	v45 =	vadd.f32 v25, v45;
	v25 =	vadd.f32 v50, v26  }
0x54: {  	v39 =	vadd.f32 v39, v49;
	v49 =	vmul.f32 v57, v57;
	v41 =	vadd.f32 v59, v47  }
0x55: {  	v26 =	vld [tilespmem:s0+$0x6520];
	v48 =	vadd.f32 v57, v48;
	v62 =	vmul.f32 v13, v13;
	v47 =	vadd.f32 v54, v25  }
0x56: {  	v59 =	vmul.f32 v40, v40;
	v39 =	vadd.f32 v49, v39;
	v45 =	vadd.f32 v29, v45  }
0x57: {  	v37 =	vadd.f32 v62, v37;
	v52 =	vmul.f32 v46, v46;
	v27 =	vmin.f32 v27, v56  }
0x58: {  	v25 =	vld [tilespmem:s0+$0x6560];
	v61 =	vmul.f32 v56, v56;
	v48 =	vadd.f32 v56, v48;
	v57 =	vmin.f32 v27, v30  }
0x59: {  	v27 =	vmax.f32 v33, v50;
	v47 =	vadd.f32 v46, v47;
	v34 =	vadd.f32 v34, v45  }
0x5a: {  	v29 =	vadd.f32 v58, v37;
	v62 =	vmul.f32 v26, v26;
	v39 =	vadd.f32 v61, v39  }
0x5b: {  	v48 =	vadd.f32 v30, v48;
	v41 =	vadd.f32 v52, v41;
	v27 =	vmax.f32 v27, v54  }
0x5c: {  	v52 =	vadd.f32 v13, v60;
	v61 =	vmin.f32 v55, v50;
	v27 =	vmax.f32 v27, v46  }
0x5d: {  	v58 =	vadd.f32 v16, v47;
	v63 =	vmul.f32 v25, v25;
	v29 =	vadd.f32 v62, v29  }
0x5e: {  	v36 =	vadd.f32 v36, v39;
	v27 =	vmax.f32 v27, v16;
	v37 =	vadd.f32 v17, v52  }
0x5f: {  	v33 =	vadd.f32 v2, v48;
	v31 =	vadd.f32 v31, v41;
	v62 =	vmin.f32 v61, v54  }
0x60: {  	v39 =	vadd.f32 v40, v58;
	v60 =	vmax.f32 v27, v40;
	v36 =	vadd.f32 v38, v36  }
0x61: {  	v29 =	vadd.f32 v63, v29;
	v63 =	vmax.f32 v51, v56;
	v41 =	vadd.f32 v59, v31  }
0x62: {  	v38 =	vmin.f32 v57, v2;
	v39 =	vadd.f32 v23, v39;
	v27 =	vadd.f32 v43, v36  }
0x63: {  	v29 =	vadd.f32 v35, v29;
	v36 =	vmin.f32 v53, v14;
	v43 =	vmax.f32 v60, v23  }
0x64: {  	v35 =	vmax.f32 v63, v30;
	v31 =	vadd.f32 v10, v39;
	v39 =	vadd.f32 v26, v37  }
0x65: {  	s0 =	simm.s32 $0x800;
	v37 =	vadd.f32 v11, v44;
	v29 =	vadd.f32 v32, v29;
	v32 =	vmin.f32 v62, v46  }
.LBB2_3:
0x66: {  	s1 =	sshra.s32 s0, $0x2;
	p0 =	sne.s32 s0, $0xC000;
	s0 =	sadd.s32 $0x800, s0;
	v16 =	vmin.f32 v32, v16;
	v32 =	vmax.f32 v43, v10;
	v38 =	vmin.f32 v38, v0  }
0x67: {  	v19 =	vmin.f32 v19, v20;
	v43 =	vld [tilespmem:s1+$0x65F0];
	v20 =	vadd.f32 v8, v37;
	v24 =	vadd.f32 v24, v34  }
0x68: {  	v15 =	vmax.f32 v15, v21;
	v21 =	vmax.f32 v42, v8;
	v16 =	vmin.f32 v16, v40;
	v37 =	vld [tilespmem:s1+$0x65E0]  }
0x69: {  	v21 =	vmax.f32 v21, v9;
	v40 =	vld [tilespmem:s1+$0x65C0];
	v20 =	vadd.f32 v9, v20;
	v18 =	vadd.f32 v18, v24  }
0x6a: {  	v14 =	vmax.f32 v15, v14;
	v15 =	vmax.f32 v21, v7;
	v16 =	vmin.f32 v16, v23;
	v24 =	vld [tilespmem:s1+$0x6550]  }
0x6b: {  	v42 =	vmin.f32 v16, v10;
	v21 =	vld [tilespmem:s1+$0x6590];
	v20 =	vadd.f32 v7, v20;
	v44 =	vadd.f32 v12, v18  }
0x6c: {  	v19 =	vmin.f32 v19, v11;
	v11 =	vmax.f32 v14, v13;
	v12 =	vadd.f32 v28, v41;
	v23 =	vld [tilespmem:s1+$0x65B0]  }
0x6d: {  	v11 =	vmax.f32 v11, v17;
	v18 =	vld [tilespmem:s1+$0x65D0];
	v14 =	vadd.f32 v6, v20  }
0x6e: {  	v16 =	vmin.f32 v19, v8;
	v11 =	vmax.f32 v11, v26;
	v41 =	vadd.f32 v22, v12;
	v8 =	vld [tilespmem:s1+$0x6490];
	v10 =	vmovc v40  }
0x6f: {  	v9 =	vmin.f32 v16, v9;
	v11 =	vmax.f32 v11, v25;
	v30 =	vld [tilespmem:s1+$0x6570];
	v12 =	vadd.f32 v5, v14  }
0x70: {  	v16 =	vmax.f32 v15, v6;
	v11 =	vmax.f32 v11, v3;
	v14 =	vmin.f32 v9, v7;
	v7 =	vld [tilespmem:s1+$0x6510]  }
0x71: {  	v15 =	vmax.f32 v11, v1;
	v14 =	vmin.f32 v14, v6;
	v6 =	vmovc v24;
	v9 =	vld [tilespmem:s1+$0x64D0];
	v22 =	vadd.f32 v4, v12  }
0x72: {  	v33 =	vadd.f32 v0, v33;
	v11 =	vmax.f32 v16, v5;
	v12 =	vmin.f32 v14, v5;
	v5 =	vmovc v21;
	v28 =	vld [tilespmem:s1+$0x65A0]  }
0x73: {  	v13 =	vmin.f32 v36, v13;
	v45 =	vmax.f32 v11, v4;
	v19 =	vmin.f32 v12, v4;
	v4 =	vmovc v18;
	v16 =	vld [tilespmem:s1+$0x6500]  }
0x74: {  	v12 =	vmin.f32 v13, v17;
	v13 =	vadd.f32 v25, v39;
	v46 =	vmul.f32 v8, v8;
	v11 =	vld [tilespmem:s1+$0x6450]  }
0x75: {  	v17 =	vmin.f32 v12, v26;
	v26 =	vmax.f32 v35, v2;
	v2 =	vmovc v23;
	v47 =	vld [tilespmem:s1+$0x64B0];
	v34 =	vmul.f32 v7, v7  }
0x76: {  	v12 =	vmul.f32 v18, v4;
	v17 =	vmin.f32 v17, v25;
	v13 =	vadd.f32 v3, v13;
	v14 =	vld [tilespmem:s1+$0x6460]  }
0x77: {  	v18 =	vmul.f32 v21, v5;
	v17 =	vmin.f32 v17, v3;
	v48 =	vmul.f32 v9, v9;
	v20 =	vld [tilespmem:s1+$0x6410];
	v3 =	vmovc v28  }
0x78: {  	v35 =	vmul.f32 v37, v37;
	v25 =	vmax.f32 v26, v0;
	v0 =	vmovc v43;
	v21 =	vld [tilespmem:s1+$0x6420];
	v36 =	vmul.f32 v16, v16  }
0x79: {  	v13 =	vadd.f32 v1, v13;
	v39 =	vmul.f32 v28, v3;
	v26 =	vld [tilespmem:s1+$0x6430];
	v49 =	vmul.f32 v11, v11  }
0x7a: {  	v24 =	vmul.f32 v24, v6;
	v51 =	vmul.f32 v30, v30;
	v52 =	vmin.f32 v17, v1;
	v1 =	vmovc v37;
	v50 =	vld [tilespmem:s1+$0x6400]  }
0x7b: {  	v54 =	vmul.f32 v23, v2;
	v53 =	vmul.f32 v14, v14  }
0x7c: {  	v55 =	vmul.f32 v47, v47;
	v37 =	vadd.f32 v20, v22;
	v17 =	vmul.f32 v20, v20;
	v23 =	vld [tilespmem:s1+$0x6580]  }
0x7d: {  	v43 =	vmul.f32 v43, v0;
	v45 =	vmax.f32 v45, v20;
	v56 =	vadd.f32 v21, v13;
	v57 =	vld [tilespmem:s1+$0x6470]  }
0x7e: {  	v22 =	vmul.f32 v40, v10;
	v28 =	vmul.f32 v21, v21;
	v17 =	vadd.f32 v17, v44;
	v13 =	vld [tilespmem:s1+$0x64A0]  }
0x7f: {  	v33 =	vadd.f32 v26, v33;
	v44 =	vmul.f32 v26, v26;
	v40 =	vmul.f32 v50, v50;
	v58 =	vld [tilespmem:s1+$0x6440]  }
0x80: {  	v25 =	vmax.f32 v25, v26;
	v26 =	vmin.f32 v38, v26;
	v38 =	vadd.f32 v49, v17  }
0x81: {  	v29 =	vadd.f32 v28, v29;
	v27 =	vadd.f32 v44, v27;
	v17 =	vld [tilespmem:s1+$0x64E0];
	v28 =	vmul.f32 v23, v23  }
0x82: {  	v44 =	vmin.f32 v52, v21;
	v33 =	vadd.f32 v57, v33;
	v25 =	vmax.f32 v25, v57;
	v49 =	vld [tilespmem:s1+$0x6480]  }
0x83: {  	v40 =	vadd.f32 v40, v41;
	v41 =	vmin.f32 v42, v50;
	v42 =	vmul.f32 v57, v57;
	v52 =	vld [tilespmem:s1+$0x64F0]  }
0x84: {  	v29 =	vadd.f32 v53, v29;
	v53 =	vmul.f32 v13, v13;
	v59 =	vmul.f32 v58, v58  }
0x85: {  	v31 =	vadd.f32 v50, v31;
	v25 =	vmax.f32 v25, v47;
	v27 =	vadd.f32 v42, v27;
	v42 =	vld [tilespmem:s1+$0x6530]  }
0x86: {  	v29 =	vadd.f32 v53, v29;
	v40 =	vadd.f32 v59, v40;
	v53 =	vld [tilespmem:s1+$0x64C0];
	v59 =	vmul.f32 v17, v17  }
0x87: {  	v38 =	vadd.f32 v46, v38;
	v27 =	vadd.f32 v55, v27;
	v60 =	vmul.f32 v49, v49  }
0x88: {  	v31 =	vadd.f32 v58, v31;
	v33 =	vadd.f32 v47, v33;
	v46 =	vmul.f32 v52, v52  }
0x89: {  	v55 =	vadd.f32 v14, v56;
	v56 =	vmin.f32 v26, v57;
	v57 =	vadd.f32 v60, v40;
	v26 =	vld [tilespmem:s1+$0x6520]  }
0x8a: {  	v31 =	vadd.f32 v49, v31;
	v33 =	vadd.f32 v52, v33;
	v60 =	vmax.f32 v25, v52;
	v25 =	vld [tilespmem:s1+$0x6560]  }
0x8b: {  	v40 =	vmin.f32 v56, v47;
	v56 =	vmul.f32 v42, v42;
	v47 =	vmul.f32 v53, v53  }
0x8c: {  	v27 =	vadd.f32 v46, v27;
	v40 =	vmin.f32 v40, v52;
	v33 =	vadd.f32 v42, v33  }
0x8d: {  	v29 =	vadd.f32 v59, v29;
	v46 =	vadd.f32 v48, v38;
	v38 =	vmin.f32 v40, v42  }
0x8e: {  	v32 =	vmax.f32 v32, v50;
	v27 =	vadd.f32 v56, v27;
	v48 =	vmul.f32 v26, v26  }
0x8f: {  	v33 =	vadd.f32 v30, v33;
	v38 =	vmin.f32 v38, v30;
	v40 =	vld [tilespmem:s1+$0x6540];
	v50 =	vmul.f32 v25, v25  }
0x90: {  	v32 =	vmax.f32 v32, v58;
	v31 =	vadd.f32 v53, v31;
	v47 =	vadd.f32 v47, v57  }
0x91: {  	v32 =	vmax.f32 v32, v49;
	v27 =	vadd.f32 v51, v27;
	v29 =	vadd.f32 v48, v29  }
0x92: {  	v32 =	vmax.f32 v32, v53;
	v31 =	vadd.f32 v16, v31;
	v48 =	vadd.f32 v13, v55  }
0x93: {  	v32 =	vmax.f32 v32, v16;
	v27 =	vadd.f32 v54, v27;
	v29 =	vadd.f32 v50, v29  }
0x94: {  	v33 =	vadd.f32 v2, v33;
	v48 =	vadd.f32 v17, v48;
	v50 =	vmul.f32 v40, v40  }
0x95: {  	v27 =	vadd.f32 v43, v27;
	v31 =	vadd.f32 v40, v31;
	v51 =	vmax.f32 v32, v40  }
0x96: {  	v32 =	vmin.f32 v41, v58;
	v41 =	vadd.f32 v36, v47;
	v29 =	vadd.f32 v39, v29  }
.Ltmp2:
0x97: {  	v47 =	vmax.f32 v60, v42;
	v32 =	vmin.f32 v32, v49;
	v31 =	vadd.f32 v23, v31;
	(pc) =	sbr.rel @p0 .LBB2_3-.Ltmp2, $4  }
0x98: {  	v36 =	vmin.f32 v44, v14;
	v41 =	vadd.f32 v50, v41;
	v29 =	vadd.f32 v35, v29  }
0x99: {  	v42 =	vmax.f32 v45, v11;
	v32 =	vmin.f32 v32, v53;
	v31 =	vadd.f32 v10, v31  }
0x9a: {  	v38 =	vmin.f32 v38, v2;
	v39 =	vadd.f32 v26, v48;
	v43 =	vmax.f32 v51, v23  }
0x9b: {  	v37 =	vadd.f32 v11, v37;
	v34 =	vadd.f32 v34, v46;
	v35 =	vmax.f32 v47, v30  }
0x9c: {  	_ = 	snop  }
0x9d: {  	v30 =	vadd.f32 v8, v37  }
0x9e: {  	v16 =	vmin.f32 v32, v16;
	v62 =	vmax.f32 v43, v10  }
0x9f: {  	v19 =	vmin.f32 v19, v20;
	v20 =	vadd.f32 v24, v34;
	v24 =	vadd.f32 v9, v30  }
0xa0: {  	v15 =	vmax.f32 v15, v21;
	v21 =	vmax.f32 v42, v8;
	v16 =	vmin.f32 v16, v40  }
0xa1: {  	s0 =	sshll.u32 s31, $0xA;
	v21 =	vmax.f32 v21, v9;
	v18 =	vadd.f32 v18, v20;
	v20 =	vadd.f32 v7, v24  }
0xa2: {  	v14 =	vmax.f32 v15, v14;
	v11 =	vmin.f32 v19, v11;
	s1 =	sand.u32 $0x3FFFFC00, s0;
	v16 =	vmin.f32 v16, v23  }
0xa3: {  	v8 =	vmin.f32 v11, v8;
	[tilespmem:s1+$0x12C00] =	vst v31;
	v10 =	vmin.f32 v16, v10;
	v16 =	vadd.f32 v6, v20  }
0xa4: {  	v15 =	vmax.f32 v21, v7;
	v11 =	vmax.f32 v14, v13;
	[tilespmem:s1+$0x12C40] =	vst v62;
	v8 =	vmin.f32 v8, v9  }
0xa5: {  	[tilespmem:s1+$0x12CE0] =	vst v29;
	v7 =	vmin.f32 v8, v7;
	v8 =	vmax.f32 v15, v6;
	v9 =	vadd.f32 v5, v16  }
0xa6: {  	[tilespmem:s1+$0x12CF0] =	vst v27;
	v12 =	vadd.f32 v12, v18;
	v18 =	vadd.f32 v28, v41;
	v8 =	vmax.f32 v8, v5  }
0xa7: {  	[tilespmem:s1+$0x12C80] =	vst v10;
	v6 =	vmin.f32 v7, v6;
	v7 =	vadd.f32 v4, v9;
	v9 =	vadd.f32 v25, v39  }
0xa8: {  	v10 =	vmax.f32 v11, v17;
	v14 =	vadd.f32 v22, v18;
	v8 =	vmax.f32 v8, v4;
	[tilespmem:s1+$0x12CD0] =	vst v12  }
0xa9: {  	[tilespmem:s1+$0x12C50] =	vst v8;
	v5 =	vmin.f32 v6, v5;
	v6 =	vmin.f32 v36, v13;
	v9 =	vadd.f32 v3, v9  }
0xaa: {  	v4 =	vmin.f32 v5, v4;
	v5 =	vmin.f32 v6, v17;
	[tilespmem:s1+$0x12C10] =	vst v7;
	v7 =	vmax.f32 v10, v26  }
0xab: {  	[tilespmem:s1+$0x12CC0] =	vst v14;
	v5 =	vmin.f32 v5, v26;
	v6 =	vmax.f32 v7, v25;
	v7 =	vadd.f32 v1, v9  }
0xac: {  	[tilespmem:s1+$0x12C90] =	vst v4;
	v5 =	vmin.f32 v5, v25;
	v4 =	vmax.f32 v6, v3  }
0xad: {  	v3 =	vmin.f32 v5, v3;
	v4 =	vmax.f32 v4, v1;
	[tilespmem:s1+$0x12C20] =	vst v7  }
0xae: {  	p0 =	seq.s32 s31, $0x1F;
	v1 =	vmin.f32 v3, v1;
	v3 =	vadd.f32 v0, v33;
	[tilespmem:s1+$0x12C60] =	vst v4  }
0xaf: {  	s0 =	smul.u32 @!p0 $0xC80, s31;
	[tilespmem:s1+$0x12CA0] =	vst v1;
	v1 =	vmax.f32 v35, v2  }
0xb0: {  	v1 =	vmax.f32 v1, v0;
	[tilespmem:s1+$0x12C30] =	vst v3  }
0xb1: {  	s0 =	sshra.s32 @!p0 s0, $0x2;
	v0 =	vmin.f32 v38, v0;
	[tilespmem:s1+$0x12C70] =	vst v1  }
0xb2: {  	s11 =	simm.s32 @!p0 $0x80;
	s12 =	simm.s32 @!p0 $0x6400;
	s9 =	sadd.s32 @!p0 $0x320, s0;
	[tilespmem:s1+$0x12CB0] =	vst v0  }
0xb3: {  	[tilespmem:s12], [sflag:$0x1] =	stream.indirect.gather @!p0 [hbm4b:s3+s11], $0x40, s9, s11, $0xb8;
	[tilespmem:$0x1AC00] =	vst v63  }
0xb4: {  	s9 =	sadd.s32 @!p0 $0x3A0, s0;
	s11 =	simm.s32 @!p0 $0x48;
	s12 =	simm.s32 @!p0 $0x8400  }
0xb5: {  	[tilespmem:s12], [sflag:$0x1] =	stream.indirect.gather @!p0 [hbm4b:s3+s11], $0x40, s9, s11, $0xb8;
	[tilespmem:$0x1AC00] =	vst v63  }
0xb6: {  	_ =	swait.ge [sflag:s25], $0x2000  }
0xb7: {  	[sflag:s25] =	ssyncset.done $0x0  }
0xb8: {  	[sflag:s25] =	ssyncadd.s32 $0xFFFFE000  }
0xb9: {  	_ =	swait.ge [sflag:s25], $0x1200  }
0xba: {  	[sflag:s25] =	ssyncset.done $0x0  }
0xbb: {  	s12 =	simm.s32 $0x0;
	[sflag:s25] =	ssyncadd.s32 $0xFFFFEE00  }
0xbc: {  	v0 =	vld [tilespmem:s12+$0x97F0]  }
0xbd: {  	v1 =	vld [tilespmem:s12+$0x97E0]  }
0xbe: {  	v10 =	vld [tilespmem:s12+$0x97C0]  }
0xbf: {  	v6 =	vld [tilespmem:s12+$0x9750]  }
0xc0: {  	v5 =	vld [tilespmem:s12+$0x9790]  }
0xc1: {  	v2 =	vld [tilespmem:s12+$0x97B0]  }
0xc2: {  	v4 =	vld [tilespmem:s12+$0x97D0]  }
0xc3: {  	v8 =	vld [tilespmem:s12+$0x9690]  }
0xc4: {  	v30 =	vld [tilespmem:s12+$0x9770]  }
0xc5: {  	v7 =	vld [tilespmem:s12+$0x9710]  }
0xc6: {  	v9 =	vld [tilespmem:s12+$0x96D0]  }
0xc7: {  	v3 =	vld [tilespmem:s12+$0x97A0]  }
0xc8: {  	v16 =	vld [tilespmem:s12+$0x9700]  }
0xc9: {  	v11 =	vld [tilespmem:s12+$0x9650]  }
0xca: {  	v28 =	vld [tilespmem:s12+$0x96B0]  }
0xcb: {  	v13 =	vld [tilespmem:s12+$0x9660];
	v25 =	vmul.f32 v8, v8  }
0xcc: {  	v20 =	vld [tilespmem:s12+$0x9610];
	v34 =	vmul.f32 v7, v7;
	v12 =	vmul.f32 v4, v4  }
0xcd: {  	v21 =	vld [tilespmem:s12+$0x9620];
	v29 =	vmul.f32 v9, v9;
	v18 =	vmul.f32 v5, v5  }
0xce: {  	v17 =	vld [tilespmem:s12+$0x9630];
	v31 =	vmul.f32 v16, v16;
	v32 =	vmul.f32 v1, v1  }
0xcf: {  	v19 =	vimm.f32 $+Inf;
	v33 =	vld [tilespmem:s12+$0x9600];
	v27 =	vmul.f32 v11, v11;
	v35 =	vmul.f32 v3, v3  }
0xd0: {  	v15 =	vimm.f32 $-Inf;
	v41 =	vld [tilespmem:s12+$0x9670];
	v24 =	vmul.f32 v6, v6;
	v36 =	vmul.f32 v30, v30  }
0xd1: {  	v26 =	vimm.f32 $0.0e+00;
	v50 =	vld [tilespmem:s12+$0x9640];
	v63 =	vmul.f32 v13, v13;
	v38 =	vmul.f32 v2, v2  }
0xd2: {  	v54 =	vld [tilespmem:s12+$0x9680];
	v44 =	vadd.f32 v20, v26;
	v14 =	vmul.f32 v20, v20;
	v60 =	vmul.f32 v28, v28  }
0xd3: {  	v42 =	vmax.f32 v15, v20;
	v43 =	vmul.f32 v0, v0;
	v46 =	vmul.f32 v21, v21  }
0xd4: {  	v61 =	vadd.f32 v21, v26;
	v22 =	vmul.f32 v10, v10;
	v47 =	vmul.f32 v33, v33  }
0xd5: {  	v48 =	vadd.f32 v17, v26;
	v49 =	vmul.f32 v17, v17;
	v51 =	vmax.f32 v15, v17  }
0xd6: {  	v57 =	vld [tilespmem:s12+$0x96F0];
	v52 =	vmin.f32 v19, v17;
	v53 =	vmin.f32 v19, v21;
	v56 =	vmul.f32 v41, v41  }
0xd7: {  	v23 =	vld [tilespmem:s12+$0x9780];
	v55 =	vmin.f32 v19, v33;
	v58 =	vmul.f32 v50, v50;
	v59 =	vmul.f32 v54, v54  }
0xd8: {  	v51 =	vmax.f32 v51, v41;
	v45 =	vadd.f32 v14, v26;
	v46 =	vadd.f32 v46, v26  }
0xd9: {  	v17 =	vld [tilespmem:s12+$0x96E0];
	v42 =	vmax.f32 v42, v11;
	v49 =	vadd.f32 v49, v26;
	v48 =	vadd.f32 v41, v48  }
0xda: {  	v47 =	vadd.f32 v47, v26;
	v26 =	vadd.f32 v33, v26;
	v51 =	vmax.f32 v51, v28  }
0xdb: {  	v40 =	vld [tilespmem:s12+$0x9740];
	v33 =	vmax.f32 v15, v33;
	v51 =	vmax.f32 v51, v57;
	v45 =	vadd.f32 v27, v45  }
0xdc: {  	v14 =	vld [tilespmem:s12+$0x96A0];
	v27 =	vmul.f32 v23, v23;
	v37 =	vadd.f32 v63, v46;
	v49 =	vadd.f32 v56, v49  }
0xdd: {  	v56 =	vld [tilespmem:s12+$0x9730];
	v47 =	vadd.f32 v58, v47;
	v48 =	vadd.f32 v28, v48;
	v63 =	vmin.f32 v52, v41  }
0xde: {  	v46 =	vld [tilespmem:s12+$0x96C0];
	v58 =	vmul.f32 v17, v17;
	v45 =	vadd.f32 v25, v45;
	v39 =	vadd.f32 v60, v49  }
0xdf: {  	v28 =	vmin.f32 v63, v28;
	v25 =	vadd.f32 v50, v26;
	v60 =	vadd.f32 v13, v61  }
0xe0: {  	v49 =	vmul.f32 v57, v57;
	v41 =	vadd.f32 v59, v47;
	v48 =	vadd.f32 v57, v48  }
0xe1: {  	v26 =	vld [tilespmem:s12+$0x9720];
	v28 =	vmin.f32 v28, v57;
	v62 =	vmul.f32 v14, v14;
	v47 =	vadd.f32 v54, v25  }
0xe2: {  	v59 =	vmul.f32 v40, v40;
	v39 =	vadd.f32 v49, v39;
	v45 =	vadd.f32 v29, v45  }
0xe3: {  	v37 =	vadd.f32 v62, v37;
	v52 =	vmul.f32 v46, v46;
	v28 =	vmin.f32 v28, v56  }
0xe4: {  	v25 =	vld [tilespmem:s12+$0x9760];
	v61 =	vmul.f32 v56, v56;
	v48 =	vadd.f32 v56, v48;
	v57 =	vmin.f32 v28, v30  }
0xe5: {  	v28 =	vmax.f32 v33, v50;
	v47 =	vadd.f32 v46, v47;
	v34 =	vadd.f32 v34, v45  }
0xe6: {  	v29 =	vadd.f32 v58, v37;
	v62 =	vmul.f32 v26, v26;
	v39 =	vadd.f32 v61, v39  }
0xe7: {  	v48 =	vadd.f32 v30, v48;
	v41 =	vadd.f32 v52, v41;
	v28 =	vmax.f32 v28, v54  }
0xe8: {  	v52 =	vadd.f32 v14, v60;
	v61 =	vmin.f32 v55, v50;
	v28 =	vmax.f32 v28, v46  }
0xe9: {  	v58 =	vadd.f32 v16, v47;
	v63 =	vmul.f32 v25, v25;
	v29 =	vadd.f32 v62, v29  }
0xea: {  	v36 =	vadd.f32 v36, v39;
	v28 =	vmax.f32 v28, v16;
	v37 =	vadd.f32 v17, v52  }
0xeb: {  	v33 =	vadd.f32 v2, v48;
	v31 =	vadd.f32 v31, v41;
	v62 =	vmin.f32 v61, v54  }
0xec: {  	v39 =	vadd.f32 v40, v58;
	v60 =	vmax.f32 v28, v40;
	v36 =	vadd.f32 v38, v36  }
0xed: {  	v29 =	vadd.f32 v63, v29;
	v63 =	vmax.f32 v51, v56;
	v41 =	vadd.f32 v59, v31  }
0xee: {  	v38 =	vmin.f32 v57, v2;
	v39 =	vadd.f32 v23, v39;
	v28 =	vadd.f32 v43, v36  }
0xef: {  	v29 =	vadd.f32 v35, v29;
	v36 =	vmin.f32 v53, v13;
	v43 =	vmax.f32 v60, v23  }
0xf0: {  	v35 =	vmax.f32 v63, v30;
	v31 =	vadd.f32 v10, v39;
	v39 =	vadd.f32 v26, v37  }
0xf1: {  	s9 =	simm.s32 $0x800;
	v37 =	vadd.f32 v11, v44;
	v29 =	vadd.f32 v32, v29;
	v32 =	vmin.f32 v62, v46  }
.LBB2_5:
0xf2: {  	s11 =	sshra.s32 s9, $0x2;
	p1 =	sne.s32 s9, $0xC000;
	s9 =	sadd.s32 $0x800, s9;
	v16 =	vmin.f32 v32, v16;
	v32 =	vmax.f32 v43, v10;
	v38 =	vmin.f32 v38, v0  }
0xf3: {  	v19 =	vmin.f32 v19, v20;
	v43 =	vld [tilespmem:s11+$0x97F0];
	v20 =	vadd.f32 v8, v37;
	v24 =	vadd.f32 v24, v34  }
0xf4: {  	v15 =	vmax.f32 v15, v21;
	v21 =	vmax.f32 v42, v8;
	v16 =	vmin.f32 v16, v40;
	v37 =	vld [tilespmem:s11+$0x97E0]  }
0xf5: {  	v21 =	vmax.f32 v21, v9;
	v40 =	vld [tilespmem:s11+$0x97C0];
	v20 =	vadd.f32 v9, v20;
	v18 =	vadd.f32 v18, v24  }
0xf6: {  	v13 =	vmax.f32 v15, v13;
	v15 =	vmax.f32 v21, v7;
	v16 =	vmin.f32 v16, v23;
	v24 =	vld [tilespmem:s11+$0x9750]  }
0xf7: {  	v42 =	vmin.f32 v16, v10;
	v21 =	vld [tilespmem:s11+$0x9790];
	v20 =	vadd.f32 v7, v20;
	v44 =	vadd.f32 v12, v18  }
0xf8: {  	v19 =	vmin.f32 v19, v11;
	v11 =	vmax.f32 v13, v14;
	v12 =	vadd.f32 v27, v41;
	v23 =	vld [tilespmem:s11+$0x97B0]  }
0xf9: {  	v11 =	vmax.f32 v11, v17;
	v18 =	vld [tilespmem:s11+$0x97D0];
	v13 =	vadd.f32 v6, v20  }
0xfa: {  	v16 =	vmin.f32 v19, v8;
	v11 =	vmax.f32 v11, v26;
	v41 =	vadd.f32 v22, v12;
	v8 =	vld [tilespmem:s11+$0x9690];
	v10 =	vmovc v40  }
0xfb: {  	v9 =	vmin.f32 v16, v9;
	v11 =	vmax.f32 v11, v25;
	v30 =	vld [tilespmem:s11+$0x9770];
	v12 =	vadd.f32 v5, v13  }
0xfc: {  	v16 =	vmax.f32 v15, v6;
	v11 =	vmax.f32 v11, v3;
	v13 =	vmin.f32 v9, v7;
	v7 =	vld [tilespmem:s11+$0x9710]  }
0xfd: {  	v15 =	vmax.f32 v11, v1;
	v13 =	vmin.f32 v13, v6;
	v6 =	vmovc v24;
	v9 =	vld [tilespmem:s11+$0x96D0];
	v22 =	vadd.f32 v4, v12  }
0xfe: {  	v33 =	vadd.f32 v0, v33;
	v11 =	vmax.f32 v16, v5;
	v12 =	vmin.f32 v13, v5;
	v5 =	vmovc v21;
	v27 =	vld [tilespmem:s11+$0x97A0]  }
0xff: {  	v13 =	vmin.f32 v36, v14;
	v14 =	vmax.f32 v11, v4;
	v19 =	vmin.f32 v12, v4;
	v4 =	vmovc v18;
	v16 =	vld [tilespmem:s11+$0x9700]  }
0x100: {  	v12 =	vmin.f32 v13, v17;
	v17 =	vadd.f32 v25, v39;
	v45 =	vmul.f32 v8, v8;
	v11 =	vld [tilespmem:s11+$0x9650]  }
0x101: {  	v20 =	vmin.f32 v12, v26;
	v26 =	vmax.f32 v35, v2;
	v2 =	vmovc v23;
	v46 =	vld [tilespmem:s11+$0x96B0];
	v34 =	vmul.f32 v7, v7  }
0x102: {  	v12 =	vmul.f32 v18, v4;
	v25 =	vmin.f32 v20, v25;
	v17 =	vadd.f32 v3, v17;
	v13 =	vld [tilespmem:s11+$0x9660]  }
0x103: {  	v18 =	vmul.f32 v21, v5;
	v25 =	vmin.f32 v25, v3;
	v47 =	vmul.f32 v9, v9;
	v20 =	vld [tilespmem:s11+$0x9610];
	v3 =	vmovc v27  }
0x104: {  	v35 =	vmul.f32 v37, v37;
	v26 =	vmax.f32 v26, v0;
	v0 =	vmovc v43;
	v21 =	vld [tilespmem:s11+$0x9620];
	v36 =	vmul.f32 v16, v16  }
0x105: {  	v17 =	vadd.f32 v1, v17;
	v39 =	vmul.f32 v27, v3;
	v48 =	vld [tilespmem:s11+$0x9630];
	v49 =	vmul.f32 v11, v11  }
0x106: {  	v24 =	vmul.f32 v24, v6;
	v51 =	vmul.f32 v30, v30;
	v25 =	vmin.f32 v25, v1;
	v1 =	vmovc v37;
	v50 =	vld [tilespmem:s11+$0x9600]  }
0x107: {  	v53 =	vmul.f32 v23, v2;
	v52 =	vmul.f32 v13, v13  }
0x108: {  	v54 =	vmul.f32 v46, v46;
	v37 =	vadd.f32 v20, v22;
	v22 =	vmul.f32 v20, v20;
	v23 =	vld [tilespmem:s11+$0x9780]  }
0x109: {  	v43 =	vmul.f32 v43, v0;
	v55 =	vmax.f32 v14, v20;
	v56 =	vadd.f32 v21, v17;
	v57 =	vld [tilespmem:s11+$0x9670]  }
0x10a: {  	v27 =	vmul.f32 v21, v21;
	v17 =	vadd.f32 v22, v44;
	v14 =	vld [tilespmem:s11+$0x96A0];
	v22 =	vmul.f32 v40, v10  }
0x10b: {  	v33 =	vadd.f32 v48, v33;
	v44 =	vmul.f32 v48, v48;
	v40 =	vmul.f32 v50, v50;
	v58 =	vld [tilespmem:s11+$0x9640]  }
0x10c: {  	v26 =	vmax.f32 v26, v48;
	v38 =	vmin.f32 v38, v48;
	v48 =	vadd.f32 v49, v17  }
0x10d: {  	v29 =	vadd.f32 v27, v29;
	v28 =	vadd.f32 v44, v28;
	v17 =	vld [tilespmem:s11+$0x96E0];
	v27 =	vmul.f32 v23, v23  }
0x10e: {  	v44 =	vmin.f32 v25, v21;
	v25 =	vadd.f32 v57, v33;
	v26 =	vmax.f32 v26, v57;
	v49 =	vld [tilespmem:s11+$0x9680]  }
0x10f: {  	v33 =	vadd.f32 v40, v41;
	v41 =	vmin.f32 v42, v50;
	v40 =	vmul.f32 v57, v57;
	v42 =	vld [tilespmem:s11+$0x96F0]  }
0x110: {  	v29 =	vadd.f32 v52, v29;
	v52 =	vmul.f32 v14, v14;
	v59 =	vmul.f32 v58, v58  }
0x111: {  	v31 =	vadd.f32 v50, v31;
	v28 =	vadd.f32 v40, v28;
	v40 =	vmax.f32 v26, v46;
	v60 =	vld [tilespmem:s11+$0x9730]  }
0x112: {  	v29 =	vadd.f32 v52, v29;
	v26 =	vadd.f32 v59, v33;
	v52 =	vld [tilespmem:s11+$0x96C0];
	v33 =	vmul.f32 v17, v17  }
0x113: {  	v45 =	vadd.f32 v45, v48;
	v28 =	vadd.f32 v54, v28;
	v59 =	vmul.f32 v49, v49  }
0x114: {  	v31 =	vadd.f32 v58, v31;
	v25 =	vadd.f32 v46, v25;
	v48 =	vmul.f32 v42, v42  }
0x115: {  	v38 =	vmin.f32 v38, v57;
	v54 =	vadd.f32 v13, v56;
	v56 =	vadd.f32 v59, v26;
	v26 =	vld [tilespmem:s11+$0x9720]  }
0x116: {  	v31 =	vadd.f32 v49, v31;
	v57 =	vadd.f32 v42, v25;
	v59 =	vmax.f32 v40, v42;
	v25 =	vld [tilespmem:s11+$0x9760]  }
0x117: {  	v38 =	vmin.f32 v38, v46;
	v40 =	vmul.f32 v60, v60;
	v46 =	vmul.f32 v52, v52  }
0x118: {  	v38 =	vmin.f32 v38, v42;
	v28 =	vadd.f32 v48, v28;
	v42 =	vadd.f32 v60, v57  }
0x119: {  	v45 =	vadd.f32 v47, v45;
	v29 =	vadd.f32 v33, v29;
	v33 =	vmin.f32 v38, v60  }
0x11a: {  	v32 =	vmax.f32 v32, v50;
	v28 =	vadd.f32 v40, v28;
	v38 =	vmul.f32 v26, v26  }
0x11b: {  	v48 =	vmin.f32 v33, v30;
	v42 =	vadd.f32 v30, v42;
	v40 =	vld [tilespmem:s11+$0x9740];
	v47 =	vmul.f32 v25, v25  }
0x11c: {  	v32 =	vmax.f32 v32, v58;
	v31 =	vadd.f32 v52, v31;
	v46 =	vadd.f32 v46, v56  }
0x11d: {  	v32 =	vmax.f32 v32, v49;
	v28 =	vadd.f32 v51, v28;
	v29 =	vadd.f32 v38, v29  }
0x11e: {  	v33 =	vadd.f32 v14, v54;
	v32 =	vmax.f32 v32, v52;
	v31 =	vadd.f32 v16, v31  }
0x11f: {  	v32 =	vmax.f32 v32, v16;
	v28 =	vadd.f32 v53, v28;
	v29 =	vadd.f32 v47, v29  }
0x120: {  	v38 =	vadd.f32 v17, v33;
	v33 =	vadd.f32 v2, v42;
	v47 =	vmul.f32 v40, v40  }
0x121: {  	v28 =	vadd.f32 v43, v28;
	v31 =	vadd.f32 v40, v31;
	v50 =	vmax.f32 v32, v40  }
0x122: {  	v32 =	vmin.f32 v41, v58;
	v41 =	vadd.f32 v36, v46;
	v29 =	vadd.f32 v39, v29  }
.Ltmp3:
0x123: {  	v46 =	vmax.f32 v59, v60;
	v32 =	vmin.f32 v32, v49;
	v31 =	vadd.f32 v23, v31;
	(pc) =	sbr.rel @p1 .LBB2_5-.Ltmp3, $4  }
0x124: {  	v36 =	vmin.f32 v44, v13;
	v41 =	vadd.f32 v47, v41;
	v29 =	vadd.f32 v35, v29  }
0x125: {  	v42 =	vmax.f32 v55, v11;
	v32 =	vmin.f32 v32, v52;
	v31 =	vadd.f32 v10, v31  }
0x126: {  	v39 =	vadd.f32 v26, v38;
	v38 =	vmin.f32 v48, v2;
	v43 =	vmax.f32 v50, v23  }
0x127: {  	v37 =	vadd.f32 v11, v37;
	v34 =	vadd.f32 v34, v45;
	v35 =	vmax.f32 v46, v30  }
0x128: {  	_ = 	snop  }
0x129: {  	v30 =	vadd.f32 v8, v37  }
0x12a: {  	v16 =	vmin.f32 v32, v16;
	v62 =	vmax.f32 v43, v10  }
0x12b: {  	v19 =	vmin.f32 v19, v20;
	v20 =	vadd.f32 v24, v34;
	v24 =	vadd.f32 v9, v30  }
0x12c: {  	v15 =	vmax.f32 v15, v21;
	v21 =	vmax.f32 v42, v8;
	v16 =	vmin.f32 v16, v40  }
0x12d: {  	v21 =	vmax.f32 v21, v9;
	v18 =	vadd.f32 v18, v20;
	v20 =	vadd.f32 v7, v24  }
0x12e: {  	v13 =	vmax.f32 v15, v13;
	v11 =	vmin.f32 v19, v11;
	v16 =	vmin.f32 v16, v23  }
0x12f: {  	[tilespmem:s1+$0x12D00] =	vst v31;
	v8 =	vmin.f32 v11, v8;
	v10 =	vmin.f32 v16, v10;
	v16 =	vadd.f32 v6, v20  }
0x130: {  	[tilespmem:s1+$0x12DE0] =	vst v29;
	v15 =	vmax.f32 v21, v7;
	v11 =	vmax.f32 v13, v14;
	v8 =	vmin.f32 v8, v9  }
0x131: {  	[tilespmem:s1+$0x12DF0] =	vst v28;
	v7 =	vmin.f32 v8, v7;
	v8 =	vmax.f32 v15, v6;
	v9 =	vadd.f32 v5, v16  }
0x132: {  	[tilespmem:s1+$0x12D40] =	vst v62;
	v12 =	vadd.f32 v12, v18;
	v18 =	vadd.f32 v27, v41;
	v8 =	vmax.f32 v8, v5  }
0x133: {  	[tilespmem:s1+$0x12D80] =	vst v10;
	v6 =	vmin.f32 v7, v6;
	v7 =	vadd.f32 v4, v9;
	v9 =	vadd.f32 v25, v39  }
0x134: {  	v10 =	vmax.f32 v11, v17;
	v13 =	vadd.f32 v22, v18;
	v8 =	vmax.f32 v8, v4;
	[tilespmem:s1+$0x12DD0] =	vst v12  }
0x135: {  	[tilespmem:s1+$0x12D50] =	vst v8;
	v5 =	vmin.f32 v6, v5;
	v6 =	vmin.f32 v36, v14;
	v9 =	vadd.f32 v3, v9  }
0x136: {  	v4 =	vmin.f32 v5, v4;
	v5 =	vmin.f32 v6, v17;
	[tilespmem:s1+$0x12D10] =	vst v7;
	v7 =	vmax.f32 v10, v26  }
0x137: {  	[tilespmem:s1+$0x12DC0] =	vst v13;
	v5 =	vmin.f32 v5, v26;
	v6 =	vmax.f32 v7, v25;
	v7 =	vadd.f32 v1, v9  }
0x138: {  	[tilespmem:s1+$0x12D90] =	vst v4;
	v5 =	vmin.f32 v5, v25;
	v4 =	vmax.f32 v6, v3  }
0x139: {  	v3 =	vmin.f32 v5, v3;
	v4 =	vmax.f32 v4, v1;
	[tilespmem:s1+$0x12D20] =	vst v7  }
0x13a: {  	v1 =	vmin.f32 v3, v1;
	v3 =	vadd.f32 v0, v33;
	[tilespmem:s1+$0x12D60] =	vst v4  }
0x13b: {  	[tilespmem:s1+$0x12DA0] =	vst v1;
	v1 =	vmax.f32 v35, v2  }
0x13c: {  	v1 =	vmax.f32 v1, v0;
	[tilespmem:s1+$0x12D30] =	vst v3  }
0x13d: {  	v0 =	vmin.f32 v38, v0;
	[tilespmem:s1+$0x12D70] =	vst v1  }
0x13e: {  	s9 =	sadd.s32 @!p0 $0x3E8, s0;
	s11 =	simm.s32 @!p0 $0x80;
	s12 =	simm.s32 @!p0 $0x9600;
	[tilespmem:s1+$0x12DB0] =	vst v0  }
0x13f: {  	[tilespmem:s12], [sflag:$0x2] =	stream.indirect.gather @!p0 [hbm4b:s3+s11], $0x40, s9, s11, $0xb8;
	[tilespmem:$0x1AC00] =	vst v63  }
0x140: {  	s9 =	sadd.s32 @!p0 $0x468, s0;
	s11 =	simm.s32 @!p0 $0x48;
	s12 =	simm.s32 @!p0 $0xB600  }
0x141: {  	[tilespmem:s12], [sflag:$0x2] =	stream.indirect.gather @!p0 [hbm4b:s3+s11], $0x40, s9, s11, $0xb8;
	[tilespmem:$0x1AC00] =	vst v63  }
0x142: {  	_ =	swait.ge [sflag:s26], $0x2000  }
0x143: {  	[sflag:s26] =	ssyncset.done $0x0  }
0x144: {  	[sflag:s26] =	ssyncadd.s32 $0xFFFFE000  }
0x145: {  	_ =	swait.ge [sflag:s26], $0x1200  }
0x146: {  	[sflag:s26] =	ssyncset.done $0x0  }
0x147: {  	s12 =	simm.s32 $0x0;
	[sflag:s26] =	ssyncadd.s32 $0xFFFFEE00  }
0x148: {  	v0 =	vld [tilespmem:s12+$0xC9F0]  }
0x149: {  	v1 =	vld [tilespmem:s12+$0xC9E0]  }
0x14a: {  	v10 =	vld [tilespmem:s12+$0xC9C0]  }
0x14b: {  	v6 =	vld [tilespmem:s12+$0xC950]  }
0x14c: {  	v5 =	vld [tilespmem:s12+$0xC990]  }
0x14d: {  	v2 =	vld [tilespmem:s12+$0xC9B0]  }
0x14e: {  	v4 =	vld [tilespmem:s12+$0xC9D0]  }
0x14f: {  	v8 =	vld [tilespmem:s12+$0xC890]  }
0x150: {  	v30 =	vld [tilespmem:s12+$0xC970]  }
0x151: {  	v7 =	vld [tilespmem:s12+$0xC910]  }
0x152: {  	v9 =	vld [tilespmem:s12+$0xC8D0]  }
0x153: {  	v3 =	vld [tilespmem:s12+$0xC9A0]  }
0x154: {  	v16 =	vld [tilespmem:s12+$0xC900]  }
0x155: {  	v11 =	vld [tilespmem:s12+$0xC850]  }
0x156: {  	v28 =	vld [tilespmem:s12+$0xC8B0]  }
0x157: {  	v13 =	vld [tilespmem:s12+$0xC860];
	v25 =	vmul.f32 v8, v8  }
0x158: {  	v20 =	vld [tilespmem:s12+$0xC810];
	v34 =	vmul.f32 v7, v7;
	v12 =	vmul.f32 v4, v4  }
0x159: {  	v21 =	vld [tilespmem:s12+$0xC820];
	v29 =	vmul.f32 v9, v9;
	v18 =	vmul.f32 v5, v5  }
0x15a: {  	v17 =	vld [tilespmem:s12+$0xC830];
	v31 =	vmul.f32 v16, v16;
	v32 =	vmul.f32 v1, v1  }
0x15b: {  	v19 =	vimm.f32 $+Inf;
	v33 =	vld [tilespmem:s12+$0xC800];
	v27 =	vmul.f32 v11, v11;
	v35 =	vmul.f32 v3, v3  }
0x15c: {  	v15 =	vimm.f32 $-Inf;
	v41 =	vld [tilespmem:s12+$0xC870];
	v24 =	vmul.f32 v6, v6;
	v36 =	vmul.f32 v30, v30  }
0x15d: {  	v26 =	vimm.f32 $0.0e+00;
	v50 =	vld [tilespmem:s12+$0xC840];
	v63 =	vmul.f32 v13, v13;
	v38 =	vmul.f32 v2, v2  }
0x15e: {  	v54 =	vld [tilespmem:s12+$0xC880];
	v44 =	vadd.f32 v20, v26;
	v14 =	vmul.f32 v20, v20;
	v60 =	vmul.f32 v28, v28  }
0x15f: {  	v42 =	vmax.f32 v15, v20;
	v43 =	vmul.f32 v0, v0;
	v46 =	vmul.f32 v21, v21  }
0x160: {  	v61 =	vadd.f32 v21, v26;
	v22 =	vmul.f32 v10, v10;
	v47 =	vmul.f32 v33, v33  }
0x161: {  	v48 =	vadd.f32 v17, v26;
	v49 =	vmul.f32 v17, v17;
	v51 =	vmax.f32 v15, v17  }
0x162: {  	v57 =	vld [tilespmem:s12+$0xC8F0];
	v52 =	vmin.f32 v19, v17;
	v53 =	vmin.f32 v19, v21;
	v56 =	vmul.f32 v41, v41  }
0x163: {  	v23 =	vld [tilespmem:s12+$0xC980];
	v55 =	vmin.f32 v19, v33;
	v58 =	vmul.f32 v50, v50;
	v59 =	vmul.f32 v54, v54  }
0x164: {  	v51 =	vmax.f32 v51, v41;
	v45 =	vadd.f32 v14, v26;
	v46 =	vadd.f32 v46, v26  }
0x165: {  	v17 =	vld [tilespmem:s12+$0xC8E0];
	v42 =	vmax.f32 v42, v11;
	v49 =	vadd.f32 v49, v26;
	v48 =	vadd.f32 v41, v48  }
0x166: {  	v47 =	vadd.f32 v47, v26;
	v26 =	vadd.f32 v33, v26;
	v51 =	vmax.f32 v51, v28  }
0x167: {  	v40 =	vld [tilespmem:s12+$0xC940];
	v33 =	vmax.f32 v15, v33;
	v51 =	vmax.f32 v51, v57;
	v45 =	vadd.f32 v27, v45  }
0x168: {  	v14 =	vld [tilespmem:s12+$0xC8A0];
	v27 =	vmul.f32 v23, v23;
	v37 =	vadd.f32 v63, v46;
	v49 =	vadd.f32 v56, v49  }
0x169: {  	v56 =	vld [tilespmem:s12+$0xC930];
	v47 =	vadd.f32 v58, v47;
	v48 =	vadd.f32 v28, v48;
	v63 =	vmin.f32 v52, v41  }
0x16a: {  	v46 =	vld [tilespmem:s12+$0xC8C0];
	v58 =	vmul.f32 v17, v17;
	v45 =	vadd.f32 v25, v45;
	v39 =	vadd.f32 v60, v49  }
0x16b: {  	v28 =	vmin.f32 v63, v28;
	v25 =	vadd.f32 v50, v26;
	v60 =	vadd.f32 v13, v61  }
0x16c: {  	v49 =	vmul.f32 v57, v57;
	v41 =	vadd.f32 v59, v47;
	v48 =	vadd.f32 v57, v48  }
0x16d: {  	v26 =	vld [tilespmem:s12+$0xC920];
	v28 =	vmin.f32 v28, v57;
	v62 =	vmul.f32 v14, v14;
	v47 =	vadd.f32 v54, v25  }
0x16e: {  	v59 =	vmul.f32 v40, v40;
	v39 =	vadd.f32 v49, v39;
	v45 =	vadd.f32 v29, v45  }
0x16f: {  	v37 =	vadd.f32 v62, v37;
	v52 =	vmul.f32 v46, v46;
	v28 =	vmin.f32 v28, v56  }
0x170: {  	v25 =	vld [tilespmem:s12+$0xC960];
	v61 =	vmul.f32 v56, v56;
	v48 =	vadd.f32 v56, v48;
	v57 =	vmin.f32 v28, v30  }
0x171: {  	v28 =	vmax.f32 v33, v50;
	v47 =	vadd.f32 v46, v47;
	v34 =	vadd.f32 v34, v45  }
0x172: {  	v29 =	vadd.f32 v58, v37;
	v62 =	vmul.f32 v26, v26;
	v39 =	vadd.f32 v61, v39  }
0x173: {  	v48 =	vadd.f32 v30, v48;
	v41 =	vadd.f32 v52, v41;
	v28 =	vmax.f32 v28, v54  }
0x174: {  	v52 =	vadd.f32 v14, v60;
	v61 =	vmin.f32 v55, v50;
	v28 =	vmax.f32 v28, v46  }
0x175: {  	v58 =	vadd.f32 v16, v47;
	v63 =	vmul.f32 v25, v25;
	v29 =	vadd.f32 v62, v29  }
0x176: {  	v36 =	vadd.f32 v36, v39;
	v28 =	vmax.f32 v28, v16;
	v37 =	vadd.f32 v17, v52  }
0x177: {  	v33 =	vadd.f32 v2, v48;
	v31 =	vadd.f32 v31, v41;
	v62 =	vmin.f32 v61, v54  }
0x178: {  	v39 =	vadd.f32 v40, v58;
	v60 =	vmax.f32 v28, v40;
	v36 =	vadd.f32 v38, v36  }
0x179: {  	v29 =	vadd.f32 v63, v29;
	v63 =	vmax.f32 v51, v56;
	v41 =	vadd.f32 v59, v31  }
0x17a: {  	v38 =	vmin.f32 v57, v2;
	v39 =	vadd.f32 v23, v39;
	v28 =	vadd.f32 v43, v36  }
0x17b: {  	v29 =	vadd.f32 v35, v29;
	v36 =	vmin.f32 v53, v13;
	v43 =	vmax.f32 v60, v23  }
0x17c: {  	v35 =	vmax.f32 v63, v30;
	v31 =	vadd.f32 v10, v39;
	v39 =	vadd.f32 v26, v37  }
0x17d: {  	s9 =	simm.s32 $0x800;
	v37 =	vadd.f32 v11, v44;
	v29 =	vadd.f32 v32, v29;
	v32 =	vmin.f32 v62, v46  }
.LBB2_7:
0x17e: {  	s11 =	sshra.s32 s9, $0x2;
	p1 =	sne.s32 s9, $0xC000;
	s9 =	sadd.s32 $0x800, s9;
	v16 =	vmin.f32 v32, v16;
	v32 =	vmax.f32 v43, v10;
	v38 =	vmin.f32 v38, v0  }
0x17f: {  	v19 =	vmin.f32 v19, v20;
	v43 =	vld [tilespmem:s11+$0xC9F0];
	v20 =	vadd.f32 v8, v37;
	v24 =	vadd.f32 v24, v34  }
0x180: {  	v15 =	vmax.f32 v15, v21;
	v21 =	vmax.f32 v42, v8;
	v16 =	vmin.f32 v16, v40;
	v37 =	vld [tilespmem:s11+$0xC9E0]  }
0x181: {  	v21 =	vmax.f32 v21, v9;
	v40 =	vld [tilespmem:s11+$0xC9C0];
	v20 =	vadd.f32 v9, v20;
	v18 =	vadd.f32 v18, v24  }
0x182: {  	v13 =	vmax.f32 v15, v13;
	v15 =	vmax.f32 v21, v7;
	v16 =	vmin.f32 v16, v23;
	v24 =	vld [tilespmem:s11+$0xC950]  }
0x183: {  	v42 =	vmin.f32 v16, v10;
	v21 =	vld [tilespmem:s11+$0xC990];
	v20 =	vadd.f32 v7, v20;
	v44 =	vadd.f32 v12, v18  }
0x184: {  	v19 =	vmin.f32 v19, v11;
	v11 =	vmax.f32 v13, v14;
	v12 =	vadd.f32 v27, v41;
	v23 =	vld [tilespmem:s11+$0xC9B0]  }
0x185: {  	v11 =	vmax.f32 v11, v17;
	v18 =	vld [tilespmem:s11+$0xC9D0];
	v13 =	vadd.f32 v6, v20  }
0x186: {  	v16 =	vmin.f32 v19, v8;
	v11 =	vmax.f32 v11, v26;
	v41 =	vadd.f32 v22, v12;
	v8 =	vld [tilespmem:s11+$0xC890];
	v10 =	vmovc v40  }
0x187: {  	v9 =	vmin.f32 v16, v9;
	v11 =	vmax.f32 v11, v25;
	v30 =	vld [tilespmem:s11+$0xC970];
	v12 =	vadd.f32 v5, v13  }
0x188: {  	v16 =	vmax.f32 v15, v6;
	v11 =	vmax.f32 v11, v3;
	v13 =	vmin.f32 v9, v7;
	v7 =	vld [tilespmem:s11+$0xC910]  }
0x189: {  	v15 =	vmax.f32 v11, v1;
	v13 =	vmin.f32 v13, v6;
	v6 =	vmovc v24;
	v9 =	vld [tilespmem:s11+$0xC8D0];
	v22 =	vadd.f32 v4, v12  }
0x18a: {  	v33 =	vadd.f32 v0, v33;
	v11 =	vmax.f32 v16, v5;
	v12 =	vmin.f32 v13, v5;
	v5 =	vmovc v21;
	v27 =	vld [tilespmem:s11+$0xC9A0]  }
0x18b: {  	v13 =	vmin.f32 v36, v14;
	v14 =	vmax.f32 v11, v4;
	v19 =	vmin.f32 v12, v4;
	v4 =	vmovc v18;
	v16 =	vld [tilespmem:s11+$0xC900]  }
0x18c: {  	v12 =	vmin.f32 v13, v17;
	v17 =	vadd.f32 v25, v39;
	v45 =	vmul.f32 v8, v8;
	v11 =	vld [tilespmem:s11+$0xC850]  }
0x18d: {  	v20 =	vmin.f32 v12, v26;
	v26 =	vmax.f32 v35, v2;
	v2 =	vmovc v23;
	v46 =	vld [tilespmem:s11+$0xC8B0];
	v34 =	vmul.f32 v7, v7  }
0x18e: {  	v12 =	vmul.f32 v18, v4;
	v25 =	vmin.f32 v20, v25;
	v17 =	vadd.f32 v3, v17;
	v13 =	vld [tilespmem:s11+$0xC860]  }
0x18f: {  	v18 =	vmul.f32 v21, v5;
	v25 =	vmin.f32 v25, v3;
	v47 =	vmul.f32 v9, v9;
	v20 =	vld [tilespmem:s11+$0xC810];
	v3 =	vmovc v27  }
0x190: {  	v35 =	vmul.f32 v37, v37;
	v26 =	vmax.f32 v26, v0;
	v0 =	vmovc v43;
	v21 =	vld [tilespmem:s11+$0xC820];
	v36 =	vmul.f32 v16, v16  }
0x191: {  	v17 =	vadd.f32 v1, v17;
	v39 =	vmul.f32 v27, v3;
	v48 =	vld [tilespmem:s11+$0xC830];
	v49 =	vmul.f32 v11, v11  }
0x192: {  	v24 =	vmul.f32 v24, v6;
	v51 =	vmul.f32 v30, v30;
	v25 =	vmin.f32 v25, v1;
	v1 =	vmovc v37;
	v50 =	vld [tilespmem:s11+$0xC800]  }
0x193: {  	v53 =	vmul.f32 v23, v2;
	v52 =	vmul.f32 v13, v13  }
0x194: {  	v54 =	vmul.f32 v46, v46;
	v37 =	vadd.f32 v20, v22;
	v22 =	vmul.f32 v20, v20;
	v23 =	vld [tilespmem:s11+$0xC980]  }
0x195: {  	v43 =	vmul.f32 v43, v0;
	v55 =	vmax.f32 v14, v20;
	v56 =	vadd.f32 v21, v17;
	v57 =	vld [tilespmem:s11+$0xC870]  }
0x196: {  	v27 =	vmul.f32 v21, v21;
	v17 =	vadd.f32 v22, v44;
	v14 =	vld [tilespmem:s11+$0xC8A0];
	v22 =	vmul.f32 v40, v10  }
0x197: {  	v33 =	vadd.f32 v48, v33;
	v44 =	vmul.f32 v48, v48;
	v40 =	vmul.f32 v50, v50;
	v58 =	vld [tilespmem:s11+$0xC840]  }
0x198: {  	v26 =	vmax.f32 v26, v48;
	v38 =	vmin.f32 v38, v48;
	v48 =	vadd.f32 v49, v17  }
0x199: {  	v29 =	vadd.f32 v27, v29;
	v28 =	vadd.f32 v44, v28;
	v17 =	vld [tilespmem:s11+$0xC8E0];
	v27 =	vmul.f32 v23, v23  }
0x19a: {  	v44 =	vmin.f32 v25, v21;
	v25 =	vadd.f32 v57, v33;
	v26 =	vmax.f32 v26, v57;
	v49 =	vld [tilespmem:s11+$0xC880]  }
0x19b: {  	v33 =	vadd.f32 v40, v41;
	v41 =	vmin.f32 v42, v50;
	v40 =	vmul.f32 v57, v57;
	v42 =	vld [tilespmem:s11+$0xC8F0]  }
0x19c: {  	v29 =	vadd.f32 v52, v29;
	v52 =	vmul.f32 v14, v14;
	v59 =	vmul.f32 v58, v58  }
0x19d: {  	v31 =	vadd.f32 v50, v31;
	v28 =	vadd.f32 v40, v28;
	v40 =	vmax.f32 v26, v46;
	v60 =	vld [tilespmem:s11+$0xC930]  }
0x19e: {  	v29 =	vadd.f32 v52, v29;
	v26 =	vadd.f32 v59, v33;
	v52 =	vld [tilespmem:s11+$0xC8C0];
	v33 =	vmul.f32 v17, v17  }
0x19f: {  	v45 =	vadd.f32 v45, v48;
	v28 =	vadd.f32 v54, v28;
	v59 =	vmul.f32 v49, v49  }
0x1a0: {  	v31 =	vadd.f32 v58, v31;
	v25 =	vadd.f32 v46, v25;
	v48 =	vmul.f32 v42, v42  }
0x1a1: {  	v38 =	vmin.f32 v38, v57;
	v54 =	vadd.f32 v13, v56;
	v56 =	vadd.f32 v59, v26;
	v26 =	vld [tilespmem:s11+$0xC920]  }
0x1a2: {  	v31 =	vadd.f32 v49, v31;
	v57 =	vadd.f32 v42, v25;
	v59 =	vmax.f32 v40, v42;
	v25 =	vld [tilespmem:s11+$0xC960]  }
0x1a3: {  	v38 =	vmin.f32 v38, v46;
	v40 =	vmul.f32 v60, v60;
	v46 =	vmul.f32 v52, v52  }
0x1a4: {  	v38 =	vmin.f32 v38, v42;
	v28 =	vadd.f32 v48, v28;
	v42 =	vadd.f32 v60, v57  }
0x1a5: {  	v45 =	vadd.f32 v47, v45;
	v29 =	vadd.f32 v33, v29;
	v33 =	vmin.f32 v38, v60  }
0x1a6: {  	v32 =	vmax.f32 v32, v50;
	v28 =	vadd.f32 v40, v28;
	v38 =	vmul.f32 v26, v26  }
0x1a7: {  	v48 =	vmin.f32 v33, v30;
	v42 =	vadd.f32 v30, v42;
	v40 =	vld [tilespmem:s11+$0xC940];
	v47 =	vmul.f32 v25, v25  }
0x1a8: {  	v32 =	vmax.f32 v32, v58;
	v31 =	vadd.f32 v52, v31;
	v46 =	vadd.f32 v46, v56  }
0x1a9: {  	v32 =	vmax.f32 v32, v49;
	v28 =	vadd.f32 v51, v28;
	v29 =	vadd.f32 v38, v29  }
0x1aa: {  	v33 =	vadd.f32 v14, v54;
	v32 =	vmax.f32 v32, v52;
	v31 =	vadd.f32 v16, v31  }
0x1ab: {  	v32 =	vmax.f32 v32, v16;
	v28 =	vadd.f32 v53, v28;
	v29 =	vadd.f32 v47, v29  }
0x1ac: {  	v38 =	vadd.f32 v17, v33;
	v33 =	vadd.f32 v2, v42;
	v47 =	vmul.f32 v40, v40  }
0x1ad: {  	v28 =	vadd.f32 v43, v28;
	v31 =	vadd.f32 v40, v31;
	v50 =	vmax.f32 v32, v40  }
0x1ae: {  	v32 =	vmin.f32 v41, v58;
	v41 =	vadd.f32 v36, v46;
	v29 =	vadd.f32 v39, v29  }
.Ltmp4:
0x1af: {  	v46 =	vmax.f32 v59, v60;
	v32 =	vmin.f32 v32, v49;
	v31 =	vadd.f32 v23, v31;
	(pc) =	sbr.rel @p1 .LBB2_7-.Ltmp4, $4  }
0x1b0: {  	v36 =	vmin.f32 v44, v13;
	v41 =	vadd.f32 v47, v41;
	v29 =	vadd.f32 v35, v29  }
0x1b1: {  	v42 =	vmax.f32 v55, v11;
	v32 =	vmin.f32 v32, v52;
	v31 =	vadd.f32 v10, v31  }
0x1b2: {  	v39 =	vadd.f32 v26, v38;
	v38 =	vmin.f32 v48, v2;
	v43 =	vmax.f32 v50, v23  }
0x1b3: {  	v37 =	vadd.f32 v11, v37;
	v34 =	vadd.f32 v34, v45;
	v35 =	vmax.f32 v46, v30  }
0x1b4: {  	_ = 	snop  }
0x1b5: {  	v30 =	vadd.f32 v8, v37  }
0x1b6: {  	v16 =	vmin.f32 v32, v16;
	v62 =	vmax.f32 v43, v10  }
0x1b7: {  	v19 =	vmin.f32 v19, v20;
	v20 =	vadd.f32 v24, v34;
	v24 =	vadd.f32 v9, v30  }
0x1b8: {  	v15 =	vmax.f32 v15, v21;
	v21 =	vmax.f32 v42, v8;
	v16 =	vmin.f32 v16, v40  }
0x1b9: {  	v21 =	vmax.f32 v21, v9;
	v18 =	vadd.f32 v18, v20;
	v20 =	vadd.f32 v7, v24  }
0x1ba: {  	v13 =	vmax.f32 v15, v13;
	v11 =	vmin.f32 v19, v11;
	v16 =	vmin.f32 v16, v23  }
0x1bb: {  	[tilespmem:s1+$0x12E00] =	vst v31;
	v8 =	vmin.f32 v11, v8;
	v10 =	vmin.f32 v16, v10;
	v16 =	vadd.f32 v6, v20  }
0x1bc: {  	[tilespmem:s1+$0x12EE0] =	vst v29;
	v15 =	vmax.f32 v21, v7;
	v11 =	vmax.f32 v13, v14;
	v8 =	vmin.f32 v8, v9  }
0x1bd: {  	[tilespmem:s1+$0x12EF0] =	vst v28;
	v7 =	vmin.f32 v8, v7;
	v8 =	vmax.f32 v15, v6;
	v9 =	vadd.f32 v5, v16  }
0x1be: {  	[tilespmem:s1+$0x12E40] =	vst v62;
	v12 =	vadd.f32 v12, v18;
	v18 =	vadd.f32 v27, v41;
	v8 =	vmax.f32 v8, v5  }
0x1bf: {  	[tilespmem:s1+$0x12E80] =	vst v10;
	v6 =	vmin.f32 v7, v6;
	v7 =	vadd.f32 v4, v9;
	v9 =	vadd.f32 v25, v39  }
0x1c0: {  	v10 =	vmax.f32 v11, v17;
	v13 =	vadd.f32 v22, v18;
	v8 =	vmax.f32 v8, v4;
	[tilespmem:s1+$0x12ED0] =	vst v12  }
0x1c1: {  	[tilespmem:s1+$0x12E50] =	vst v8;
	v5 =	vmin.f32 v6, v5;
	v6 =	vmin.f32 v36, v14;
	v9 =	vadd.f32 v3, v9  }
0x1c2: {  	v4 =	vmin.f32 v5, v4;
	v5 =	vmin.f32 v6, v17;
	[tilespmem:s1+$0x12E10] =	vst v7;
	v7 =	vmax.f32 v10, v26  }
0x1c3: {  	[tilespmem:s1+$0x12EC0] =	vst v13;
	v5 =	vmin.f32 v5, v26;
	v6 =	vmax.f32 v7, v25;
	v7 =	vadd.f32 v1, v9  }
0x1c4: {  	[tilespmem:s1+$0x12E90] =	vst v4;
	v5 =	vmin.f32 v5, v25;
	v4 =	vmax.f32 v6, v3  }
0x1c5: {  	v3 =	vmin.f32 v5, v3;
	v4 =	vmax.f32 v4, v1;
	[tilespmem:s1+$0x12E20] =	vst v7  }
0x1c6: {  	v1 =	vmin.f32 v3, v1;
	v3 =	vadd.f32 v0, v33;
	[tilespmem:s1+$0x12E60] =	vst v4  }
0x1c7: {  	[tilespmem:s1+$0x12EA0] =	vst v1;
	v1 =	vmax.f32 v35, v2  }
0x1c8: {  	v1 =	vmax.f32 v1, v0;
	[tilespmem:s1+$0x12E30] =	vst v3  }
0x1c9: {  	v0 =	vmin.f32 v38, v0;
	[tilespmem:s1+$0x12E70] =	vst v1  }
0x1ca: {  	s9 =	sadd.s32 @!p0 $0x4B0, s0;
	s11 =	simm.s32 @!p0 $0x80;
	s12 =	simm.s32 @!p0 $0xC800;
	[tilespmem:s1+$0x12EB0] =	vst v0  }
0x1cb: {  	[tilespmem:s12], [sflag:$0x3] =	stream.indirect.gather @!p0 [hbm4b:s3+s11], $0x40, s9, s11, $0xb8;
	[tilespmem:$0x1AC00] =	vst v63  }
0x1cc: {  	s0 =	sadd.s32 @!p0 $0x530, s0;
	s9 =	simm.s32 @!p0 $0x48;
	s11 =	simm.s32 @!p0 $0xE800  }
0x1cd: {  	[tilespmem:s11], [sflag:$0x3] =	stream.indirect.gather @!p0 [hbm4b:s3+s9], $0x40, s0, s9, $0xb8;
	[tilespmem:$0x1AC00] =	vst v63  }
0x1ce: {  	_ =	swait.ge [sflag:s28], $0x2000  }
0x1cf: {  	[sflag:s28] =	ssyncset.done $0x0  }
0x1d0: {  	[sflag:s28] =	ssyncadd.s32 $0xFFFFE000  }
0x1d1: {  	_ =	swait.ge [sflag:s28], $0x1200  }
0x1d2: {  	[sflag:s28] =	ssyncset.done $0x0  }
0x1d3: {  	s12 =	simm.s32 $0x0;
	[sflag:s28] =	ssyncadd.s32 $0xFFFFEE00  }
0x1d4: {  	v0 =	vld [tilespmem:s12+$0xFBF0]  }
0x1d5: {  	v1 =	vld [tilespmem:s12+$0xFBE0]  }
0x1d6: {  	v10 =	vld [tilespmem:s12+$0xFBC0]  }
0x1d7: {  	v6 =	vld [tilespmem:s12+$0xFB50]  }
0x1d8: {  	v5 =	vld [tilespmem:s12+$0xFB90]  }
0x1d9: {  	v2 =	vld [tilespmem:s12+$0xFBB0]  }
0x1da: {  	v4 =	vld [tilespmem:s12+$0xFBD0]  }
0x1db: {  	v8 =	vld [tilespmem:s12+$0xFA90]  }
0x1dc: {  	v30 =	vld [tilespmem:s12+$0xFB70]  }
0x1dd: {  	v7 =	vld [tilespmem:s12+$0xFB10]  }
0x1de: {  	v9 =	vld [tilespmem:s12+$0xFAD0]  }
0x1df: {  	v3 =	vld [tilespmem:s12+$0xFBA0]  }
0x1e0: {  	v16 =	vld [tilespmem:s12+$0xFB00]  }
0x1e1: {  	v11 =	vld [tilespmem:s12+$0xFA50]  }
0x1e2: {  	v28 =	vld [tilespmem:s12+$0xFAB0]  }
0x1e3: {  	v13 =	vld [tilespmem:s12+$0xFA60];
	v25 =	vmul.f32 v8, v8  }
0x1e4: {  	v20 =	vld [tilespmem:s12+$0xFA10];
	v34 =	vmul.f32 v7, v7;
	v12 =	vmul.f32 v4, v4  }
0x1e5: {  	v21 =	vld [tilespmem:s12+$0xFA20];
	v29 =	vmul.f32 v9, v9;
	v18 =	vmul.f32 v5, v5  }
0x1e6: {  	v17 =	vld [tilespmem:s12+$0xFA30];
	v31 =	vmul.f32 v16, v16;
	v32 =	vmul.f32 v1, v1  }
0x1e7: {  	v19 =	vimm.f32 $+Inf;
	v33 =	vld [tilespmem:s12+$0xFA00];
	v27 =	vmul.f32 v11, v11;
	v35 =	vmul.f32 v3, v3  }
0x1e8: {  	v15 =	vimm.f32 $-Inf;
	v41 =	vld [tilespmem:s12+$0xFA70];
	v24 =	vmul.f32 v6, v6;
	v36 =	vmul.f32 v30, v30  }
0x1e9: {  	v26 =	vimm.f32 $0.0e+00;
	v50 =	vld [tilespmem:s12+$0xFA40];
	v63 =	vmul.f32 v13, v13;
	v38 =	vmul.f32 v2, v2  }
0x1ea: {  	v54 =	vld [tilespmem:s12+$0xFA80];
	v44 =	vadd.f32 v20, v26;
	v14 =	vmul.f32 v20, v20;
	v60 =	vmul.f32 v28, v28  }
0x1eb: {  	v42 =	vmax.f32 v15, v20;
	v43 =	vmul.f32 v0, v0;
	v46 =	vmul.f32 v21, v21  }
0x1ec: {  	v61 =	vadd.f32 v21, v26;
	v22 =	vmul.f32 v10, v10;
	v47 =	vmul.f32 v33, v33  }
0x1ed: {  	v48 =	vadd.f32 v17, v26;
	v49 =	vmul.f32 v17, v17;
	v51 =	vmax.f32 v15, v17  }
0x1ee: {  	v57 =	vld [tilespmem:s12+$0xFAF0];
	v52 =	vmin.f32 v19, v17;
	v53 =	vmin.f32 v19, v21;
	v56 =	vmul.f32 v41, v41  }
0x1ef: {  	v23 =	vld [tilespmem:s12+$0xFB80];
	v55 =	vmin.f32 v19, v33;
	v58 =	vmul.f32 v50, v50;
	v59 =	vmul.f32 v54, v54  }
0x1f0: {  	v51 =	vmax.f32 v51, v41;
	v45 =	vadd.f32 v14, v26;
	v46 =	vadd.f32 v46, v26  }
0x1f1: {  	v17 =	vld [tilespmem:s12+$0xFAE0];
	v42 =	vmax.f32 v42, v11;
	v49 =	vadd.f32 v49, v26;
	v48 =	vadd.f32 v41, v48  }
0x1f2: {  	v47 =	vadd.f32 v47, v26;
	v26 =	vadd.f32 v33, v26;
	v51 =	vmax.f32 v51, v28  }
0x1f3: {  	v40 =	vld [tilespmem:s12+$0xFB40];
	v33 =	vmax.f32 v15, v33;
	v51 =	vmax.f32 v51, v57;
	v45 =	vadd.f32 v27, v45  }
0x1f4: {  	v14 =	vld [tilespmem:s12+$0xFAA0];
	v27 =	vmul.f32 v23, v23;
	v37 =	vadd.f32 v63, v46;
	v49 =	vadd.f32 v56, v49  }
0x1f5: {  	v56 =	vld [tilespmem:s12+$0xFB30];
	v47 =	vadd.f32 v58, v47;
	v48 =	vadd.f32 v28, v48;
	v63 =	vmin.f32 v52, v41  }
0x1f6: {  	v46 =	vld [tilespmem:s12+$0xFAC0];
	v58 =	vmul.f32 v17, v17;
	v45 =	vadd.f32 v25, v45;
	v39 =	vadd.f32 v60, v49  }
0x1f7: {  	v28 =	vmin.f32 v63, v28;
	v25 =	vadd.f32 v50, v26;
	v60 =	vadd.f32 v13, v61  }
0x1f8: {  	v49 =	vmul.f32 v57, v57;
	v41 =	vadd.f32 v59, v47;
	v48 =	vadd.f32 v57, v48  }
0x1f9: {  	v26 =	vld [tilespmem:s12+$0xFB20];
	v28 =	vmin.f32 v28, v57;
	v62 =	vmul.f32 v14, v14;
	v47 =	vadd.f32 v54, v25  }
0x1fa: {  	v59 =	vmul.f32 v40, v40;
	v39 =	vadd.f32 v49, v39;
	v45 =	vadd.f32 v29, v45  }
0x1fb: {  	v37 =	vadd.f32 v62, v37;
	v52 =	vmul.f32 v46, v46;
	v28 =	vmin.f32 v28, v56  }
0x1fc: {  	v25 =	vld [tilespmem:s12+$0xFB60];
	v61 =	vmul.f32 v56, v56;
	v48 =	vadd.f32 v56, v48;
	v57 =	vmin.f32 v28, v30  }
0x1fd: {  	v28 =	vmax.f32 v33, v50;
	v47 =	vadd.f32 v46, v47;
	v34 =	vadd.f32 v34, v45  }
0x1fe: {  	v29 =	vadd.f32 v58, v37;
	v62 =	vmul.f32 v26, v26;
	v39 =	vadd.f32 v61, v39  }
0x1ff: {  	v48 =	vadd.f32 v30, v48;
	v41 =	vadd.f32 v52, v41;
	v28 =	vmax.f32 v28, v54  }
0x200: {  	v52 =	vadd.f32 v14, v60;
	v61 =	vmin.f32 v55, v50;
	v28 =	vmax.f32 v28, v46  }
0x201: {  	v58 =	vadd.f32 v16, v47;
	v63 =	vmul.f32 v25, v25;
	v29 =	vadd.f32 v62, v29  }
0x202: {  	v36 =	vadd.f32 v36, v39;
	v28 =	vmax.f32 v28, v16;
	v37 =	vadd.f32 v17, v52  }
0x203: {  	v33 =	vadd.f32 v2, v48;
	v31 =	vadd.f32 v31, v41;
	v62 =	vmin.f32 v61, v54  }
0x204: {  	v39 =	vadd.f32 v40, v58;
	v60 =	vmax.f32 v28, v40;
	v36 =	vadd.f32 v38, v36  }
0x205: {  	v29 =	vadd.f32 v63, v29;
	v63 =	vmax.f32 v51, v56;
	v41 =	vadd.f32 v59, v31  }
0x206: {  	v38 =	vmin.f32 v57, v2;
	v39 =	vadd.f32 v23, v39;
	v28 =	vadd.f32 v43, v36  }
0x207: {  	v29 =	vadd.f32 v35, v29;
	v36 =	vmin.f32 v53, v13;
	v43 =	vmax.f32 v60, v23  }
0x208: {  	v35 =	vmax.f32 v63, v30;
	v31 =	vadd.f32 v10, v39;
	v39 =	vadd.f32 v26, v37  }
0x209: {  	s0 =	simm.s32 $0x800;
	v37 =	vadd.f32 v11, v44;
	v29 =	vadd.f32 v32, v29;
	v32 =	vmin.f32 v62, v46  }
.LBB2_9:
0x20a: {  	s9 =	sshra.s32 s0, $0x2;
	p1 =	sne.s32 s0, $0xC000;
	s0 =	sadd.s32 $0x800, s0;
	v16 =	vmin.f32 v32, v16;
	v32 =	vmax.f32 v43, v10;
	v38 =	vmin.f32 v38, v0  }
0x20b: {  	v19 =	vmin.f32 v19, v20;
	v43 =	vld [tilespmem:s9+$0xFBF0];
	v20 =	vadd.f32 v8, v37;
	v24 =	vadd.f32 v24, v34  }
0x20c: {  	v15 =	vmax.f32 v15, v21;
	v21 =	vmax.f32 v42, v8;
	v16 =	vmin.f32 v16, v40;
	v37 =	vld [tilespmem:s9+$0xFBE0]  }
0x20d: {  	v21 =	vmax.f32 v21, v9;
	v40 =	vld [tilespmem:s9+$0xFBC0];
	v20 =	vadd.f32 v9, v20;
	v18 =	vadd.f32 v18, v24  }
0x20e: {  	v13 =	vmax.f32 v15, v13;
	v15 =	vmax.f32 v21, v7;
	v16 =	vmin.f32 v16, v23;
	v24 =	vld [tilespmem:s9+$0xFB50]  }
0x20f: {  	v42 =	vmin.f32 v16, v10;
	v21 =	vld [tilespmem:s9+$0xFB90];
	v20 =	vadd.f32 v7, v20;
	v44 =	vadd.f32 v12, v18  }
0x210: {  	v19 =	vmin.f32 v19, v11;
	v11 =	vmax.f32 v13, v14;
	v12 =	vadd.f32 v27, v41;
	v23 =	vld [tilespmem:s9+$0xFBB0]  }
0x211: {  	v11 =	vmax.f32 v11, v17;
	v18 =	vld [tilespmem:s9+$0xFBD0];
	v13 =	vadd.f32 v6, v20  }
0x212: {  	v16 =	vmin.f32 v19, v8;
	v11 =	vmax.f32 v11, v26;
	v41 =	vadd.f32 v22, v12;
	v8 =	vld [tilespmem:s9+$0xFA90];
	v10 =	vmovc v40  }
0x213: {  	v9 =	vmin.f32 v16, v9;
	v11 =	vmax.f32 v11, v25;
	v30 =	vld [tilespmem:s9+$0xFB70];
	v12 =	vadd.f32 v5, v13  }
0x214: {  	v16 =	vmax.f32 v15, v6;
	v11 =	vmax.f32 v11, v3;
	v13 =	vmin.f32 v9, v7;
	v7 =	vld [tilespmem:s9+$0xFB10]  }
0x215: {  	v15 =	vmax.f32 v11, v1;
	v13 =	vmin.f32 v13, v6;
	v6 =	vmovc v24;
	v9 =	vld [tilespmem:s9+$0xFAD0];
	v22 =	vadd.f32 v4, v12  }
0x216: {  	v33 =	vadd.f32 v0, v33;
	v11 =	vmax.f32 v16, v5;
	v12 =	vmin.f32 v13, v5;
	v5 =	vmovc v21;
	v27 =	vld [tilespmem:s9+$0xFBA0]  }
0x217: {  	v13 =	vmin.f32 v36, v14;
	v14 =	vmax.f32 v11, v4;
	v19 =	vmin.f32 v12, v4;
	v4 =	vmovc v18;
	v16 =	vld [tilespmem:s9+$0xFB00]  }
0x218: {  	v12 =	vmin.f32 v13, v17;
	v17 =	vadd.f32 v25, v39;
	v45 =	vmul.f32 v8, v8;
	v11 =	vld [tilespmem:s9+$0xFA50]  }
0x219: {  	v20 =	vmin.f32 v12, v26;
	v26 =	vmax.f32 v35, v2;
	v2 =	vmovc v23;
	v46 =	vld [tilespmem:s9+$0xFAB0];
	v34 =	vmul.f32 v7, v7  }
0x21a: {  	v12 =	vmul.f32 v18, v4;
	v25 =	vmin.f32 v20, v25;
	v17 =	vadd.f32 v3, v17;
	v13 =	vld [tilespmem:s9+$0xFA60]  }
0x21b: {  	v18 =	vmul.f32 v21, v5;
	v25 =	vmin.f32 v25, v3;
	v47 =	vmul.f32 v9, v9;
	v20 =	vld [tilespmem:s9+$0xFA10];
	v3 =	vmovc v27  }
0x21c: {  	v35 =	vmul.f32 v37, v37;
	v26 =	vmax.f32 v26, v0;
	v0 =	vmovc v43;
	v21 =	vld [tilespmem:s9+$0xFA20];
	v36 =	vmul.f32 v16, v16  }
0x21d: {  	v17 =	vadd.f32 v1, v17;
	v39 =	vmul.f32 v27, v3;
	v48 =	vld [tilespmem:s9+$0xFA30];
	v49 =	vmul.f32 v11, v11  }
0x21e: {  	v24 =	vmul.f32 v24, v6;
	v51 =	vmul.f32 v30, v30;
	v25 =	vmin.f32 v25, v1;
	v1 =	vmovc v37;
	v50 =	vld [tilespmem:s9+$0xFA00]  }
0x21f: {  	v53 =	vmul.f32 v23, v2;
	v52 =	vmul.f32 v13, v13  }
0x220: {  	v54 =	vmul.f32 v46, v46;
	v37 =	vadd.f32 v20, v22;
	v22 =	vmul.f32 v20, v20;
	v23 =	vld [tilespmem:s9+$0xFB80]  }
0x221: {  	v43 =	vmul.f32 v43, v0;
	v55 =	vmax.f32 v14, v20;
	v56 =	vadd.f32 v21, v17;
	v57 =	vld [tilespmem:s9+$0xFA70]  }
0x222: {  	v27 =	vmul.f32 v21, v21;
	v17 =	vadd.f32 v22, v44;
	v14 =	vld [tilespmem:s9+$0xFAA0];
	v22 =	vmul.f32 v40, v10  }
0x223: {  	v33 =	vadd.f32 v48, v33;
	v44 =	vmul.f32 v48, v48;
	v40 =	vmul.f32 v50, v50;
	v58 =	vld [tilespmem:s9+$0xFA40]  }
0x224: {  	v26 =	vmax.f32 v26, v48;
	v38 =	vmin.f32 v38, v48;
	v48 =	vadd.f32 v49, v17  }
0x225: {  	v29 =	vadd.f32 v27, v29;
	v28 =	vadd.f32 v44, v28;
	v17 =	vld [tilespmem:s9+$0xFAE0];
	v27 =	vmul.f32 v23, v23  }
0x226: {  	v44 =	vmin.f32 v25, v21;
	v25 =	vadd.f32 v57, v33;
	v26 =	vmax.f32 v26, v57;
	v49 =	vld [tilespmem:s9+$0xFA80]  }
0x227: {  	v33 =	vadd.f32 v40, v41;
	v41 =	vmin.f32 v42, v50;
	v40 =	vmul.f32 v57, v57;
	v42 =	vld [tilespmem:s9+$0xFAF0]  }
0x228: {  	v29 =	vadd.f32 v52, v29;
	v52 =	vmul.f32 v14, v14;
	v59 =	vmul.f32 v58, v58  }
0x229: {  	v31 =	vadd.f32 v50, v31;
	v28 =	vadd.f32 v40, v28;
	v40 =	vmax.f32 v26, v46;
	v60 =	vld [tilespmem:s9+$0xFB30]  }
0x22a: {  	v29 =	vadd.f32 v52, v29;
	v26 =	vadd.f32 v59, v33;
	v52 =	vld [tilespmem:s9+$0xFAC0];
	v33 =	vmul.f32 v17, v17  }
0x22b: {  	v45 =	vadd.f32 v45, v48;
	v28 =	vadd.f32 v54, v28;
	v59 =	vmul.f32 v49, v49  }
0x22c: {  	v31 =	vadd.f32 v58, v31;
	v25 =	vadd.f32 v46, v25;
	v48 =	vmul.f32 v42, v42  }
0x22d: {  	v38 =	vmin.f32 v38, v57;
	v54 =	vadd.f32 v13, v56;
	v56 =	vadd.f32 v59, v26;
	v26 =	vld [tilespmem:s9+$0xFB20]  }
0x22e: {  	v31 =	vadd.f32 v49, v31;
	v57 =	vadd.f32 v42, v25;
	v59 =	vmax.f32 v40, v42;
	v25 =	vld [tilespmem:s9+$0xFB60]  }
0x22f: {  	v38 =	vmin.f32 v38, v46;
	v40 =	vmul.f32 v60, v60;
	v46 =	vmul.f32 v52, v52  }
0x230: {  	v38 =	vmin.f32 v38, v42;
	v28 =	vadd.f32 v48, v28;
	v42 =	vadd.f32 v60, v57  }
0x231: {  	v45 =	vadd.f32 v47, v45;
	v29 =	vadd.f32 v33, v29;
	v33 =	vmin.f32 v38, v60  }
0x232: {  	v32 =	vmax.f32 v32, v50;
	v28 =	vadd.f32 v40, v28;
	v38 =	vmul.f32 v26, v26  }
0x233: {  	v48 =	vmin.f32 v33, v30;
	v42 =	vadd.f32 v30, v42;
	v40 =	vld [tilespmem:s9+$0xFB40];
	v47 =	vmul.f32 v25, v25  }
0x234: {  	v32 =	vmax.f32 v32, v58;
	v31 =	vadd.f32 v52, v31;
	v46 =	vadd.f32 v46, v56  }
0x235: {  	v32 =	vmax.f32 v32, v49;
	v28 =	vadd.f32 v51, v28;
	v29 =	vadd.f32 v38, v29  }
0x236: {  	v33 =	vadd.f32 v14, v54;
	v32 =	vmax.f32 v32, v52;
	v31 =	vadd.f32 v16, v31  }
0x237: {  	v32 =	vmax.f32 v32, v16;
	v28 =	vadd.f32 v53, v28;
	v29 =	vadd.f32 v47, v29  }
0x238: {  	v38 =	vadd.f32 v17, v33;
	v33 =	vadd.f32 v2, v42;
	v47 =	vmul.f32 v40, v40  }
0x239: {  	v28 =	vadd.f32 v43, v28;
	v31 =	vadd.f32 v40, v31;
	v50 =	vmax.f32 v32, v40  }
0x23a: {  	v32 =	vmin.f32 v41, v58;
	v41 =	vadd.f32 v36, v46;
	v29 =	vadd.f32 v39, v29  }
.Ltmp5:
0x23b: {  	v46 =	vmax.f32 v59, v60;
	v32 =	vmin.f32 v32, v49;
	v31 =	vadd.f32 v23, v31;
	(pc) =	sbr.rel @p1 .LBB2_9-.Ltmp5, $4  }
0x23c: {  	v36 =	vmin.f32 v44, v13;
	v41 =	vadd.f32 v47, v41;
	v29 =	vadd.f32 v35, v29  }
0x23d: {  	v42 =	vmax.f32 v55, v11;
	v32 =	vmin.f32 v32, v52;
	v31 =	vadd.f32 v10, v31  }
0x23e: {  	v39 =	vadd.f32 v26, v38;
	v38 =	vmin.f32 v48, v2;
	v43 =	vmax.f32 v50, v23  }
0x23f: {  	v37 =	vadd.f32 v11, v37;
	v34 =	vadd.f32 v34, v45;
	v35 =	vmax.f32 v46, v30  }
0x240: {  	v16 =	vmin.f32 v32, v16;
	v60 =	vmax.f32 v43, v10  }
0x241: {  	v19 =	vmin.f32 v19, v20;
	v15 =	vmax.f32 v15, v21;
	v63 =	vmax.f32 v42, v8  }
0x242: {  	v49 =	vadd.f32 v25, v39;
	v52 =	vmin.f32 v36, v14;
	v30 =	vadd.f32 v8, v37  }
0x243: {  	v61 =	vadd.f32 v24, v34;
	v16 =	vmin.f32 v16, v40;
	v21 =	vmax.f32 v63, v9  }
0x244: {  	[tilespmem:s1+$0x12F00] =	vst v31;
	v13 =	vmax.f32 v15, v13;
	v11 =	vmin.f32 v19, v11;
	v40 =	vadd.f32 v27, v41  }
0x245: {  	[tilespmem:s1+$0x12FE0] =	vst v29;
	v55 =	vmin.f32 v52, v17;
	v63 =	vmin.f32 v38, v0;
	v16 =	vmin.f32 v16, v23  }
0x246: {  	[tilespmem:s1+$0x12FF0] =	vst v28;
	v41 =	vmin.f32 v11, v8;
	v42 =	vmax.f32 v13, v14;
	v62 =	vadd.f32 v9, v30  }
0x247: {  	[tilespmem:s1+$0x12F40] =	vst v60;
	v18 =	vadd.f32 v18, v61;
	v30 =	vmax.f32 v21, v7;
	v34 =	vmin.f32 v16, v10  }
0x248: {  	[tilespmem:s1+$0x12FB0] =	vst v63;
	v8 =	vmin.f32 v41, v9;
	v44 =	vadd.f32 v22, v40;
	v50 =	vmax.f32 v42, v17  }
0x249: {  	v61 =	vadd.f32 v0, v33;
	v46 =	vmax.f32 v30, v6;
	[tilespmem:s1+$0x12F80] =	vst v34;
	v24 =	vadd.f32 v7, v62  }
0x24a: {  	v9 =	vadd.f32 v3, v49;
	v45 =	vmin.f32 v8, v7;
	v8 =	vmax.f32 v46, v5;
	[tilespmem:s1+$0x12FC0] =	vst v44  }
0x24b: {  	v12 =	vadd.f32 v12, v18;
	[tilespmem:s1+$0x12F30] =	vst v61;
	v8 =	vmax.f32 v8, v4;
	v37 =	vadd.f32 v6, v24  }
0x24c: {  	v53 =	vmax.f32 v50, v26;
	v47 =	vmin.f32 v45, v6;
	v57 =	vadd.f32 v1, v9;
	[tilespmem:s1+$0x12F50] =	vst v8  }
0x24d: {  	v56 =	vmax.f32 v53, v25;
	v51 =	vmin.f32 v47, v5;
	[tilespmem:s1+$0x12FD0] =	vst v12;
	v43 =	vadd.f32 v5, v37  }
0x24e: {  	v58 =	vmax.f32 v56, v3;
	v54 =	vmin.f32 v51, v4;
	[tilespmem:s1+$0x12F20] =	vst v57;
	v5 =	vmin.f32 v55, v26  }
.Ltmp6:
0x24f: {  	[tilespmem:s1+$0x12F90] =	vst v54;
	v5 =	vmin.f32 v5, v25;
	v48 =	vadd.f32 v4, v43;
	v4 =	vmax.f32 v58, v1;
	(pc) =	sbr.rel @p0 .LBB2_12-.Ltmp6, $4  }
0x250: {  	v59 =	vmin.f32 v5, v3;
	[tilespmem:s1+$0x12F60] =	vst v4  }
0x251: {  	v62 =	vmax.f32 v35, v2;
	v60 =	vmin.f32 v59, v1;
	[tilespmem:s1+$0x12F10] =	vst v48  }
0x252: {  	v1 =	vmax.f32 v62, v0;
	[tilespmem:s1+$0x12FA0] =	vst v60  }
0x253: {  	[tilespmem:s1+$0x12F70] =	vst v1  }
0x254: {  	s0 =	smul.u32 $0xC80, s31;
	_ =	sdelay $0x1  }
.Ltmp7:
0x255: {  	s0 =	sshra.s32 s0, $0x2;
	(pc) =	sbr.rel .LBB2_2-.Ltmp7, $4  }
0x256: {  	s1 =	sadd.s32 $0x578, s0  }
0x257: {  	[tilespmem:s21], [sflag:$0x4] =	stream.indirect.gather [hbm4b:s3+s8], $0x40, s1, s8, $0xb8;
	[tilespmem:$0x1AC00] =	vst v63  }
0x258: {  	s31 =	sadd.s32 $0x1, s31;
	s0 =	sadd.s32 $0x5F8, s0  }
0x259: {  	[tilespmem:s23], [sflag:$0x4] =	stream.indirect.gather [hbm4b:s3+s10], $0x40, s0, s10, $0xb8;
	[tilespmem:$0x1AC00] =	vst v63  }
.LBB2_13:
0x25a: {  	_ =	sfence.sel $0x180000  }
0x25b: {  	[bflag:$0x0] =	sbarrier.arrive $0xFFFF  }
0x25c: {  	_ =	strace $0x90000047  }
0x25d: {  	s0 =	stileid.u32;
	[bflag:$0x2] =	sbarrier.arrive $0xFFFF  }
0x25e: {  	p0 =	sne.s32 s0, $0x0;
	s0 =	rddreg [dreg:$0x1]  }
0x25f: {  	s0 =	sadd.s32 @!p0 $0x100000, s0  }
0x260: {  	[sflag:s0] =	ssyncadd.tile.s32 @!p0 $0x1;
	_ =	shalt  }
.Lfunc_end2:
_tile_overlayer_lowered:
.L_overlay_start_2:
0x261: {  	(tag) =	ssettag $0x2  }
0x262: {  	s0 =	rddreg [dreg:$0x0];
	s2 =	stileid.u32  }
0x263: {  	s1 =	rddreg [dreg:$0x1];
	p0 =	sne.s32 s2, $0x0  }
0x264: {  	s3 =	rddreg [dreg:$0x2];
	[bflag:$0x3] =	sbarrier.arrive $0xFFFF;
	s2 =	simm.s32 @!p0 $0x1C05  }
0x265: {  	[timem:s3], [sflag:s2] =	dma.local @!p0 [hbm:s0], s1  }
0x266: {  	s0 =	simm.s32 @!p0 $0x5  }
0x267: {  	_ =	swait.ge @!p0 [sflag:s0], s1  }
0x268: {  	s1 =	ssub.s32 @!p0 $0x0, s1;
	[sflag:s0] =	ssyncset.done @!p0 $0x0  }
0x269: {  	[sflag:s0] =	ssyncadd.s32 @!p0 s1  }
0x26a: {  	[bflag:$0x3] =	sbarrier.arrive $0xFFFF  }
0x26b: {  	_ =	shalt  }

</sc_bundles>
